<compile_context>
chip_gen: v7x
topology: tpu7x:2x2x1
jax: 0.10.2.dev20260603
libtpu: 0.0.44.dev20260713+nightly
codegen_flags: <defaults>
</compile_context>

<pallas_src>
import functools
import math

import jax
import jax.numpy as jnp
from jax import lax
from jax.experimental import pallas as pl
from jax.experimental.pallas import tpu as pltpu
from jax.experimental.pallas import tpu_sc as plsc

REHEARSAL_WEIGHT = 0.5

_NSUB = 16
_CHUNKS = 8
_CHROWS = 256

_DNUMS = lax.GatherDimensionNumbers(offset_dims=(), collapsed_slice_dims=(0,),
                                    start_index_map=(0,))


def _rot(v, lane, sh):
    perm = lax.rem(lane + sh, jnp.full((16,), 16, jnp.int32))
    return lax.gather(v, perm[:, None], _DNUMS, slice_sizes=(1,),
                      mode=lax.GatherScatterMode.PROMISE_IN_BOUNDS)


def _vsum(v, lane):
    for sh in (8, 4, 2, 1):
        v = v + _rot(v, lane, sh)
    return v


def _vmax(v, lane):
    for sh in (8, 4, 2, 1):
        v = jnp.maximum(v, _rot(v, lane, sh))
    return v


def _ln(x):
    bits = lax.bitcast_convert_type(x, jnp.int32)
    e = (((bits >> 23) & 0xFF) - 127).astype(jnp.float32)
    m = lax.bitcast_convert_type((bits & 0x7FFFFF) | 0x3F800000, jnp.float32)
    t = (m - 1.0) / (m + 1.0)
    t2 = t * t
    ln_m = 2.0 * t * (1.0 + t2 * (1.0 / 3.0 + t2 * (0.2 + t2 * (1.0 / 7.0))))
    return e * jnp.float32(0.6931471805599453) + ln_m


def _gating_loss_kernel(x_hbm, hc_hbm, smk_hbm, out_hbm,
                        buf_a, buf_b, sem_a, sem_b, stage, shared, comb,
                        hc_v, smk_v, out_v, *, n_rows, k):
    sid = lax.axis_index("s")
    bufs = (buf_a, buf_b)
    sems = (sem_a, sem_b)

    b = sid // 4
    row0 = (sid % 4) * (_CHUNKS * _CHROWS)

    def mk(ch):
        return pltpu.make_async_copy(
            x_hbm.at[b, pl.ds(row0 + ch * _CHROWS, _CHROWS), :],
            bufs[ch % 2],
            sems[ch % 2],
        )

    mk(0).start()
    mk(1).start()

    zeros16 = jnp.zeros((16,), jnp.float32)
    accs = (zeros16, zeros16, zeros16, zeros16)
    for ch in range(_CHUNKS):
        mk(ch).wait()
        buf = bufs[ch % 2]

        def body(i, carry, buf=buf):
            a = list(carry)
            for u in range(4):
                r = i * 4 + u
                for g in range(4):
                    a[g] = a[g] + buf[r, pl.ds(g * 16, 16)]
            return tuple(a)

        accs = lax.fori_loop(0, _CHROWS // 4, body, accs)
        if ch + 2 < _CHUNKS:
            mk(ch + 2).start()

    for g in range(4):
        stage[pl.ds(g * 16, 16)] = accs[g]
    pltpu.sync_copy(stage, shared.at[sid])
    plsc.subcore_barrier()

    @pl.when(sid == 0)
    def _epilogue():
        pltpu.sync_copy(shared, comb)
        pltpu.sync_copy(hc_hbm, hc_v)
        pltpu.sync_copy(smk_hbm, smk_v)

        lane = lax.broadcasted_iota(jnp.int32, (16,), 0)
        lane_f = lane.astype(jnp.float32)

        cs = []
        for g in range(4):
            a = comb[0, pl.ds(g * 16, 16)]
            for w in range(1, _NSUB):
                a = a + comb[w, pl.ds(g * 16, 16)]
            cs.append(a)

        idxv = smk_v[...].astype(jnp.float32)
        sel = [jnp.zeros((16,), jnp.float32) for _ in range(4)]

        def eqf(a, b):
            d = a - b
            return jnp.maximum(0.0, 1.0 - d * d)

        for j in range(k):
            onehot = eqf(lane_f, float(j))
            sj = _vsum(idxv * onehot, lane)
            for g in range(4):
                ids_f = lane_f + float(g * 16)
                sel[g] = jnp.maximum(sel[g], eqf(ids_f, sj))

        scount = zeros16
        ssum = zeros16
        for g in range(4):
            scount = scount + _vsum(sel[g], lane)
            ssum = ssum + _vsum(sel[g] * cs[g], lane)

        inv_n = 1.0 / n_rows
        log_inv_k = -math.log(float(k))
        smk_loss = scount * (1.0 / k) * log_inv_k - (1.0 / k) * ssum * inv_n

        hcg = [hc_v[pl.ds(g * 16, 16)] for g in range(4)]
        cg = [jnp.minimum(jnp.maximum(h, -10.0), 10.0) for h in hcg]
        m = _vmax(cg[0], lane)
        for g in range(1, 4):
            m = jnp.maximum(m, _vmax(cg[g], lane))
        eg = [jnp.exp(c - m) for c in cg]
        ssum_exp = zeros16
        for g in range(4):
            ssum_exp = ssum_exp + _vsum(eg[g], lane)
        lse = m + _ln(ssum_exp)

        pr_r = zeros16
        pr_cs = zeros16
        abs_hc = zeros16
        for g in range(4):
            p = eg[g] / ssum_exp
            pr_r = pr_r + _vsum(p * (cg[g] - lse), lane)
            pr_cs = pr_cs + _vsum(p * cs[g], lane)
            abs_hc = abs_hc + _vsum(jnp.abs(hcg[g]), lane)
        rehearsal_loss = pr_r - pr_cs * inv_n

        flag = jnp.minimum(abs_hc * jnp.float32(1e38), 1.0)
        loss = (smk_loss * (1.0 - REHEARSAL_WEIGHT * flag)
                + REHEARSAL_WEIGHT * flag * rehearsal_loss)
        out_v[...] = loss
        pltpu.sync_copy(out_v, out_hbm)


def kernel(log_probs, history_context, smk_indices):
    B, T, E = log_probs.shape
    n_rows = B * T
    k = smk_indices.shape[0]

    mesh = plsc.VectorSubcoreMesh(core_axis_name="c", subcore_axis_name="s",
                                  num_cores=1, num_subcores=_NSUB)

    f = pl.kernel(
        functools.partial(_gating_loss_kernel, n_rows=n_rows, k=k),
        out_type=jax.ShapeDtypeStruct((16,), jnp.float32),
        mesh=mesh,
        scratch_types=[
            pltpu.VMEM((_CHROWS, E), jnp.float32),
            pltpu.VMEM((_CHROWS, E), jnp.float32),
            pltpu.SemaphoreType.DMA,
            pltpu.SemaphoreType.DMA,
            pltpu.VMEM((E,), jnp.float32),
            pltpu.VMEM_SHARED((_NSUB, E), jnp.float32),
            pltpu.VMEM((_NSUB, E), jnp.float32),
            pltpu.VMEM((E,), jnp.float32),
            pltpu.VMEM((16,), jnp.int32),
            pltpu.VMEM((16,), jnp.float32),
        ],
    )
    smk16 = jnp.full((16,), -1, jnp.int32).at[:k].set(smk_indices)
    out = f(log_probs, history_context, smk16)
    return out[0]

# --- scband reference (transcript-rebuilt; emitter-appended) ---
"""Pipeline reference for scband-composite-gating-loss-67491116089915 (READ-ONLY COPY).

The authoritative reference and input builder live on the scoring server;
editing this copy changes nothing except your own understanding.
"""

import jax, jax.numpy as jnp
import numpy as np

REHEARSAL_WEIGHT = 0.5


def _kl_div_batchmean_log_target(input_lp, target_lp):
    # torch.nn.KLDivLoss(reduction='batchmean', log_target=True):
    #   pointwise = exp(target) * (target - input); sum / batch_size
    # Entries where target == -inf correspond to p == 0 and contribute 0
    # (mathematical convention 0 * log 0 = 0).
    mask = jnp.isneginf(target_lp)
    safe_t = jnp.where(mask, 0.0, target_lp)
    pointwise = jnp.where(mask, 0.0, jnp.exp(safe_t) * (safe_t - input_lp))
    return jnp.sum(pointwise) / input_lp.shape[0]


def setup_inputs(seed: int = 0) -> dict:
    key = jax.random.key(seed)
    k1, k2, k3 = jax.random.split(key, 3)
    log_probs = jax.random.normal(k1, (4, 8192, 64), dtype=jnp.float32)
    history_context = jax.random.normal(k2, (64,), dtype=jnp.float32)
    smk_indices = jax.random.randint(k3, (8,), 0, 64, dtype=jnp.int32)
    return {"log_probs": log_probs, "history_context": history_context, "smk_indices": smk_indices}


def reference(log_probs, history_context, smk_indices):
    # Single layer: all_routing_info = [{'log_probs': log_probs, 'history_context': history_context}],
    # min_k_expert_indices = {0: smk_indices}
    B, T, E = log_probs.shape
    flat_log_probs = log_probs.reshape(-1, E)
    N = flat_log_probs.shape[0]
    k = smk_indices.shape[0]

    # _get_target_distribution with indices: -inf everywhere, log(1/k) at selected experts
    smk_target = jnp.full((N, E), -jnp.inf, dtype=flat_log_probs.dtype)
    smk_target = smk_target.at[:, smk_indices].set(jnp.log(1.0 / k))
    smk_loss = _kl_div_batchmean_log_target(flat_log_probs, smk_target)

    # rehearsal branch
    clamped = jnp.clip(history_context, -10.0, 10.0)
    rehearsal_lp = jax.nn.log_softmax(clamped, axis=-1)
    rehearsal_target = jnp.broadcast_to(rehearsal_lp, flat_log_probs.shape)
    rehearsal_loss = _kl_div_batchmean_log_target(flat_log_probs, rehearsal_target)

    use_rehearsal = jnp.sum(jnp.abs(history_context)) > 0
    layer_loss = jnp.where(
        use_rehearsal,
        (1.0 - REHEARSAL_WEIGHT) * smk_loss + REHEARSAL_WEIGHT * rehearsal_loss,
        smk_loss,
    )
    # one layer processed -> total_loss / 1
    return layer_loss

if __name__ == "__main__":
    import jax
    _d = setup_inputs()
    print(jax.jit(kernel)(*tuple(_d.values())))

</pallas_src>

<mosaic_0001>
#map = affine_map<(d0, d1) -> (0, 0, 0)>
#map1 = affine_map<(d0, d1) -> (0)>
module attributes {stable_mosaic.version = 14 : i64} {
  func.func @_gating_loss_kernel(%arg0: i32, %arg1: i32, %arg2: memref<4x8192x64xf32, #tpu.memory_space<hbm>>, %arg3: memref<64xf32, #tpu.memory_space<hbm>>, %arg4: memref<16xi32, #tpu.memory_space<hbm>>, %arg5: memref<16xf32, #tpu.memory_space<hbm>>, %arg6: memref<256x64xf32, #tpu.memory_space<vmem>>, %arg7: memref<256x64xf32, #tpu.memory_space<vmem>>, %arg8: memref<!tpu.dma_semaphore, #tpu.memory_space<semaphore_mem>>, %arg9: memref<!tpu.dma_semaphore, #tpu.memory_space<semaphore_mem>>, %arg10: memref<64xf32, #tpu.memory_space<vmem>>, %arg11: memref<16x64xf32, #tpu.memory_space<vmem_shared>>, %arg12: memref<16x64xf32, #tpu.memory_space<vmem>>, %arg13: memref<64xf32, #tpu.memory_space<vmem>>, %arg14: memref<16xi32, #tpu.memory_space<vmem>>, %arg15: memref<16xf32, #tpu.memory_space<vmem>>) attributes {dimension_semantics = [#tpu.dimension_semantics<core_parallel>, #tpu.dimension_semantics<subcore_parallel>], iteration_bounds = array<i64: 1, 16>, scalar_prefetch = 0 : i64, scratch_operands = 10 : i64, tpu.core_type = #tpu.core_type<sc_vector_subcore>, window_params = [{transform_indices = #map}, {transform_indices = #map1}, {transform_indices = #map1}, {transform_indices = #map1}]} {
    %jit3A = arith.constant 4 : i32
    %div3A = arith.divsi %arg1, %jit3A : i32
    %sign3A = arith.constant 0 : i32
    %sign3A_0 = arith.cmpi sgt, %arg1, %sign3A : i32
    %sign3A_1 = arith.extui %sign3A_0 : i1 to i32
    %sign3A_2 = arith.constant 0 : i32
    %sign3A_3 = arith.cmpi slt, %arg1, %sign3A_2 : i32
    %sign3A_4 = arith.extui %sign3A_3 : i1 to i32
    %sign3A_5 = arith.subi %sign3A_1, %sign3A_4 : i32
    %sign3A_6 = arith.constant 0 : i32
    %sign3A_7 = arith.cmpi sgt, %jit3A, %sign3A_6 : i32
    %sign3A_8 = arith.extui %sign3A_7 : i1 to i32
    %sign3A_9 = arith.constant 0 : i32
    %sign3A_10 = arith.cmpi slt, %jit3A, %sign3A_9 : i32
    %sign3A_11 = arith.extui %sign3A_10 : i1 to i32
    %sign3A_12 = arith.subi %sign3A_8, %sign3A_11 : i32
    %ne3A = arith.cmpi ne, %sign3A_5, %sign3A_12 : i32
    %rem3A = arith.remsi %arg1, %jit3A : i32
    %ne3A_13 = arith.constant 0 : i32
    %ne3A_14 = arith.cmpi ne, %rem3A, %ne3A_13 : i32
    %and3A = arith.andi %ne3A, %ne3A_14 : i1
    %sub3A = arith.constant 1 : i32
    %sub3A_15 = arith.subi %div3A, %sub3A : i32
    %select_n3A = arith.select %and3A, %sub3A_15, %div3A : i32
    %jit3A_16 = arith.constant 4 : i32
    %eq3A = arith.constant 0 : i32
    %eq3A_17 = arith.cmpi eq, %jit3A_16, %eq3A : i32
    %jit3A_18 = arith.constant 1 : i32
    %select_n3A_19 = arith.select %eq3A_17, %jit3A_18, %jit3A_16 : i32
    %rem3A_20 = arith.remsi %arg1, %select_n3A_19 : i32
    %ne3A_21 = arith.constant 0 : i32
    %ne3A_22 = arith.cmpi ne, %rem3A_20, %ne3A_21 : i32
    %lt3A = arith.constant 0 : i32
    %lt3A_23 = arith.cmpi slt, %rem3A_20, %lt3A : i32
    %lt3A_24 = arith.constant 0 : i32
    %lt3A_25 = arith.cmpi slt, %select_n3A_19, %lt3A_24 : i32
    %ne3A_26 = arith.xori %lt3A_23, %lt3A_25 : i1
    %and3A_27 = arith.andi %ne3A_26, %ne3A_22 : i1
    %add3A = arith.addi %rem3A_20, %select_n3A_19 : i32
    %select_n3A_28 = arith.select %and3A_27, %add3A, %rem3A_20 : i32
    %mul3A = arith.constant 2048 : i32
    %mul3A_29 = arith.muli %select_n3A_28, %mul3A : i32
    %add3A_30 = arith.constant 0 : i32
    %add3A_31 = arith.addi %mul3A_29, %add3A_30 : i32
    %dma_start3A = arith.constant 0 : i32
    %dma_start3A_32 = tpu.memref_slice %arg2[%select_n3A, %add3A_31, %dma_start3A] : memref<4x8192x64xf32, #tpu.memory_space<hbm>> -> memref<1x256x64xf32, #tpu.memory_space<hbm>>
    %dma_start3A_33 = tpu.memref_squeeze %dma_start3A_32 : memref<1x256x64xf32, #tpu.memory_space<hbm>> -> memref<256x64xf32, #tpu.memory_space<hbm>>
    %dma_start3A_34 = arith.constant 0 : i32
    %dma_start3A_35 = tpu.memref_slice %arg2[%select_n3A, %add3A_31, %dma_start3A_34] : memref<4x8192x64xf32, #tpu.memory_space<hbm>> -> memref<1x256x64xf32, #tpu.memory_space<hbm>>
    %dma_start3A_36 = tpu.memref_squeeze %dma_start3A_35 : memref<1x256x64xf32, #tpu.memory_space<hbm>> -> memref<256x64xf32, #tpu.memory_space<hbm>>
    tpu.enqueue_dma source(%dma_start3A_36 : memref<256x64xf32, #tpu.memory_space<hbm>>) target(%arg6 : memref<256x64xf32, #tpu.memory_space<vmem>>) target_semaphore(%arg8 : memref<!tpu.dma_semaphore, #tpu.memory_space<semaphore_mem>>)
    %add3A_37 = arith.constant 256 : i32
    %add3A_38 = arith.addi %mul3A_29, %add3A_37 : i32
    %dma_start3A_39 = arith.constant 0 : i32
    %dma_start3A_40 = tpu.memref_slice %arg2[%select_n3A, %add3A_38, %dma_start3A_39] : memref<4x8192x64xf32, #tpu.memory_space<hbm>> -> memref<1x256x64xf32, #tpu.memory_space<hbm>>
    %dma_start3A_41 = tpu.memref_squeeze %dma_start3A_40 : memref<1x256x64xf32, #tpu.memory_space<hbm>> -> memref<256x64xf32, #tpu.memory_space<hbm>>
    %dma_start3A_42 = arith.constant 0 : i32
    %dma_start3A_43 = tpu.memref_slice %arg2[%select_n3A, %add3A_38, %dma_start3A_42] : memref<4x8192x64xf32, #tpu.memory_space<hbm>> -> memref<1x256x64xf32, #tpu.memory_space<hbm>>
    %dma_start3A_44 = tpu.memref_squeeze %dma_start3A_43 : memref<1x256x64xf32, #tpu.memory_space<hbm>> -> memref<256x64xf32, #tpu.memory_space<hbm>>
    tpu.enqueue_dma source(%dma_start3A_44 : memref<256x64xf32, #tpu.memory_space<hbm>>) target(%arg7 : memref<256x64xf32, #tpu.memory_space<vmem>>) target_semaphore(%arg9 : memref<!tpu.dma_semaphore, #tpu.memory_space<semaphore_mem>>)
    %broadcast_in_dim3A = arith.constant 0.000000e+00 : f32
    %broadcast_in_dim3A_45 = vector.broadcast %broadcast_in_dim3A : f32 to vector<16xf32>
    %add3A_46 = arith.constant 0 : i32
    %add3A_47 = arith.addi %mul3A_29, %add3A_46 : i32
    %dma_wait3A = arith.constant 0 : i32
    %dma_wait3A_48 = tpu.memref_slice %arg2[%select_n3A, %add3A_47, %dma_wait3A] : memref<4x8192x64xf32, #tpu.memory_space<hbm>> -> memref<1x256x64xf32, #tpu.memory_space<hbm>>
    %dma_wait3A_49 = tpu.memref_squeeze %dma_wait3A_48 : memref<1x256x64xf32, #tpu.memory_space<hbm>> -> memref<256x64xf32, #tpu.memory_space<hbm>>
    %dma_wait3A_50 = arith.constant 0 : i32
    %dma_wait3A_51 = tpu.memref_slice %arg2[%select_n3A, %add3A_47, %dma_wait3A_50] : memref<4x8192x64xf32, #tpu.memory_space<hbm>> -> memref<1x256x64xf32, #tpu.memory_space<hbm>>
    %dma_wait3A_52 = tpu.memref_squeeze %dma_wait3A_51 : memref<1x256x64xf32, #tpu.memory_space<hbm>> -> memref<256x64xf32, #tpu.memory_space<hbm>>
    tpu.wait_dma2 semaphore(%arg8 : memref<!tpu.dma_semaphore, #tpu.memory_space<semaphore_mem>>) src(%dma_wait3A_52 : memref<256x64xf32, #tpu.memory_space<hbm>>) dst(%arg6 : memref<256x64xf32, #tpu.memory_space<vmem>>)
    %scan3A = arith.constant 0 : i32
    %scan3A_53 = arith.constant 64 : i32
    %scan3A_54 = arith.addi %scan3A, %scan3A_53 : i32
    %scan3A_55 = arith.constant 1 : i32
    %scan3A_56:4 = scf.for %scan3A_222 = %scan3A to %scan3A_54 step %scan3A_55 iter_args(%scan3A_223 = %broadcast_in_dim3A_45, %scan3A_224 = %broadcast_in_dim3A_45, %scan3A_225 = %broadcast_in_dim3A_45, %scan3A_226 = %broadcast_in_dim3A_45) -> (vector<16xf32>, vector<16xf32>, vector<16xf32>, vector<16xf32>)  : i32 {
      %mul3A_227 = arith.constant 4 : i32
      %mul3A_228 = arith.muli %scan3A_222, %mul3A_227 : i32
      %add3A_229 = arith.constant 0 : i32
      %add3A_230 = arith.addi %mul3A_228, %add3A_229 : i32
      %get3A = arith.index_cast %add3A_230 : i32 to index
      %get3A_231 = arith.constant 0 : index
      %get3A_232 = tpu.vector_load %arg6[%get3A, %get3A_231] {strides = array<i32>} : memref<256x64xf32, #tpu.memory_space<vmem>>, vector<1x16xf32>,
      %get3A_233 = vector.shape_cast %get3A_232 : vector<1x16xf32> to vector<16xf32>
      %add3A_234 = arith.addf %scan3A_223, %get3A_233 : vector<16xf32>
      %get3A_235 = arith.index_cast %add3A_230 : i32 to index
      %get3A_236 = arith.constant 16 : index
      %get3A_237 = tpu.vector_load %arg6[%get3A_235, %get3A_236] {strides = array<i32>} : memref<256x64xf32, #tpu.memory_space<vmem>>, vector<1x16xf32>,
      %get3A_238 = vector.shape_cast %get3A_237 : vector<1x16xf32> to vector<16xf32>
      %add3A_239 = arith.addf %scan3A_224, %get3A_238 : vector<16xf32>
      %get3A_240 = arith.index_cast %add3A_230 : i32 to index
      %get3A_241 = arith.constant 32 : index
      %get3A_242 = tpu.vector_load %arg6[%get3A_240, %get3A_241] {strides = array<i32>} : memref<256x64xf32, #tpu.memory_space<vmem>>, vector<1x16xf32>,
      %get3A_243 = vector.shape_cast %get3A_242 : vector<1x16xf32> to vector<16xf32>
      %add3A_244 = arith.addf %scan3A_225, %get3A_243 : vector<16xf32>
      %get3A_245 = arith.index_cast %add3A_230 : i32 to index
      %get3A_246 = arith.constant 48 : index
      %get3A_247 = tpu.vector_load %arg6[%get3A_245, %get3A_246] {strides = array<i32>} : memref<256x64xf32, #tpu.memory_space<vmem>>, vector<1x16xf32>,
      %get3A_248 = vector.shape_cast %get3A_247 : vector<1x16xf32> to vector<16xf32>
      %add3A_249 = arith.addf %scan3A_226, %get3A_248 : vector<16xf32>
      %mul3A_250 = arith.constant 4 : i32
      %mul3A_251 = arith.muli %scan3A_222, %mul3A_250 : i32
      %add3A_252 = arith.constant 1 : i32
      %add3A_253 = arith.addi %mul3A_251, %add3A_252 : i32
      %get3A_254 = arith.index_cast %add3A_253 : i32 to index
      %get3A_255 = arith.constant 0 : index
      %get3A_256 = tpu.vector_load %arg6[%get3A_254, %get3A_255] {strides = array<i32>} : memref<256x64xf32, #tpu.memory_space<vmem>>, vector<1x16xf32>,
      %get3A_257 = vector.shape_cast %get3A_256 : vector<1x16xf32> to vector<16xf32>
      %add3A_258 = arith.addf %add3A_234, %get3A_257 : vector<16xf32>
      %get3A_259 = arith.index_cast %add3A_253 : i32 to index
      %get3A_260 = arith.constant 16 : index
      %get3A_261 = tpu.vector_load %arg6[%get3A_259, %get3A_260] {strides = array<i32>} : memref<256x64xf32, #tpu.memory_space<vmem>>, vector<1x16xf32>,
      %get3A_262 = vector.shape_cast %get3A_261 : vector<1x16xf32> to vector<16xf32>
      %add3A_263 = arith.addf %add3A_239, %get3A_262 : vector<16xf32>
      %get3A_264 = arith.index_cast %add3A_253 : i32 to index
      %get3A_265 = arith.constant 32 : index
      %get3A_266 = tpu.vector_load %arg6[%get3A_264, %get3A_265] {strides = array<i32>} : memref<256x64xf32, #tpu.memory_space<vmem>>, vector<1x16xf32>,
      %get3A_267 = vector.shape_cast %get3A_266 : vector<1x16xf32> to vector<16xf32>
      %add3A_268 = arith.addf %add3A_244, %get3A_267 : vector<16xf32>
      %get3A_269 = arith.index_cast %add3A_253 : i32 to index
      %get3A_270 = arith.constant 48 : index
      %get3A_271 = tpu.vector_load %arg6[%get3A_269, %get3A_270] {strides = array<i32>} : memref<256x64xf32, #tpu.memory_space<vmem>>, vector<1x16xf32>,
      %get3A_272 = vector.shape_cast %get3A_271 : vector<1x16xf32> to vector<16xf32>
      %add3A_273 = arith.addf %add3A_249, %get3A_272 : vector<16xf32>
      %mul3A_274 = arith.constant 4 : i32
      %mul3A_275 = arith.muli %scan3A_222, %mul3A_274 : i32
      %add3A_276 = arith.constant 2 : i32
      %add3A_277 = arith.addi %mul3A_275, %add3A_276 : i32
      %get3A_278 = arith.index_cast %add3A_277 : i32 to index
      %get3A_279 = arith.constant 0 : index
      %get3A_280 = tpu.vector_load %arg6[%get3A_278, %get3A_279] {strides = array<i32>} : memref<256x64xf32, #tpu.memory_space<vmem>>, vector<1x16xf32>,
      %get3A_281 = vector.shape_cast %get3A_280 : vector<1x16xf32> to vector<16xf32>
      %add3A_282 = arith.addf %add3A_258, %get3A_281 : vector<16xf32>
      %get3A_283 = arith.index_cast %add3A_277 : i32 to index
      %get3A_284 = arith.constant 16 : index
      %get3A_285 = tpu.vector_load %arg6[%get3A_283, %get3A_284] {strides = array<i32>} : memref<256x64xf32, #tpu.memory_space<vmem>>, vector<1x16xf32>,
      %get3A_286 = vector.shape_cast %get3A_285 : vector<1x16xf32> to vector<16xf32>
      %add3A_287 = arith.addf %add3A_263, %get3A_286 : vector<16xf32>
      %get3A_288 = arith.index_cast %add3A_277 : i32 to index
      %get3A_289 = arith.constant 32 : index
      %get3A_290 = tpu.vector_load %arg6[%get3A_288, %get3A_289] {strides = array<i32>} : memref<256x64xf32, #tpu.memory_space<vmem>>, vector<1x16xf32>,
      %get3A_291 = vector.shape_cast %get3A_290 : vector<1x16xf32> to vector<16xf32>
      %add3A_292 = arith.addf %add3A_268, %get3A_291 : vector<16xf32>
      %get3A_293 = arith.index_cast %add3A_277 : i32 to index
      %get3A_294 = arith.constant 48 : index
      %get3A_295 = tpu.vector_load %arg6[%get3A_293, %get3A_294] {strides = array<i32>} : memref<256x64xf32, #tpu.memory_space<vmem>>, vector<1x16xf32>,
      %get3A_296 = vector.shape_cast %get3A_295 : vector<1x16xf32> to vector<16xf32>
      %add3A_297 = arith.addf %add3A_273, %get3A_296 : vector<16xf32>
      %mul3A_298 = arith.constant 4 : i32
      %mul3A_299 = arith.muli %scan3A_222, %mul3A_298 : i32
      %add3A_300 = arith.constant 3 : i32
      %add3A_301 = arith.addi %mul3A_299, %add3A_300 : i32
      %get3A_302 = arith.index_cast %add3A_301 : i32 to index
      %get3A_303 = arith.constant 0 : index
      %get3A_304 = tpu.vector_load %arg6[%get3A_302, %get3A_303] {strides = array<i32>} : memref<256x64xf32, #tpu.memory_space<vmem>>, vector<1x16xf32>,
      %get3A_305 = vector.shape_cast %get3A_304 : vector<1x16xf32> to vector<16xf32>
      %add3A_306 = arith.addf %add3A_282, %get3A_305 : vector<16xf32>
      %get3A_307 = arith.index_cast %add3A_301 : i32 to index
      %get3A_308 = arith.constant 16 : index
      %get3A_309 = tpu.vector_load %arg6[%get3A_307, %get3A_308] {strides = array<i32>} : memref<256x64xf32, #tpu.memory_space<vmem>>, vector<1x16xf32>,
      %get3A_310 = vector.shape_cast %get3A_309 : vector<1x16xf32> to vector<16xf32>
      %add3A_311 = arith.addf %add3A_287, %get3A_310 : vector<16xf32>
      %get3A_312 = arith.index_cast %add3A_301 : i32 to index
      %get3A_313 = arith.constant 32 : index
      %get3A_314 = tpu.vector_load %arg6[%get3A_312, %get3A_313] {strides = array<i32>} : memref<256x64xf32, #tpu.memory_space<vmem>>, vector<1x16xf32>,
      %get3A_315 = vector.shape_cast %get3A_314 : vector<1x16xf32> to vector<16xf32>
      %add3A_316 = arith.addf %add3A_292, %get3A_315 : vector<16xf32>
      %get3A_317 = arith.index_cast %add3A_301 : i32 to index
      %get3A_318 = arith.constant 48 : index
      %get3A_319 = tpu.vector_load %arg6[%get3A_317, %get3A_318] {strides = array<i32>} : memref<256x64xf32, #tpu.memory_space<vmem>>, vector<1x16xf32>,
      %get3A_320 = vector.shape_cast %get3A_319 : vector<1x16xf32> to vector<16xf32>
      %add3A_321 = arith.addf %add3A_297, %get3A_320 : vector<16xf32>
      scf.yield %add3A_306, %add3A_311, %add3A_316, %add3A_321 : vector<16xf32>, vector<16xf32>, vector<16xf32>, vector<16xf32>
    }
    %scan3A_57 = arith.constant 64 : i32
    %add3A_58 = arith.constant 512 : i32
    %add3A_59 = arith.addi %mul3A_29, %add3A_58 : i32
    %dma_start3A_60 = arith.constant 0 : i32
    %dma_start3A_61 = tpu.memref_slice %arg2[%select_n3A, %add3A_59, %dma_start3A_60] : memref<4x8192x64xf32, #tpu.memory_space<hbm>> -> memref<1x256x64xf32, #tpu.memory_space<hbm>>
    %dma_start3A_62 = tpu.memref_squeeze %dma_start3A_61 : memref<1x256x64xf32, #tpu.memory_space<hbm>> -> memref<256x64xf32, #tpu.memory_space<hbm>>
    %dma_start3A_63 = arith.constant 0 : i32
    %dma_start3A_64 = tpu.memref_slice %arg2[%select_n3A, %add3A_59, %dma_start3A_63] : memref<4x8192x64xf32, #tpu.memory_space<hbm>> -> memref<1x256x64xf32, #tpu.memory_space<hbm>>
    %dma_start3A_65 = tpu.memref_squeeze %dma_start3A_64 : memref<1x256x64xf32, #tpu.memory_space<hbm>> -> memref<256x64xf32, #tpu.memory_space<hbm>>
    tpu.enqueue_dma source(%dma_start3A_65 : memref<256x64xf32, #tpu.memory_space<hbm>>) target(%arg6 : memref<256x64xf32, #tpu.memory_space<vmem>>) target_semaphore(%arg8 : memref<!tpu.dma_semaphore, #tpu.memory_space<semaphore_mem>>)
    %add3A_66 = arith.constant 256 : i32
    %add3A_67 = arith.addi %mul3A_29, %add3A_66 : i32
    %dma_wait3A_68 = arith.constant 0 : i32
    %dma_wait3A_69 = tpu.memref_slice %arg2[%select_n3A, %add3A_67, %dma_wait3A_68] : memref<4x8192x64xf32, #tpu.memory_space<hbm>> -> memref<1x256x64xf32, #tpu.memory_space<hbm>>
    %dma_wait3A_70 = tpu.memref_squeeze %dma_wait3A_69 : memref<1x256x64xf32, #tpu.memory_space<hbm>> -> memref<256x64xf32, #tpu.memory_space<hbm>>
    %dma_wait3A_71 = arith.constant 0 : i32
    %dma_wait3A_72 = tpu.memref_slice %arg2[%select_n3A, %add3A_67, %dma_wait3A_71] : memref<4x8192x64xf32, #tpu.memory_space<hbm>> -> memref<1x256x64xf32, #tpu.memory_space<hbm>>
    %dma_wait3A_73 = tpu.memref_squeeze %dma_wait3A_72 : memref<1x256x64xf32, #tpu.memory_space<hbm>> -> memref<256x64xf32, #tpu.memory_space<hbm>>
    tpu.wait_dma2 semaphore(%arg9 : memref<!tpu.dma_semaphore, #tpu.memory_space<semaphore_mem>>) src(%dma_wait3A_73 : memref<256x64xf32, #tpu.memory_space<hbm>>) dst(%arg7 : memref<256x64xf32, #tpu.memory_space<vmem>>)
    %scan3A_74 = arith.constant 0 : i32
    %scan3A_75 = arith.constant 64 : i32
    %scan3A_76 = arith.addi %scan3A_74, %scan3A_75 : i32
    %scan3A_77 = arith.constant 1 : i32
    %scan3A_78:4 = scf.for %scan3A_222 = %scan3A_74 to %scan3A_76 step %scan3A_77 iter_args(%scan3A_223 = %scan3A_56#0, %scan3A_224 = %scan3A_56#1, %scan3A_225 = %scan3A_56#2, %scan3A_226 = %scan3A_56#3) -> (vector<16xf32>, vector<16xf32>, vector<16xf32>, vector<16xf32>)  : i32 {
      %mul3A_227 = arith.constant 4 : i32
      %mul3A_228 = arith.muli %scan3A_222, %mul3A_227 : i32
      %add3A_229 = arith.constant 0 : i32
      %add3A_230 = arith.addi %mul3A_228, %add3A_229 : i32
      %get3A = arith.index_cast %add3A_230 : i32 to index
      %get3A_231 = arith.constant 0 : index
      %get3A_232 = tpu.vector_load %arg7[%get3A, %get3A_231] {strides = array<i32>} : memref<256x64xf32, #tpu.memory_space<vmem>>, vector<1x16xf32>,
      %get3A_233 = vector.shape_cast %get3A_232 : vector<1x16xf32> to vector<16xf32>
      %add3A_234 = arith.addf %scan3A_223, %get3A_233 : vector<16xf32>
      %get3A_235 = arith.index_cast %add3A_230 : i32 to index
      %get3A_236 = arith.constant 16 : index
      %get3A_237 = tpu.vector_load %arg7[%get3A_235, %get3A_236] {strides = array<i32>} : memref<256x64xf32, #tpu.memory_space<vmem>>, vector<1x16xf32>,
      %get3A_238 = vector.shape_cast %get3A_237 : vector<1x16xf32> to vector<16xf32>
      %add3A_239 = arith.addf %scan3A_224, %get3A_238 : vector<16xf32>
      %get3A_240 = arith.index_cast %add3A_230 : i32 to index
      %get3A_241 = arith.constant 32 : index
      %get3A_242 = tpu.vector_load %arg7[%get3A_240, %get3A_241] {strides = array<i32>} : memref<256x64xf32, #tpu.memory_space<vmem>>, vector<1x16xf32>,
      %get3A_243 = vector.shape_cast %get3A_242 : vector<1x16xf32> to vector<16xf32>
      %add3A_244 = arith.addf %scan3A_225, %get3A_243 : vector<16xf32>
      %get3A_245 = arith.index_cast %add3A_230 : i32 to index
      %get3A_246 = arith.constant 48 : index
      %get3A_247 = tpu.vector_load %arg7[%get3A_245, %get3A_246] {strides = array<i32>} : memref<256x64xf32, #tpu.memory_space<vmem>>, vector<1x16xf32>,
      %get3A_248 = vector.shape_cast %get3A_247 : vector<1x16xf32> to vector<16xf32>
      %add3A_249 = arith.addf %scan3A_226, %get3A_248 : vector<16xf32>
      %mul3A_250 = arith.constant 4 : i32
      %mul3A_251 = arith.muli %scan3A_222, %mul3A_250 : i32
      %add3A_252 = arith.constant 1 : i32
      %add3A_253 = arith.addi %mul3A_251, %add3A_252 : i32
      %get3A_254 = arith.index_cast %add3A_253 : i32 to index
      %get3A_255 = arith.constant 0 : index
      %get3A_256 = tpu.vector_load %arg7[%get3A_254, %get3A_255] {strides = array<i32>} : memref<256x64xf32, #tpu.memory_space<vmem>>, vector<1x16xf32>,
      %get3A_257 = vector.shape_cast %get3A_256 : vector<1x16xf32> to vector<16xf32>
      %add3A_258 = arith.addf %add3A_234, %get3A_257 : vector<16xf32>
      %get3A_259 = arith.index_cast %add3A_253 : i32 to index
      %get3A_260 = arith.constant 16 : index
      %get3A_261 = tpu.vector_load %arg7[%get3A_259, %get3A_260] {strides = array<i32>} : memref<256x64xf32, #tpu.memory_space<vmem>>, vector<1x16xf32>,
      %get3A_262 = vector.shape_cast %get3A_261 : vector<1x16xf32> to vector<16xf32>
      %add3A_263 = arith.addf %add3A_239, %get3A_262 : vector<16xf32>
      %get3A_264 = arith.index_cast %add3A_253 : i32 to index
      %get3A_265 = arith.constant 32 : index
      %get3A_266 = tpu.vector_load %arg7[%get3A_264, %get3A_265] {strides = array<i32>} : memref<256x64xf32, #tpu.memory_space<vmem>>, vector<1x16xf32>,
      %get3A_267 = vector.shape_cast %get3A_266 : vector<1x16xf32> to vector<16xf32>
      %add3A_268 = arith.addf %add3A_244, %get3A_267 : vector<16xf32>
      %get3A_269 = arith.index_cast %add3A_253 : i32 to index
      %get3A_270 = arith.constant 48 : index
      %get3A_271 = tpu.vector_load %arg7[%get3A_269, %get3A_270] {strides = array<i32>} : memref<256x64xf32, #tpu.memory_space<vmem>>, vector<1x16xf32>,
      %get3A_272 = vector.shape_cast %get3A_271 : vector<1x16xf32> to vector<16xf32>
      %add3A_273 = arith.addf %add3A_249, %get3A_272 : vector<16xf32>
      %mul3A_274 = arith.constant 4 : i32
      %mul3A_275 = arith.muli %scan3A_222, %mul3A_274 : i32
      %add3A_276 = arith.constant 2 : i32
      %add3A_277 = arith.addi %mul3A_275, %add3A_276 : i32
      %get3A_278 = arith.index_cast %add3A_277 : i32 to index
      %get3A_279 = arith.constant 0 : index
      %get3A_280 = tpu.vector_load %arg7[%get3A_278, %get3A_279] {strides = array<i32>} : memref<256x64xf32, #tpu.memory_space<vmem>>, vector<1x16xf32>,
      %get3A_281 = vector.shape_cast %get3A_280 : vector<1x16xf32> to vector<16xf32>
      %add3A_282 = arith.addf %add3A_258, %get3A_281 : vector<16xf32>
      %get3A_283 = arith.index_cast %add3A_277 : i32 to index
      %get3A_284 = arith.constant 16 : index
      %get3A_285 = tpu.vector_load %arg7[%get3A_283, %get3A_284] {strides = array<i32>} : memref<256x64xf32, #tpu.memory_space<vmem>>, vector<1x16xf32>,
      %get3A_286 = vector.shape_cast %get3A_285 : vector<1x16xf32> to vector<16xf32>
      %add3A_287 = arith.addf %add3A_263, %get3A_286 : vector<16xf32>
      %get3A_288 = arith.index_cast %add3A_277 : i32 to index
      %get3A_289 = arith.constant 32 : index
      %get3A_290 = tpu.vector_load %arg7[%get3A_288, %get3A_289] {strides = array<i32>} : memref<256x64xf32, #tpu.memory_space<vmem>>, vector<1x16xf32>,
      %get3A_291 = vector.shape_cast %get3A_290 : vector<1x16xf32> to vector<16xf32>
      %add3A_292 = arith.addf %add3A_268, %get3A_291 : vector<16xf32>
      %get3A_293 = arith.index_cast %add3A_277 : i32 to index
      %get3A_294 = arith.constant 48 : index
      %get3A_295 = tpu.vector_load %arg7[%get3A_293, %get3A_294] {strides = array<i32>} : memref<256x64xf32, #tpu.memory_space<vmem>>, vector<1x16xf32>,
      %get3A_296 = vector.shape_cast %get3A_295 : vector<1x16xf32> to vector<16xf32>
      %add3A_297 = arith.addf %add3A_273, %get3A_296 : vector<16xf32>
      %mul3A_298 = arith.constant 4 : i32
      %mul3A_299 = arith.muli %scan3A_222, %mul3A_298 : i32
      %add3A_300 = arith.constant 3 : i32
      %add3A_301 = arith.addi %mul3A_299, %add3A_300 : i32
      %get3A_302 = arith.index_cast %add3A_301 : i32 to index
      %get3A_303 = arith.constant 0 : index
      %get3A_304 = tpu.vector_load %arg7[%get3A_302, %get3A_303] {strides = array<i32>} : memref<256x64xf32, #tpu.memory_space<vmem>>, vector<1x16xf32>,
      %get3A_305 = vector.shape_cast %get3A_304 : vector<1x16xf32> to vector<16xf32>
      %add3A_306 = arith.addf %add3A_282, %get3A_305 : vector<16xf32>
      %get3A_307 = arith.index_cast %add3A_301 : i32 to index
      %get3A_308 = arith.constant 16 : index
      %get3A_309 = tpu.vector_load %arg7[%get3A_307, %get3A_308] {strides = array<i32>} : memref<256x64xf32, #tpu.memory_space<vmem>>, vector<1x16xf32>,
      %get3A_310 = vector.shape_cast %get3A_309 : vector<1x16xf32> to vector<16xf32>
      %add3A_311 = arith.addf %add3A_287, %get3A_310 : vector<16xf32>
      %get3A_312 = arith.index_cast %add3A_301 : i32 to index
      %get3A_313 = arith.constant 32 : index
      %get3A_314 = tpu.vector_load %arg7[%get3A_312, %get3A_313] {strides = array<i32>} : memref<256x64xf32, #tpu.memory_space<vmem>>, vector<1x16xf32>,
      %get3A_315 = vector.shape_cast %get3A_314 : vector<1x16xf32> to vector<16xf32>
      %add3A_316 = arith.addf %add3A_292, %get3A_315 : vector<16xf32>
      %get3A_317 = arith.index_cast %add3A_301 : i32 to index
      %get3A_318 = arith.constant 48 : index
      %get3A_319 = tpu.vector_load %arg7[%get3A_317, %get3A_318] {strides = array<i32>} : memref<256x64xf32, #tpu.memory_space<vmem>>, vector<1x16xf32>,
      %get3A_320 = vector.shape_cast %get3A_319 : vector<1x16xf32> to vector<16xf32>
      %add3A_321 = arith.addf %add3A_297, %get3A_320 : vector<16xf32>
      scf.yield %add3A_306, %add3A_311, %add3A_316, %add3A_321 : vector<16xf32>, vector<16xf32>, vector<16xf32>, vector<16xf32>
    }
    %scan3A_79 = arith.constant 64 : i32
    %add3A_80 = arith.constant 768 : i32
    %add3A_81 = arith.addi %mul3A_29, %add3A_80 : i32
    %dma_start3A_82 = arith.constant 0 : i32
    %dma_start3A_83 = tpu.memref_slice %arg2[%select_n3A, %add3A_81, %dma_start3A_82] : memref<4x8192x64xf32, #tpu.memory_space<hbm>> -> memref<1x256x64xf32, #tpu.memory_space<hbm>>
    %dma_start3A_84 = tpu.memref_squeeze %dma_start3A_83 : memref<1x256x64xf32, #tpu.memory_space<hbm>> -> memref<256x64xf32, #tpu.memory_space<hbm>>
    %dma_start3A_85 = arith.constant 0 : i32
    %dma_start3A_86 = tpu.memref_slice %arg2[%select_n3A, %add3A_81, %dma_start3A_85] : memref<4x8192x64xf32, #tpu.memory_space<hbm>> -> memref<1x256x64xf32, #tpu.memory_space<hbm>>
    %dma_start3A_87 = tpu.memref_squeeze %dma_start3A_86 : memref<1x256x64xf32, #tpu.memory_space<hbm>> -> memref<256x64xf32, #tpu.memory_space<hbm>>
    tpu.enqueue_dma source(%dma_start3A_87 : memref<256x64xf32, #tpu.memory_space<hbm>>) target(%arg7 : memref<256x64xf32, #tpu.memory_space<vmem>>) target_semaphore(%arg9 : memref<!tpu.dma_semaphore, #tpu.memory_space<semaphore_mem>>)
    %add3A_88 = arith.constant 512 : i32
    %add3A_89 = arith.addi %mul3A_29, %add3A_88 : i32
    %dma_wait3A_90 = arith.constant 0 : i32
    %dma_wait3A_91 = tpu.memref_slice %arg2[%select_n3A, %add3A_89, %dma_wait3A_90] : memref<4x8192x64xf32, #tpu.memory_space<hbm>> -> memref<1x256x64xf32, #tpu.memory_space<hbm>>
    %dma_wait3A_92 = tpu.memref_squeeze %dma_wait3A_91 : memref<1x256x64xf32, #tpu.memory_space<hbm>> -> memref<256x64xf32, #tpu.memory_space<hbm>>
    %dma_wait3A_93 = arith.constant 0 : i32
    %dma_wait3A_94 = tpu.memref_slice %arg2[%select_n3A, %add3A_89, %dma_wait3A_93] : memref<4x8192x64xf32, #tpu.memory_space<hbm>> -> memref<1x256x64xf32, #tpu.memory_space<hbm>>
    %dma_wait3A_95 = tpu.memref_squeeze %dma_wait3A_94 : memref<1x256x64xf32, #tpu.memory_space<hbm>> -> memref<256x64xf32, #tpu.memory_space<hbm>>
    tpu.wait_dma2 semaphore(%arg8 : memref<!tpu.dma_semaphore, #tpu.memory_space<semaphore_mem>>) src(%dma_wait3A_95 : memref<256x64xf32, #tpu.memory_space<hbm>>) dst(%arg6 : memref<256x64xf32, #tpu.memory_space<vmem>>)
    %scan3A_96 = arith.constant 0 : i32
    %scan3A_97 = arith.constant 64 : i32
    %scan3A_98 = arith.addi %scan3A_96, %scan3A_97 : i32
    %scan3A_99 = arith.constant 1 : i32
    %scan3A_100:4 = scf.for %scan3A_222 = %scan3A_96 to %scan3A_98 step %scan3A_99 iter_args(%scan3A_223 = %scan3A_78#0, %scan3A_224 = %scan3A_78#1, %scan3A_225 = %scan3A_78#2, %scan3A_226 = %scan3A_78#3) -> (vector<16xf32>, vector<16xf32>, vector<16xf32>, vector<16xf32>)  : i32 {
      %mul3A_227 = arith.constant 4 : i32
      %mul3A_228 = arith.muli %scan3A_222, %mul3A_227 : i32
      %add3A_229 = arith.constant 0 : i32
      %add3A_230 = arith.addi %mul3A_228, %add3A_229 : i32
      %get3A = arith.index_cast %add3A_230 : i32 to index
      %get3A_231 = arith.constant 0 : index
      %get3A_232 = tpu.vector_load %arg6[%get3A, %get3A_231] {strides = array<i32>} : memref<256x64xf32, #tpu.memory_space<vmem>>, vector<1x16xf32>,
      %get3A_233 = vector.shape_cast %get3A_232 : vector<1x16xf32> to vector<16xf32>
      %add3A_234 = arith.addf %scan3A_223, %get3A_233 : vector<16xf32>
      %get3A_235 = arith.index_cast %add3A_230 : i32 to index
      %get3A_236 = arith.constant 16 : index
      %get3A_237 = tpu.vector_load %arg6[%get3A_235, %get3A_236] {strides = array<i32>} : memref<256x64xf32, #tpu.memory_space<vmem>>, vector<1x16xf32>,
      %get3A_238 = vector.shape_cast %get3A_237 : vector<1x16xf32> to vector<16xf32>
      %add3A_239 = arith.addf %scan3A_224, %get3A_238 : vector<16xf32>
      %get3A_240 = arith.index_cast %add3A_230 : i32 to index
      %get3A_241 = arith.constant 32 : index
      %get3A_242 = tpu.vector_load %arg6[%get3A_240, %get3A_241] {strides = array<i32>} : memref<256x64xf32, #tpu.memory_space<vmem>>, vector<1x16xf32>,
      %get3A_243 = vector.shape_cast %get3A_242 : vector<1x16xf32> to vector<16xf32>
      %add3A_244 = arith.addf %scan3A_225, %get3A_243 : vector<16xf32>
      %get3A_245 = arith.index_cast %add3A_230 : i32 to index
      %get3A_246 = arith.constant 48 : index
      %get3A_247 = tpu.vector_load %arg6[%get3A_245, %get3A_246] {strides = array<i32>} : memref<256x64xf32, #tpu.memory_space<vmem>>, vector<1x16xf32>,
      %get3A_248 = vector.shape_cast %get3A_247 : vector<1x16xf32> to vector<16xf32>
      %add3A_249 = arith.addf %scan3A_226, %get3A_248 : vector<16xf32>
      %mul3A_250 = arith.constant 4 : i32
      %mul3A_251 = arith.muli %scan3A_222, %mul3A_250 : i32
      %add3A_252 = arith.constant 1 : i32
      %add3A_253 = arith.addi %mul3A_251, %add3A_252 : i32
      %get3A_254 = arith.index_cast %add3A_253 : i32 to index
      %get3A_255 = arith.constant 0 : index
      %get3A_256 = tpu.vector_load %arg6[%get3A_254, %get3A_255] {strides = array<i32>} : memref<256x64xf32, #tpu.memory_space<vmem>>, vector<1x16xf32>,
      %get3A_257 = vector.shape_cast %get3A_256 : vector<1x16xf32> to vector<16xf32>
      %add3A_258 = arith.addf %add3A_234, %get3A_257 : vector<16xf32>
      %get3A_259 = arith.index_cast %add3A_253 : i32 to index
      %get3A_260 = arith.constant 16 : index
      %get3A_261 = tpu.vector_load %arg6[%get3A_259, %get3A_260] {strides = array<i32>} : memref<256x64xf32, #tpu.memory_space<vmem>>, vector<1x16xf32>,
      %get3A_262 = vector.shape_cast %get3A_261 : vector<1x16xf32> to vector<16xf32>
      %add3A_263 = arith.addf %add3A_239, %get3A_262 : vector<16xf32>
      %get3A_264 = arith.index_cast %add3A_253 : i32 to index
      %get3A_265 = arith.constant 32 : index
      %get3A_266 = tpu.vector_load %arg6[%get3A_264, %get3A_265] {strides = array<i32>} : memref<256x64xf32, #tpu.memory_space<vmem>>, vector<1x16xf32>,
      %get3A_267 = vector.shape_cast %get3A_266 : vector<1x16xf32> to vector<16xf32>
      %add3A_268 = arith.addf %add3A_244, %get3A_267 : vector<16xf32>
      %get3A_269 = arith.index_cast %add3A_253 : i32 to index
      %get3A_270 = arith.constant 48 : index
      %get3A_271 = tpu.vector_load %arg6[%get3A_269, %get3A_270] {strides = array<i32>} : memref<256x64xf32, #tpu.memory_space<vmem>>, vector<1x16xf32>,
      %get3A_272 = vector.shape_cast %get3A_271 : vector<1x16xf32> to vector<16xf32>
      %add3A_273 = arith.addf %add3A_249, %get3A_272 : vector<16xf32>
      %mul3A_274 = arith.constant 4 : i32
      %mul3A_275 = arith.muli %scan3A_222, %mul3A_274 : i32
      %add3A_276 = arith.constant 2 : i32
      %add3A_277 = arith.addi %mul3A_275, %add3A_276 : i32
      %get3A_278 = arith.index_cast %add3A_277 : i32 to index
      %get3A_279 = arith.constant 0 : index
      %get3A_280 = tpu.vector_load %arg6[%get3A_278, %get3A_279] {strides = array<i32>} : memref<256x64xf32, #tpu.memory_space<vmem>>, vector<1x16xf32>,
      %get3A_281 = vector.shape_cast %get3A_280 : vector<1x16xf32> to vector<16xf32>
      %add3A_282 = arith.addf %add3A_258, %get3A_281 : vector<16xf32>
      %get3A_283 = arith.index_cast %add3A_277 : i32 to index
      %get3A_284 = arith.constant 16 : index
      %get3A_285 = tpu.vector_load %arg6[%get3A_283, %get3A_284] {strides = array<i32>} : memref<256x64xf32, #tpu.memory_space<vmem>>, vector<1x16xf32>,
      %get3A_286 = vector.shape_cast %get3A_285 : vector<1x16xf32> to vector<16xf32>
      %add3A_287 = arith.addf %add3A_263, %get3A_286 : vector<16xf32>
      %get3A_288 = arith.index_cast %add3A_277 : i32 to index
      %get3A_289 = arith.constant 32 : index
      %get3A_290 = tpu.vector_load %arg6[%get3A_288, %get3A_289] {strides = array<i32>} : memref<256x64xf32, #tpu.memory_space<vmem>>, vector<1x16xf32>,
      %get3A_291 = vector.shape_cast %get3A_290 : vector<1x16xf32> to vector<16xf32>
      %add3A_292 = arith.addf %add3A_268, %get3A_291 : vector<16xf32>
      %get3A_293 = arith.index_cast %add3A_277 : i32 to index
      %get3A_294 = arith.constant 48 : index
      %get3A_295 = tpu.vector_load %arg6[%get3A_293, %get3A_294] {strides = array<i32>} : memref<256x64xf32, #tpu.memory_space<vmem>>, vector<1x16xf32>,
      %get3A_296 = vector.shape_cast %get3A_295 : vector<1x16xf32> to vector<16xf32>
      %add3A_297 = arith.addf %add3A_273, %get3A_296 : vector<16xf32>
      %mul3A_298 = arith.constant 4 : i32
      %mul3A_299 = arith.muli %scan3A_222, %mul3A_298 : i32
      %add3A_300 = arith.constant 3 : i32
      %add3A_301 = arith.addi %mul3A_299, %add3A_300 : i32
      %get3A_302 = arith.index_cast %add3A_301 : i32 to index
      %get3A_303 = arith.constant 0 : index
      %get3A_304 = tpu.vector_load %arg6[%get3A_302, %get3A_303] {strides = array<i32>} : memref<256x64xf32, #tpu.memory_space<vmem>>, vector<1x16xf32>,
      %get3A_305 = vector.shape_cast %get3A_304 : vector<1x16xf32> to vector<16xf32>
      %add3A_306 = arith.addf %add3A_282, %get3A_305 : vector<16xf32>
      %get3A_307 = arith.index_cast %add3A_301 : i32 to index
      %get3A_308 = arith.constant 16 : index
      %get3A_309 = tpu.vector_load %arg6[%get3A_307, %get3A_308] {strides = array<i32>} : memref<256x64xf32, #tpu.memory_space<vmem>>, vector<1x16xf32>,
      %get3A_310 = vector.shape_cast %get3A_309 : vector<1x16xf32> to vector<16xf32>
      %add3A_311 = arith.addf %add3A_287, %get3A_310 : vector<16xf32>
      %get3A_312 = arith.index_cast %add3A_301 : i32 to index
      %get3A_313 = arith.constant 32 : index
      %get3A_314 = tpu.vector_load %arg6[%get3A_312, %get3A_313] {strides = array<i32>} : memref<256x64xf32, #tpu.memory_space<vmem>>, vector<1x16xf32>,
      %get3A_315 = vector.shape_cast %get3A_314 : vector<1x16xf32> to vector<16xf32>
      %add3A_316 = arith.addf %add3A_292, %get3A_315 : vector<16xf32>
      %get3A_317 = arith.index_cast %add3A_301 : i32 to index
      %get3A_318 = arith.constant 48 : index
      %get3A_319 = tpu.vector_load %arg6[%get3A_317, %get3A_318] {strides = array<i32>} : memref<256x64xf32, #tpu.memory_space<vmem>>, vector<1x16xf32>,
      %get3A_320 = vector.shape_cast %get3A_319 : vector<1x16xf32> to vector<16xf32>
      %add3A_321 = arith.addf %add3A_297, %get3A_320 : vector<16xf32>
      scf.yield %add3A_306, %add3A_311, %add3A_316, %add3A_321 : vector<16xf32>, vector<16xf32>, vector<16xf32>, vector<16xf32>
    }
    %scan3A_101 = arith.constant 64 : i32
    %add3A_102 = arith.constant 1024 : i32
    %add3A_103 = arith.addi %mul3A_29, %add3A_102 : i32
    %dma_start3A_104 = arith.constant 0 : i32
    %dma_start3A_105 = tpu.memref_slice %arg2[%select_n3A, %add3A_103, %dma_start3A_104] : memref<4x8192x64xf32, #tpu.memory_space<hbm>> -> memref<1x256x64xf32, #tpu.memory_space<hbm>>
    %dma_start3A_106 = tpu.memref_squeeze %dma_start3A_105 : memref<1x256x64xf32, #tpu.memory_space<hbm>> -> memref<256x64xf32, #tpu.memory_space<hbm>>
    %dma_start3A_107 = arith.constant 0 : i32
    %dma_start3A_108 = tpu.memref_slice %arg2[%select_n3A, %add3A_103, %dma_start3A_107] : memref<4x8192x64xf32, #tpu.memory_space<hbm>> -> memref<1x256x64xf32, #tpu.memory_space<hbm>>
    %dma_start3A_109 = tpu.memref_squeeze %dma_start3A_108 : memref<1x256x64xf32, #tpu.memory_space<hbm>> -> memref<256x64xf32, #tpu.memory_space<hbm>>
    tpu.enqueue_dma source(%dma_start3A_109 : memref<256x64xf32, #tpu.memory_space<hbm>>) target(%arg6 : memref<256x64xf32, #tpu.memory_space<vmem>>) target_semaphore(%arg8 : memref<!tpu.dma_semaphore, #tpu.memory_space<semaphore_mem>>)
    %add3A_110 = arith.constant 768 : i32
    %add3A_111 = arith.addi %mul3A_29, %add3A_110 : i32
    %dma_wait3A_112 = arith.constant 0 : i32
    %dma_wait3A_113 = tpu.memref_slice %arg2[%select_n3A, %add3A_111, %dma_wait3A_112] : memref<4x8192x64xf32, #tpu.memory_space<hbm>> -> memref<1x256x64xf32, #tpu.memory_space<hbm>>
    %dma_wait3A_114 = tpu.memref_squeeze %dma_wait3A_113 : memref<1x256x64xf32, #tpu.memory_space<hbm>> -> memref<256x64xf32, #tpu.memory_space<hbm>>
    %dma_wait3A_115 = arith.constant 0 : i32
    %dma_wait3A_116 = tpu.memref_slice %arg2[%select_n3A, %add3A_111, %dma_wait3A_115] : memref<4x8192x64xf32, #tpu.memory_space<hbm>> -> memref<1x256x64xf32, #tpu.memory_space<hbm>>
    %dma_wait3A_117 = tpu.memref_squeeze %dma_wait3A_116 : memref<1x256x64xf32, #tpu.memory_space<hbm>> -> memref<256x64xf32, #tpu.memory_space<hbm>>
    tpu.wait_dma2 semaphore(%arg9 : memref<!tpu.dma_semaphore, #tpu.memory_space<semaphore_mem>>) src(%dma_wait3A_117 : memref<256x64xf32, #tpu.memory_space<hbm>>) dst(%arg7 : memref<256x64xf32, #tpu.memory_space<vmem>>)
    %scan3A_118 = arith.constant 0 : i32
    %scan3A_119 = arith.constant 64 : i32
    %scan3A_120 = arith.addi %scan3A_118, %scan3A_119 : i32
    %scan3A_121 = arith.constant 1 : i32
    %scan3A_122:4 = scf.for %scan3A_222 = %scan3A_118 to %scan3A_120 step %scan3A_121 iter_args(%scan3A_223 = %scan3A_100#0, %scan3A_224 = %scan3A_100#1, %scan3A_225 = %scan3A_100#2, %scan3A_226 = %scan3A_100#3) -> (vector<16xf32>, vector<16xf32>, vector<16xf32>, vector<16xf32>)  : i32 {
      %mul3A_227 = arith.constant 4 : i32
      %mul3A_228 = arith.muli %scan3A_222, %mul3A_227 : i32
      %add3A_229 = arith.constant 0 : i32
      %add3A_230 = arith.addi %mul3A_228, %add3A_229 : i32
      %get3A = arith.index_cast %add3A_230 : i32 to index
      %get3A_231 = arith.constant 0 : index
      %get3A_232 = tpu.vector_load %arg7[%get3A, %get3A_231] {strides = array<i32>} : memref<256x64xf32, #tpu.memory_space<vmem>>, vector<1x16xf32>,
      %get3A_233 = vector.shape_cast %get3A_232 : vector<1x16xf32> to vector<16xf32>
      %add3A_234 = arith.addf %scan3A_223, %get3A_233 : vector<16xf32>
      %get3A_235 = arith.index_cast %add3A_230 : i32 to index
      %get3A_236 = arith.constant 16 : index
      %get3A_237 = tpu.vector_load %arg7[%get3A_235, %get3A_236] {strides = array<i32>} : memref<256x64xf32, #tpu.memory_space<vmem>>, vector<1x16xf32>,
      %get3A_238 = vector.shape_cast %get3A_237 : vector<1x16xf32> to vector<16xf32>
      %add3A_239 = arith.addf %scan3A_224, %get3A_238 : vector<16xf32>
      %get3A_240 = arith.index_cast %add3A_230 : i32 to index
      %get3A_241 = arith.constant 32 : index
      %get3A_242 = tpu.vector_load %arg7[%get3A_240, %get3A_241] {strides = array<i32>} : memref<256x64xf32, #tpu.memory_space<vmem>>, vector<1x16xf32>,
      %get3A_243 = vector.shape_cast %get3A_242 : vector<1x16xf32> to vector<16xf32>
      %add3A_244 = arith.addf %scan3A_225, %get3A_243 : vector<16xf32>
      %get3A_245 = arith.index_cast %add3A_230 : i32 to index
      %get3A_246 = arith.constant 48 : index
      %get3A_247 = tpu.vector_load %arg7[%get3A_245, %get3A_246] {strides = array<i32>} : memref<256x64xf32, #tpu.memory_space<vmem>>, vector<1x16xf32>,
      %get3A_248 = vector.shape_cast %get3A_247 : vector<1x16xf32> to vector<16xf32>
      %add3A_249 = arith.addf %scan3A_226, %get3A_248 : vector<16xf32>
      %mul3A_250 = arith.constant 4 : i32
      %mul3A_251 = arith.muli %scan3A_222, %mul3A_250 : i32
      %add3A_252 = arith.constant 1 : i32
      %add3A_253 = arith.addi %mul3A_251, %add3A_252 : i32
      %get3A_254 = arith.index_cast %add3A_253 : i32 to index
      %get3A_255 = arith.constant 0 : index
      %get3A_256 = tpu.vector_load %arg7[%get3A_254, %get3A_255] {strides = array<i32>} : memref<256x64xf32, #tpu.memory_space<vmem>>, vector<1x16xf32>,
      %get3A_257 = vector.shape_cast %get3A_256 : vector<1x16xf32> to vector<16xf32>
      %add3A_258 = arith.addf %add3A_234, %get3A_257 : vector<16xf32>
      %get3A_259 = arith.index_cast %add3A_253 : i32 to index
      %get3A_260 = arith.constant 16 : index
      %get3A_261 = tpu.vector_load %arg7[%get3A_259, %get3A_260] {strides = array<i32>} : memref<256x64xf32, #tpu.memory_space<vmem>>, vector<1x16xf32>,
      %get3A_262 = vector.shape_cast %get3A_261 : vector<1x16xf32> to vector<16xf32>
      %add3A_263 = arith.addf %add3A_239, %get3A_262 : vector<16xf32>
      %get3A_264 = arith.index_cast %add3A_253 : i32 to index
      %get3A_265 = arith.constant 32 : index
      %get3A_266 = tpu.vector_load %arg7[%get3A_264, %get3A_265] {strides = array<i32>} : memref<256x64xf32, #tpu.memory_space<vmem>>, vector<1x16xf32>,
      %get3A_267 = vector.shape_cast %get3A_266 : vector<1x16xf32> to vector<16xf32>
      %add3A_268 = arith.addf %add3A_244, %get3A_267 : vector<16xf32>
      %get3A_269 = arith.index_cast %add3A_253 : i32 to index
      %get3A_270 = arith.constant 48 : index
      %get3A_271 = tpu.vector_load %arg7[%get3A_269, %get3A_270] {strides = array<i32>} : memref<256x64xf32, #tpu.memory_space<vmem>>, vector<1x16xf32>,
      %get3A_272 = vector.shape_cast %get3A_271 : vector<1x16xf32> to vector<16xf32>
      %add3A_273 = arith.addf %add3A_249, %get3A_272 : vector<16xf32>
      %mul3A_274 = arith.constant 4 : i32
      %mul3A_275 = arith.muli %scan3A_222, %mul3A_274 : i32
      %add3A_276 = arith.constant 2 : i32
      %add3A_277 = arith.addi %mul3A_275, %add3A_276 : i32
      %get3A_278 = arith.index_cast %add3A_277 : i32 to index
      %get3A_279 = arith.constant 0 : index
      %get3A_280 = tpu.vector_load %arg7[%get3A_278, %get3A_279] {strides = array<i32>} : memref<256x64xf32, #tpu.memory_space<vmem>>, vector<1x16xf32>,
      %get3A_281 = vector.shape_cast %get3A_280 : vector<1x16xf32> to vector<16xf32>
      %add3A_282 = arith.addf %add3A_258, %get3A_281 : vector<16xf32>
      %get3A_283 = arith.index_cast %add3A_277 : i32 to index
      %get3A_284 = arith.constant 16 : index
      %get3A_285 = tpu.vector_load %arg7[%get3A_283, %get3A_284] {strides = array<i32>} : memref<256x64xf32, #tpu.memory_space<vmem>>, vector<1x16xf32>,
      %get3A_286 = vector.shape_cast %get3A_285 : vector<1x16xf32> to vector<16xf32>
      %add3A_287 = arith.addf %add3A_263, %get3A_286 : vector<16xf32>
      %get3A_288 = arith.index_cast %add3A_277 : i32 to index
      %get3A_289 = arith.constant 32 : index
      %get3A_290 = tpu.vector_load %arg7[%get3A_288, %get3A_289] {strides = array<i32>} : memref<256x64xf32, #tpu.memory_space<vmem>>, vector<1x16xf32>,
      %get3A_291 = vector.shape_cast %get3A_290 : vector<1x16xf32> to vector<16xf32>
      %add3A_292 = arith.addf %add3A_268, %get3A_291 : vector<16xf32>
      %get3A_293 = arith.index_cast %add3A_277 : i32 to index
      %get3A_294 = arith.constant 48 : index
      %get3A_295 = tpu.vector_load %arg7[%get3A_293, %get3A_294] {strides = array<i32>} : memref<256x64xf32, #tpu.memory_space<vmem>>, vector<1x16xf32>,
      %get3A_296 = vector.shape_cast %get3A_295 : vector<1x16xf32> to vector<16xf32>
      %add3A_297 = arith.addf %add3A_273, %get3A_296 : vector<16xf32>
      %mul3A_298 = arith.constant 4 : i32
      %mul3A_299 = arith.muli %scan3A_222, %mul3A_298 : i32
      %add3A_300 = arith.constant 3 : i32
      %add3A_301 = arith.addi %mul3A_299, %add3A_300 : i32
      %get3A_302 = arith.index_cast %add3A_301 : i32 to index
      %get3A_303 = arith.constant 0 : index
      %get3A_304 = tpu.vector_load %arg7[%get3A_302, %get3A_303] {strides = array<i32>} : memref<256x64xf32, #tpu.memory_space<vmem>>, vector<1x16xf32>,
      %get3A_305 = vector.shape_cast %get3A_304 : vector<1x16xf32> to vector<16xf32>
      %add3A_306 = arith.addf %add3A_282, %get3A_305 : vector<16xf32>
      %get3A_307 = arith.index_cast %add3A_301 : i32 to index
      %get3A_308 = arith.constant 16 : index
      %get3A_309 = tpu.vector_load %arg7[%get3A_307, %get3A_308] {strides = array<i32>} : memref<256x64xf32, #tpu.memory_space<vmem>>, vector<1x16xf32>,
      %get3A_310 = vector.shape_cast %get3A_309 : vector<1x16xf32> to vector<16xf32>
      %add3A_311 = arith.addf %add3A_287, %get3A_310 : vector<16xf32>
      %get3A_312 = arith.index_cast %add3A_301 : i32 to index
      %get3A_313 = arith.constant 32 : index
      %get3A_314 = tpu.vector_load %arg7[%get3A_312, %get3A_313] {strides = array<i32>} : memref<256x64xf32, #tpu.memory_space<vmem>>, vector<1x16xf32>,
      %get3A_315 = vector.shape_cast %get3A_314 : vector<1x16xf32> to vector<16xf32>
      %add3A_316 = arith.addf %add3A_292, %get3A_315 : vector<16xf32>
      %get3A_317 = arith.index_cast %add3A_301 : i32 to index
      %get3A_318 = arith.constant 48 : index
      %get3A_319 = tpu.vector_load %arg7[%get3A_317, %get3A_318] {strides = array<i32>} : memref<256x64xf32, #tpu.memory_space<vmem>>, vector<1x16xf32>,
      %get3A_320 = vector.shape_cast %get3A_319 : vector<1x16xf32> to vector<16xf32>
      %add3A_321 = arith.addf %add3A_297, %get3A_320 : vector<16xf32>
      scf.yield %add3A_306, %add3A_311, %add3A_316, %add3A_321 : vector<16xf32>, vector<16xf32>, vector<16xf32>, vector<16xf32>
    }
    %scan3A_123 = arith.constant 64 : i32
    %add3A_124 = arith.constant 1280 : i32
    %add3A_125 = arith.addi %mul3A_29, %add3A_124 : i32
    %dma_start3A_126 = arith.constant 0 : i32
    %dma_start3A_127 = tpu.memref_slice %arg2[%select_n3A, %add3A_125, %dma_start3A_126] : memref<4x8192x64xf32, #tpu.memory_space<hbm>> -> memref<1x256x64xf32, #tpu.memory_space<hbm>>
    %dma_start3A_128 = tpu.memref_squeeze %dma_start3A_127 : memref<1x256x64xf32, #tpu.memory_space<hbm>> -> memref<256x64xf32, #tpu.memory_space<hbm>>
    %dma_start3A_129 = arith.constant 0 : i32
    %dma_start3A_130 = tpu.memref_slice %arg2[%select_n3A, %add3A_125, %dma_start3A_129] : memref<4x8192x64xf32, #tpu.memory_space<hbm>> -> memref<1x256x64xf32, #tpu.memory_space<hbm>>
    %dma_start3A_131 = tpu.memref_squeeze %dma_start3A_130 : memref<1x256x64xf32, #tpu.memory_space<hbm>> -> memref<256x64xf32, #tpu.memory_space<hbm>>
    tpu.enqueue_dma source(%dma_start3A_131 : memref<256x64xf32, #tpu.memory_space<hbm>>) target(%arg7 : memref<256x64xf32, #tpu.memory_space<vmem>>) target_semaphore(%arg9 : memref<!tpu.dma_semaphore, #tpu.memory_space<semaphore_mem>>)
    %add3A_132 = arith.constant 1024 : i32
    %add3A_133 = arith.addi %mul3A_29, %add3A_132 : i32
    %dma_wait3A_134 = arith.constant 0 : i32
    %dma_wait3A_135 = tpu.memref_slice %arg2[%select_n3A, %add3A_133, %dma_wait3A_134] : memref<4x8192x64xf32, #tpu.memory_space<hbm>> -> memref<1x256x64xf32, #tpu.memory_space<hbm>>
    %dma_wait3A_136 = tpu.memref_squeeze %dma_wait3A_135 : memref<1x256x64xf32, #tpu.memory_space<hbm>> -> memref<256x64xf32, #tpu.memory_space<hbm>>
    %dma_wait3A_137 = arith.constant 0 : i32
    %dma_wait3A_138 = tpu.memref_slice %arg2[%select_n3A, %add3A_133, %dma_wait3A_137] : memref<4x8192x64xf32, #tpu.memory_space<hbm>> -> memref<1x256x64xf32, #tpu.memory_space<hbm>>
    %dma_wait3A_139 = tpu.memref_squeeze %dma_wait3A_138 : memref<1x256x64xf32, #tpu.memory_space<hbm>> -> memref<256x64xf32, #tpu.memory_space<hbm>>
    tpu.wait_dma2 semaphore(%arg8 : memref<!tpu.dma_semaphore, #tpu.memory_space<semaphore_mem>>) src(%dma_wait3A_139 : memref<256x64xf32, #tpu.memory_space<hbm>>) dst(%arg6 : memref<256x64xf32, #tpu.memory_space<vmem>>)
    %scan3A_140 = arith.constant 0 : i32
    %scan3A_141 = arith.constant 64 : i32
    %scan3A_142 = arith.addi %scan3A_140, %scan3A_141 : i32
    %scan3A_143 = arith.constant 1 : i32
    %scan3A_144:4 = scf.for %scan3A_222 = %scan3A_140 to %scan3A_142 step %scan3A_143 iter_args(%scan3A_223 = %scan3A_122#0, %scan3A_224 = %scan3A_122#1, %scan3A_225 = %scan3A_122#2, %scan3A_226 = %scan3A_122#3) -> (vector<16xf32>, vector<16xf32>, vector<16xf32>, vector<16xf32>)  : i32 {
      %mul3A_227 = arith.constant 4 : i32
      %mul3A_228 = arith.muli %scan3A_222, %mul3A_227 : i32
      %add3A_229 = arith.constant 0 : i32
      %add3A_230 = arith.addi %mul3A_228, %add3A_229 : i32
      %get3A = arith.index_cast %add3A_230 : i32 to index
      %get3A_231 = arith.constant 0 : index
      %get3A_232 = tpu.vector_load %arg6[%get3A, %get3A_231] {strides = array<i32>} : memref<256x64xf32, #tpu.memory_space<vmem>>, vector<1x16xf32>,
      %get3A_233 = vector.shape_cast %get3A_232 : vector<1x16xf32> to vector<16xf32>
      %add3A_234 = arith.addf %scan3A_223, %get3A_233 : vector<16xf32>
      %get3A_235 = arith.index_cast %add3A_230 : i32 to index
      %get3A_236 = arith.constant 16 : index
      %get3A_237 = tpu.vector_load %arg6[%get3A_235, %get3A_236] {strides = array<i32>} : memref<256x64xf32, #tpu.memory_space<vmem>>, vector<1x16xf32>,
      %get3A_238 = vector.shape_cast %get3A_237 : vector<1x16xf32> to vector<16xf32>
      %add3A_239 = arith.addf %scan3A_224, %get3A_238 : vector<16xf32>
      %get3A_240 = arith.index_cast %add3A_230 : i32 to index
      %get3A_241 = arith.constant 32 : index
      %get3A_242 = tpu.vector_load %arg6[%get3A_240, %get3A_241] {strides = array<i32>} : memref<256x64xf32, #tpu.memory_space<vmem>>, vector<1x16xf32>,
      %get3A_243 = vector.shape_cast %get3A_242 : vector<1x16xf32> to vector<16xf32>
      %add3A_244 = arith.addf %scan3A_225, %get3A_243 : vector<16xf32>
      %get3A_245 = arith.index_cast %add3A_230 : i32 to index
      %get3A_246 = arith.constant 48 : index
      %get3A_247 = tpu.vector_load %arg6[%get3A_245, %get3A_246] {strides = array<i32>} : memref<256x64xf32, #tpu.memory_space<vmem>>, vector<1x16xf32>,
      %get3A_248 = vector.shape_cast %get3A_247 : vector<1x16xf32> to vector<16xf32>
      %add3A_249 = arith.addf %scan3A_226, %get3A_248 : vector<16xf32>
      %mul3A_250 = arith.constant 4 : i32
      %mul3A_251 = arith.muli %scan3A_222, %mul3A_250 : i32
      %add3A_252 = arith.constant 1 : i32
      %add3A_253 = arith.addi %mul3A_251, %add3A_252 : i32
      %get3A_254 = arith.index_cast %add3A_253 : i32 to index
      %get3A_255 = arith.constant 0 : index
      %get3A_256 = tpu.vector_load %arg6[%get3A_254, %get3A_255] {strides = array<i32>} : memref<256x64xf32, #tpu.memory_space<vmem>>, vector<1x16xf32>,
      %get3A_257 = vector.shape_cast %get3A_256 : vector<1x16xf32> to vector<16xf32>
      %add3A_258 = arith.addf %add3A_234, %get3A_257 : vector<16xf32>
      %get3A_259 = arith.index_cast %add3A_253 : i32 to index
      %get3A_260 = arith.constant 16 : index
      %get3A_261 = tpu.vector_load %arg6[%get3A_259, %get3A_260] {strides = array<i32>} : memref<256x64xf32, #tpu.memory_space<vmem>>, vector<1x16xf32>,
      %get3A_262 = vector.shape_cast %get3A_261 : vector<1x16xf32> to vector<16xf32>
      %add3A_263 = arith.addf %add3A_239, %get3A_262 : vector<16xf32>
      %get3A_264 = arith.index_cast %add3A_253 : i32 to index
      %get3A_265 = arith.constant 32 : index
      %get3A_266 = tpu.vector_load %arg6[%get3A_264, %get3A_265] {strides = array<i32>} : memref<256x64xf32, #tpu.memory_space<vmem>>, vector<1x16xf32>,
      %get3A_267 = vector.shape_cast %get3A_266 : vector<1x16xf32> to vector<16xf32>
      %add3A_268 = arith.addf %add3A_244, %get3A_267 : vector<16xf32>
      %get3A_269 = arith.index_cast %add3A_253 : i32 to index
      %get3A_270 = arith.constant 48 : index
      %get3A_271 = tpu.vector_load %arg6[%get3A_269, %get3A_270] {strides = array<i32>} : memref<256x64xf32, #tpu.memory_space<vmem>>, vector<1x16xf32>,
      %get3A_272 = vector.shape_cast %get3A_271 : vector<1x16xf32> to vector<16xf32>
      %add3A_273 = arith.addf %add3A_249, %get3A_272 : vector<16xf32>
      %mul3A_274 = arith.constant 4 : i32
      %mul3A_275 = arith.muli %scan3A_222, %mul3A_274 : i32
      %add3A_276 = arith.constant 2 : i32
      %add3A_277 = arith.addi %mul3A_275, %add3A_276 : i32
      %get3A_278 = arith.index_cast %add3A_277 : i32 to index
      %get3A_279 = arith.constant 0 : index
      %get3A_280 = tpu.vector_load %arg6[%get3A_278, %get3A_279] {strides = array<i32>} : memref<256x64xf32, #tpu.memory_space<vmem>>, vector<1x16xf32>,
      %get3A_281 = vector.shape_cast %get3A_280 : vector<1x16xf32> to vector<16xf32>
      %add3A_282 = arith.addf %add3A_258, %get3A_281 : vector<16xf32>
      %get3A_283 = arith.index_cast %add3A_277 : i32 to index
      %get3A_284 = arith.constant 16 : index
      %get3A_285 = tpu.vector_load %arg6[%get3A_283, %get3A_284] {strides = array<i32>} : memref<256x64xf32, #tpu.memory_space<vmem>>, vector<1x16xf32>,
      %get3A_286 = vector.shape_cast %get3A_285 : vector<1x16xf32> to vector<16xf32>
      %add3A_287 = arith.addf %add3A_263, %get3A_286 : vector<16xf32>
      %get3A_288 = arith.index_cast %add3A_277 : i32 to index
      %get3A_289 = arith.constant 32 : index
      %get3A_290 = tpu.vector_load %arg6[%get3A_288, %get3A_289] {strides = array<i32>} : memref<256x64xf32, #tpu.memory_space<vmem>>, vector<1x16xf32>,
      %get3A_291 = vector.shape_cast %get3A_290 : vector<1x16xf32> to vector<16xf32>
      %add3A_292 = arith.addf %add3A_268, %get3A_291 : vector<16xf32>
      %get3A_293 = arith.index_cast %add3A_277 : i32 to index
      %get3A_294 = arith.constant 48 : index
      %get3A_295 = tpu.vector_load %arg6[%get3A_293, %get3A_294] {strides = array<i32>} : memref<256x64xf32, #tpu.memory_space<vmem>>, vector<1x16xf32>,
      %get3A_296 = vector.shape_cast %get3A_295 : vector<1x16xf32> to vector<16xf32>
      %add3A_297 = arith.addf %add3A_273, %get3A_296 : vector<16xf32>
      %mul3A_298 = arith.constant 4 : i32
      %mul3A_299 = arith.muli %scan3A_222, %mul3A_298 : i32
      %add3A_300 = arith.constant 3 : i32
      %add3A_301 = arith.addi %mul3A_299, %add3A_300 : i32
      %get3A_302 = arith.index_cast %add3A_301 : i32 to index
      %get3A_303 = arith.constant 0 : index
      %get3A_304 = tpu.vector_load %arg6[%get3A_302, %get3A_303] {strides = array<i32>} : memref<256x64xf32, #tpu.memory_space<vmem>>, vector<1x16xf32>,
      %get3A_305 = vector.shape_cast %get3A_304 : vector<1x16xf32> to vector<16xf32>
      %add3A_306 = arith.addf %add3A_282, %get3A_305 : vector<16xf32>
      %get3A_307 = arith.index_cast %add3A_301 : i32 to index
      %get3A_308 = arith.constant 16 : index
      %get3A_309 = tpu.vector_load %arg6[%get3A_307, %get3A_308] {strides = array<i32>} : memref<256x64xf32, #tpu.memory_space<vmem>>, vector<1x16xf32>,
      %get3A_310 = vector.shape_cast %get3A_309 : vector<1x16xf32> to vector<16xf32>
      %add3A_311 = arith.addf %add3A_287, %get3A_310 : vector<16xf32>
      %get3A_312 = arith.index_cast %add3A_301 : i32 to index
      %get3A_313 = arith.constant 32 : index
      %get3A_314 = tpu.vector_load %arg6[%get3A_312, %get3A_313] {strides = array<i32>} : memref<256x64xf32, #tpu.memory_space<vmem>>, vector<1x16xf32>,
      %get3A_315 = vector.shape_cast %get3A_314 : vector<1x16xf32> to vector<16xf32>
      %add3A_316 = arith.addf %add3A_292, %get3A_315 : vector<16xf32>
      %get3A_317 = arith.index_cast %add3A_301 : i32 to index
      %get3A_318 = arith.constant 48 : index
      %get3A_319 = tpu.vector_load %arg6[%get3A_317, %get3A_318] {strides = array<i32>} : memref<256x64xf32, #tpu.memory_space<vmem>>, vector<1x16xf32>,
      %get3A_320 = vector.shape_cast %get3A_319 : vector<1x16xf32> to vector<16xf32>
      %add3A_321 = arith.addf %add3A_297, %get3A_320 : vector<16xf32>
      scf.yield %add3A_306, %add3A_311, %add3A_316, %add3A_321 : vector<16xf32>, vector<16xf32>, vector<16xf32>, vector<16xf32>
    }
    %scan3A_145 = arith.constant 64 : i32
    %add3A_146 = arith.constant 1536 : i32
    %add3A_147 = arith.addi %mul3A_29, %add3A_146 : i32
    %dma_start3A_148 = arith.constant 0 : i32
    %dma_start3A_149 = tpu.memref_slice %arg2[%select_n3A, %add3A_147, %dma_start3A_148] : memref<4x8192x64xf32, #tpu.memory_space<hbm>> -> memref<1x256x64xf32, #tpu.memory_space<hbm>>
    %dma_start3A_150 = tpu.memref_squeeze %dma_start3A_149 : memref<1x256x64xf32, #tpu.memory_space<hbm>> -> memref<256x64xf32, #tpu.memory_space<hbm>>
    %dma_start3A_151 = arith.constant 0 : i32
    %dma_start3A_152 = tpu.memref_slice %arg2[%select_n3A, %add3A_147, %dma_start3A_151] : memref<4x8192x64xf32, #tpu.memory_space<hbm>> -> memref<1x256x64xf32, #tpu.memory_space<hbm>>
    %dma_start3A_153 = tpu.memref_squeeze %dma_start3A_152 : memref<1x256x64xf32, #tpu.memory_space<hbm>> -> memref<256x64xf32, #tpu.memory_space<hbm>>
    tpu.enqueue_dma source(%dma_start3A_153 : memref<256x64xf32, #tpu.memory_space<hbm>>) target(%arg6 : memref<256x64xf32, #tpu.memory_space<vmem>>) target_semaphore(%arg8 : memref<!tpu.dma_semaphore, #tpu.memory_space<semaphore_mem>>)
    %add3A_154 = arith.constant 1280 : i32
    %add3A_155 = arith.addi %mul3A_29, %add3A_154 : i32
    %dma_wait3A_156 = arith.constant 0 : i32
    %dma_wait3A_157 = tpu.memref_slice %arg2[%select_n3A, %add3A_155, %dma_wait3A_156] : memref<4x8192x64xf32, #tpu.memory_space<hbm>> -> memref<1x256x64xf32, #tpu.memory_space<hbm>>
    %dma_wait3A_158 = tpu.memref_squeeze %dma_wait3A_157 : memref<1x256x64xf32, #tpu.memory_space<hbm>> -> memref<256x64xf32, #tpu.memory_space<hbm>>
    %dma_wait3A_159 = arith.constant 0 : i32
    %dma_wait3A_160 = tpu.memref_slice %arg2[%select_n3A, %add3A_155, %dma_wait3A_159] : memref<4x8192x64xf32, #tpu.memory_space<hbm>> -> memref<1x256x64xf32, #tpu.memory_space<hbm>>
    %dma_wait3A_161 = tpu.memref_squeeze %dma_wait3A_160 : memref<1x256x64xf32, #tpu.memory_space<hbm>> -> memref<256x64xf32, #tpu.memory_space<hbm>>
    tpu.wait_dma2 semaphore(%arg9 : memref<!tpu.dma_semaphore, #tpu.memory_space<semaphore_mem>>) src(%dma_wait3A_161 : memref<256x64xf32, #tpu.memory_space<hbm>>) dst(%arg7 : memref<256x64xf32, #tpu.memory_space<vmem>>)
    %scan3A_162 = arith.constant 0 : i32
    %scan3A_163 = arith.constant 64 : i32
    %scan3A_164 = arith.addi %scan3A_162, %scan3A_163 : i32
    %scan3A_165 = arith.constant 1 : i32
    %scan3A_166:4 = scf.for %scan3A_222 = %scan3A_162 to %scan3A_164 step %scan3A_165 iter_args(%scan3A_223 = %scan3A_144#0, %scan3A_224 = %scan3A_144#1, %scan3A_225 = %scan3A_144#2, %scan3A_226 = %scan3A_144#3) -> (vector<16xf32>, vector<16xf32>, vector<16xf32>, vector<16xf32>)  : i32 {
      %mul3A_227 = arith.constant 4 : i32
      %mul3A_228 = arith.muli %scan3A_222, %mul3A_227 : i32
      %add3A_229 = arith.constant 0 : i32
      %add3A_230 = arith.addi %mul3A_228, %add3A_229 : i32
      %get3A = arith.index_cast %add3A_230 : i32 to index
      %get3A_231 = arith.constant 0 : index
      %get3A_232 = tpu.vector_load %arg7[%get3A, %get3A_231] {strides = array<i32>} : memref<256x64xf32, #tpu.memory_space<vmem>>, vector<1x16xf32>,
      %get3A_233 = vector.shape_cast %get3A_232 : vector<1x16xf32> to vector<16xf32>
      %add3A_234 = arith.addf %scan3A_223, %get3A_233 : vector<16xf32>
      %get3A_235 = arith.index_cast %add3A_230 : i32 to index
      %get3A_236 = arith.constant 16 : index
      %get3A_237 = tpu.vector_load %arg7[%get3A_235, %get3A_236] {strides = array<i32>} : memref<256x64xf32, #tpu.memory_space<vmem>>, vector<1x16xf32>,
      %get3A_238 = vector.shape_cast %get3A_237 : vector<1x16xf32> to vector<16xf32>
      %add3A_239 = arith.addf %scan3A_224, %get3A_238 : vector<16xf32>
      %get3A_240 = arith.index_cast %add3A_230 : i32 to index
      %get3A_241 = arith.constant 32 : index
      %get3A_242 = tpu.vector_load %arg7[%get3A_240, %get3A_241] {strides = array<i32>} : memref<256x64xf32, #tpu.memory_space<vmem>>, vector<1x16xf32>,
      %get3A_243 = vector.shape_cast %get3A_242 : vector<1x16xf32> to vector<16xf32>
      %add3A_244 = arith.addf %scan3A_225, %get3A_243 : vector<16xf32>
      %get3A_245 = arith.index_cast %add3A_230 : i32 to index
      %get3A_246 = arith.constant 48 : index
      %get3A_247 = tpu.vector_load %arg7[%get3A_245, %get3A_246] {strides = array<i32>} : memref<256x64xf32, #tpu.memory_space<vmem>>, vector<1x16xf32>,
      %get3A_248 = vector.shape_cast %get3A_247 : vector<1x16xf32> to vector<16xf32>
      %add3A_249 = arith.addf %scan3A_226, %get3A_248 : vector<16xf32>
      %mul3A_250 = arith.constant 4 : i32
      %mul3A_251 = arith.muli %scan3A_222, %mul3A_250 : i32
      %add3A_252 = arith.constant 1 : i32
      %add3A_253 = arith.addi %mul3A_251, %add3A_252 : i32
      %get3A_254 = arith.index_cast %add3A_253 : i32 to index
      %get3A_255 = arith.constant 0 : index
      %get3A_256 = tpu.vector_load %arg7[%get3A_254, %get3A_255] {strides = array<i32>} : memref<256x64xf32, #tpu.memory_space<vmem>>, vector<1x16xf32>,
      %get3A_257 = vector.shape_cast %get3A_256 : vector<1x16xf32> to vector<16xf32>
      %add3A_258 = arith.addf %add3A_234, %get3A_257 : vector<16xf32>
      %get3A_259 = arith.index_cast %add3A_253 : i32 to index
      %get3A_260 = arith.constant 16 : index
      %get3A_261 = tpu.vector_load %arg7[%get3A_259, %get3A_260] {strides = array<i32>} : memref<256x64xf32, #tpu.memory_space<vmem>>, vector<1x16xf32>,
      %get3A_262 = vector.shape_cast %get3A_261 : vector<1x16xf32> to vector<16xf32>
      %add3A_263 = arith.addf %add3A_239, %get3A_262 : vector<16xf32>
      %get3A_264 = arith.index_cast %add3A_253 : i32 to index
      %get3A_265 = arith.constant 32 : index
      %get3A_266 = tpu.vector_load %arg7[%get3A_264, %get3A_265] {strides = array<i32>} : memref<256x64xf32, #tpu.memory_space<vmem>>, vector<1x16xf32>,
      %get3A_267 = vector.shape_cast %get3A_266 : vector<1x16xf32> to vector<16xf32>
      %add3A_268 = arith.addf %add3A_244, %get3A_267 : vector<16xf32>
      %get3A_269 = arith.index_cast %add3A_253 : i32 to index
      %get3A_270 = arith.constant 48 : index
      %get3A_271 = tpu.vector_load %arg7[%get3A_269, %get3A_270] {strides = array<i32>} : memref<256x64xf32, #tpu.memory_space<vmem>>, vector<1x16xf32>,
      %get3A_272 = vector.shape_cast %get3A_271 : vector<1x16xf32> to vector<16xf32>
      %add3A_273 = arith.addf %add3A_249, %get3A_272 : vector<16xf32>
      %mul3A_274 = arith.constant 4 : i32
      %mul3A_275 = arith.muli %scan3A_222, %mul3A_274 : i32
      %add3A_276 = arith.constant 2 : i32
      %add3A_277 = arith.addi %mul3A_275, %add3A_276 : i32
      %get3A_278 = arith.index_cast %add3A_277 : i32 to index
      %get3A_279 = arith.constant 0 : index
      %get3A_280 = tpu.vector_load %arg7[%get3A_278, %get3A_279] {strides = array<i32>} : memref<256x64xf32, #tpu.memory_space<vmem>>, vector<1x16xf32>,
      %get3A_281 = vector.shape_cast %get3A_280 : vector<1x16xf32> to vector<16xf32>
      %add3A_282 = arith.addf %add3A_258, %get3A_281 : vector<16xf32>
      %get3A_283 = arith.index_cast %add3A_277 : i32 to index
      %get3A_284 = arith.constant 16 : index
      %get3A_285 = tpu.vector_load %arg7[%get3A_283, %get3A_284] {strides = array<i32>} : memref<256x64xf32, #tpu.memory_space<vmem>>, vector<1x16xf32>,
      %get3A_286 = vector.shape_cast %get3A_285 : vector<1x16xf32> to vector<16xf32>
      %add3A_287 = arith.addf %add3A_263, %get3A_286 : vector<16xf32>
      %get3A_288 = arith.index_cast %add3A_277 : i32 to index
      %get3A_289 = arith.constant 32 : index
      %get3A_290 = tpu.vector_load %arg7[%get3A_288, %get3A_289] {strides = array<i32>} : memref<256x64xf32, #tpu.memory_space<vmem>>, vector<1x16xf32>,
      %get3A_291 = vector.shape_cast %get3A_290 : vector<1x16xf32> to vector<16xf32>
      %add3A_292 = arith.addf %add3A_268, %get3A_291 : vector<16xf32>
      %get3A_293 = arith.index_cast %add3A_277 : i32 to index
      %get3A_294 = arith.constant 48 : index
      %get3A_295 = tpu.vector_load %arg7[%get3A_293, %get3A_294] {strides = array<i32>} : memref<256x64xf32, #tpu.memory_space<vmem>>, vector<1x16xf32>,
      %get3A_296 = vector.shape_cast %get3A_295 : vector<1x16xf32> to vector<16xf32>
      %add3A_297 = arith.addf %add3A_273, %get3A_296 : vector<16xf32>
      %mul3A_298 = arith.constant 4 : i32
      %mul3A_299 = arith.muli %scan3A_222, %mul3A_298 : i32
      %add3A_300 = arith.constant 3 : i32
      %add3A_301 = arith.addi %mul3A_299, %add3A_300 : i32
      %get3A_302 = arith.index_cast %add3A_301 : i32 to index
      %get3A_303 = arith.constant 0 : index
      %get3A_304 = tpu.vector_load %arg7[%get3A_302, %get3A_303] {strides = array<i32>} : memref<256x64xf32, #tpu.memory_space<vmem>>, vector<1x16xf32>,
      %get3A_305 = vector.shape_cast %get3A_304 : vector<1x16xf32> to vector<16xf32>
      %add3A_306 = arith.addf %add3A_282, %get3A_305 : vector<16xf32>
      %get3A_307 = arith.index_cast %add3A_301 : i32 to index
      %get3A_308 = arith.constant 16 : index
      %get3A_309 = tpu.vector_load %arg7[%get3A_307, %get3A_308] {strides = array<i32>} : memref<256x64xf32, #tpu.memory_space<vmem>>, vector<1x16xf32>,
      %get3A_310 = vector.shape_cast %get3A_309 : vector<1x16xf32> to vector<16xf32>
      %add3A_311 = arith.addf %add3A_287, %get3A_310 : vector<16xf32>
      %get3A_312 = arith.index_cast %add3A_301 : i32 to index
      %get3A_313 = arith.constant 32 : index
      %get3A_314 = tpu.vector_load %arg7[%get3A_312, %get3A_313] {strides = array<i32>} : memref<256x64xf32, #tpu.memory_space<vmem>>, vector<1x16xf32>,
      %get3A_315 = vector.shape_cast %get3A_314 : vector<1x16xf32> to vector<16xf32>
      %add3A_316 = arith.addf %add3A_292, %get3A_315 : vector<16xf32>
      %get3A_317 = arith.index_cast %add3A_301 : i32 to index
      %get3A_318 = arith.constant 48 : index
      %get3A_319 = tpu.vector_load %arg7[%get3A_317, %get3A_318] {strides = array<i32>} : memref<256x64xf32, #tpu.memory_space<vmem>>, vector<1x16xf32>,
      %get3A_320 = vector.shape_cast %get3A_319 : vector<1x16xf32> to vector<16xf32>
      %add3A_321 = arith.addf %add3A_297, %get3A_320 : vector<16xf32>
      scf.yield %add3A_306, %add3A_311, %add3A_316, %add3A_321 : vector<16xf32>, vector<16xf32>, vector<16xf32>, vector<16xf32>
    }
    %scan3A_167 = arith.constant 64 : i32
    %add3A_168 = arith.constant 1792 : i32
    %add3A_169 = arith.addi %mul3A_29, %add3A_168 : i32
    %dma_start3A_170 = arith.constant 0 : i32
    %dma_start3A_171 = tpu.memref_slice %arg2[%select_n3A, %add3A_169, %dma_start3A_170] : memref<4x8192x64xf32, #tpu.memory_space<hbm>> -> memref<1x256x64xf32, #tpu.memory_space<hbm>>
    %dma_start3A_172 = tpu.memref_squeeze %dma_start3A_171 : memref<1x256x64xf32, #tpu.memory_space<hbm>> -> memref<256x64xf32, #tpu.memory_space<hbm>>
    %dma_start3A_173 = arith.constant 0 : i32
    %dma_start3A_174 = tpu.memref_slice %arg2[%select_n3A, %add3A_169, %dma_start3A_173] : memref<4x8192x64xf32, #tpu.memory_space<hbm>> -> memref<1x256x64xf32, #tpu.memory_space<hbm>>
    %dma_start3A_175 = tpu.memref_squeeze %dma_start3A_174 : memref<1x256x64xf32, #tpu.memory_space<hbm>> -> memref<256x64xf32, #tpu.memory_space<hbm>>
    tpu.enqueue_dma source(%dma_start3A_175 : memref<256x64xf32, #tpu.memory_space<hbm>>) target(%arg7 : memref<256x64xf32, #tpu.memory_space<vmem>>) target_semaphore(%arg9 : memref<!tpu.dma_semaphore, #tpu.memory_space<semaphore_mem>>)
    %add3A_176 = arith.constant 1536 : i32
    %add3A_177 = arith.addi %mul3A_29, %add3A_176 : i32
    %dma_wait3A_178 = arith.constant 0 : i32
    %dma_wait3A_179 = tpu.memref_slice %arg2[%select_n3A, %add3A_177, %dma_wait3A_178] : memref<4x8192x64xf32, #tpu.memory_space<hbm>> -> memref<1x256x64xf32, #tpu.memory_space<hbm>>
    %dma_wait3A_180 = tpu.memref_squeeze %dma_wait3A_179 : memref<1x256x64xf32, #tpu.memory_space<hbm>> -> memref<256x64xf32, #tpu.memory_space<hbm>>
    %dma_wait3A_181 = arith.constant 0 : i32
    %dma_wait3A_182 = tpu.memref_slice %arg2[%select_n3A, %add3A_177, %dma_wait3A_181] : memref<4x8192x64xf32, #tpu.memory_space<hbm>> -> memref<1x256x64xf32, #tpu.memory_space<hbm>>
    %dma_wait3A_183 = tpu.memref_squeeze %dma_wait3A_182 : memref<1x256x64xf32, #tpu.memory_space<hbm>> -> memref<256x64xf32, #tpu.memory_space<hbm>>
    tpu.wait_dma2 semaphore(%arg8 : memref<!tpu.dma_semaphore, #tpu.memory_space<semaphore_mem>>) src(%dma_wait3A_183 : memref<256x64xf32, #tpu.memory_space<hbm>>) dst(%arg6 : memref<256x64xf32, #tpu.memory_space<vmem>>)
    %scan3A_184 = arith.constant 0 : i32
    %scan3A_185 = arith.constant 64 : i32
    %scan3A_186 = arith.addi %scan3A_184, %scan3A_185 : i32
    %scan3A_187 = arith.constant 1 : i32
    %scan3A_188:4 = scf.for %scan3A_222 = %scan3A_184 to %scan3A_186 step %scan3A_187 iter_args(%scan3A_223 = %scan3A_166#0, %scan3A_224 = %scan3A_166#1, %scan3A_225 = %scan3A_166#2, %scan3A_226 = %scan3A_166#3) -> (vector<16xf32>, vector<16xf32>, vector<16xf32>, vector<16xf32>)  : i32 {
      %mul3A_227 = arith.constant 4 : i32
      %mul3A_228 = arith.muli %scan3A_222, %mul3A_227 : i32
      %add3A_229 = arith.constant 0 : i32
      %add3A_230 = arith.addi %mul3A_228, %add3A_229 : i32
      %get3A = arith.index_cast %add3A_230 : i32 to index
      %get3A_231 = arith.constant 0 : index
      %get3A_232 = tpu.vector_load %arg6[%get3A, %get3A_231] {strides = array<i32>} : memref<256x64xf32, #tpu.memory_space<vmem>>, vector<1x16xf32>,
      %get3A_233 = vector.shape_cast %get3A_232 : vector<1x16xf32> to vector<16xf32>
      %add3A_234 = arith.addf %scan3A_223, %get3A_233 : vector<16xf32>
      %get3A_235 = arith.index_cast %add3A_230 : i32 to index
      %get3A_236 = arith.constant 16 : index
      %get3A_237 = tpu.vector_load %arg6[%get3A_235, %get3A_236] {strides = array<i32>} : memref<256x64xf32, #tpu.memory_space<vmem>>, vector<1x16xf32>,
      %get3A_238 = vector.shape_cast %get3A_237 : vector<1x16xf32> to vector<16xf32>
      %add3A_239 = arith.addf %scan3A_224, %get3A_238 : vector<16xf32>
      %get3A_240 = arith.index_cast %add3A_230 : i32 to index
      %get3A_241 = arith.constant 32 : index
      %get3A_242 = tpu.vector_load %arg6[%get3A_240, %get3A_241] {strides = array<i32>} : memref<256x64xf32, #tpu.memory_space<vmem>>, vector<1x16xf32>,
      %get3A_243 = vector.shape_cast %get3A_242 : vector<1x16xf32> to vector<16xf32>
      %add3A_244 = arith.addf %scan3A_225, %get3A_243 : vector<16xf32>
      %get3A_245 = arith.index_cast %add3A_230 : i32 to index
      %get3A_246 = arith.constant 48 : index
      %get3A_247 = tpu.vector_load %arg6[%get3A_245, %get3A_246] {strides = array<i32>} : memref<256x64xf32, #tpu.memory_space<vmem>>, vector<1x16xf32>,
      %get3A_248 = vector.shape_cast %get3A_247 : vector<1x16xf32> to vector<16xf32>
      %add3A_249 = arith.addf %scan3A_226, %get3A_248 : vector<16xf32>
      %mul3A_250 = arith.constant 4 : i32
      %mul3A_251 = arith.muli %scan3A_222, %mul3A_250 : i32
      %add3A_252 = arith.constant 1 : i32
      %add3A_253 = arith.addi %mul3A_251, %add3A_252 : i32
      %get3A_254 = arith.index_cast %add3A_253 : i32 to index
      %get3A_255 = arith.constant 0 : index
      %get3A_256 = tpu.vector_load %arg6[%get3A_254, %get3A_255] {strides = array<i32>} : memref<256x64xf32, #tpu.memory_space<vmem>>, vector<1x16xf32>,
      %get3A_257 = vector.shape_cast %get3A_256 : vector<1x16xf32> to vector<16xf32>
      %add3A_258 = arith.addf %add3A_234, %get3A_257 : vector<16xf32>
      %get3A_259 = arith.index_cast %add3A_253 : i32 to index
      %get3A_260 = arith.constant 16 : index
      %get3A_261 = tpu.vector_load %arg6[%get3A_259, %get3A_260] {strides = array<i32>} : memref<256x64xf32, #tpu.memory_space<vmem>>, vector<1x16xf32>,
      %get3A_262 = vector.shape_cast %get3A_261 : vector<1x16xf32> to vector<16xf32>
      %add3A_263 = arith.addf %add3A_239, %get3A_262 : vector<16xf32>
      %get3A_264 = arith.index_cast %add3A_253 : i32 to index
      %get3A_265 = arith.constant 32 : index
      %get3A_266 = tpu.vector_load %arg6[%get3A_264, %get3A_265] {strides = array<i32>} : memref<256x64xf32, #tpu.memory_space<vmem>>, vector<1x16xf32>,
      %get3A_267 = vector.shape_cast %get3A_266 : vector<1x16xf32> to vector<16xf32>
      %add3A_268 = arith.addf %add3A_244, %get3A_267 : vector<16xf32>
      %get3A_269 = arith.index_cast %add3A_253 : i32 to index
      %get3A_270 = arith.constant 48 : index
      %get3A_271 = tpu.vector_load %arg6[%get3A_269, %get3A_270] {strides = array<i32>} : memref<256x64xf32, #tpu.memory_space<vmem>>, vector<1x16xf32>,
      %get3A_272 = vector.shape_cast %get3A_271 : vector<1x16xf32> to vector<16xf32>
      %add3A_273 = arith.addf %add3A_249, %get3A_272 : vector<16xf32>
      %mul3A_274 = arith.constant 4 : i32
      %mul3A_275 = arith.muli %scan3A_222, %mul3A_274 : i32
      %add3A_276 = arith.constant 2 : i32
      %add3A_277 = arith.addi %mul3A_275, %add3A_276 : i32
      %get3A_278 = arith.index_cast %add3A_277 : i32 to index
      %get3A_279 = arith.constant 0 : index
      %get3A_280 = tpu.vector_load %arg6[%get3A_278, %get3A_279] {strides = array<i32>} : memref<256x64xf32, #tpu.memory_space<vmem>>, vector<1x16xf32>,
      %get3A_281 = vector.shape_cast %get3A_280 : vector<1x16xf32> to vector<16xf32>
      %add3A_282 = arith.addf %add3A_258, %get3A_281 : vector<16xf32>
      %get3A_283 = arith.index_cast %add3A_277 : i32 to index
      %get3A_284 = arith.constant 16 : index
      %get3A_285 = tpu.vector_load %arg6[%get3A_283, %get3A_284] {strides = array<i32>} : memref<256x64xf32, #tpu.memory_space<vmem>>, vector<1x16xf32>,
      %get3A_286 = vector.shape_cast %get3A_285 : vector<1x16xf32> to vector<16xf32>
      %add3A_287 = arith.addf %add3A_263, %get3A_286 : vector<16xf32>
      %get3A_288 = arith.index_cast %add3A_277 : i32 to index
      %get3A_289 = arith.constant 32 : index
      %get3A_290 = tpu.vector_load %arg6[%get3A_288, %get3A_289] {strides = array<i32>} : memref<256x64xf32, #tpu.memory_space<vmem>>, vector<1x16xf32>,
      %get3A_291 = vector.shape_cast %get3A_290 : vector<1x16xf32> to vector<16xf32>
      %add3A_292 = arith.addf %add3A_268, %get3A_291 : vector<16xf32>
      %get3A_293 = arith.index_cast %add3A_277 : i32 to index
      %get3A_294 = arith.constant 48 : index
      %get3A_295 = tpu.vector_load %arg6[%get3A_293, %get3A_294] {strides = array<i32>} : memref<256x64xf32, #tpu.memory_space<vmem>>, vector<1x16xf32>,
      %get3A_296 = vector.shape_cast %get3A_295 : vector<1x16xf32> to vector<16xf32>
      %add3A_297 = arith.addf %add3A_273, %get3A_296 : vector<16xf32>
      %mul3A_298 = arith.constant 4 : i32
      %mul3A_299 = arith.muli %scan3A_222, %mul3A_298 : i32
      %add3A_300 = arith.constant 3 : i32
      %add3A_301 = arith.addi %mul3A_299, %add3A_300 : i32
      %get3A_302 = arith.index_cast %add3A_301 : i32 to index
      %get3A_303 = arith.constant 0 : index
      %get3A_304 = tpu.vector_load %arg6[%get3A_302, %get3A_303] {strides = array<i32>} : memref<256x64xf32, #tpu.memory_space<vmem>>, vector<1x16xf32>,
      %get3A_305 = vector.shape_cast %get3A_304 : vector<1x16xf32> to vector<16xf32>
      %add3A_306 = arith.addf %add3A_282, %get3A_305 : vector<16xf32>
      %get3A_307 = arith.index_cast %add3A_301 : i32 to index
      %get3A_308 = arith.constant 16 : index
      %get3A_309 = tpu.vector_load %arg6[%get3A_307, %get3A_308] {strides = array<i32>} : memref<256x64xf32, #tpu.memory_space<vmem>>, vector<1x16xf32>,
      %get3A_310 = vector.shape_cast %get3A_309 : vector<1x16xf32> to vector<16xf32>
      %add3A_311 = arith.addf %add3A_287, %get3A_310 : vector<16xf32>
      %get3A_312 = arith.index_cast %add3A_301 : i32 to index
      %get3A_313 = arith.constant 32 : index
      %get3A_314 = tpu.vector_load %arg6[%get3A_312, %get3A_313] {strides = array<i32>} : memref<256x64xf32, #tpu.memory_space<vmem>>, vector<1x16xf32>,
      %get3A_315 = vector.shape_cast %get3A_314 : vector<1x16xf32> to vector<16xf32>
      %add3A_316 = arith.addf %add3A_292, %get3A_315 : vector<16xf32>
      %get3A_317 = arith.index_cast %add3A_301 : i32 to index
      %get3A_318 = arith.constant 48 : index
      %get3A_319 = tpu.vector_load %arg6[%get3A_317, %get3A_318] {strides = array<i32>} : memref<256x64xf32, #tpu.memory_space<vmem>>, vector<1x16xf32>,
      %get3A_320 = vector.shape_cast %get3A_319 : vector<1x16xf32> to vector<16xf32>
      %add3A_321 = arith.addf %add3A_297, %get3A_320 : vector<16xf32>
      scf.yield %add3A_306, %add3A_311, %add3A_316, %add3A_321 : vector<16xf32>, vector<16xf32>, vector<16xf32>, vector<16xf32>
    }
    %scan3A_189 = arith.constant 64 : i32
    %add3A_190 = arith.constant 1792 : i32
    %add3A_191 = arith.addi %mul3A_29, %add3A_190 : i32
    %dma_wait3A_192 = arith.constant 0 : i32
    %dma_wait3A_193 = tpu.memref_slice %arg2[%select_n3A, %add3A_191, %dma_wait3A_192] : memref<4x8192x64xf32, #tpu.memory_space<hbm>> -> memref<1x256x64xf32, #tpu.memory_space<hbm>>
    %dma_wait3A_194 = tpu.memref_squeeze %dma_wait3A_193 : memref<1x256x64xf32, #tpu.memory_space<hbm>> -> memref<256x64xf32, #tpu.memory_space<hbm>>
    %dma_wait3A_195 = arith.constant 0 : i32
    %dma_wait3A_196 = tpu.memref_slice %arg2[%select_n3A, %add3A_191, %dma_wait3A_195] : memref<4x8192x64xf32, #tpu.memory_space<hbm>> -> memref<1x256x64xf32, #tpu.memory_space<hbm>>
    %dma_wait3A_197 = tpu.memref_squeeze %dma_wait3A_196 : memref<1x256x64xf32, #tpu.memory_space<hbm>> -> memref<256x64xf32, #tpu.memory_space<hbm>>
    tpu.wait_dma2 semaphore(%arg9 : memref<!tpu.dma_semaphore, #tpu.memory_space<semaphore_mem>>) src(%dma_wait3A_197 : memref<256x64xf32, #tpu.memory_space<hbm>>) dst(%arg7 : memref<256x64xf32, #tpu.memory_space<vmem>>)
    %scan3A_198 = arith.constant 0 : i32
    %scan3A_199 = arith.constant 64 : i32
    %scan3A_200 = arith.addi %scan3A_198, %scan3A_199 : i32
    %scan3A_201 = arith.constant 1 : i32
    %scan3A_202:4 = scf.for %scan3A_222 = %scan3A_198 to %scan3A_200 step %scan3A_201 iter_args(%scan3A_223 = %scan3A_188#0, %scan3A_224 = %scan3A_188#1, %scan3A_225 = %scan3A_188#2, %scan3A_226 = %scan3A_188#3) -> (vector<16xf32>, vector<16xf32>, vector<16xf32>, vector<16xf32>)  : i32 {
      %mul3A_227 = arith.constant 4 : i32
      %mul3A_228 = arith.muli %scan3A_222, %mul3A_227 : i32
      %add3A_229 = arith.constant 0 : i32
      %add3A_230 = arith.addi %mul3A_228, %add3A_229 : i32
      %get3A = arith.index_cast %add3A_230 : i32 to index
      %get3A_231 = arith.constant 0 : index
      %get3A_232 = tpu.vector_load %arg7[%get3A, %get3A_231] {strides = array<i32>} : memref<256x64xf32, #tpu.memory_space<vmem>>, vector<1x16xf32>,
      %get3A_233 = vector.shape_cast %get3A_232 : vector<1x16xf32> to vector<16xf32>
      %add3A_234 = arith.addf %scan3A_223, %get3A_233 : vector<16xf32>
      %get3A_235 = arith.index_cast %add3A_230 : i32 to index
      %get3A_236 = arith.constant 16 : index
      %get3A_237 = tpu.vector_load %arg7[%get3A_235, %get3A_236] {strides = array<i32>} : memref<256x64xf32, #tpu.memory_space<vmem>>, vector<1x16xf32>,
      %get3A_238 = vector.shape_cast %get3A_237 : vector<1x16xf32> to vector<16xf32>
      %add3A_239 = arith.addf %scan3A_224, %get3A_238 : vector<16xf32>
      %get3A_240 = arith.index_cast %add3A_230 : i32 to index
      %get3A_241 = arith.constant 32 : index
      %get3A_242 = tpu.vector_load %arg7[%get3A_240, %get3A_241] {strides = array<i32>} : memref<256x64xf32, #tpu.memory_space<vmem>>, vector<1x16xf32>,
      %get3A_243 = vector.shape_cast %get3A_242 : vector<1x16xf32> to vector<16xf32>
      %add3A_244 = arith.addf %scan3A_225, %get3A_243 : vector<16xf32>
      %get3A_245 = arith.index_cast %add3A_230 : i32 to index
      %get3A_246 = arith.constant 48 : index
      %get3A_247 = tpu.vector_load %arg7[%get3A_245, %get3A_246] {strides = array<i32>} : memref<256x64xf32, #tpu.memory_space<vmem>>, vector<1x16xf32>,
      %get3A_248 = vector.shape_cast %get3A_247 : vector<1x16xf32> to vector<16xf32>
      %add3A_249 = arith.addf %scan3A_226, %get3A_248 : vector<16xf32>
      %mul3A_250 = arith.constant 4 : i32
      %mul3A_251 = arith.muli %scan3A_222, %mul3A_250 : i32
      %add3A_252 = arith.constant 1 : i32
      %add3A_253 = arith.addi %mul3A_251, %add3A_252 : i32
      %get3A_254 = arith.index_cast %add3A_253 : i32 to index
      %get3A_255 = arith.constant 0 : index
      %get3A_256 = tpu.vector_load %arg7[%get3A_254, %get3A_255] {strides = array<i32>} : memref<256x64xf32, #tpu.memory_space<vmem>>, vector<1x16xf32>,
      %get3A_257 = vector.shape_cast %get3A_256 : vector<1x16xf32> to vector<16xf32>
      %add3A_258 = arith.addf %add3A_234, %get3A_257 : vector<16xf32>
      %get3A_259 = arith.index_cast %add3A_253 : i32 to index
      %get3A_260 = arith.constant 16 : index
      %get3A_261 = tpu.vector_load %arg7[%get3A_259, %get3A_260] {strides = array<i32>} : memref<256x64xf32, #tpu.memory_space<vmem>>, vector<1x16xf32>,
      %get3A_262 = vector.shape_cast %get3A_261 : vector<1x16xf32> to vector<16xf32>
      %add3A_263 = arith.addf %add3A_239, %get3A_262 : vector<16xf32>
      %get3A_264 = arith.index_cast %add3A_253 : i32 to index
      %get3A_265 = arith.constant 32 : index
      %get3A_266 = tpu.vector_load %arg7[%get3A_264, %get3A_265] {strides = array<i32>} : memref<256x64xf32, #tpu.memory_space<vmem>>, vector<1x16xf32>,
      %get3A_267 = vector.shape_cast %get3A_266 : vector<1x16xf32> to vector<16xf32>
      %add3A_268 = arith.addf %add3A_244, %get3A_267 : vector<16xf32>
      %get3A_269 = arith.index_cast %add3A_253 : i32 to index
      %get3A_270 = arith.constant 48 : index
      %get3A_271 = tpu.vector_load %arg7[%get3A_269, %get3A_270] {strides = array<i32>} : memref<256x64xf32, #tpu.memory_space<vmem>>, vector<1x16xf32>,
      %get3A_272 = vector.shape_cast %get3A_271 : vector<1x16xf32> to vector<16xf32>
      %add3A_273 = arith.addf %add3A_249, %get3A_272 : vector<16xf32>
      %mul3A_274 = arith.constant 4 : i32
      %mul3A_275 = arith.muli %scan3A_222, %mul3A_274 : i32
      %add3A_276 = arith.constant 2 : i32
      %add3A_277 = arith.addi %mul3A_275, %add3A_276 : i32
      %get3A_278 = arith.index_cast %add3A_277 : i32 to index
      %get3A_279 = arith.constant 0 : index
      %get3A_280 = tpu.vector_load %arg7[%get3A_278, %get3A_279] {strides = array<i32>} : memref<256x64xf32, #tpu.memory_space<vmem>>, vector<1x16xf32>,
      %get3A_281 = vector.shape_cast %get3A_280 : vector<1x16xf32> to vector<16xf32>
      %add3A_282 = arith.addf %add3A_258, %get3A_281 : vector<16xf32>
      %get3A_283 = arith.index_cast %add3A_277 : i32 to index
      %get3A_284 = arith.constant 16 : index
      %get3A_285 = tpu.vector_load %arg7[%get3A_283, %get3A_284] {strides = array<i32>} : memref<256x64xf32, #tpu.memory_space<vmem>>, vector<1x16xf32>,
      %get3A_286 = vector.shape_cast %get3A_285 : vector<1x16xf32> to vector<16xf32>
      %add3A_287 = arith.addf %add3A_263, %get3A_286 : vector<16xf32>
      %get3A_288 = arith.index_cast %add3A_277 : i32 to index
      %get3A_289 = arith.constant 32 : index
      %get3A_290 = tpu.vector_load %arg7[%get3A_288, %get3A_289] {strides = array<i32>} : memref<256x64xf32, #tpu.memory_space<vmem>>, vector<1x16xf32>,
      %get3A_291 = vector.shape_cast %get3A_290 : vector<1x16xf32> to vector<16xf32>
      %add3A_292 = arith.addf %add3A_268, %get3A_291 : vector<16xf32>
      %get3A_293 = arith.index_cast %add3A_277 : i32 to index
      %get3A_294 = arith.constant 48 : index
      %get3A_295 = tpu.vector_load %arg7[%get3A_293, %get3A_294] {strides = array<i32>} : memref<256x64xf32, #tpu.memory_space<vmem>>, vector<1x16xf32>,
      %get3A_296 = vector.shape_cast %get3A_295 : vector<1x16xf32> to vector<16xf32>
      %add3A_297 = arith.addf %add3A_273, %get3A_296 : vector<16xf32>
      %mul3A_298 = arith.constant 4 : i32
      %mul3A_299 = arith.muli %scan3A_222, %mul3A_298 : i32
      %add3A_300 = arith.constant 3 : i32
      %add3A_301 = arith.addi %mul3A_299, %add3A_300 : i32
      %get3A_302 = arith.index_cast %add3A_301 : i32 to index
      %get3A_303 = arith.constant 0 : index
      %get3A_304 = tpu.vector_load %arg7[%get3A_302, %get3A_303] {strides = array<i32>} : memref<256x64xf32, #tpu.memory_space<vmem>>, vector<1x16xf32>,
      %get3A_305 = vector.shape_cast %get3A_304 : vector<1x16xf32> to vector<16xf32>
      %add3A_306 = arith.addf %add3A_282, %get3A_305 : vector<16xf32>
      %get3A_307 = arith.index_cast %add3A_301 : i32 to index
      %get3A_308 = arith.constant 16 : index
      %get3A_309 = tpu.vector_load %arg7[%get3A_307, %get3A_308] {strides = array<i32>} : memref<256x64xf32, #tpu.memory_space<vmem>>, vector<1x16xf32>,
      %get3A_310 = vector.shape_cast %get3A_309 : vector<1x16xf32> to vector<16xf32>
      %add3A_311 = arith.addf %add3A_287, %get3A_310 : vector<16xf32>
      %get3A_312 = arith.index_cast %add3A_301 : i32 to index
      %get3A_313 = arith.constant 32 : index
      %get3A_314 = tpu.vector_load %arg7[%get3A_312, %get3A_313] {strides = array<i32>} : memref<256x64xf32, #tpu.memory_space<vmem>>, vector<1x16xf32>,
      %get3A_315 = vector.shape_cast %get3A_314 : vector<1x16xf32> to vector<16xf32>
      %add3A_316 = arith.addf %add3A_292, %get3A_315 : vector<16xf32>
      %get3A_317 = arith.index_cast %add3A_301 : i32 to index
      %get3A_318 = arith.constant 48 : index
      %get3A_319 = tpu.vector_load %arg7[%get3A_317, %get3A_318] {strides = array<i32>} : memref<256x64xf32, #tpu.memory_space<vmem>>, vector<1x16xf32>,
      %get3A_320 = vector.shape_cast %get3A_319 : vector<1x16xf32> to vector<16xf32>
      %add3A_321 = arith.addf %add3A_297, %get3A_320 : vector<16xf32>
      scf.yield %add3A_306, %add3A_311, %add3A_316, %add3A_321 : vector<16xf32>, vector<16xf32>, vector<16xf32>, vector<16xf32>
    }
    %scan3A_203 = arith.constant 64 : i32
    %swap3A = arith.constant 0 : index
    %swap3A_204 = tpu.vector_load %arg10[%swap3A] {strides = array<i32>} : memref<64xf32, #tpu.memory_space<vmem>>, vector<16xf32>,
    %swap3A_205 = vector.shape_cast %swap3A_204 : vector<16xf32> to vector<16xf32>
    %swap3A_206 = vector.shape_cast %scan3A_202#0 : vector<16xf32> to vector<16xf32>
    tpu.vector_store %arg10[%swap3A], %swap3A_206 {strides = array<i32>} : memref<64xf32, #tpu.memory_space<vmem>>, vector<16xf32>,
    %swap3A_207 = arith.constant 16 : index
    %swap3A_208 = tpu.vector_load %arg10[%swap3A_207] {strides = array<i32>} : memref<64xf32, #tpu.memory_space<vmem>>, vector<16xf32>,
    %swap3A_209 = vector.shape_cast %swap3A_208 : vector<16xf32> to vector<16xf32>
    %swap3A_210 = vector.shape_cast %scan3A_202#1 : vector<16xf32> to vector<16xf32>
    tpu.vector_store %arg10[%swap3A_207], %swap3A_210 {strides = array<i32>} : memref<64xf32, #tpu.memory_space<vmem>>, vector<16xf32>,
    %swap3A_211 = arith.constant 32 : index
    %swap3A_212 = tpu.vector_load %arg10[%swap3A_211] {strides = array<i32>} : memref<64xf32, #tpu.memory_space<vmem>>, vector<16xf32>,
    %swap3A_213 = vector.shape_cast %swap3A_212 : vector<16xf32> to vector<16xf32>
    %swap3A_214 = vector.shape_cast %scan3A_202#2 : vector<16xf32> to vector<16xf32>
    tpu.vector_store %arg10[%swap3A_211], %swap3A_214 {strides = array<i32>} : memref<64xf32, #tpu.memory_space<vmem>>, vector<16xf32>,
    %swap3A_215 = arith.constant 48 : index
    %swap3A_216 = tpu.vector_load %arg10[%swap3A_215] {strides = array<i32>} : memref<64xf32, #tpu.memory_space<vmem>>, vector<16xf32>,
    %swap3A_217 = vector.shape_cast %swap3A_216 : vector<16xf32> to vector<16xf32>
    %swap3A_218 = vector.shape_cast %scan3A_202#3 : vector<16xf32> to vector<16xf32>
    tpu.vector_store %arg10[%swap3A_215], %swap3A_218 {strides = array<i32>} : memref<64xf32, #tpu.memory_space<vmem>>, vector<16xf32>,
    "tpu.region"() ({
      %run_scoped3A = tpu.sem_alloc : memref<!tpu.dma_semaphore, #tpu.memory_space<semaphore_mem>>
      %dma_start3A_222 = arith.constant 0 : i32
      %dma_start3A_223 = tpu.memref_slice %arg11[%arg1, %dma_start3A_222] : memref<16x64xf32, #tpu.memory_space<vmem_shared>> -> memref<1x64xf32, #tpu.memory_space<vmem_shared>>
      %dma_start3A_224 = tpu.memref_squeeze %dma_start3A_223 : memref<1x64xf32, #tpu.memory_space<vmem_shared>> -> memref<64xf32, #tpu.memory_space<vmem_shared>>
      %dma_start3A_225 = arith.constant 0 : i32
      %dma_start3A_226 = tpu.memref_slice %arg11[%arg1, %dma_start3A_225] : memref<16x64xf32, #tpu.memory_space<vmem_shared>> -> memref<1x64xf32, #tpu.memory_space<vmem_shared>>
      %dma_start3A_227 = tpu.memref_squeeze %dma_start3A_226 : memref<1x64xf32, #tpu.memory_space<vmem_shared>> -> memref<64xf32, #tpu.memory_space<vmem_shared>>
      tpu.enqueue_dma source(%arg10 : memref<64xf32, #tpu.memory_space<vmem>>) target(%dma_start3A_227 : memref<64xf32, #tpu.memory_space<vmem_shared>>) target_semaphore(%run_scoped3A : memref<!tpu.dma_semaphore, #tpu.memory_space<semaphore_mem>>)
      %dma_wait3A_228 = arith.constant 0 : i32
      %dma_wait3A_229 = tpu.memref_slice %arg11[%arg1, %dma_wait3A_228] : memref<16x64xf32, #tpu.memory_space<vmem_shared>> -> memref<1x64xf32, #tpu.memory_space<vmem_shared>>
      %dma_wait3A_230 = tpu.memref_squeeze %dma_wait3A_229 : memref<1x64xf32, #tpu.memory_space<vmem_shared>> -> memref<64xf32, #tpu.memory_space<vmem_shared>>
      %dma_wait3A_231 = arith.constant 0 : i32
      %dma_wait3A_232 = tpu.memref_slice %arg11[%arg1, %dma_wait3A_231] : memref<16x64xf32, #tpu.memory_space<vmem_shared>> -> memref<1x64xf32, #tpu.memory_space<vmem_shared>>
      %dma_wait3A_233 = tpu.memref_squeeze %dma_wait3A_232 : memref<1x64xf32, #tpu.memory_space<vmem_shared>> -> memref<64xf32, #tpu.memory_space<vmem_shared>>
      tpu.wait_dma2 semaphore(%run_scoped3A : memref<!tpu.dma_semaphore, #tpu.memory_space<semaphore_mem>>) src(%arg10 : memref<64xf32, #tpu.memory_space<vmem>>) dst(%dma_wait3A_233 : memref<64xf32, #tpu.memory_space<vmem_shared>>)
      tpu.yield
    }) : () -> ()
    %barrier3A = arith.constant 0 : index
    tpu.barrier barrier_id(%barrier3A)
    %eq3A_219 = arith.constant 0 : i32
    %eq3A_220 = arith.cmpi eq, %arg1, %eq3A_219 : i32
    %convert_element_type3A = arith.extui %eq3A_220 : i1 to i32
    %cond3A = arith.constant 0 : i32
    %cond3A_221 = arith.cmpi ne, %convert_element_type3A, %cond3A : i32
    scf.if %cond3A_221 {
      "tpu.region"() ({
        %run_scoped3A = tpu.sem_alloc : memref<!tpu.dma_semaphore, #tpu.memory_space<semaphore_mem>>
        tpu.enqueue_dma source(%arg11 : memref<16x64xf32, #tpu.memory_space<vmem_shared>>) target(%arg12 : memref<16x64xf32, #tpu.memory_space<vmem>>) target_semaphore(%run_scoped3A : memref<!tpu.dma_semaphore, #tpu.memory_space<semaphore_mem>>)
        tpu.wait_dma2 semaphore(%run_scoped3A : memref<!tpu.dma_semaphore, #tpu.memory_space<semaphore_mem>>) src(%arg11 : memref<16x64xf32, #tpu.memory_space<vmem_shared>>) dst(%arg12 : memref<16x64xf32, #tpu.memory_space<vmem>>)
        tpu.yield
      }) : () -> ()
      "tpu.region"() ({
        %run_scoped3A = tpu.sem_alloc : memref<!tpu.dma_semaphore, #tpu.memory_space<semaphore_mem>>
        tpu.enqueue_dma source(%arg3 : memref<64xf32, #tpu.memory_space<hbm>>) target(%arg13 : memref<64xf32, #tpu.memory_space<vmem>>) target_semaphore(%run_scoped3A : memref<!tpu.dma_semaphore, #tpu.memory_space<semaphore_mem>>)
        tpu.wait_dma2 semaphore(%run_scoped3A : memref<!tpu.dma_semaphore, #tpu.memory_space<semaphore_mem>>) src(%arg3 : memref<64xf32, #tpu.memory_space<hbm>>) dst(%arg13 : memref<64xf32, #tpu.memory_space<vmem>>)
        tpu.yield
      }) : () -> ()
      "tpu.region"() ({
        %run_scoped3A = tpu.sem_alloc : memref<!tpu.dma_semaphore, #tpu.memory_space<semaphore_mem>>
        tpu.enqueue_dma source(%arg4 : memref<16xi32, #tpu.memory_space<hbm>>) target(%arg14 : memref<16xi32, #tpu.memory_space<vmem>>) target_semaphore(%run_scoped3A : memref<!tpu.dma_semaphore, #tpu.memory_space<semaphore_mem>>)
        tpu.wait_dma2 semaphore(%run_scoped3A : memref<!tpu.dma_semaphore, #tpu.memory_space<semaphore_mem>>) src(%arg4 : memref<16xi32, #tpu.memory_space<hbm>>) dst(%arg14 : memref<16xi32, #tpu.memory_space<vmem>>)
        tpu.yield
      }) : () -> ()
      %iota3A = tpu.iota {dimensions = array<i32: 0>} : vector<16xi32>
      %convert_element_type3A_222 = arith.sitofp %iota3A : vector<16xi32> to vector<16xf32>
      %get3A = arith.constant 0 : i32
      %get3A_223 = arith.index_cast %get3A : i32 to index
      %get3A_224 = arith.constant 0 : index
      %get3A_225 = tpu.vector_load %arg12[%get3A_223, %get3A_224] {strides = array<i32>} : memref<16x64xf32, #tpu.memory_space<vmem>>, vector<1x16xf32>,
      %get3A_226 = vector.shape_cast %get3A_225 : vector<1x16xf32> to vector<16xf32>
      %get3A_227 = arith.constant 1 : i32
      %get3A_228 = arith.index_cast %get3A_227 : i32 to index
      %get3A_229 = arith.constant 0 : index
      %get3A_230 = tpu.vector_load %arg12[%get3A_228, %get3A_229] {strides = array<i32>} : memref<16x64xf32, #tpu.memory_space<vmem>>, vector<1x16xf32>,
      %get3A_231 = vector.shape_cast %get3A_230 : vector<1x16xf32> to vector<16xf32>
      %add3A_232 = arith.addf %get3A_226, %get3A_231 : vector<16xf32>
      %get3A_233 = arith.constant 2 : i32
      %get3A_234 = arith.index_cast %get3A_233 : i32 to index
      %get3A_235 = arith.constant 0 : index
      %get3A_236 = tpu.vector_load %arg12[%get3A_234, %get3A_235] {strides = array<i32>} : memref<16x64xf32, #tpu.memory_space<vmem>>, vector<1x16xf32>,
      %get3A_237 = vector.shape_cast %get3A_236 : vector<1x16xf32> to vector<16xf32>
      %add3A_238 = arith.addf %add3A_232, %get3A_237 : vector<16xf32>
      %get3A_239 = arith.constant 3 : i32
      %get3A_240 = arith.index_cast %get3A_239 : i32 to index
      %get3A_241 = arith.constant 0 : index
      %get3A_242 = tpu.vector_load %arg12[%get3A_240, %get3A_241] {strides = array<i32>} : memref<16x64xf32, #tpu.memory_space<vmem>>, vector<1x16xf32>,
      %get3A_243 = vector.shape_cast %get3A_242 : vector<1x16xf32> to vector<16xf32>
      %add3A_244 = arith.addf %add3A_238, %get3A_243 : vector<16xf32>
      %get3A_245 = arith.constant 4 : i32
      %get3A_246 = arith.index_cast %get3A_245 : i32 to index
      %get3A_247 = arith.constant 0 : index
      %get3A_248 = tpu.vector_load %arg12[%get3A_246, %get3A_247] {strides = array<i32>} : memref<16x64xf32, #tpu.memory_space<vmem>>, vector<1x16xf32>,
      %get3A_249 = vector.shape_cast %get3A_248 : vector<1x16xf32> to vector<16xf32>
      %add3A_250 = arith.addf %add3A_244, %get3A_249 : vector<16xf32>
      %get3A_251 = arith.constant 5 : i32
      %get3A_252 = arith.index_cast %get3A_251 : i32 to index
      %get3A_253 = arith.constant 0 : index
      %get3A_254 = tpu.vector_load %arg12[%get3A_252, %get3A_253] {strides = array<i32>} : memref<16x64xf32, #tpu.memory_space<vmem>>, vector<1x16xf32>,
      %get3A_255 = vector.shape_cast %get3A_254 : vector<1x16xf32> to vector<16xf32>
      %add3A_256 = arith.addf %add3A_250, %get3A_255 : vector<16xf32>
      %get3A_257 = arith.constant 6 : i32
      %get3A_258 = arith.index_cast %get3A_257 : i32 to index
      %get3A_259 = arith.constant 0 : index
      %get3A_260 = tpu.vector_load %arg12[%get3A_258, %get3A_259] {strides = array<i32>} : memref<16x64xf32, #tpu.memory_space<vmem>>, vector<1x16xf32>,
      %get3A_261 = vector.shape_cast %get3A_260 : vector<1x16xf32> to vector<16xf32>
      %add3A_262 = arith.addf %add3A_256, %get3A_261 : vector<16xf32>
      %get3A_263 = arith.constant 7 : i32
      %get3A_264 = arith.index_cast %get3A_263 : i32 to index
      %get3A_265 = arith.constant 0 : index
      %get3A_266 = tpu.vector_load %arg12[%get3A_264, %get3A_265] {strides = array<i32>} : memref<16x64xf32, #tpu.memory_space<vmem>>, vector<1x16xf32>,
      %get3A_267 = vector.shape_cast %get3A_266 : vector<1x16xf32> to vector<16xf32>
      %add3A_268 = arith.addf %add3A_262, %get3A_267 : vector<16xf32>
      %get3A_269 = arith.constant 8 : i32
      %get3A_270 = arith.index_cast %get3A_269 : i32 to index
      %get3A_271 = arith.constant 0 : index
      %get3A_272 = tpu.vector_load %arg12[%get3A_270, %get3A_271] {strides = array<i32>} : memref<16x64xf32, #tpu.memory_space<vmem>>, vector<1x16xf32>,
      %get3A_273 = vector.shape_cast %get3A_272 : vector<1x16xf32> to vector<16xf32>
      %add3A_274 = arith.addf %add3A_268, %get3A_273 : vector<16xf32>
      %get3A_275 = arith.constant 9 : i32
      %get3A_276 = arith.index_cast %get3A_275 : i32 to index
      %get3A_277 = arith.constant 0 : index
      %get3A_278 = tpu.vector_load %arg12[%get3A_276, %get3A_277] {strides = array<i32>} : memref<16x64xf32, #tpu.memory_space<vmem>>, vector<1x16xf32>,
      %get3A_279 = vector.shape_cast %get3A_278 : vector<1x16xf32> to vector<16xf32>
      %add3A_280 = arith.addf %add3A_274, %get3A_279 : vector<16xf32>
      %get3A_281 = arith.constant 10 : i32
      %get3A_282 = arith.index_cast %get3A_281 : i32 to index
      %get3A_283 = arith.constant 0 : index
      %get3A_284 = tpu.vector_load %arg12[%get3A_282, %get3A_283] {strides = array<i32>} : memref<16x64xf32, #tpu.memory_space<vmem>>, vector<1x16xf32>,
      %get3A_285 = vector.shape_cast %get3A_284 : vector<1x16xf32> to vector<16xf32>
      %add3A_286 = arith.addf %add3A_280, %get3A_285 : vector<16xf32>
      %get3A_287 = arith.constant 11 : i32
      %get3A_288 = arith.index_cast %get3A_287 : i32 to index
      %get3A_289 = arith.constant 0 : index
      %get3A_290 = tpu.vector_load %arg12[%get3A_288, %get3A_289] {strides = array<i32>} : memref<16x64xf32, #tpu.memory_space<vmem>>, vector<1x16xf32>,
      %get3A_291 = vector.shape_cast %get3A_290 : vector<1x16xf32> to vector<16xf32>
      %add3A_292 = arith.addf %add3A_286, %get3A_291 : vector<16xf32>
      %get3A_293 = arith.constant 12 : i32
      %get3A_294 = arith.index_cast %get3A_293 : i32 to index
      %get3A_295 = arith.constant 0 : index
      %get3A_296 = tpu.vector_load %arg12[%get3A_294, %get3A_295] {strides = array<i32>} : memref<16x64xf32, #tpu.memory_space<vmem>>, vector<1x16xf32>,
      %get3A_297 = vector.shape_cast %get3A_296 : vector<1x16xf32> to vector<16xf32>
      %add3A_298 = arith.addf %add3A_292, %get3A_297 : vector<16xf32>
      %get3A_299 = arith.constant 13 : i32
      %get3A_300 = arith.index_cast %get3A_299 : i32 to index
      %get3A_301 = arith.constant 0 : index
      %get3A_302 = tpu.vector_load %arg12[%get3A_300, %get3A_301] {strides = array<i32>} : memref<16x64xf32, #tpu.memory_space<vmem>>, vector<1x16xf32>,
      %get3A_303 = vector.shape_cast %get3A_302 : vector<1x16xf32> to vector<16xf32>
      %add3A_304 = arith.addf %add3A_298, %get3A_303 : vector<16xf32>
      %get3A_305 = arith.constant 14 : i32
      %get3A_306 = arith.index_cast %get3A_305 : i32 to index
      %get3A_307 = arith.constant 0 : index
      %get3A_308 = tpu.vector_load %arg12[%get3A_306, %get3A_307] {strides = array<i32>} : memref<16x64xf32, #tpu.memory_space<vmem>>, vector<1x16xf32>,
      %get3A_309 = vector.shape_cast %get3A_308 : vector<1x16xf32> to vector<16xf32>
      %add3A_310 = arith.addf %add3A_304, %get3A_309 : vector<16xf32>
      %get3A_311 = arith.constant 15 : i32
      %get3A_312 = arith.index_cast %get3A_311 : i32 to index
      %get3A_313 = arith.constant 0 : index
      %get3A_314 = tpu.vector_load %arg12[%get3A_312, %get3A_313] {strides = array<i32>} : memref<16x64xf32, #tpu.memory_space<vmem>>, vector<1x16xf32>,
      %get3A_315 = vector.shape_cast %get3A_314 : vector<1x16xf32> to vector<16xf32>
      %add3A_316 = arith.addf %add3A_310, %get3A_315 : vector<16xf32>
      %get3A_317 = arith.constant 0 : i32
      %get3A_318 = arith.index_cast %get3A_317 : i32 to index
      %get3A_319 = arith.constant 16 : index
      %get3A_320 = tpu.vector_load %arg12[%get3A_318, %get3A_319] {strides = array<i32>} : memref<16x64xf32, #tpu.memory_space<vmem>>, vector<1x16xf32>,
      %get3A_321 = vector.shape_cast %get3A_320 : vector<1x16xf32> to vector<16xf32>
      %get3A_322 = arith.constant 1 : i32
      %get3A_323 = arith.index_cast %get3A_322 : i32 to index
      %get3A_324 = arith.constant 16 : index
      %get3A_325 = tpu.vector_load %arg12[%get3A_323, %get3A_324] {strides = array<i32>} : memref<16x64xf32, #tpu.memory_space<vmem>>, vector<1x16xf32>,
      %get3A_326 = vector.shape_cast %get3A_325 : vector<1x16xf32> to vector<16xf32>
      %add3A_327 = arith.addf %get3A_321, %get3A_326 : vector<16xf32>
      %get3A_328 = arith.constant 2 : i32
      %get3A_329 = arith.index_cast %get3A_328 : i32 to index
      %get3A_330 = arith.constant 16 : index
      %get3A_331 = tpu.vector_load %arg12[%get3A_329, %get3A_330] {strides = array<i32>} : memref<16x64xf32, #tpu.memory_space<vmem>>, vector<1x16xf32>,
      %get3A_332 = vector.shape_cast %get3A_331 : vector<1x16xf32> to vector<16xf32>
      %add3A_333 = arith.addf %add3A_327, %get3A_332 : vector<16xf32>
      %get3A_334 = arith.constant 3 : i32
      %get3A_335 = arith.index_cast %get3A_334 : i32 to index
      %get3A_336 = arith.constant 16 : index
      %get3A_337 = tpu.vector_load %arg12[%get3A_335, %get3A_336] {strides = array<i32>} : memref<16x64xf32, #tpu.memory_space<vmem>>, vector<1x16xf32>,
      %get3A_338 = vector.shape_cast %get3A_337 : vector<1x16xf32> to vector<16xf32>
      %add3A_339 = arith.addf %add3A_333, %get3A_338 : vector<16xf32>
      %get3A_340 = arith.constant 4 : i32
      %get3A_341 = arith.index_cast %get3A_340 : i32 to index
      %get3A_342 = arith.constant 16 : index
      %get3A_343 = tpu.vector_load %arg12[%get3A_341, %get3A_342] {strides = array<i32>} : memref<16x64xf32, #tpu.memory_space<vmem>>, vector<1x16xf32>,
      %get3A_344 = vector.shape_cast %get3A_343 : vector<1x16xf32> to vector<16xf32>
      %add3A_345 = arith.addf %add3A_339, %get3A_344 : vector<16xf32>
      %get3A_346 = arith.constant 5 : i32
      %get3A_347 = arith.index_cast %get3A_346 : i32 to index
      %get3A_348 = arith.constant 16 : index
      %get3A_349 = tpu.vector_load %arg12[%get3A_347, %get3A_348] {strides = array<i32>} : memref<16x64xf32, #tpu.memory_space<vmem>>, vector<1x16xf32>,
      %get3A_350 = vector.shape_cast %get3A_349 : vector<1x16xf32> to vector<16xf32>
      %add3A_351 = arith.addf %add3A_345, %get3A_350 : vector<16xf32>
      %get3A_352 = arith.constant 6 : i32
      %get3A_353 = arith.index_cast %get3A_352 : i32 to index
      %get3A_354 = arith.constant 16 : index
      %get3A_355 = tpu.vector_load %arg12[%get3A_353, %get3A_354] {strides = array<i32>} : memref<16x64xf32, #tpu.memory_space<vmem>>, vector<1x16xf32>,
      %get3A_356 = vector.shape_cast %get3A_355 : vector<1x16xf32> to vector<16xf32>
      %add3A_357 = arith.addf %add3A_351, %get3A_356 : vector<16xf32>
      %get3A_358 = arith.constant 7 : i32
      %get3A_359 = arith.index_cast %get3A_358 : i32 to index
      %get3A_360 = arith.constant 16 : index
      %get3A_361 = tpu.vector_load %arg12[%get3A_359, %get3A_360] {strides = array<i32>} : memref<16x64xf32, #tpu.memory_space<vmem>>, vector<1x16xf32>,
      %get3A_362 = vector.shape_cast %get3A_361 : vector<1x16xf32> to vector<16xf32>
      %add3A_363 = arith.addf %add3A_357, %get3A_362 : vector<16xf32>
      %get3A_364 = arith.constant 8 : i32
      %get3A_365 = arith.index_cast %get3A_364 : i32 to index
      %get3A_366 = arith.constant 16 : index
      %get3A_367 = tpu.vector_load %arg12[%get3A_365, %get3A_366] {strides = array<i32>} : memref<16x64xf32, #tpu.memory_space<vmem>>, vector<1x16xf32>,
      %get3A_368 = vector.shape_cast %get3A_367 : vector<1x16xf32> to vector<16xf32>
      %add3A_369 = arith.addf %add3A_363, %get3A_368 : vector<16xf32>
      %get3A_370 = arith.constant 9 : i32
      %get3A_371 = arith.index_cast %get3A_370 : i32 to index
      %get3A_372 = arith.constant 16 : index
      %get3A_373 = tpu.vector_load %arg12[%get3A_371, %get3A_372] {strides = array<i32>} : memref<16x64xf32, #tpu.memory_space<vmem>>, vector<1x16xf32>,
      %get3A_374 = vector.shape_cast %get3A_373 : vector<1x16xf32> to vector<16xf32>
      %add3A_375 = arith.addf %add3A_369, %get3A_374 : vector<16xf32>
      %get3A_376 = arith.constant 10 : i32
      %get3A_377 = arith.index_cast %get3A_376 : i32 to index
      %get3A_378 = arith.constant 16 : index
      %get3A_379 = tpu.vector_load %arg12[%get3A_377, %get3A_378] {strides = array<i32>} : memref<16x64xf32, #tpu.memory_space<vmem>>, vector<1x16xf32>,
      %get3A_380 = vector.shape_cast %get3A_379 : vector<1x16xf32> to vector<16xf32>
      %add3A_381 = arith.addf %add3A_375, %get3A_380 : vector<16xf32>
      %get3A_382 = arith.constant 11 : i32
      %get3A_383 = arith.index_cast %get3A_382 : i32 to index
      %get3A_384 = arith.constant 16 : index
      %get3A_385 = tpu.vector_load %arg12[%get3A_383, %get3A_384] {strides = array<i32>} : memref<16x64xf32, #tpu.memory_space<vmem>>, vector<1x16xf32>,
      %get3A_386 = vector.shape_cast %get3A_385 : vector<1x16xf32> to vector<16xf32>
      %add3A_387 = arith.addf %add3A_381, %get3A_386 : vector<16xf32>
      %get3A_388 = arith.constant 12 : i32
      %get3A_389 = arith.index_cast %get3A_388 : i32 to index
      %get3A_390 = arith.constant 16 : index
      %get3A_391 = tpu.vector_load %arg12[%get3A_389, %get3A_390] {strides = array<i32>} : memref<16x64xf32, #tpu.memory_space<vmem>>, vector<1x16xf32>,
      %get3A_392 = vector.shape_cast %get3A_391 : vector<1x16xf32> to vector<16xf32>
      %add3A_393 = arith.addf %add3A_387, %get3A_392 : vector<16xf32>
      %get3A_394 = arith.constant 13 : i32
      %get3A_395 = arith.index_cast %get3A_394 : i32 to index
      %get3A_396 = arith.constant 16 : index
      %get3A_397 = tpu.vector_load %arg12[%get3A_395, %get3A_396] {strides = array<i32>} : memref<16x64xf32, #tpu.memory_space<vmem>>, vector<1x16xf32>,
      %get3A_398 = vector.shape_cast %get3A_397 : vector<1x16xf32> to vector<16xf32>
      %add3A_399 = arith.addf %add3A_393, %get3A_398 : vector<16xf32>
      %get3A_400 = arith.constant 14 : i32
      %get3A_401 = arith.index_cast %get3A_400 : i32 to index
      %get3A_402 = arith.constant 16 : index
      %get3A_403 = tpu.vector_load %arg12[%get3A_401, %get3A_402] {strides = array<i32>} : memref<16x64xf32, #tpu.memory_space<vmem>>, vector<1x16xf32>,
      %get3A_404 = vector.shape_cast %get3A_403 : vector<1x16xf32> to vector<16xf32>
      %add3A_405 = arith.addf %add3A_399, %get3A_404 : vector<16xf32>
      %get3A_406 = arith.constant 15 : i32
      %get3A_407 = arith.index_cast %get3A_406 : i32 to index
      %get3A_408 = arith.constant 16 : index
      %get3A_409 = tpu.vector_load %arg12[%get3A_407, %get3A_408] {strides = array<i32>} : memref<16x64xf32, #tpu.memory_space<vmem>>, vector<1x16xf32>,
      %get3A_410 = vector.shape_cast %get3A_409 : vector<1x16xf32> to vector<16xf32>
      %add3A_411 = arith.addf %add3A_405, %get3A_410 : vector<16xf32>
      %get3A_412 = arith.constant 0 : i32
      %get3A_413 = arith.index_cast %get3A_412 : i32 to index
      %get3A_414 = arith.constant 32 : index
      %get3A_415 = tpu.vector_load %arg12[%get3A_413, %get3A_414] {strides = array<i32>} : memref<16x64xf32, #tpu.memory_space<vmem>>, vector<1x16xf32>,
      %get3A_416 = vector.shape_cast %get3A_415 : vector<1x16xf32> to vector<16xf32>
      %get3A_417 = arith.constant 1 : i32
      %get3A_418 = arith.index_cast %get3A_417 : i32 to index
      %get3A_419 = arith.constant 32 : index
      %get3A_420 = tpu.vector_load %arg12[%get3A_418, %get3A_419] {strides = array<i32>} : memref<16x64xf32, #tpu.memory_space<vmem>>, vector<1x16xf32>,
      %get3A_421 = vector.shape_cast %get3A_420 : vector<1x16xf32> to vector<16xf32>
      %add3A_422 = arith.addf %get3A_416, %get3A_421 : vector<16xf32>
      %get3A_423 = arith.constant 2 : i32
      %get3A_424 = arith.index_cast %get3A_423 : i32 to index
      %get3A_425 = arith.constant 32 : index
      %get3A_426 = tpu.vector_load %arg12[%get3A_424, %get3A_425] {strides = array<i32>} : memref<16x64xf32, #tpu.memory_space<vmem>>, vector<1x16xf32>,
      %get3A_427 = vector.shape_cast %get3A_426 : vector<1x16xf32> to vector<16xf32>
      %add3A_428 = arith.addf %add3A_422, %get3A_427 : vector<16xf32>
      %get3A_429 = arith.constant 3 : i32
      %get3A_430 = arith.index_cast %get3A_429 : i32 to index
      %get3A_431 = arith.constant 32 : index
      %get3A_432 = tpu.vector_load %arg12[%get3A_430, %get3A_431] {strides = array<i32>} : memref<16x64xf32, #tpu.memory_space<vmem>>, vector<1x16xf32>,
      %get3A_433 = vector.shape_cast %get3A_432 : vector<1x16xf32> to vector<16xf32>
      %add3A_434 = arith.addf %add3A_428, %get3A_433 : vector<16xf32>
      %get3A_435 = arith.constant 4 : i32
      %get3A_436 = arith.index_cast %get3A_435 : i32 to index
      %get3A_437 = arith.constant 32 : index
      %get3A_438 = tpu.vector_load %arg12[%get3A_436, %get3A_437] {strides = array<i32>} : memref<16x64xf32, #tpu.memory_space<vmem>>, vector<1x16xf32>,
      %get3A_439 = vector.shape_cast %get3A_438 : vector<1x16xf32> to vector<16xf32>
      %add3A_440 = arith.addf %add3A_434, %get3A_439 : vector<16xf32>
      %get3A_441 = arith.constant 5 : i32
      %get3A_442 = arith.index_cast %get3A_441 : i32 to index
      %get3A_443 = arith.constant 32 : index
      %get3A_444 = tpu.vector_load %arg12[%get3A_442, %get3A_443] {strides = array<i32>} : memref<16x64xf32, #tpu.memory_space<vmem>>, vector<1x16xf32>,
      %get3A_445 = vector.shape_cast %get3A_444 : vector<1x16xf32> to vector<16xf32>
      %add3A_446 = arith.addf %add3A_440, %get3A_445 : vector<16xf32>
      %get3A_447 = arith.constant 6 : i32
      %get3A_448 = arith.index_cast %get3A_447 : i32 to index
      %get3A_449 = arith.constant 32 : index
      %get3A_450 = tpu.vector_load %arg12[%get3A_448, %get3A_449] {strides = array<i32>} : memref<16x64xf32, #tpu.memory_space<vmem>>, vector<1x16xf32>,
      %get3A_451 = vector.shape_cast %get3A_450 : vector<1x16xf32> to vector<16xf32>
      %add3A_452 = arith.addf %add3A_446, %get3A_451 : vector<16xf32>
      %get3A_453 = arith.constant 7 : i32
      %get3A_454 = arith.index_cast %get3A_453 : i32 to index
      %get3A_455 = arith.constant 32 : index
      %get3A_456 = tpu.vector_load %arg12[%get3A_454, %get3A_455] {strides = array<i32>} : memref<16x64xf32, #tpu.memory_space<vmem>>, vector<1x16xf32>,
      %get3A_457 = vector.shape_cast %get3A_456 : vector<1x16xf32> to vector<16xf32>
      %add3A_458 = arith.addf %add3A_452, %get3A_457 : vector<16xf32>
      %get3A_459 = arith.constant 8 : i32
      %get3A_460 = arith.index_cast %get3A_459 : i32 to index
      %get3A_461 = arith.constant 32 : index
      %get3A_462 = tpu.vector_load %arg12[%get3A_460, %get3A_461] {strides = array<i32>} : memref<16x64xf32, #tpu.memory_space<vmem>>, vector<1x16xf32>,
      %get3A_463 = vector.shape_cast %get3A_462 : vector<1x16xf32> to vector<16xf32>
      %add3A_464 = arith.addf %add3A_458, %get3A_463 : vector<16xf32>
      %get3A_465 = arith.constant 9 : i32
      %get3A_466 = arith.index_cast %get3A_465 : i32 to index
      %get3A_467 = arith.constant 32 : index
      %get3A_468 = tpu.vector_load %arg12[%get3A_466, %get3A_467] {strides = array<i32>} : memref<16x64xf32, #tpu.memory_space<vmem>>, vector<1x16xf32>,
      %get3A_469 = vector.shape_cast %get3A_468 : vector<1x16xf32> to vector<16xf32>
      %add3A_470 = arith.addf %add3A_464, %get3A_469 : vector<16xf32>
      %get3A_471 = arith.constant 10 : i32
      %get3A_472 = arith.index_cast %get3A_471 : i32 to index
      %get3A_473 = arith.constant 32 : index
      %get3A_474 = tpu.vector_load %arg12[%get3A_472, %get3A_473] {strides = array<i32>} : memref<16x64xf32, #tpu.memory_space<vmem>>, vector<1x16xf32>,
      %get3A_475 = vector.shape_cast %get3A_474 : vector<1x16xf32> to vector<16xf32>
      %add3A_476 = arith.addf %add3A_470, %get3A_475 : vector<16xf32>
      %get3A_477 = arith.constant 11 : i32
      %get3A_478 = arith.index_cast %get3A_477 : i32 to index
      %get3A_479 = arith.constant 32 : index
      %get3A_480 = tpu.vector_load %arg12[%get3A_478, %get3A_479] {strides = array<i32>} : memref<16x64xf32, #tpu.memory_space<vmem>>, vector<1x16xf32>,
      %get3A_481 = vector.shape_cast %get3A_480 : vector<1x16xf32> to vector<16xf32>
      %add3A_482 = arith.addf %add3A_476, %get3A_481 : vector<16xf32>
      %get3A_483 = arith.constant 12 : i32
      %get3A_484 = arith.index_cast %get3A_483 : i32 to index
      %get3A_485 = arith.constant 32 : index
      %get3A_486 = tpu.vector_load %arg12[%get3A_484, %get3A_485] {strides = array<i32>} : memref<16x64xf32, #tpu.memory_space<vmem>>, vector<1x16xf32>,
      %get3A_487 = vector.shape_cast %get3A_486 : vector<1x16xf32> to vector<16xf32>
      %add3A_488 = arith.addf %add3A_482, %get3A_487 : vector<16xf32>
      %get3A_489 = arith.constant 13 : i32
      %get3A_490 = arith.index_cast %get3A_489 : i32 to index
      %get3A_491 = arith.constant 32 : index
      %get3A_492 = tpu.vector_load %arg12[%get3A_490, %get3A_491] {strides = array<i32>} : memref<16x64xf32, #tpu.memory_space<vmem>>, vector<1x16xf32>,
      %get3A_493 = vector.shape_cast %get3A_492 : vector<1x16xf32> to vector<16xf32>
      %add3A_494 = arith.addf %add3A_488, %get3A_493 : vector<16xf32>
      %get3A_495 = arith.constant 14 : i32
      %get3A_496 = arith.index_cast %get3A_495 : i32 to index
      %get3A_497 = arith.constant 32 : index
      %get3A_498 = tpu.vector_load %arg12[%get3A_496, %get3A_497] {strides = array<i32>} : memref<16x64xf32, #tpu.memory_space<vmem>>, vector<1x16xf32>,
      %get3A_499 = vector.shape_cast %get3A_498 : vector<1x16xf32> to vector<16xf32>
      %add3A_500 = arith.addf %add3A_494, %get3A_499 : vector<16xf32>
      %get3A_501 = arith.constant 15 : i32
      %get3A_502 = arith.index_cast %get3A_501 : i32 to index
      %get3A_503 = arith.constant 32 : index
      %get3A_504 = tpu.vector_load %arg12[%get3A_502, %get3A_503] {strides = array<i32>} : memref<16x64xf32, #tpu.memory_space<vmem>>, vector<1x16xf32>,
      %get3A_505 = vector.shape_cast %get3A_504 : vector<1x16xf32> to vector<16xf32>
      %add3A_506 = arith.addf %add3A_500, %get3A_505 : vector<16xf32>
      %get3A_507 = arith.constant 0 : i32
      %get3A_508 = arith.index_cast %get3A_507 : i32 to index
      %get3A_509 = arith.constant 48 : index
      %get3A_510 = tpu.vector_load %arg12[%get3A_508, %get3A_509] {strides = array<i32>} : memref<16x64xf32, #tpu.memory_space<vmem>>, vector<1x16xf32>,
      %get3A_511 = vector.shape_cast %get3A_510 : vector<1x16xf32> to vector<16xf32>
      %get3A_512 = arith.constant 1 : i32
      %get3A_513 = arith.index_cast %get3A_512 : i32 to index
      %get3A_514 = arith.constant 48 : index
      %get3A_515 = tpu.vector_load %arg12[%get3A_513, %get3A_514] {strides = array<i32>} : memref<16x64xf32, #tpu.memory_space<vmem>>, vector<1x16xf32>,
      %get3A_516 = vector.shape_cast %get3A_515 : vector<1x16xf32> to vector<16xf32>
      %add3A_517 = arith.addf %get3A_511, %get3A_516 : vector<16xf32>
      %get3A_518 = arith.constant 2 : i32
      %get3A_519 = arith.index_cast %get3A_518 : i32 to index
      %get3A_520 = arith.constant 48 : index
      %get3A_521 = tpu.vector_load %arg12[%get3A_519, %get3A_520] {strides = array<i32>} : memref<16x64xf32, #tpu.memory_space<vmem>>, vector<1x16xf32>,
      %get3A_522 = vector.shape_cast %get3A_521 : vector<1x16xf32> to vector<16xf32>
      %add3A_523 = arith.addf %add3A_517, %get3A_522 : vector<16xf32>
      %get3A_524 = arith.constant 3 : i32
      %get3A_525 = arith.index_cast %get3A_524 : i32 to index
      %get3A_526 = arith.constant 48 : index
      %get3A_527 = tpu.vector_load %arg12[%get3A_525, %get3A_526] {strides = array<i32>} : memref<16x64xf32, #tpu.memory_space<vmem>>, vector<1x16xf32>,
      %get3A_528 = vector.shape_cast %get3A_527 : vector<1x16xf32> to vector<16xf32>
      %add3A_529 = arith.addf %add3A_523, %get3A_528 : vector<16xf32>
      %get3A_530 = arith.constant 4 : i32
      %get3A_531 = arith.index_cast %get3A_530 : i32 to index
      %get3A_532 = arith.constant 48 : index
      %get3A_533 = tpu.vector_load %arg12[%get3A_531, %get3A_532] {strides = array<i32>} : memref<16x64xf32, #tpu.memory_space<vmem>>, vector<1x16xf32>,
      %get3A_534 = vector.shape_cast %get3A_533 : vector<1x16xf32> to vector<16xf32>
      %add3A_535 = arith.addf %add3A_529, %get3A_534 : vector<16xf32>
      %get3A_536 = arith.constant 5 : i32
      %get3A_537 = arith.index_cast %get3A_536 : i32 to index
      %get3A_538 = arith.constant 48 : index
      %get3A_539 = tpu.vector_load %arg12[%get3A_537, %get3A_538] {strides = array<i32>} : memref<16x64xf32, #tpu.memory_space<vmem>>, vector<1x16xf32>,
      %get3A_540 = vector.shape_cast %get3A_539 : vector<1x16xf32> to vector<16xf32>
      %add3A_541 = arith.addf %add3A_535, %get3A_540 : vector<16xf32>
      %get3A_542 = arith.constant 6 : i32
      %get3A_543 = arith.index_cast %get3A_542 : i32 to index
      %get3A_544 = arith.constant 48 : index
      %get3A_545 = tpu.vector_load %arg12[%get3A_543, %get3A_544] {strides = array<i32>} : memref<16x64xf32, #tpu.memory_space<vmem>>, vector<1x16xf32>,
      %get3A_546 = vector.shape_cast %get3A_545 : vector<1x16xf32> to vector<16xf32>
      %add3A_547 = arith.addf %add3A_541, %get3A_546 : vector<16xf32>
      %get3A_548 = arith.constant 7 : i32
      %get3A_549 = arith.index_cast %get3A_548 : i32 to index
      %get3A_550 = arith.constant 48 : index
      %get3A_551 = tpu.vector_load %arg12[%get3A_549, %get3A_550] {strides = array<i32>} : memref<16x64xf32, #tpu.memory_space<vmem>>, vector<1x16xf32>,
      %get3A_552 = vector.shape_cast %get3A_551 : vector<1x16xf32> to vector<16xf32>
      %add3A_553 = arith.addf %add3A_547, %get3A_552 : vector<16xf32>
      %get3A_554 = arith.constant 8 : i32
      %get3A_555 = arith.index_cast %get3A_554 : i32 to index
      %get3A_556 = arith.constant 48 : index
      %get3A_557 = tpu.vector_load %arg12[%get3A_555, %get3A_556] {strides = array<i32>} : memref<16x64xf32, #tpu.memory_space<vmem>>, vector<1x16xf32>,
      %get3A_558 = vector.shape_cast %get3A_557 : vector<1x16xf32> to vector<16xf32>
      %add3A_559 = arith.addf %add3A_553, %get3A_558 : vector<16xf32>
      %get3A_560 = arith.constant 9 : i32
      %get3A_561 = arith.index_cast %get3A_560 : i32 to index
      %get3A_562 = arith.constant 48 : index
      %get3A_563 = tpu.vector_load %arg12[%get3A_561, %get3A_562] {strides = array<i32>} : memref<16x64xf32, #tpu.memory_space<vmem>>, vector<1x16xf32>,
      %get3A_564 = vector.shape_cast %get3A_563 : vector<1x16xf32> to vector<16xf32>
      %add3A_565 = arith.addf %add3A_559, %get3A_564 : vector<16xf32>
      %get3A_566 = arith.constant 10 : i32
      %get3A_567 = arith.index_cast %get3A_566 : i32 to index
      %get3A_568 = arith.constant 48 : index
      %get3A_569 = tpu.vector_load %arg12[%get3A_567, %get3A_568] {strides = array<i32>} : memref<16x64xf32, #tpu.memory_space<vmem>>, vector<1x16xf32>,
      %get3A_570 = vector.shape_cast %get3A_569 : vector<1x16xf32> to vector<16xf32>
      %add3A_571 = arith.addf %add3A_565, %get3A_570 : vector<16xf32>
      %get3A_572 = arith.constant 11 : i32
      %get3A_573 = arith.index_cast %get3A_572 : i32 to index
      %get3A_574 = arith.constant 48 : index
      %get3A_575 = tpu.vector_load %arg12[%get3A_573, %get3A_574] {strides = array<i32>} : memref<16x64xf32, #tpu.memory_space<vmem>>, vector<1x16xf32>,
      %get3A_576 = vector.shape_cast %get3A_575 : vector<1x16xf32> to vector<16xf32>
      %add3A_577 = arith.addf %add3A_571, %get3A_576 : vector<16xf32>
      %get3A_578 = arith.constant 12 : i32
      %get3A_579 = arith.index_cast %get3A_578 : i32 to index
      %get3A_580 = arith.constant 48 : index
      %get3A_581 = tpu.vector_load %arg12[%get3A_579, %get3A_580] {strides = array<i32>} : memref<16x64xf32, #tpu.memory_space<vmem>>, vector<1x16xf32>,
      %get3A_582 = vector.shape_cast %get3A_581 : vector<1x16xf32> to vector<16xf32>
      %add3A_583 = arith.addf %add3A_577, %get3A_582 : vector<16xf32>
      %get3A_584 = arith.constant 13 : i32
      %get3A_585 = arith.index_cast %get3A_584 : i32 to index
      %get3A_586 = arith.constant 48 : index
      %get3A_587 = tpu.vector_load %arg12[%get3A_585, %get3A_586] {strides = array<i32>} : memref<16x64xf32, #tpu.memory_space<vmem>>, vector<1x16xf32>,
      %get3A_588 = vector.shape_cast %get3A_587 : vector<1x16xf32> to vector<16xf32>
      %add3A_589 = arith.addf %add3A_583, %get3A_588 : vector<16xf32>
      %get3A_590 = arith.constant 14 : i32
      %get3A_591 = arith.index_cast %get3A_590 : i32 to index
      %get3A_592 = arith.constant 48 : index
      %get3A_593 = tpu.vector_load %arg12[%get3A_591, %get3A_592] {strides = array<i32>} : memref<16x64xf32, #tpu.memory_space<vmem>>, vector<1x16xf32>,
      %get3A_594 = vector.shape_cast %get3A_593 : vector<1x16xf32> to vector<16xf32>
      %add3A_595 = arith.addf %add3A_589, %get3A_594 : vector<16xf32>
      %get3A_596 = arith.constant 15 : i32
      %get3A_597 = arith.index_cast %get3A_596 : i32 to index
      %get3A_598 = arith.constant 48 : index
      %get3A_599 = tpu.vector_load %arg12[%get3A_597, %get3A_598] {strides = array<i32>} : memref<16x64xf32, #tpu.memory_space<vmem>>, vector<1x16xf32>,
      %get3A_600 = vector.shape_cast %get3A_599 : vector<1x16xf32> to vector<16xf32>
      %add3A_601 = arith.addf %add3A_595, %get3A_600 : vector<16xf32>
      %get3A_602 = arith.constant 0 : index
      %get3A_603 = tpu.vector_load %arg14[%get3A_602] {strides = array<i32>} : memref<16xi32, #tpu.memory_space<vmem>>, vector<16xi32>,
      %get3A_604 = vector.shape_cast %get3A_603 : vector<16xi32> to vector<16xi32>
      %convert_element_type3A_605 = arith.sitofp %get3A_604 : vector<16xi32> to vector<16xf32>
      %broadcast_in_dim3A_606 = arith.constant 0.000000e+00 : f32
      %broadcast_in_dim3A_607 = vector.broadcast %broadcast_in_dim3A_606 : f32 to vector<16xf32>
      %broadcast_in_dim3A_608 = arith.constant 0.000000e+00 : f32
      %broadcast_in_dim3A_609 = vector.broadcast %broadcast_in_dim3A_608 : f32 to vector<16xf32>
      %broadcast_in_dim3A_610 = arith.constant 0.000000e+00 : f32
      %broadcast_in_dim3A_611 = vector.broadcast %broadcast_in_dim3A_610 : f32 to vector<16xf32>
      %broadcast_in_dim3A_612 = arith.constant 0.000000e+00 : f32
      %broadcast_in_dim3A_613 = vector.broadcast %broadcast_in_dim3A_612 : f32 to vector<16xf32>
      %sub3A_614 = arith.constant 0.000000e+00 : f32
      %sub3A_615 = vector.broadcast %sub3A_614 : f32 to vector<16xf32>
      %sub3A_616 = arith.subf %convert_element_type3A_222, %sub3A_615 : vector<16xf32>
      %mul3A_617 = arith.mulf %sub3A_616, %sub3A_616 : vector<16xf32>
      %sub3A_618 = arith.constant 1.000000e+00 : f32
      %sub3A_619 = vector.broadcast %sub3A_618 : f32 to vector<16xf32>
      %sub3A_620 = arith.subf %sub3A_619, %mul3A_617 : vector<16xf32>
      %max3A = arith.constant 0.000000e+00 : f32
      %max3A_621 = vector.broadcast %max3A : f32 to vector<16xf32>
      %max3A_622 = arith.maximumf %max3A_621, %sub3A_620 : vector<16xf32>
      %mul3A_623 = arith.mulf %convert_element_type3A_605, %max3A_622 : vector<16xf32>
      %add3A_624 = arith.constant 8 : i32
      %add3A_625 = vector.broadcast %add3A_624 : i32 to vector<16xi32>
      %add3A_626 = arith.addi %iota3A, %add3A_625 : vector<16xi32>
      %broadcast_in_dim3A_627 = arith.constant 16 : i32
      %broadcast_in_dim3A_628 = vector.broadcast %broadcast_in_dim3A_627 : i32 to vector<16xi32>
      %rem3A_629 = arith.remsi %add3A_626, %broadcast_in_dim3A_628 : vector<16xi32>
      %broadcast_in_dim3A_630 = vector.shape_cast %rem3A_629 : vector<16xi32> to vector<16x1xi32>
      %gather3A = vector.shape_cast %broadcast_in_dim3A_630 : vector<16x1xi32> to vector<16xi32>
      %gather3A_631 = tpu.dynamic_gather %mul3A_623[%gather3A] in [0] : vector<16xf32>, vector<16xi32> -> vector<16xf32>
      %add3A_632 = arith.addf %mul3A_623, %gather3A_631 : vector<16xf32>
      %add3A_633 = arith.constant 4 : i32
      %add3A_634 = vector.broadcast %add3A_633 : i32 to vector<16xi32>
      %add3A_635 = arith.addi %iota3A, %add3A_634 : vector<16xi32>
      %broadcast_in_dim3A_636 = arith.constant 16 : i32
      %broadcast_in_dim3A_637 = vector.broadcast %broadcast_in_dim3A_636 : i32 to vector<16xi32>
      %rem3A_638 = arith.remsi %add3A_635, %broadcast_in_dim3A_637 : vector<16xi32>
      %broadcast_in_dim3A_639 = vector.shape_cast %rem3A_638 : vector<16xi32> to vector<16x1xi32>
      %gather3A_640 = vector.shape_cast %broadcast_in_dim3A_639 : vector<16x1xi32> to vector<16xi32>
      %gather3A_641 = tpu.dynamic_gather %add3A_632[%gather3A_640] in [0] : vector<16xf32>, vector<16xi32> -> vector<16xf32>
      %add3A_642 = arith.addf %add3A_632, %gather3A_641 : vector<16xf32>
      %add3A_643 = arith.constant 2 : i32
      %add3A_644 = vector.broadcast %add3A_643 : i32 to vector<16xi32>
      %add3A_645 = arith.addi %iota3A, %add3A_644 : vector<16xi32>
      %broadcast_in_dim3A_646 = arith.constant 16 : i32
      %broadcast_in_dim3A_647 = vector.broadcast %broadcast_in_dim3A_646 : i32 to vector<16xi32>
      %rem3A_648 = arith.remsi %add3A_645, %broadcast_in_dim3A_647 : vector<16xi32>
      %broadcast_in_dim3A_649 = vector.shape_cast %rem3A_648 : vector<16xi32> to vector<16x1xi32>
      %gather3A_650 = vector.shape_cast %broadcast_in_dim3A_649 : vector<16x1xi32> to vector<16xi32>
      %gather3A_651 = tpu.dynamic_gather %add3A_642[%gather3A_650] in [0] : vector<16xf32>, vector<16xi32> -> vector<16xf32>
      %add3A_652 = arith.addf %add3A_642, %gather3A_651 : vector<16xf32>
      %add3A_653 = arith.constant 1 : i32
      %add3A_654 = vector.broadcast %add3A_653 : i32 to vector<16xi32>
      %add3A_655 = arith.addi %iota3A, %add3A_654 : vector<16xi32>
      %broadcast_in_dim3A_656 = arith.constant 16 : i32
      %broadcast_in_dim3A_657 = vector.broadcast %broadcast_in_dim3A_656 : i32 to vector<16xi32>
      %rem3A_658 = arith.remsi %add3A_655, %broadcast_in_dim3A_657 : vector<16xi32>
      %broadcast_in_dim3A_659 = vector.shape_cast %rem3A_658 : vector<16xi32> to vector<16x1xi32>
      %gather3A_660 = vector.shape_cast %broadcast_in_dim3A_659 : vector<16x1xi32> to vector<16xi32>
      %gather3A_661 = tpu.dynamic_gather %add3A_652[%gather3A_660] in [0] : vector<16xf32>, vector<16xi32> -> vector<16xf32>
      %add3A_662 = arith.addf %add3A_652, %gather3A_661 : vector<16xf32>
      %add3A_663 = arith.constant 0.000000e+00 : f32
      %add3A_664 = vector.broadcast %add3A_663 : f32 to vector<16xf32>
      %add3A_665 = arith.addf %convert_element_type3A_222, %add3A_664 : vector<16xf32>
      %sub3A_666 = arith.subf %add3A_665, %add3A_662 : vector<16xf32>
      %mul3A_667 = arith.mulf %sub3A_666, %sub3A_666 : vector<16xf32>
      %sub3A_668 = arith.constant 1.000000e+00 : f32
      %sub3A_669 = vector.broadcast %sub3A_668 : f32 to vector<16xf32>
      %sub3A_670 = arith.subf %sub3A_669, %mul3A_667 : vector<16xf32>
      %max3A_671 = arith.constant 0.000000e+00 : f32
      %max3A_672 = vector.broadcast %max3A_671 : f32 to vector<16xf32>
      %max3A_673 = arith.maximumf %max3A_672, %sub3A_670 : vector<16xf32>
      %max3A_674 = arith.maximumf %broadcast_in_dim3A_607, %max3A_673 : vector<16xf32>
      %add3A_675 = arith.constant 1.600000e+01 : f32
      %add3A_676 = vector.broadcast %add3A_675 : f32 to vector<16xf32>
      %add3A_677 = arith.addf %convert_element_type3A_222, %add3A_676 : vector<16xf32>
      %sub3A_678 = arith.subf %add3A_677, %add3A_662 : vector<16xf32>
      %mul3A_679 = arith.mulf %sub3A_678, %sub3A_678 : vector<16xf32>
      %sub3A_680 = arith.constant 1.000000e+00 : f32
      %sub3A_681 = vector.broadcast %sub3A_680 : f32 to vector<16xf32>
      %sub3A_682 = arith.subf %sub3A_681, %mul3A_679 : vector<16xf32>
      %max3A_683 = arith.constant 0.000000e+00 : f32
      %max3A_684 = vector.broadcast %max3A_683 : f32 to vector<16xf32>
      %max3A_685 = arith.maximumf %max3A_684, %sub3A_682 : vector<16xf32>
      %max3A_686 = arith.maximumf %broadcast_in_dim3A_609, %max3A_685 : vector<16xf32>
      %add3A_687 = arith.constant 3.200000e+01 : f32
      %add3A_688 = vector.broadcast %add3A_687 : f32 to vector<16xf32>
      %add3A_689 = arith.addf %convert_element_type3A_222, %add3A_688 : vector<16xf32>
      %sub3A_690 = arith.subf %add3A_689, %add3A_662 : vector<16xf32>
      %mul3A_691 = arith.mulf %sub3A_690, %sub3A_690 : vector<16xf32>
      %sub3A_692 = arith.constant 1.000000e+00 : f32
      %sub3A_693 = vector.broadcast %sub3A_692 : f32 to vector<16xf32>
      %sub3A_694 = arith.subf %sub3A_693, %mul3A_691 : vector<16xf32>
      %max3A_695 = arith.constant 0.000000e+00 : f32
      %max3A_696 = vector.broadcast %max3A_695 : f32 to vector<16xf32>
      %max3A_697 = arith.maximumf %max3A_696, %sub3A_694 : vector<16xf32>
      %max3A_698 = arith.maximumf %broadcast_in_dim3A_611, %max3A_697 : vector<16xf32>
      %add3A_699 = arith.constant 4.800000e+01 : f32
      %add3A_700 = vector.broadcast %add3A_699 : f32 to vector<16xf32>
      %add3A_701 = arith.addf %convert_element_type3A_222, %add3A_700 : vector<16xf32>
      %sub3A_702 = arith.subf %add3A_701, %add3A_662 : vector<16xf32>
      %mul3A_703 = arith.mulf %sub3A_702, %sub3A_702 : vector<16xf32>
      %sub3A_704 = arith.constant 1.000000e+00 : f32
      %sub3A_705 = vector.broadcast %sub3A_704 : f32 to vector<16xf32>
      %sub3A_706 = arith.subf %sub3A_705, %mul3A_703 : vector<16xf32>
      %max3A_707 = arith.constant 0.000000e+00 : f32
      %max3A_708 = vector.broadcast %max3A_707 : f32 to vector<16xf32>
      %max3A_709 = arith.maximumf %max3A_708, %sub3A_706 : vector<16xf32>
      %max3A_710 = arith.maximumf %broadcast_in_dim3A_613, %max3A_709 : vector<16xf32>
      %sub3A_711 = arith.constant 1.000000e+00 : f32
      %sub3A_712 = vector.broadcast %sub3A_711 : f32 to vector<16xf32>
      %sub3A_713 = arith.subf %convert_element_type3A_222, %sub3A_712 : vector<16xf32>
      %mul3A_714 = arith.mulf %sub3A_713, %sub3A_713 : vector<16xf32>
      %sub3A_715 = arith.constant 1.000000e+00 : f32
      %sub3A_716 = vector.broadcast %sub3A_715 : f32 to vector<16xf32>
      %sub3A_717 = arith.subf %sub3A_716, %mul3A_714 : vector<16xf32>
      %max3A_718 = arith.constant 0.000000e+00 : f32
      %max3A_719 = vector.broadcast %max3A_718 : f32 to vector<16xf32>
      %max3A_720 = arith.maximumf %max3A_719, %sub3A_717 : vector<16xf32>
      %mul3A_721 = arith.mulf %convert_element_type3A_605, %max3A_720 : vector<16xf32>
      %add3A_722 = arith.constant 8 : i32
      %add3A_723 = vector.broadcast %add3A_722 : i32 to vector<16xi32>
      %add3A_724 = arith.addi %iota3A, %add3A_723 : vector<16xi32>
      %broadcast_in_dim3A_725 = arith.constant 16 : i32
      %broadcast_in_dim3A_726 = vector.broadcast %broadcast_in_dim3A_725 : i32 to vector<16xi32>
      %rem3A_727 = arith.remsi %add3A_724, %broadcast_in_dim3A_726 : vector<16xi32>
      %broadcast_in_dim3A_728 = vector.shape_cast %rem3A_727 : vector<16xi32> to vector<16x1xi32>
      %gather3A_729 = vector.shape_cast %broadcast_in_dim3A_728 : vector<16x1xi32> to vector<16xi32>
      %gather3A_730 = tpu.dynamic_gather %mul3A_721[%gather3A_729] in [0] : vector<16xf32>, vector<16xi32> -> vector<16xf32>
      %add3A_731 = arith.addf %mul3A_721, %gather3A_730 : vector<16xf32>
      %add3A_732 = arith.constant 4 : i32
      %add3A_733 = vector.broadcast %add3A_732 : i32 to vector<16xi32>
      %add3A_734 = arith.addi %iota3A, %add3A_733 : vector<16xi32>
      %broadcast_in_dim3A_735 = arith.constant 16 : i32
      %broadcast_in_dim3A_736 = vector.broadcast %broadcast_in_dim3A_735 : i32 to vector<16xi32>
      %rem3A_737 = arith.remsi %add3A_734, %broadcast_in_dim3A_736 : vector<16xi32>
      %broadcast_in_dim3A_738 = vector.shape_cast %rem3A_737 : vector<16xi32> to vector<16x1xi32>
      %gather3A_739 = vector.shape_cast %broadcast_in_dim3A_738 : vector<16x1xi32> to vector<16xi32>
      %gather3A_740 = tpu.dynamic_gather %add3A_731[%gather3A_739] in [0] : vector<16xf32>, vector<16xi32> -> vector<16xf32>
      %add3A_741 = arith.addf %add3A_731, %gather3A_740 : vector<16xf32>
      %add3A_742 = arith.constant 2 : i32
      %add3A_743 = vector.broadcast %add3A_742 : i32 to vector<16xi32>
      %add3A_744 = arith.addi %iota3A, %add3A_743 : vector<16xi32>
      %broadcast_in_dim3A_745 = arith.constant 16 : i32
      %broadcast_in_dim3A_746 = vector.broadcast %broadcast_in_dim3A_745 : i32 to vector<16xi32>
      %rem3A_747 = arith.remsi %add3A_744, %broadcast_in_dim3A_746 : vector<16xi32>
      %broadcast_in_dim3A_748 = vector.shape_cast %rem3A_747 : vector<16xi32> to vector<16x1xi32>
      %gather3A_749 = vector.shape_cast %broadcast_in_dim3A_748 : vector<16x1xi32> to vector<16xi32>
      %gather3A_750 = tpu.dynamic_gather %add3A_741[%gather3A_749] in [0] : vector<16xf32>, vector<16xi32> -> vector<16xf32>
      %add3A_751 = arith.addf %add3A_741, %gather3A_750 : vector<16xf32>
      %add3A_752 = arith.constant 1 : i32
      %add3A_753 = vector.broadcast %add3A_752 : i32 to vector<16xi32>
      %add3A_754 = arith.addi %iota3A, %add3A_753 : vector<16xi32>
      %broadcast_in_dim3A_755 = arith.constant 16 : i32
      %broadcast_in_dim3A_756 = vector.broadcast %broadcast_in_dim3A_755 : i32 to vector<16xi32>
      %rem3A_757 = arith.remsi %add3A_754, %broadcast_in_dim3A_756 : vector<16xi32>
      %broadcast_in_dim3A_758 = vector.shape_cast %rem3A_757 : vector<16xi32> to vector<16x1xi32>
      %gather3A_759 = vector.shape_cast %broadcast_in_dim3A_758 : vector<16x1xi32> to vector<16xi32>
      %gather3A_760 = tpu.dynamic_gather %add3A_751[%gather3A_759] in [0] : vector<16xf32>, vector<16xi32> -> vector<16xf32>
      %add3A_761 = arith.addf %add3A_751, %gather3A_760 : vector<16xf32>
      %add3A_762 = arith.constant 0.000000e+00 : f32
      %add3A_763 = vector.broadcast %add3A_762 : f32 to vector<16xf32>
      %add3A_764 = arith.addf %convert_element_type3A_222, %add3A_763 : vector<16xf32>
      %sub3A_765 = arith.subf %add3A_764, %add3A_761 : vector<16xf32>
      %mul3A_766 = arith.mulf %sub3A_765, %sub3A_765 : vector<16xf32>
      %sub3A_767 = arith.constant 1.000000e+00 : f32
      %sub3A_768 = vector.broadcast %sub3A_767 : f32 to vector<16xf32>
      %sub3A_769 = arith.subf %sub3A_768, %mul3A_766 : vector<16xf32>
      %max3A_770 = arith.constant 0.000000e+00 : f32
      %max3A_771 = vector.broadcast %max3A_770 : f32 to vector<16xf32>
      %max3A_772 = arith.maximumf %max3A_771, %sub3A_769 : vector<16xf32>
      %max3A_773 = arith.maximumf %max3A_674, %max3A_772 : vector<16xf32>
      %add3A_774 = arith.constant 1.600000e+01 : f32
      %add3A_775 = vector.broadcast %add3A_774 : f32 to vector<16xf32>
      %add3A_776 = arith.addf %convert_element_type3A_222, %add3A_775 : vector<16xf32>
      %sub3A_777 = arith.subf %add3A_776, %add3A_761 : vector<16xf32>
      %mul3A_778 = arith.mulf %sub3A_777, %sub3A_777 : vector<16xf32>
      %sub3A_779 = arith.constant 1.000000e+00 : f32
      %sub3A_780 = vector.broadcast %sub3A_779 : f32 to vector<16xf32>
      %sub3A_781 = arith.subf %sub3A_780, %mul3A_778 : vector<16xf32>
      %max3A_782 = arith.constant 0.000000e+00 : f32
      %max3A_783 = vector.broadcast %max3A_782 : f32 to vector<16xf32>
      %max3A_784 = arith.maximumf %max3A_783, %sub3A_781 : vector<16xf32>
      %max3A_785 = arith.maximumf %max3A_686, %max3A_784 : vector<16xf32>
      %add3A_786 = arith.constant 3.200000e+01 : f32
      %add3A_787 = vector.broadcast %add3A_786 : f32 to vector<16xf32>
      %add3A_788 = arith.addf %convert_element_type3A_222, %add3A_787 : vector<16xf32>
      %sub3A_789 = arith.subf %add3A_788, %add3A_761 : vector<16xf32>
      %mul3A_790 = arith.mulf %sub3A_789, %sub3A_789 : vector<16xf32>
      %sub3A_791 = arith.constant 1.000000e+00 : f32
      %sub3A_792 = vector.broadcast %sub3A_791 : f32 to vector<16xf32>
      %sub3A_793 = arith.subf %sub3A_792, %mul3A_790 : vector<16xf32>
      %max3A_794 = arith.constant 0.000000e+00 : f32
      %max3A_795 = vector.broadcast %max3A_794 : f32 to vector<16xf32>
      %max3A_796 = arith.maximumf %max3A_795, %sub3A_793 : vector<16xf32>
      %max3A_797 = arith.maximumf %max3A_698, %max3A_796 : vector<16xf32>
      %add3A_798 = arith.constant 4.800000e+01 : f32
      %add3A_799 = vector.broadcast %add3A_798 : f32 to vector<16xf32>
      %add3A_800 = arith.addf %convert_element_type3A_222, %add3A_799 : vector<16xf32>
      %sub3A_801 = arith.subf %add3A_800, %add3A_761 : vector<16xf32>
      %mul3A_802 = arith.mulf %sub3A_801, %sub3A_801 : vector<16xf32>
      %sub3A_803 = arith.constant 1.000000e+00 : f32
      %sub3A_804 = vector.broadcast %sub3A_803 : f32 to vector<16xf32>
      %sub3A_805 = arith.subf %sub3A_804, %mul3A_802 : vector<16xf32>
      %max3A_806 = arith.constant 0.000000e+00 : f32
      %max3A_807 = vector.broadcast %max3A_806 : f32 to vector<16xf32>
      %max3A_808 = arith.maximumf %max3A_807, %sub3A_805 : vector<16xf32>
      %max3A_809 = arith.maximumf %max3A_710, %max3A_808 : vector<16xf32>
      %sub3A_810 = arith.constant 2.000000e+00 : f32
      %sub3A_811 = vector.broadcast %sub3A_810 : f32 to vector<16xf32>
      %sub3A_812 = arith.subf %convert_element_type3A_222, %sub3A_811 : vector<16xf32>
      %mul3A_813 = arith.mulf %sub3A_812, %sub3A_812 : vector<16xf32>
      %sub3A_814 = arith.constant 1.000000e+00 : f32
      %sub3A_815 = vector.broadcast %sub3A_814 : f32 to vector<16xf32>
      %sub3A_816 = arith.subf %sub3A_815, %mul3A_813 : vector<16xf32>
      %max3A_817 = arith.constant 0.000000e+00 : f32
      %max3A_818 = vector.broadcast %max3A_817 : f32 to vector<16xf32>
      %max3A_819 = arith.maximumf %max3A_818, %sub3A_816 : vector<16xf32>
      %mul3A_820 = arith.mulf %convert_element_type3A_605, %max3A_819 : vector<16xf32>
      %add3A_821 = arith.constant 8 : i32
      %add3A_822 = vector.broadcast %add3A_821 : i32 to vector<16xi32>
      %add3A_823 = arith.addi %iota3A, %add3A_822 : vector<16xi32>
      %broadcast_in_dim3A_824 = arith.constant 16 : i32
      %broadcast_in_dim3A_825 = vector.broadcast %broadcast_in_dim3A_824 : i32 to vector<16xi32>
      %rem3A_826 = arith.remsi %add3A_823, %broadcast_in_dim3A_825 : vector<16xi32>
      %broadcast_in_dim3A_827 = vector.shape_cast %rem3A_826 : vector<16xi32> to vector<16x1xi32>
      %gather3A_828 = vector.shape_cast %broadcast_in_dim3A_827 : vector<16x1xi32> to vector<16xi32>
      %gather3A_829 = tpu.dynamic_gather %mul3A_820[%gather3A_828] in [0] : vector<16xf32>, vector<16xi32> -> vector<16xf32>
      %add3A_830 = arith.addf %mul3A_820, %gather3A_829 : vector<16xf32>
      %add3A_831 = arith.constant 4 : i32
      %add3A_832 = vector.broadcast %add3A_831 : i32 to vector<16xi32>
      %add3A_833 = arith.addi %iota3A, %add3A_832 : vector<16xi32>
      %broadcast_in_dim3A_834 = arith.constant 16 : i32
      %broadcast_in_dim3A_835 = vector.broadcast %broadcast_in_dim3A_834 : i32 to vector<16xi32>
      %rem3A_836 = arith.remsi %add3A_833, %broadcast_in_dim3A_835 : vector<16xi32>
      %broadcast_in_dim3A_837 = vector.shape_cast %rem3A_836 : vector<16xi32> to vector<16x1xi32>
      %gather3A_838 = vector.shape_cast %broadcast_in_dim3A_837 : vector<16x1xi32> to vector<16xi32>
      %gather3A_839 = tpu.dynamic_gather %add3A_830[%gather3A_838] in [0] : vector<16xf32>, vector<16xi32> -> vector<16xf32>
      %add3A_840 = arith.addf %add3A_830, %gather3A_839 : vector<16xf32>
      %add3A_841 = arith.constant 2 : i32
      %add3A_842 = vector.broadcast %add3A_841 : i32 to vector<16xi32>
      %add3A_843 = arith.addi %iota3A, %add3A_842 : vector<16xi32>
      %broadcast_in_dim3A_844 = arith.constant 16 : i32
      %broadcast_in_dim3A_845 = vector.broadcast %broadcast_in_dim3A_844 : i32 to vector<16xi32>
      %rem3A_846 = arith.remsi %add3A_843, %broadcast_in_dim3A_845 : vector<16xi32>
      %broadcast_in_dim3A_847 = vector.shape_cast %rem3A_846 : vector<16xi32> to vector<16x1xi32>
      %gather3A_848 = vector.shape_cast %broadcast_in_dim3A_847 : vector<16x1xi32> to vector<16xi32>
      %gather3A_849 = tpu.dynamic_gather %add3A_840[%gather3A_848] in [0] : vector<16xf32>, vector<16xi32> -> vector<16xf32>
      %add3A_850 = arith.addf %add3A_840, %gather3A_849 : vector<16xf32>
      %add3A_851 = arith.constant 1 : i32
      %add3A_852 = vector.broadcast %add3A_851 : i32 to vector<16xi32>
      %add3A_853 = arith.addi %iota3A, %add3A_852 : vector<16xi32>
      %broadcast_in_dim3A_854 = arith.constant 16 : i32
      %broadcast_in_dim3A_855 = vector.broadcast %broadcast_in_dim3A_854 : i32 to vector<16xi32>
      %rem3A_856 = arith.remsi %add3A_853, %broadcast_in_dim3A_855 : vector<16xi32>
      %broadcast_in_dim3A_857 = vector.shape_cast %rem3A_856 : vector<16xi32> to vector<16x1xi32>
      %gather3A_858 = vector.shape_cast %broadcast_in_dim3A_857 : vector<16x1xi32> to vector<16xi32>
      %gather3A_859 = tpu.dynamic_gather %add3A_850[%gather3A_858] in [0] : vector<16xf32>, vector<16xi32> -> vector<16xf32>
      %add3A_860 = arith.addf %add3A_850, %gather3A_859 : vector<16xf32>
      %add3A_861 = arith.constant 0.000000e+00 : f32
      %add3A_862 = vector.broadcast %add3A_861 : f32 to vector<16xf32>
      %add3A_863 = arith.addf %convert_element_type3A_222, %add3A_862 : vector<16xf32>
      %sub3A_864 = arith.subf %add3A_863, %add3A_860 : vector<16xf32>
      %mul3A_865 = arith.mulf %sub3A_864, %sub3A_864 : vector<16xf32>
      %sub3A_866 = arith.constant 1.000000e+00 : f32
      %sub3A_867 = vector.broadcast %sub3A_866 : f32 to vector<16xf32>
      %sub3A_868 = arith.subf %sub3A_867, %mul3A_865 : vector<16xf32>
      %max3A_869 = arith.constant 0.000000e+00 : f32
      %max3A_870 = vector.broadcast %max3A_869 : f32 to vector<16xf32>
      %max3A_871 = arith.maximumf %max3A_870, %sub3A_868 : vector<16xf32>
      %max3A_872 = arith.maximumf %max3A_773, %max3A_871 : vector<16xf32>
      %add3A_873 = arith.constant 1.600000e+01 : f32
      %add3A_874 = vector.broadcast %add3A_873 : f32 to vector<16xf32>
      %add3A_875 = arith.addf %convert_element_type3A_222, %add3A_874 : vector<16xf32>
      %sub3A_876 = arith.subf %add3A_875, %add3A_860 : vector<16xf32>
      %mul3A_877 = arith.mulf %sub3A_876, %sub3A_876 : vector<16xf32>
      %sub3A_878 = arith.constant 1.000000e+00 : f32
      %sub3A_879 = vector.broadcast %sub3A_878 : f32 to vector<16xf32>
      %sub3A_880 = arith.subf %sub3A_879, %mul3A_877 : vector<16xf32>
      %max3A_881 = arith.constant 0.000000e+00 : f32
      %max3A_882 = vector.broadcast %max3A_881 : f32 to vector<16xf32>
      %max3A_883 = arith.maximumf %max3A_882, %sub3A_880 : vector<16xf32>
      %max3A_884 = arith.maximumf %max3A_785, %max3A_883 : vector<16xf32>
      %add3A_885 = arith.constant 3.200000e+01 : f32
      %add3A_886 = vector.broadcast %add3A_885 : f32 to vector<16xf32>
      %add3A_887 = arith.addf %convert_element_type3A_222, %add3A_886 : vector<16xf32>
      %sub3A_888 = arith.subf %add3A_887, %add3A_860 : vector<16xf32>
      %mul3A_889 = arith.mulf %sub3A_888, %sub3A_888 : vector<16xf32>
      %sub3A_890 = arith.constant 1.000000e+00 : f32
      %sub3A_891 = vector.broadcast %sub3A_890 : f32 to vector<16xf32>
      %sub3A_892 = arith.subf %sub3A_891, %mul3A_889 : vector<16xf32>
      %max3A_893 = arith.constant 0.000000e+00 : f32
      %max3A_894 = vector.broadcast %max3A_893 : f32 to vector<16xf32>
      %max3A_895 = arith.maximumf %max3A_894, %sub3A_892 : vector<16xf32>
      %max3A_896 = arith.maximumf %max3A_797, %max3A_895 : vector<16xf32>
      %add3A_897 = arith.constant 4.800000e+01 : f32
      %add3A_898 = vector.broadcast %add3A_897 : f32 to vector<16xf32>
      %add3A_899 = arith.addf %convert_element_type3A_222, %add3A_898 : vector<16xf32>
      %sub3A_900 = arith.subf %add3A_899, %add3A_860 : vector<16xf32>
      %mul3A_901 = arith.mulf %sub3A_900, %sub3A_900 : vector<16xf32>
      %sub3A_902 = arith.constant 1.000000e+00 : f32
      %sub3A_903 = vector.broadcast %sub3A_902 : f32 to vector<16xf32>
      %sub3A_904 = arith.subf %sub3A_903, %mul3A_901 : vector<16xf32>
      %max3A_905 = arith.constant 0.000000e+00 : f32
      %max3A_906 = vector.broadcast %max3A_905 : f32 to vector<16xf32>
      %max3A_907 = arith.maximumf %max3A_906, %sub3A_904 : vector<16xf32>
      %max3A_908 = arith.maximumf %max3A_809, %max3A_907 : vector<16xf32>
      %sub3A_909 = arith.constant 3.000000e+00 : f32
      %sub3A_910 = vector.broadcast %sub3A_909 : f32 to vector<16xf32>
      %sub3A_911 = arith.subf %convert_element_type3A_222, %sub3A_910 : vector<16xf32>
      %mul3A_912 = arith.mulf %sub3A_911, %sub3A_911 : vector<16xf32>
      %sub3A_913 = arith.constant 1.000000e+00 : f32
      %sub3A_914 = vector.broadcast %sub3A_913 : f32 to vector<16xf32>
      %sub3A_915 = arith.subf %sub3A_914, %mul3A_912 : vector<16xf32>
      %max3A_916 = arith.constant 0.000000e+00 : f32
      %max3A_917 = vector.broadcast %max3A_916 : f32 to vector<16xf32>
      %max3A_918 = arith.maximumf %max3A_917, %sub3A_915 : vector<16xf32>
      %mul3A_919 = arith.mulf %convert_element_type3A_605, %max3A_918 : vector<16xf32>
      %add3A_920 = arith.constant 8 : i32
      %add3A_921 = vector.broadcast %add3A_920 : i32 to vector<16xi32>
      %add3A_922 = arith.addi %iota3A, %add3A_921 : vector<16xi32>
      %broadcast_in_dim3A_923 = arith.constant 16 : i32
      %broadcast_in_dim3A_924 = vector.broadcast %broadcast_in_dim3A_923 : i32 to vector<16xi32>
      %rem3A_925 = arith.remsi %add3A_922, %broadcast_in_dim3A_924 : vector<16xi32>
      %broadcast_in_dim3A_926 = vector.shape_cast %rem3A_925 : vector<16xi32> to vector<16x1xi32>
      %gather3A_927 = vector.shape_cast %broadcast_in_dim3A_926 : vector<16x1xi32> to vector<16xi32>
      %gather3A_928 = tpu.dynamic_gather %mul3A_919[%gather3A_927] in [0] : vector<16xf32>, vector<16xi32> -> vector<16xf32>
      %add3A_929 = arith.addf %mul3A_919, %gather3A_928 : vector<16xf32>
      %add3A_930 = arith.constant 4 : i32
      %add3A_931 = vector.broadcast %add3A_930 : i32 to vector<16xi32>
      %add3A_932 = arith.addi %iota3A, %add3A_931 : vector<16xi32>
      %broadcast_in_dim3A_933 = arith.constant 16 : i32
      %broadcast_in_dim3A_934 = vector.broadcast %broadcast_in_dim3A_933 : i32 to vector<16xi32>
      %rem3A_935 = arith.remsi %add3A_932, %broadcast_in_dim3A_934 : vector<16xi32>
      %broadcast_in_dim3A_936 = vector.shape_cast %rem3A_935 : vector<16xi32> to vector<16x1xi32>
      %gather3A_937 = vector.shape_cast %broadcast_in_dim3A_936 : vector<16x1xi32> to vector<16xi32>
      %gather3A_938 = tpu.dynamic_gather %add3A_929[%gather3A_937] in [0] : vector<16xf32>, vector<16xi32> -> vector<16xf32>
      %add3A_939 = arith.addf %add3A_929, %gather3A_938 : vector<16xf32>
      %add3A_940 = arith.constant 2 : i32
      %add3A_941 = vector.broadcast %add3A_940 : i32 to vector<16xi32>
      %add3A_942 = arith.addi %iota3A, %add3A_941 : vector<16xi32>
      %broadcast_in_dim3A_943 = arith.constant 16 : i32
      %broadcast_in_dim3A_944 = vector.broadcast %broadcast_in_dim3A_943 : i32 to vector<16xi32>
      %rem3A_945 = arith.remsi %add3A_942, %broadcast_in_dim3A_944 : vector<16xi32>
      %broadcast_in_dim3A_946 = vector.shape_cast %rem3A_945 : vector<16xi32> to vector<16x1xi32>
      %gather3A_947 = vector.shape_cast %broadcast_in_dim3A_946 : vector<16x1xi32> to vector<16xi32>
      %gather3A_948 = tpu.dynamic_gather %add3A_939[%gather3A_947] in [0] : vector<16xf32>, vector<16xi32> -> vector<16xf32>
      %add3A_949 = arith.addf %add3A_939, %gather3A_948 : vector<16xf32>
      %add3A_950 = arith.constant 1 : i32
      %add3A_951 = vector.broadcast %add3A_950 : i32 to vector<16xi32>
      %add3A_952 = arith.addi %iota3A, %add3A_951 : vector<16xi32>
      %broadcast_in_dim3A_953 = arith.constant 16 : i32
      %broadcast_in_dim3A_954 = vector.broadcast %broadcast_in_dim3A_953 : i32 to vector<16xi32>
      %rem3A_955 = arith.remsi %add3A_952, %broadcast_in_dim3A_954 : vector<16xi32>
      %broadcast_in_dim3A_956 = vector.shape_cast %rem3A_955 : vector<16xi32> to vector<16x1xi32>
      %gather3A_957 = vector.shape_cast %broadcast_in_dim3A_956 : vector<16x1xi32> to vector<16xi32>
      %gather3A_958 = tpu.dynamic_gather %add3A_949[%gather3A_957] in [0] : vector<16xf32>, vector<16xi32> -> vector<16xf32>
      %add3A_959 = arith.addf %add3A_949, %gather3A_958 : vector<16xf32>
      %add3A_960 = arith.constant 0.000000e+00 : f32
      %add3A_961 = vector.broadcast %add3A_960 : f32 to vector<16xf32>
      %add3A_962 = arith.addf %convert_element_type3A_222, %add3A_961 : vector<16xf32>
      %sub3A_963 = arith.subf %add3A_962, %add3A_959 : vector<16xf32>
      %mul3A_964 = arith.mulf %sub3A_963, %sub3A_963 : vector<16xf32>
      %sub3A_965 = arith.constant 1.000000e+00 : f32
      %sub3A_966 = vector.broadcast %sub3A_965 : f32 to vector<16xf32>
      %sub3A_967 = arith.subf %sub3A_966, %mul3A_964 : vector<16xf32>
      %max3A_968 = arith.constant 0.000000e+00 : f32
      %max3A_969 = vector.broadcast %max3A_968 : f32 to vector<16xf32>
      %max3A_970 = arith.maximumf %max3A_969, %sub3A_967 : vector<16xf32>
      %max3A_971 = arith.maximumf %max3A_872, %max3A_970 : vector<16xf32>
      %add3A_972 = arith.constant 1.600000e+01 : f32
      %add3A_973 = vector.broadcast %add3A_972 : f32 to vector<16xf32>
      %add3A_974 = arith.addf %convert_element_type3A_222, %add3A_973 : vector<16xf32>
      %sub3A_975 = arith.subf %add3A_974, %add3A_959 : vector<16xf32>
      %mul3A_976 = arith.mulf %sub3A_975, %sub3A_975 : vector<16xf32>
      %sub3A_977 = arith.constant 1.000000e+00 : f32
      %sub3A_978 = vector.broadcast %sub3A_977 : f32 to vector<16xf32>
      %sub3A_979 = arith.subf %sub3A_978, %mul3A_976 : vector<16xf32>
      %max3A_980 = arith.constant 0.000000e+00 : f32
      %max3A_981 = vector.broadcast %max3A_980 : f32 to vector<16xf32>
      %max3A_982 = arith.maximumf %max3A_981, %sub3A_979 : vector<16xf32>
      %max3A_983 = arith.maximumf %max3A_884, %max3A_982 : vector<16xf32>
      %add3A_984 = arith.constant 3.200000e+01 : f32
      %add3A_985 = vector.broadcast %add3A_984 : f32 to vector<16xf32>
      %add3A_986 = arith.addf %convert_element_type3A_222, %add3A_985 : vector<16xf32>
      %sub3A_987 = arith.subf %add3A_986, %add3A_959 : vector<16xf32>
      %mul3A_988 = arith.mulf %sub3A_987, %sub3A_987 : vector<16xf32>
      %sub3A_989 = arith.constant 1.000000e+00 : f32
      %sub3A_990 = vector.broadcast %sub3A_989 : f32 to vector<16xf32>
      %sub3A_991 = arith.subf %sub3A_990, %mul3A_988 : vector<16xf32>
      %max3A_992 = arith.constant 0.000000e+00 : f32
      %max3A_993 = vector.broadcast %max3A_992 : f32 to vector<16xf32>
      %max3A_994 = arith.maximumf %max3A_993, %sub3A_991 : vector<16xf32>
      %max3A_995 = arith.maximumf %max3A_896, %max3A_994 : vector<16xf32>
      %add3A_996 = arith.constant 4.800000e+01 : f32
      %add3A_997 = vector.broadcast %add3A_996 : f32 to vector<16xf32>
      %add3A_998 = arith.addf %convert_element_type3A_222, %add3A_997 : vector<16xf32>
      %sub3A_999 = arith.subf %add3A_998, %add3A_959 : vector<16xf32>
      %mul3A_1000 = arith.mulf %sub3A_999, %sub3A_999 : vector<16xf32>
      %sub3A_1001 = arith.constant 1.000000e+00 : f32
      %sub3A_1002 = vector.broadcast %sub3A_1001 : f32 to vector<16xf32>
      %sub3A_1003 = arith.subf %sub3A_1002, %mul3A_1000 : vector<16xf32>
      %max3A_1004 = arith.constant 0.000000e+00 : f32
      %max3A_1005 = vector.broadcast %max3A_1004 : f32 to vector<16xf32>
      %max3A_1006 = arith.maximumf %max3A_1005, %sub3A_1003 : vector<16xf32>
      %max3A_1007 = arith.maximumf %max3A_908, %max3A_1006 : vector<16xf32>
      %sub3A_1008 = arith.constant 4.000000e+00 : f32
      %sub3A_1009 = vector.broadcast %sub3A_1008 : f32 to vector<16xf32>
      %sub3A_1010 = arith.subf %convert_element_type3A_222, %sub3A_1009 : vector<16xf32>
      %mul3A_1011 = arith.mulf %sub3A_1010, %sub3A_1010 : vector<16xf32>
      %sub3A_1012 = arith.constant 1.000000e+00 : f32
      %sub3A_1013 = vector.broadcast %sub3A_1012 : f32 to vector<16xf32>
      %sub3A_1014 = arith.subf %sub3A_1013, %mul3A_1011 : vector<16xf32>
      %max3A_1015 = arith.constant 0.000000e+00 : f32
      %max3A_1016 = vector.broadcast %max3A_1015 : f32 to vector<16xf32>
      %max3A_1017 = arith.maximumf %max3A_1016, %sub3A_1014 : vector<16xf32>
      %mul3A_1018 = arith.mulf %convert_element_type3A_605, %max3A_1017 : vector<16xf32>
      %add3A_1019 = arith.constant 8 : i32
      %add3A_1020 = vector.broadcast %add3A_1019 : i32 to vector<16xi32>
      %add3A_1021 = arith.addi %iota3A, %add3A_1020 : vector<16xi32>
      %broadcast_in_dim3A_1022 = arith.constant 16 : i32
      %broadcast_in_dim3A_1023 = vector.broadcast %broadcast_in_dim3A_1022 : i32 to vector<16xi32>
      %rem3A_1024 = arith.remsi %add3A_1021, %broadcast_in_dim3A_1023 : vector<16xi32>
      %broadcast_in_dim3A_1025 = vector.shape_cast %rem3A_1024 : vector<16xi32> to vector<16x1xi32>
      %gather3A_1026 = vector.shape_cast %broadcast_in_dim3A_1025 : vector<16x1xi32> to vector<16xi32>
      %gather3A_1027 = tpu.dynamic_gather %mul3A_1018[%gather3A_1026] in [0] : vector<16xf32>, vector<16xi32> -> vector<16xf32>
      %add3A_1028 = arith.addf %mul3A_1018, %gather3A_1027 : vector<16xf32>
      %add3A_1029 = arith.constant 4 : i32
      %add3A_1030 = vector.broadcast %add3A_1029 : i32 to vector<16xi32>
      %add3A_1031 = arith.addi %iota3A, %add3A_1030 : vector<16xi32>
      %broadcast_in_dim3A_1032 = arith.constant 16 : i32
      %broadcast_in_dim3A_1033 = vector.broadcast %broadcast_in_dim3A_1032 : i32 to vector<16xi32>
      %rem3A_1034 = arith.remsi %add3A_1031, %broadcast_in_dim3A_1033 : vector<16xi32>
      %broadcast_in_dim3A_1035 = vector.shape_cast %rem3A_1034 : vector<16xi32> to vector<16x1xi32>
      %gather3A_1036 = vector.shape_cast %broadcast_in_dim3A_1035 : vector<16x1xi32> to vector<16xi32>
      %gather3A_1037 = tpu.dynamic_gather %add3A_1028[%gather3A_1036] in [0] : vector<16xf32>, vector<16xi32> -> vector<16xf32>
      %add3A_1038 = arith.addf %add3A_1028, %gather3A_1037 : vector<16xf32>
      %add3A_1039 = arith.constant 2 : i32
      %add3A_1040 = vector.broadcast %add3A_1039 : i32 to vector<16xi32>
      %add3A_1041 = arith.addi %iota3A, %add3A_1040 : vector<16xi32>
      %broadcast_in_dim3A_1042 = arith.constant 16 : i32
      %broadcast_in_dim3A_1043 = vector.broadcast %broadcast_in_dim3A_1042 : i32 to vector<16xi32>
      %rem3A_1044 = arith.remsi %add3A_1041, %broadcast_in_dim3A_1043 : vector<16xi32>
      %broadcast_in_dim3A_1045 = vector.shape_cast %rem3A_1044 : vector<16xi32> to vector<16x1xi32>
      %gather3A_1046 = vector.shape_cast %broadcast_in_dim3A_1045 : vector<16x1xi32> to vector<16xi32>
      %gather3A_1047 = tpu.dynamic_gather %add3A_1038[%gather3A_1046] in [0] : vector<16xf32>, vector<16xi32> -> vector<16xf32>
      %add3A_1048 = arith.addf %add3A_1038, %gather3A_1047 : vector<16xf32>
      %add3A_1049 = arith.constant 1 : i32
      %add3A_1050 = vector.broadcast %add3A_1049 : i32 to vector<16xi32>
      %add3A_1051 = arith.addi %iota3A, %add3A_1050 : vector<16xi32>
      %broadcast_in_dim3A_1052 = arith.constant 16 : i32
      %broadcast_in_dim3A_1053 = vector.broadcast %broadcast_in_dim3A_1052 : i32 to vector<16xi32>
      %rem3A_1054 = arith.remsi %add3A_1051, %broadcast_in_dim3A_1053 : vector<16xi32>
      %broadcast_in_dim3A_1055 = vector.shape_cast %rem3A_1054 : vector<16xi32> to vector<16x1xi32>
      %gather3A_1056 = vector.shape_cast %broadcast_in_dim3A_1055 : vector<16x1xi32> to vector<16xi32>
      %gather3A_1057 = tpu.dynamic_gather %add3A_1048[%gather3A_1056] in [0] : vector<16xf32>, vector<16xi32> -> vector<16xf32>
      %add3A_1058 = arith.addf %add3A_1048, %gather3A_1057 : vector<16xf32>
      %add3A_1059 = arith.constant 0.000000e+00 : f32
      %add3A_1060 = vector.broadcast %add3A_1059 : f32 to vector<16xf32>
      %add3A_1061 = arith.addf %convert_element_type3A_222, %add3A_1060 : vector<16xf32>
      %sub3A_1062 = arith.subf %add3A_1061, %add3A_1058 : vector<16xf32>
      %mul3A_1063 = arith.mulf %sub3A_1062, %sub3A_1062 : vector<16xf32>
      %sub3A_1064 = arith.constant 1.000000e+00 : f32
      %sub3A_1065 = vector.broadcast %sub3A_1064 : f32 to vector<16xf32>
      %sub3A_1066 = arith.subf %sub3A_1065, %mul3A_1063 : vector<16xf32>
      %max3A_1067 = arith.constant 0.000000e+00 : f32
      %max3A_1068 = vector.broadcast %max3A_1067 : f32 to vector<16xf32>
      %max3A_1069 = arith.maximumf %max3A_1068, %sub3A_1066 : vector<16xf32>
      %max3A_1070 = arith.maximumf %max3A_971, %max3A_1069 : vector<16xf32>
      %add3A_1071 = arith.constant 1.600000e+01 : f32
      %add3A_1072 = vector.broadcast %add3A_1071 : f32 to vector<16xf32>
      %add3A_1073 = arith.addf %convert_element_type3A_222, %add3A_1072 : vector<16xf32>
      %sub3A_1074 = arith.subf %add3A_1073, %add3A_1058 : vector<16xf32>
      %mul3A_1075 = arith.mulf %sub3A_1074, %sub3A_1074 : vector<16xf32>
      %sub3A_1076 = arith.constant 1.000000e+00 : f32
      %sub3A_1077 = vector.broadcast %sub3A_1076 : f32 to vector<16xf32>
      %sub3A_1078 = arith.subf %sub3A_1077, %mul3A_1075 : vector<16xf32>
      %max3A_1079 = arith.constant 0.000000e+00 : f32
      %max3A_1080 = vector.broadcast %max3A_1079 : f32 to vector<16xf32>
      %max3A_1081 = arith.maximumf %max3A_1080, %sub3A_1078 : vector<16xf32>
      %max3A_1082 = arith.maximumf %max3A_983, %max3A_1081 : vector<16xf32>
      %add3A_1083 = arith.constant 3.200000e+01 : f32
      %add3A_1084 = vector.broadcast %add3A_1083 : f32 to vector<16xf32>
      %add3A_1085 = arith.addf %convert_element_type3A_222, %add3A_1084 : vector<16xf32>
      %sub3A_1086 = arith.subf %add3A_1085, %add3A_1058 : vector<16xf32>
      %mul3A_1087 = arith.mulf %sub3A_1086, %sub3A_1086 : vector<16xf32>
      %sub3A_1088 = arith.constant 1.000000e+00 : f32
      %sub3A_1089 = vector.broadcast %sub3A_1088 : f32 to vector<16xf32>
      %sub3A_1090 = arith.subf %sub3A_1089, %mul3A_1087 : vector<16xf32>
      %max3A_1091 = arith.constant 0.000000e+00 : f32
      %max3A_1092 = vector.broadcast %max3A_1091 : f32 to vector<16xf32>
      %max3A_1093 = arith.maximumf %max3A_1092, %sub3A_1090 : vector<16xf32>
      %max3A_1094 = arith.maximumf %max3A_995, %max3A_1093 : vector<16xf32>
      %add3A_1095 = arith.constant 4.800000e+01 : f32
      %add3A_1096 = vector.broadcast %add3A_1095 : f32 to vector<16xf32>
      %add3A_1097 = arith.addf %convert_element_type3A_222, %add3A_1096 : vector<16xf32>
      %sub3A_1098 = arith.subf %add3A_1097, %add3A_1058 : vector<16xf32>
      %mul3A_1099 = arith.mulf %sub3A_1098, %sub3A_1098 : vector<16xf32>
      %sub3A_1100 = arith.constant 1.000000e+00 : f32
      %sub3A_1101 = vector.broadcast %sub3A_1100 : f32 to vector<16xf32>
      %sub3A_1102 = arith.subf %sub3A_1101, %mul3A_1099 : vector<16xf32>
      %max3A_1103 = arith.constant 0.000000e+00 : f32
      %max3A_1104 = vector.broadcast %max3A_1103 : f32 to vector<16xf32>
      %max3A_1105 = arith.maximumf %max3A_1104, %sub3A_1102 : vector<16xf32>
      %max3A_1106 = arith.maximumf %max3A_1007, %max3A_1105 : vector<16xf32>
      %sub3A_1107 = arith.constant 5.000000e+00 : f32
      %sub3A_1108 = vector.broadcast %sub3A_1107 : f32 to vector<16xf32>
      %sub3A_1109 = arith.subf %convert_element_type3A_222, %sub3A_1108 : vector<16xf32>
      %mul3A_1110 = arith.mulf %sub3A_1109, %sub3A_1109 : vector<16xf32>
      %sub3A_1111 = arith.constant 1.000000e+00 : f32
      %sub3A_1112 = vector.broadcast %sub3A_1111 : f32 to vector<16xf32>
      %sub3A_1113 = arith.subf %sub3A_1112, %mul3A_1110 : vector<16xf32>
      %max3A_1114 = arith.constant 0.000000e+00 : f32
      %max3A_1115 = vector.broadcast %max3A_1114 : f32 to vector<16xf32>
      %max3A_1116 = arith.maximumf %max3A_1115, %sub3A_1113 : vector<16xf32>
      %mul3A_1117 = arith.mulf %convert_element_type3A_605, %max3A_1116 : vector<16xf32>
      %add3A_1118 = arith.constant 8 : i32
      %add3A_1119 = vector.broadcast %add3A_1118 : i32 to vector<16xi32>
      %add3A_1120 = arith.addi %iota3A, %add3A_1119 : vector<16xi32>
      %broadcast_in_dim3A_1121 = arith.constant 16 : i32
      %broadcast_in_dim3A_1122 = vector.broadcast %broadcast_in_dim3A_1121 : i32 to vector<16xi32>
      %rem3A_1123 = arith.remsi %add3A_1120, %broadcast_in_dim3A_1122 : vector<16xi32>
      %broadcast_in_dim3A_1124 = vector.shape_cast %rem3A_1123 : vector<16xi32> to vector<16x1xi32>
      %gather3A_1125 = vector.shape_cast %broadcast_in_dim3A_1124 : vector<16x1xi32> to vector<16xi32>
      %gather3A_1126 = tpu.dynamic_gather %mul3A_1117[%gather3A_1125] in [0] : vector<16xf32>, vector<16xi32> -> vector<16xf32>
      %add3A_1127 = arith.addf %mul3A_1117, %gather3A_1126 : vector<16xf32>
      %add3A_1128 = arith.constant 4 : i32
      %add3A_1129 = vector.broadcast %add3A_1128 : i32 to vector<16xi32>
      %add3A_1130 = arith.addi %iota3A, %add3A_1129 : vector<16xi32>
      %broadcast_in_dim3A_1131 = arith.constant 16 : i32
      %broadcast_in_dim3A_1132 = vector.broadcast %broadcast_in_dim3A_1131 : i32 to vector<16xi32>
      %rem3A_1133 = arith.remsi %add3A_1130, %broadcast_in_dim3A_1132 : vector<16xi32>
      %broadcast_in_dim3A_1134 = vector.shape_cast %rem3A_1133 : vector<16xi32> to vector<16x1xi32>
      %gather3A_1135 = vector.shape_cast %broadcast_in_dim3A_1134 : vector<16x1xi32> to vector<16xi32>
      %gather3A_1136 = tpu.dynamic_gather %add3A_1127[%gather3A_1135] in [0] : vector<16xf32>, vector<16xi32> -> vector<16xf32>
      %add3A_1137 = arith.addf %add3A_1127, %gather3A_1136 : vector<16xf32>
      %add3A_1138 = arith.constant 2 : i32
      %add3A_1139 = vector.broadcast %add3A_1138 : i32 to vector<16xi32>
      %add3A_1140 = arith.addi %iota3A, %add3A_1139 : vector<16xi32>
      %broadcast_in_dim3A_1141 = arith.constant 16 : i32
      %broadcast_in_dim3A_1142 = vector.broadcast %broadcast_in_dim3A_1141 : i32 to vector<16xi32>
      %rem3A_1143 = arith.remsi %add3A_1140, %broadcast_in_dim3A_1142 : vector<16xi32>
      %broadcast_in_dim3A_1144 = vector.shape_cast %rem3A_1143 : vector<16xi32> to vector<16x1xi32>
      %gather3A_1145 = vector.shape_cast %broadcast_in_dim3A_1144 : vector<16x1xi32> to vector<16xi32>
      %gather3A_1146 = tpu.dynamic_gather %add3A_1137[%gather3A_1145] in [0] : vector<16xf32>, vector<16xi32> -> vector<16xf32>
      %add3A_1147 = arith.addf %add3A_1137, %gather3A_1146 : vector<16xf32>
      %add3A_1148 = arith.constant 1 : i32
      %add3A_1149 = vector.broadcast %add3A_1148 : i32 to vector<16xi32>
      %add3A_1150 = arith.addi %iota3A, %add3A_1149 : vector<16xi32>
      %broadcast_in_dim3A_1151 = arith.constant 16 : i32
      %broadcast_in_dim3A_1152 = vector.broadcast %broadcast_in_dim3A_1151 : i32 to vector<16xi32>
      %rem3A_1153 = arith.remsi %add3A_1150, %broadcast_in_dim3A_1152 : vector<16xi32>
      %broadcast_in_dim3A_1154 = vector.shape_cast %rem3A_1153 : vector<16xi32> to vector<16x1xi32>
      %gather3A_1155 = vector.shape_cast %broadcast_in_dim3A_1154 : vector<16x1xi32> to vector<16xi32>
      %gather3A_1156 = tpu.dynamic_gather %add3A_1147[%gather3A_1155] in [0] : vector<16xf32>, vector<16xi32> -> vector<16xf32>
      %add3A_1157 = arith.addf %add3A_1147, %gather3A_1156 : vector<16xf32>
      %add3A_1158 = arith.constant 0.000000e+00 : f32
      %add3A_1159 = vector.broadcast %add3A_1158 : f32 to vector<16xf32>
      %add3A_1160 = arith.addf %convert_element_type3A_222, %add3A_1159 : vector<16xf32>
      %sub3A_1161 = arith.subf %add3A_1160, %add3A_1157 : vector<16xf32>
      %mul3A_1162 = arith.mulf %sub3A_1161, %sub3A_1161 : vector<16xf32>
      %sub3A_1163 = arith.constant 1.000000e+00 : f32
      %sub3A_1164 = vector.broadcast %sub3A_1163 : f32 to vector<16xf32>
      %sub3A_1165 = arith.subf %sub3A_1164, %mul3A_1162 : vector<16xf32>
      %max3A_1166 = arith.constant 0.000000e+00 : f32
      %max3A_1167 = vector.broadcast %max3A_1166 : f32 to vector<16xf32>
      %max3A_1168 = arith.maximumf %max3A_1167, %sub3A_1165 : vector<16xf32>
      %max3A_1169 = arith.maximumf %max3A_1070, %max3A_1168 : vector<16xf32>
      %add3A_1170 = arith.constant 1.600000e+01 : f32
      %add3A_1171 = vector.broadcast %add3A_1170 : f32 to vector<16xf32>
      %add3A_1172 = arith.addf %convert_element_type3A_222, %add3A_1171 : vector<16xf32>
      %sub3A_1173 = arith.subf %add3A_1172, %add3A_1157 : vector<16xf32>
      %mul3A_1174 = arith.mulf %sub3A_1173, %sub3A_1173 : vector<16xf32>
      %sub3A_1175 = arith.constant 1.000000e+00 : f32
      %sub3A_1176 = vector.broadcast %sub3A_1175 : f32 to vector<16xf32>
      %sub3A_1177 = arith.subf %sub3A_1176, %mul3A_1174 : vector<16xf32>
      %max3A_1178 = arith.constant 0.000000e+00 : f32
      %max3A_1179 = vector.broadcast %max3A_1178 : f32 to vector<16xf32>
      %max3A_1180 = arith.maximumf %max3A_1179, %sub3A_1177 : vector<16xf32>
      %max3A_1181 = arith.maximumf %max3A_1082, %max3A_1180 : vector<16xf32>
      %add3A_1182 = arith.constant 3.200000e+01 : f32
      %add3A_1183 = vector.broadcast %add3A_1182 : f32 to vector<16xf32>
      %add3A_1184 = arith.addf %convert_element_type3A_222, %add3A_1183 : vector<16xf32>
      %sub3A_1185 = arith.subf %add3A_1184, %add3A_1157 : vector<16xf32>
      %mul3A_1186 = arith.mulf %sub3A_1185, %sub3A_1185 : vector<16xf32>
      %sub3A_1187 = arith.constant 1.000000e+00 : f32
      %sub3A_1188 = vector.broadcast %sub3A_1187 : f32 to vector<16xf32>
      %sub3A_1189 = arith.subf %sub3A_1188, %mul3A_1186 : vector<16xf32>
      %max3A_1190 = arith.constant 0.000000e+00 : f32
      %max3A_1191 = vector.broadcast %max3A_1190 : f32 to vector<16xf32>
      %max3A_1192 = arith.maximumf %max3A_1191, %sub3A_1189 : vector<16xf32>
      %max3A_1193 = arith.maximumf %max3A_1094, %max3A_1192 : vector<16xf32>
      %add3A_1194 = arith.constant 4.800000e+01 : f32
      %add3A_1195 = vector.broadcast %add3A_1194 : f32 to vector<16xf32>
      %add3A_1196 = arith.addf %convert_element_type3A_222, %add3A_1195 : vector<16xf32>
      %sub3A_1197 = arith.subf %add3A_1196, %add3A_1157 : vector<16xf32>
      %mul3A_1198 = arith.mulf %sub3A_1197, %sub3A_1197 : vector<16xf32>
      %sub3A_1199 = arith.constant 1.000000e+00 : f32
      %sub3A_1200 = vector.broadcast %sub3A_1199 : f32 to vector<16xf32>
      %sub3A_1201 = arith.subf %sub3A_1200, %mul3A_1198 : vector<16xf32>
      %max3A_1202 = arith.constant 0.000000e+00 : f32
      %max3A_1203 = vector.broadcast %max3A_1202 : f32 to vector<16xf32>
      %max3A_1204 = arith.maximumf %max3A_1203, %sub3A_1201 : vector<16xf32>
      %max3A_1205 = arith.maximumf %max3A_1106, %max3A_1204 : vector<16xf32>
      %sub3A_1206 = arith.constant 6.000000e+00 : f32
      %sub3A_1207 = vector.broadcast %sub3A_1206 : f32 to vector<16xf32>
      %sub3A_1208 = arith.subf %convert_element_type3A_222, %sub3A_1207 : vector<16xf32>
      %mul3A_1209 = arith.mulf %sub3A_1208, %sub3A_1208 : vector<16xf32>
      %sub3A_1210 = arith.constant 1.000000e+00 : f32
      %sub3A_1211 = vector.broadcast %sub3A_1210 : f32 to vector<16xf32>
      %sub3A_1212 = arith.subf %sub3A_1211, %mul3A_1209 : vector<16xf32>
      %max3A_1213 = arith.constant 0.000000e+00 : f32
      %max3A_1214 = vector.broadcast %max3A_1213 : f32 to vector<16xf32>
      %max3A_1215 = arith.maximumf %max3A_1214, %sub3A_1212 : vector<16xf32>
      %mul3A_1216 = arith.mulf %convert_element_type3A_605, %max3A_1215 : vector<16xf32>
      %add3A_1217 = arith.constant 8 : i32
      %add3A_1218 = vector.broadcast %add3A_1217 : i32 to vector<16xi32>
      %add3A_1219 = arith.addi %iota3A, %add3A_1218 : vector<16xi32>
      %broadcast_in_dim3A_1220 = arith.constant 16 : i32
      %broadcast_in_dim3A_1221 = vector.broadcast %broadcast_in_dim3A_1220 : i32 to vector<16xi32>
      %rem3A_1222 = arith.remsi %add3A_1219, %broadcast_in_dim3A_1221 : vector<16xi32>
      %broadcast_in_dim3A_1223 = vector.shape_cast %rem3A_1222 : vector<16xi32> to vector<16x1xi32>
      %gather3A_1224 = vector.shape_cast %broadcast_in_dim3A_1223 : vector<16x1xi32> to vector<16xi32>
      %gather3A_1225 = tpu.dynamic_gather %mul3A_1216[%gather3A_1224] in [0] : vector<16xf32>, vector<16xi32> -> vector<16xf32>
      %add3A_1226 = arith.addf %mul3A_1216, %gather3A_1225 : vector<16xf32>
      %add3A_1227 = arith.constant 4 : i32
      %add3A_1228 = vector.broadcast %add3A_1227 : i32 to vector<16xi32>
      %add3A_1229 = arith.addi %iota3A, %add3A_1228 : vector<16xi32>
      %broadcast_in_dim3A_1230 = arith.constant 16 : i32
      %broadcast_in_dim3A_1231 = vector.broadcast %broadcast_in_dim3A_1230 : i32 to vector<16xi32>
      %rem3A_1232 = arith.remsi %add3A_1229, %broadcast_in_dim3A_1231 : vector<16xi32>
      %broadcast_in_dim3A_1233 = vector.shape_cast %rem3A_1232 : vector<16xi32> to vector<16x1xi32>
      %gather3A_1234 = vector.shape_cast %broadcast_in_dim3A_1233 : vector<16x1xi32> to vector<16xi32>
      %gather3A_1235 = tpu.dynamic_gather %add3A_1226[%gather3A_1234] in [0] : vector<16xf32>, vector<16xi32> -> vector<16xf32>
      %add3A_1236 = arith.addf %add3A_1226, %gather3A_1235 : vector<16xf32>
      %add3A_1237 = arith.constant 2 : i32
      %add3A_1238 = vector.broadcast %add3A_1237 : i32 to vector<16xi32>
      %add3A_1239 = arith.addi %iota3A, %add3A_1238 : vector<16xi32>
      %broadcast_in_dim3A_1240 = arith.constant 16 : i32
      %broadcast_in_dim3A_1241 = vector.broadcast %broadcast_in_dim3A_1240 : i32 to vector<16xi32>
      %rem3A_1242 = arith.remsi %add3A_1239, %broadcast_in_dim3A_1241 : vector<16xi32>
      %broadcast_in_dim3A_1243 = vector.shape_cast %rem3A_1242 : vector<16xi32> to vector<16x1xi32>
      %gather3A_1244 = vector.shape_cast %broadcast_in_dim3A_1243 : vector<16x1xi32> to vector<16xi32>
      %gather3A_1245 = tpu.dynamic_gather %add3A_1236[%gather3A_1244] in [0] : vector<16xf32>, vector<16xi32> -> vector<16xf32>
      %add3A_1246 = arith.addf %add3A_1236, %gather3A_1245 : vector<16xf32>
      %add3A_1247 = arith.constant 1 : i32
      %add3A_1248 = vector.broadcast %add3A_1247 : i32 to vector<16xi32>
      %add3A_1249 = arith.addi %iota3A, %add3A_1248 : vector<16xi32>
      %broadcast_in_dim3A_1250 = arith.constant 16 : i32
      %broadcast_in_dim3A_1251 = vector.broadcast %broadcast_in_dim3A_1250 : i32 to vector<16xi32>
      %rem3A_1252 = arith.remsi %add3A_1249, %broadcast_in_dim3A_1251 : vector<16xi32>
      %broadcast_in_dim3A_1253 = vector.shape_cast %rem3A_1252 : vector<16xi32> to vector<16x1xi32>
      %gather3A_1254 = vector.shape_cast %broadcast_in_dim3A_1253 : vector<16x1xi32> to vector<16xi32>
      %gather3A_1255 = tpu.dynamic_gather %add3A_1246[%gather3A_1254] in [0] : vector<16xf32>, vector<16xi32> -> vector<16xf32>
      %add3A_1256 = arith.addf %add3A_1246, %gather3A_1255 : vector<16xf32>
      %add3A_1257 = arith.constant 0.000000e+00 : f32
      %add3A_1258 = vector.broadcast %add3A_1257 : f32 to vector<16xf32>
      %add3A_1259 = arith.addf %convert_element_type3A_222, %add3A_1258 : vector<16xf32>
      %sub3A_1260 = arith.subf %add3A_1259, %add3A_1256 : vector<16xf32>
      %mul3A_1261 = arith.mulf %sub3A_1260, %sub3A_1260 : vector<16xf32>
      %sub3A_1262 = arith.constant 1.000000e+00 : f32
      %sub3A_1263 = vector.broadcast %sub3A_1262 : f32 to vector<16xf32>
      %sub3A_1264 = arith.subf %sub3A_1263, %mul3A_1261 : vector<16xf32>
      %max3A_1265 = arith.constant 0.000000e+00 : f32
      %max3A_1266 = vector.broadcast %max3A_1265 : f32 to vector<16xf32>
      %max3A_1267 = arith.maximumf %max3A_1266, %sub3A_1264 : vector<16xf32>
      %max3A_1268 = arith.maximumf %max3A_1169, %max3A_1267 : vector<16xf32>
      %add3A_1269 = arith.constant 1.600000e+01 : f32
      %add3A_1270 = vector.broadcast %add3A_1269 : f32 to vector<16xf32>
      %add3A_1271 = arith.addf %convert_element_type3A_222, %add3A_1270 : vector<16xf32>
      %sub3A_1272 = arith.subf %add3A_1271, %add3A_1256 : vector<16xf32>
      %mul3A_1273 = arith.mulf %sub3A_1272, %sub3A_1272 : vector<16xf32>
      %sub3A_1274 = arith.constant 1.000000e+00 : f32
      %sub3A_1275 = vector.broadcast %sub3A_1274 : f32 to vector<16xf32>
      %sub3A_1276 = arith.subf %sub3A_1275, %mul3A_1273 : vector<16xf32>
      %max3A_1277 = arith.constant 0.000000e+00 : f32
      %max3A_1278 = vector.broadcast %max3A_1277 : f32 to vector<16xf32>
      %max3A_1279 = arith.maximumf %max3A_1278, %sub3A_1276 : vector<16xf32>
      %max3A_1280 = arith.maximumf %max3A_1181, %max3A_1279 : vector<16xf32>
      %add3A_1281 = arith.constant 3.200000e+01 : f32
      %add3A_1282 = vector.broadcast %add3A_1281 : f32 to vector<16xf32>
      %add3A_1283 = arith.addf %convert_element_type3A_222, %add3A_1282 : vector<16xf32>
      %sub3A_1284 = arith.subf %add3A_1283, %add3A_1256 : vector<16xf32>
      %mul3A_1285 = arith.mulf %sub3A_1284, %sub3A_1284 : vector<16xf32>
      %sub3A_1286 = arith.constant 1.000000e+00 : f32
      %sub3A_1287 = vector.broadcast %sub3A_1286 : f32 to vector<16xf32>
      %sub3A_1288 = arith.subf %sub3A_1287, %mul3A_1285 : vector<16xf32>
      %max3A_1289 = arith.constant 0.000000e+00 : f32
      %max3A_1290 = vector.broadcast %max3A_1289 : f32 to vector<16xf32>
      %max3A_1291 = arith.maximumf %max3A_1290, %sub3A_1288 : vector<16xf32>
      %max3A_1292 = arith.maximumf %max3A_1193, %max3A_1291 : vector<16xf32>
      %add3A_1293 = arith.constant 4.800000e+01 : f32
      %add3A_1294 = vector.broadcast %add3A_1293 : f32 to vector<16xf32>
      %add3A_1295 = arith.addf %convert_element_type3A_222, %add3A_1294 : vector<16xf32>
      %sub3A_1296 = arith.subf %add3A_1295, %add3A_1256 : vector<16xf32>
      %mul3A_1297 = arith.mulf %sub3A_1296, %sub3A_1296 : vector<16xf32>
      %sub3A_1298 = arith.constant 1.000000e+00 : f32
      %sub3A_1299 = vector.broadcast %sub3A_1298 : f32 to vector<16xf32>
      %sub3A_1300 = arith.subf %sub3A_1299, %mul3A_1297 : vector<16xf32>
      %max3A_1301 = arith.constant 0.000000e+00 : f32
      %max3A_1302 = vector.broadcast %max3A_1301 : f32 to vector<16xf32>
      %max3A_1303 = arith.maximumf %max3A_1302, %sub3A_1300 : vector<16xf32>
      %max3A_1304 = arith.maximumf %max3A_1205, %max3A_1303 : vector<16xf32>
      %sub3A_1305 = arith.constant 7.000000e+00 : f32
      %sub3A_1306 = vector.broadcast %sub3A_1305 : f32 to vector<16xf32>
      %sub3A_1307 = arith.subf %convert_element_type3A_222, %sub3A_1306 : vector<16xf32>
      %mul3A_1308 = arith.mulf %sub3A_1307, %sub3A_1307 : vector<16xf32>
      %sub3A_1309 = arith.constant 1.000000e+00 : f32
      %sub3A_1310 = vector.broadcast %sub3A_1309 : f32 to vector<16xf32>
      %sub3A_1311 = arith.subf %sub3A_1310, %mul3A_1308 : vector<16xf32>
      %max3A_1312 = arith.constant 0.000000e+00 : f32
      %max3A_1313 = vector.broadcast %max3A_1312 : f32 to vector<16xf32>
      %max3A_1314 = arith.maximumf %max3A_1313, %sub3A_1311 : vector<16xf32>
      %mul3A_1315 = arith.mulf %convert_element_type3A_605, %max3A_1314 : vector<16xf32>
      %add3A_1316 = arith.constant 8 : i32
      %add3A_1317 = vector.broadcast %add3A_1316 : i32 to vector<16xi32>
      %add3A_1318 = arith.addi %iota3A, %add3A_1317 : vector<16xi32>
      %broadcast_in_dim3A_1319 = arith.constant 16 : i32
      %broadcast_in_dim3A_1320 = vector.broadcast %broadcast_in_dim3A_1319 : i32 to vector<16xi32>
      %rem3A_1321 = arith.remsi %add3A_1318, %broadcast_in_dim3A_1320 : vector<16xi32>
      %broadcast_in_dim3A_1322 = vector.shape_cast %rem3A_1321 : vector<16xi32> to vector<16x1xi32>
      %gather3A_1323 = vector.shape_cast %broadcast_in_dim3A_1322 : vector<16x1xi32> to vector<16xi32>
      %gather3A_1324 = tpu.dynamic_gather %mul3A_1315[%gather3A_1323] in [0] : vector<16xf32>, vector<16xi32> -> vector<16xf32>
      %add3A_1325 = arith.addf %mul3A_1315, %gather3A_1324 : vector<16xf32>
      %add3A_1326 = arith.constant 4 : i32
      %add3A_1327 = vector.broadcast %add3A_1326 : i32 to vector<16xi32>
      %add3A_1328 = arith.addi %iota3A, %add3A_1327 : vector<16xi32>
      %broadcast_in_dim3A_1329 = arith.constant 16 : i32
      %broadcast_in_dim3A_1330 = vector.broadcast %broadcast_in_dim3A_1329 : i32 to vector<16xi32>
      %rem3A_1331 = arith.remsi %add3A_1328, %broadcast_in_dim3A_1330 : vector<16xi32>
      %broadcast_in_dim3A_1332 = vector.shape_cast %rem3A_1331 : vector<16xi32> to vector<16x1xi32>
      %gather3A_1333 = vector.shape_cast %broadcast_in_dim3A_1332 : vector<16x1xi32> to vector<16xi32>
      %gather3A_1334 = tpu.dynamic_gather %add3A_1325[%gather3A_1333] in [0] : vector<16xf32>, vector<16xi32> -> vector<16xf32>
      %add3A_1335 = arith.addf %add3A_1325, %gather3A_1334 : vector<16xf32>
      %add3A_1336 = arith.constant 2 : i32
      %add3A_1337 = vector.broadcast %add3A_1336 : i32 to vector<16xi32>
      %add3A_1338 = arith.addi %iota3A, %add3A_1337 : vector<16xi32>
      %broadcast_in_dim3A_1339 = arith.constant 16 : i32
      %broadcast_in_dim3A_1340 = vector.broadcast %broadcast_in_dim3A_1339 : i32 to vector<16xi32>
      %rem3A_1341 = arith.remsi %add3A_1338, %broadcast_in_dim3A_1340 : vector<16xi32>
      %broadcast_in_dim3A_1342 = vector.shape_cast %rem3A_1341 : vector<16xi32> to vector<16x1xi32>
      %gather3A_1343 = vector.shape_cast %broadcast_in_dim3A_1342 : vector<16x1xi32> to vector<16xi32>
      %gather3A_1344 = tpu.dynamic_gather %add3A_1335[%gather3A_1343] in [0] : vector<16xf32>, vector<16xi32> -> vector<16xf32>
      %add3A_1345 = arith.addf %add3A_1335, %gather3A_1344 : vector<16xf32>
      %add3A_1346 = arith.constant 1 : i32
      %add3A_1347 = vector.broadcast %add3A_1346 : i32 to vector<16xi32>
      %add3A_1348 = arith.addi %iota3A, %add3A_1347 : vector<16xi32>
      %broadcast_in_dim3A_1349 = arith.constant 16 : i32
      %broadcast_in_dim3A_1350 = vector.broadcast %broadcast_in_dim3A_1349 : i32 to vector<16xi32>
      %rem3A_1351 = arith.remsi %add3A_1348, %broadcast_in_dim3A_1350 : vector<16xi32>
      %broadcast_in_dim3A_1352 = vector.shape_cast %rem3A_1351 : vector<16xi32> to vector<16x1xi32>
      %gather3A_1353 = vector.shape_cast %broadcast_in_dim3A_1352 : vector<16x1xi32> to vector<16xi32>
      %gather3A_1354 = tpu.dynamic_gather %add3A_1345[%gather3A_1353] in [0] : vector<16xf32>, vector<16xi32> -> vector<16xf32>
      %add3A_1355 = arith.addf %add3A_1345, %gather3A_1354 : vector<16xf32>
      %add3A_1356 = arith.constant 0.000000e+00 : f32
      %add3A_1357 = vector.broadcast %add3A_1356 : f32 to vector<16xf32>
      %add3A_1358 = arith.addf %convert_element_type3A_222, %add3A_1357 : vector<16xf32>
      %sub3A_1359 = arith.subf %add3A_1358, %add3A_1355 : vector<16xf32>
      %mul3A_1360 = arith.mulf %sub3A_1359, %sub3A_1359 : vector<16xf32>
      %sub3A_1361 = arith.constant 1.000000e+00 : f32
      %sub3A_1362 = vector.broadcast %sub3A_1361 : f32 to vector<16xf32>
      %sub3A_1363 = arith.subf %sub3A_1362, %mul3A_1360 : vector<16xf32>
      %max3A_1364 = arith.constant 0.000000e+00 : f32
      %max3A_1365 = vector.broadcast %max3A_1364 : f32 to vector<16xf32>
      %max3A_1366 = arith.maximumf %max3A_1365, %sub3A_1363 : vector<16xf32>
      %max3A_1367 = arith.maximumf %max3A_1268, %max3A_1366 : vector<16xf32>
      %add3A_1368 = arith.constant 1.600000e+01 : f32
      %add3A_1369 = vector.broadcast %add3A_1368 : f32 to vector<16xf32>
      %add3A_1370 = arith.addf %convert_element_type3A_222, %add3A_1369 : vector<16xf32>
      %sub3A_1371 = arith.subf %add3A_1370, %add3A_1355 : vector<16xf32>
      %mul3A_1372 = arith.mulf %sub3A_1371, %sub3A_1371 : vector<16xf32>
      %sub3A_1373 = arith.constant 1.000000e+00 : f32
      %sub3A_1374 = vector.broadcast %sub3A_1373 : f32 to vector<16xf32>
      %sub3A_1375 = arith.subf %sub3A_1374, %mul3A_1372 : vector<16xf32>
      %max3A_1376 = arith.constant 0.000000e+00 : f32
      %max3A_1377 = vector.broadcast %max3A_1376 : f32 to vector<16xf32>
      %max3A_1378 = arith.maximumf %max3A_1377, %sub3A_1375 : vector<16xf32>
      %max3A_1379 = arith.maximumf %max3A_1280, %max3A_1378 : vector<16xf32>
      %add3A_1380 = arith.constant 3.200000e+01 : f32
      %add3A_1381 = vector.broadcast %add3A_1380 : f32 to vector<16xf32>
      %add3A_1382 = arith.addf %convert_element_type3A_222, %add3A_1381 : vector<16xf32>
      %sub3A_1383 = arith.subf %add3A_1382, %add3A_1355 : vector<16xf32>
      %mul3A_1384 = arith.mulf %sub3A_1383, %sub3A_1383 : vector<16xf32>
      %sub3A_1385 = arith.constant 1.000000e+00 : f32
      %sub3A_1386 = vector.broadcast %sub3A_1385 : f32 to vector<16xf32>
      %sub3A_1387 = arith.subf %sub3A_1386, %mul3A_1384 : vector<16xf32>
      %max3A_1388 = arith.constant 0.000000e+00 : f32
      %max3A_1389 = vector.broadcast %max3A_1388 : f32 to vector<16xf32>
      %max3A_1390 = arith.maximumf %max3A_1389, %sub3A_1387 : vector<16xf32>
      %max3A_1391 = arith.maximumf %max3A_1292, %max3A_1390 : vector<16xf32>
      %add3A_1392 = arith.constant 4.800000e+01 : f32
      %add3A_1393 = vector.broadcast %add3A_1392 : f32 to vector<16xf32>
      %add3A_1394 = arith.addf %convert_element_type3A_222, %add3A_1393 : vector<16xf32>
      %sub3A_1395 = arith.subf %add3A_1394, %add3A_1355 : vector<16xf32>
      %mul3A_1396 = arith.mulf %sub3A_1395, %sub3A_1395 : vector<16xf32>
      %sub3A_1397 = arith.constant 1.000000e+00 : f32
      %sub3A_1398 = vector.broadcast %sub3A_1397 : f32 to vector<16xf32>
      %sub3A_1399 = arith.subf %sub3A_1398, %mul3A_1396 : vector<16xf32>
      %max3A_1400 = arith.constant 0.000000e+00 : f32
      %max3A_1401 = vector.broadcast %max3A_1400 : f32 to vector<16xf32>
      %max3A_1402 = arith.maximumf %max3A_1401, %sub3A_1399 : vector<16xf32>
      %max3A_1403 = arith.maximumf %max3A_1304, %max3A_1402 : vector<16xf32>
      %add3A_1404 = arith.constant 8 : i32
      %add3A_1405 = vector.broadcast %add3A_1404 : i32 to vector<16xi32>
      %add3A_1406 = arith.addi %iota3A, %add3A_1405 : vector<16xi32>
      %broadcast_in_dim3A_1407 = arith.constant 16 : i32
      %broadcast_in_dim3A_1408 = vector.broadcast %broadcast_in_dim3A_1407 : i32 to vector<16xi32>
      %rem3A_1409 = arith.remsi %add3A_1406, %broadcast_in_dim3A_1408 : vector<16xi32>
      %broadcast_in_dim3A_1410 = vector.shape_cast %rem3A_1409 : vector<16xi32> to vector<16x1xi32>
      %gather3A_1411 = vector.shape_cast %broadcast_in_dim3A_1410 : vector<16x1xi32> to vector<16xi32>
      %gather3A_1412 = tpu.dynamic_gather %max3A_1367[%gather3A_1411] in [0] : vector<16xf32>, vector<16xi32> -> vector<16xf32>
      %add3A_1413 = arith.addf %max3A_1367, %gather3A_1412 : vector<16xf32>
      %add3A_1414 = arith.constant 4 : i32
      %add3A_1415 = vector.broadcast %add3A_1414 : i32 to vector<16xi32>
      %add3A_1416 = arith.addi %iota3A, %add3A_1415 : vector<16xi32>
      %broadcast_in_dim3A_1417 = arith.constant 16 : i32
      %broadcast_in_dim3A_1418 = vector.broadcast %broadcast_in_dim3A_1417 : i32 to vector<16xi32>
      %rem3A_1419 = arith.remsi %add3A_1416, %broadcast_in_dim3A_1418 : vector<16xi32>
      %broadcast_in_dim3A_1420 = vector.shape_cast %rem3A_1419 : vector<16xi32> to vector<16x1xi32>
      %gather3A_1421 = vector.shape_cast %broadcast_in_dim3A_1420 : vector<16x1xi32> to vector<16xi32>
      %gather3A_1422 = tpu.dynamic_gather %add3A_1413[%gather3A_1421] in [0] : vector<16xf32>, vector<16xi32> -> vector<16xf32>
      %add3A_1423 = arith.addf %add3A_1413, %gather3A_1422 : vector<16xf32>
      %add3A_1424 = arith.constant 2 : i32
      %add3A_1425 = vector.broadcast %add3A_1424 : i32 to vector<16xi32>
      %add3A_1426 = arith.addi %iota3A, %add3A_1425 : vector<16xi32>
      %broadcast_in_dim3A_1427 = arith.constant 16 : i32
      %broadcast_in_dim3A_1428 = vector.broadcast %broadcast_in_dim3A_1427 : i32 to vector<16xi32>
      %rem3A_1429 = arith.remsi %add3A_1426, %broadcast_in_dim3A_1428 : vector<16xi32>
      %broadcast_in_dim3A_1430 = vector.shape_cast %rem3A_1429 : vector<16xi32> to vector<16x1xi32>
      %gather3A_1431 = vector.shape_cast %broadcast_in_dim3A_1430 : vector<16x1xi32> to vector<16xi32>
      %gather3A_1432 = tpu.dynamic_gather %add3A_1423[%gather3A_1431] in [0] : vector<16xf32>, vector<16xi32> -> vector<16xf32>
      %add3A_1433 = arith.addf %add3A_1423, %gather3A_1432 : vector<16xf32>
      %add3A_1434 = arith.constant 1 : i32
      %add3A_1435 = vector.broadcast %add3A_1434 : i32 to vector<16xi32>
      %add3A_1436 = arith.addi %iota3A, %add3A_1435 : vector<16xi32>
      %broadcast_in_dim3A_1437 = arith.constant 16 : i32
      %broadcast_in_dim3A_1438 = vector.broadcast %broadcast_in_dim3A_1437 : i32 to vector<16xi32>
      %rem3A_1439 = arith.remsi %add3A_1436, %broadcast_in_dim3A_1438 : vector<16xi32>
      %broadcast_in_dim3A_1440 = vector.shape_cast %rem3A_1439 : vector<16xi32> to vector<16x1xi32>
      %gather3A_1441 = vector.shape_cast %broadcast_in_dim3A_1440 : vector<16x1xi32> to vector<16xi32>
      %gather3A_1442 = tpu.dynamic_gather %add3A_1433[%gather3A_1441] in [0] : vector<16xf32>, vector<16xi32> -> vector<16xf32>
      %add3A_1443 = arith.addf %add3A_1433, %gather3A_1442 : vector<16xf32>
      %add3A_1444 = arith.addf %broadcast_in_dim3A_45, %add3A_1443 : vector<16xf32>
      %mul3A_1445 = arith.mulf %max3A_1367, %add3A_316 : vector<16xf32>
      %add3A_1446 = arith.constant 8 : i32
      %add3A_1447 = vector.broadcast %add3A_1446 : i32 to vector<16xi32>
      %add3A_1448 = arith.addi %iota3A, %add3A_1447 : vector<16xi32>
      %broadcast_in_dim3A_1449 = arith.constant 16 : i32
      %broadcast_in_dim3A_1450 = vector.broadcast %broadcast_in_dim3A_1449 : i32 to vector<16xi32>
      %rem3A_1451 = arith.remsi %add3A_1448, %broadcast_in_dim3A_1450 : vector<16xi32>
      %broadcast_in_dim3A_1452 = vector.shape_cast %rem3A_1451 : vector<16xi32> to vector<16x1xi32>
      %gather3A_1453 = vector.shape_cast %broadcast_in_dim3A_1452 : vector<16x1xi32> to vector<16xi32>
      %gather3A_1454 = tpu.dynamic_gather %mul3A_1445[%gather3A_1453] in [0] : vector<16xf32>, vector<16xi32> -> vector<16xf32>
      %add3A_1455 = arith.addf %mul3A_1445, %gather3A_1454 : vector<16xf32>
      %add3A_1456 = arith.constant 4 : i32
      %add3A_1457 = vector.broadcast %add3A_1456 : i32 to vector<16xi32>
      %add3A_1458 = arith.addi %iota3A, %add3A_1457 : vector<16xi32>
      %broadcast_in_dim3A_1459 = arith.constant 16 : i32
      %broadcast_in_dim3A_1460 = vector.broadcast %broadcast_in_dim3A_1459 : i32 to vector<16xi32>
      %rem3A_1461 = arith.remsi %add3A_1458, %broadcast_in_dim3A_1460 : vector<16xi32>
      %broadcast_in_dim3A_1462 = vector.shape_cast %rem3A_1461 : vector<16xi32> to vector<16x1xi32>
      %gather3A_1463 = vector.shape_cast %broadcast_in_dim3A_1462 : vector<16x1xi32> to vector<16xi32>
      %gather3A_1464 = tpu.dynamic_gather %add3A_1455[%gather3A_1463] in [0] : vector<16xf32>, vector<16xi32> -> vector<16xf32>
      %add3A_1465 = arith.addf %add3A_1455, %gather3A_1464 : vector<16xf32>
      %add3A_1466 = arith.constant 2 : i32
      %add3A_1467 = vector.broadcast %add3A_1466 : i32 to vector<16xi32>
      %add3A_1468 = arith.addi %iota3A, %add3A_1467 : vector<16xi32>
      %broadcast_in_dim3A_1469 = arith.constant 16 : i32
      %broadcast_in_dim3A_1470 = vector.broadcast %broadcast_in_dim3A_1469 : i32 to vector<16xi32>
      %rem3A_1471 = arith.remsi %add3A_1468, %broadcast_in_dim3A_1470 : vector<16xi32>
      %broadcast_in_dim3A_1472 = vector.shape_cast %rem3A_1471 : vector<16xi32> to vector<16x1xi32>
      %gather3A_1473 = vector.shape_cast %broadcast_in_dim3A_1472 : vector<16x1xi32> to vector<16xi32>
      %gather3A_1474 = tpu.dynamic_gather %add3A_1465[%gather3A_1473] in [0] : vector<16xf32>, vector<16xi32> -> vector<16xf32>
      %add3A_1475 = arith.addf %add3A_1465, %gather3A_1474 : vector<16xf32>
      %add3A_1476 = arith.constant 1 : i32
      %add3A_1477 = vector.broadcast %add3A_1476 : i32 to vector<16xi32>
      %add3A_1478 = arith.addi %iota3A, %add3A_1477 : vector<16xi32>
      %broadcast_in_dim3A_1479 = arith.constant 16 : i32
      %broadcast_in_dim3A_1480 = vector.broadcast %broadcast_in_dim3A_1479 : i32 to vector<16xi32>
      %rem3A_1481 = arith.remsi %add3A_1478, %broadcast_in_dim3A_1480 : vector<16xi32>
      %broadcast_in_dim3A_1482 = vector.shape_cast %rem3A_1481 : vector<16xi32> to vector<16x1xi32>
      %gather3A_1483 = vector.shape_cast %broadcast_in_dim3A_1482 : vector<16x1xi32> to vector<16xi32>
      %gather3A_1484 = tpu.dynamic_gather %add3A_1475[%gather3A_1483] in [0] : vector<16xf32>, vector<16xi32> -> vector<16xf32>
      %add3A_1485 = arith.addf %add3A_1475, %gather3A_1484 : vector<16xf32>
      %add3A_1486 = arith.addf %broadcast_in_dim3A_45, %add3A_1485 : vector<16xf32>
      %add3A_1487 = arith.constant 8 : i32
      %add3A_1488 = vector.broadcast %add3A_1487 : i32 to vector<16xi32>
      %add3A_1489 = arith.addi %iota3A, %add3A_1488 : vector<16xi32>
      %broadcast_in_dim3A_1490 = arith.constant 16 : i32
      %broadcast_in_dim3A_1491 = vector.broadcast %broadcast_in_dim3A_1490 : i32 to vector<16xi32>
      %rem3A_1492 = arith.remsi %add3A_1489, %broadcast_in_dim3A_1491 : vector<16xi32>
      %broadcast_in_dim3A_1493 = vector.shape_cast %rem3A_1492 : vector<16xi32> to vector<16x1xi32>
      %gather3A_1494 = vector.shape_cast %broadcast_in_dim3A_1493 : vector<16x1xi32> to vector<16xi32>
      %gather3A_1495 = tpu.dynamic_gather %max3A_1379[%gather3A_1494] in [0] : vector<16xf32>, vector<16xi32> -> vector<16xf32>
      %add3A_1496 = arith.addf %max3A_1379, %gather3A_1495 : vector<16xf32>
      %add3A_1497 = arith.constant 4 : i32
      %add3A_1498 = vector.broadcast %add3A_1497 : i32 to vector<16xi32>
      %add3A_1499 = arith.addi %iota3A, %add3A_1498 : vector<16xi32>
      %broadcast_in_dim3A_1500 = arith.constant 16 : i32
      %broadcast_in_dim3A_1501 = vector.broadcast %broadcast_in_dim3A_1500 : i32 to vector<16xi32>
      %rem3A_1502 = arith.remsi %add3A_1499, %broadcast_in_dim3A_1501 : vector<16xi32>
      %broadcast_in_dim3A_1503 = vector.shape_cast %rem3A_1502 : vector<16xi32> to vector<16x1xi32>
      %gather3A_1504 = vector.shape_cast %broadcast_in_dim3A_1503 : vector<16x1xi32> to vector<16xi32>
      %gather3A_1505 = tpu.dynamic_gather %add3A_1496[%gather3A_1504] in [0] : vector<16xf32>, vector<16xi32> -> vector<16xf32>
      %add3A_1506 = arith.addf %add3A_1496, %gather3A_1505 : vector<16xf32>
      %add3A_1507 = arith.constant 2 : i32
      %add3A_1508 = vector.broadcast %add3A_1507 : i32 to vector<16xi32>
      %add3A_1509 = arith.addi %iota3A, %add3A_1508 : vector<16xi32>
      %broadcast_in_dim3A_1510 = arith.constant 16 : i32
      %broadcast_in_dim3A_1511 = vector.broadcast %broadcast_in_dim3A_1510 : i32 to vector<16xi32>
      %rem3A_1512 = arith.remsi %add3A_1509, %broadcast_in_dim3A_1511 : vector<16xi32>
      %broadcast_in_dim3A_1513 = vector.shape_cast %rem3A_1512 : vector<16xi32> to vector<16x1xi32>
      %gather3A_1514 = vector.shape_cast %broadcast_in_dim3A_1513 : vector<16x1xi32> to vector<16xi32>
      %gather3A_1515 = tpu.dynamic_gather %add3A_1506[%gather3A_1514] in [0] : vector<16xf32>, vector<16xi32> -> vector<16xf32>
      %add3A_1516 = arith.addf %add3A_1506, %gather3A_1515 : vector<16xf32>
      %add3A_1517 = arith.constant 1 : i32
      %add3A_1518 = vector.broadcast %add3A_1517 : i32 to vector<16xi32>
      %add3A_1519 = arith.addi %iota3A, %add3A_1518 : vector<16xi32>
      %broadcast_in_dim3A_1520 = arith.constant 16 : i32
      %broadcast_in_dim3A_1521 = vector.broadcast %broadcast_in_dim3A_1520 : i32 to vector<16xi32>
      %rem3A_1522 = arith.remsi %add3A_1519, %broadcast_in_dim3A_1521 : vector<16xi32>
      %broadcast_in_dim3A_1523 = vector.shape_cast %rem3A_1522 : vector<16xi32> to vector<16x1xi32>
      %gather3A_1524 = vector.shape_cast %broadcast_in_dim3A_1523 : vector<16x1xi32> to vector<16xi32>
      %gather3A_1525 = tpu.dynamic_gather %add3A_1516[%gather3A_1524] in [0] : vector<16xf32>, vector<16xi32> -> vector<16xf32>
      %add3A_1526 = arith.addf %add3A_1516, %gather3A_1525 : vector<16xf32>
      %add3A_1527 = arith.addf %add3A_1444, %add3A_1526 : vector<16xf32>
      %mul3A_1528 = arith.mulf %max3A_1379, %add3A_411 : vector<16xf32>
      %add3A_1529 = arith.constant 8 : i32
      %add3A_1530 = vector.broadcast %add3A_1529 : i32 to vector<16xi32>
      %add3A_1531 = arith.addi %iota3A, %add3A_1530 : vector<16xi32>
      %broadcast_in_dim3A_1532 = arith.constant 16 : i32
      %broadcast_in_dim3A_1533 = vector.broadcast %broadcast_in_dim3A_1532 : i32 to vector<16xi32>
      %rem3A_1534 = arith.remsi %add3A_1531, %broadcast_in_dim3A_1533 : vector<16xi32>
      %broadcast_in_dim3A_1535 = vector.shape_cast %rem3A_1534 : vector<16xi32> to vector<16x1xi32>
      %gather3A_1536 = vector.shape_cast %broadcast_in_dim3A_1535 : vector<16x1xi32> to vector<16xi32>
      %gather3A_1537 = tpu.dynamic_gather %mul3A_1528[%gather3A_1536] in [0] : vector<16xf32>, vector<16xi32> -> vector<16xf32>
      %add3A_1538 = arith.addf %mul3A_1528, %gather3A_1537 : vector<16xf32>
      %add3A_1539 = arith.constant 4 : i32
      %add3A_1540 = vector.broadcast %add3A_1539 : i32 to vector<16xi32>
      %add3A_1541 = arith.addi %iota3A, %add3A_1540 : vector<16xi32>
      %broadcast_in_dim3A_1542 = arith.constant 16 : i32
      %broadcast_in_dim3A_1543 = vector.broadcast %broadcast_in_dim3A_1542 : i32 to vector<16xi32>
      %rem3A_1544 = arith.remsi %add3A_1541, %broadcast_in_dim3A_1543 : vector<16xi32>
      %broadcast_in_dim3A_1545 = vector.shape_cast %rem3A_1544 : vector<16xi32> to vector<16x1xi32>
      %gather3A_1546 = vector.shape_cast %broadcast_in_dim3A_1545 : vector<16x1xi32> to vector<16xi32>
      %gather3A_1547 = tpu.dynamic_gather %add3A_1538[%gather3A_1546] in [0] : vector<16xf32>, vector<16xi32> -> vector<16xf32>
      %add3A_1548 = arith.addf %add3A_1538, %gather3A_1547 : vector<16xf32>
      %add3A_1549 = arith.constant 2 : i32
      %add3A_1550 = vector.broadcast %add3A_1549 : i32 to vector<16xi32>
      %add3A_1551 = arith.addi %iota3A, %add3A_1550 : vector<16xi32>
      %broadcast_in_dim3A_1552 = arith.constant 16 : i32
      %broadcast_in_dim3A_1553 = vector.broadcast %broadcast_in_dim3A_1552 : i32 to vector<16xi32>
      %rem3A_1554 = arith.remsi %add3A_1551, %broadcast_in_dim3A_1553 : vector<16xi32>
      %broadcast_in_dim3A_1555 = vector.shape_cast %rem3A_1554 : vector<16xi32> to vector<16x1xi32>
      %gather3A_1556 = vector.shape_cast %broadcast_in_dim3A_1555 : vector<16x1xi32> to vector<16xi32>
      %gather3A_1557 = tpu.dynamic_gather %add3A_1548[%gather3A_1556] in [0] : vector<16xf32>, vector<16xi32> -> vector<16xf32>
      %add3A_1558 = arith.addf %add3A_1548, %gather3A_1557 : vector<16xf32>
      %add3A_1559 = arith.constant 1 : i32
      %add3A_1560 = vector.broadcast %add3A_1559 : i32 to vector<16xi32>
      %add3A_1561 = arith.addi %iota3A, %add3A_1560 : vector<16xi32>
      %broadcast_in_dim3A_1562 = arith.constant 16 : i32
      %broadcast_in_dim3A_1563 = vector.broadcast %broadcast_in_dim3A_1562 : i32 to vector<16xi32>
      %rem3A_1564 = arith.remsi %add3A_1561, %broadcast_in_dim3A_1563 : vector<16xi32>
      %broadcast_in_dim3A_1565 = vector.shape_cast %rem3A_1564 : vector<16xi32> to vector<16x1xi32>
      %gather3A_1566 = vector.shape_cast %broadcast_in_dim3A_1565 : vector<16x1xi32> to vector<16xi32>
      %gather3A_1567 = tpu.dynamic_gather %add3A_1558[%gather3A_1566] in [0] : vector<16xf32>, vector<16xi32> -> vector<16xf32>
      %add3A_1568 = arith.addf %add3A_1558, %gather3A_1567 : vector<16xf32>
      %add3A_1569 = arith.addf %add3A_1486, %add3A_1568 : vector<16xf32>
      %add3A_1570 = arith.constant 8 : i32
      %add3A_1571 = vector.broadcast %add3A_1570 : i32 to vector<16xi32>
      %add3A_1572 = arith.addi %iota3A, %add3A_1571 : vector<16xi32>
      %broadcast_in_dim3A_1573 = arith.constant 16 : i32
      %broadcast_in_dim3A_1574 = vector.broadcast %broadcast_in_dim3A_1573 : i32 to vector<16xi32>
      %rem3A_1575 = arith.remsi %add3A_1572, %broadcast_in_dim3A_1574 : vector<16xi32>
      %broadcast_in_dim3A_1576 = vector.shape_cast %rem3A_1575 : vector<16xi32> to vector<16x1xi32>
      %gather3A_1577 = vector.shape_cast %broadcast_in_dim3A_1576 : vector<16x1xi32> to vector<16xi32>
      %gather3A_1578 = tpu.dynamic_gather %max3A_1391[%gather3A_1577] in [0] : vector<16xf32>, vector<16xi32> -> vector<16xf32>
      %add3A_1579 = arith.addf %max3A_1391, %gather3A_1578 : vector<16xf32>
      %add3A_1580 = arith.constant 4 : i32
      %add3A_1581 = vector.broadcast %add3A_1580 : i32 to vector<16xi32>
      %add3A_1582 = arith.addi %iota3A, %add3A_1581 : vector<16xi32>
      %broadcast_in_dim3A_1583 = arith.constant 16 : i32
      %broadcast_in_dim3A_1584 = vector.broadcast %broadcast_in_dim3A_1583 : i32 to vector<16xi32>
      %rem3A_1585 = arith.remsi %add3A_1582, %broadcast_in_dim3A_1584 : vector<16xi32>
      %broadcast_in_dim3A_1586 = vector.shape_cast %rem3A_1585 : vector<16xi32> to vector<16x1xi32>
      %gather3A_1587 = vector.shape_cast %broadcast_in_dim3A_1586 : vector<16x1xi32> to vector<16xi32>
      %gather3A_1588 = tpu.dynamic_gather %add3A_1579[%gather3A_1587] in [0] : vector<16xf32>, vector<16xi32> -> vector<16xf32>
      %add3A_1589 = arith.addf %add3A_1579, %gather3A_1588 : vector<16xf32>
      %add3A_1590 = arith.constant 2 : i32
      %add3A_1591 = vector.broadcast %add3A_1590 : i32 to vector<16xi32>
      %add3A_1592 = arith.addi %iota3A, %add3A_1591 : vector<16xi32>
      %broadcast_in_dim3A_1593 = arith.constant 16 : i32
      %broadcast_in_dim3A_1594 = vector.broadcast %broadcast_in_dim3A_1593 : i32 to vector<16xi32>
      %rem3A_1595 = arith.remsi %add3A_1592, %broadcast_in_dim3A_1594 : vector<16xi32>
      %broadcast_in_dim3A_1596 = vector.shape_cast %rem3A_1595 : vector<16xi32> to vector<16x1xi32>
      %gather3A_1597 = vector.shape_cast %broadcast_in_dim3A_1596 : vector<16x1xi32> to vector<16xi32>
      %gather3A_1598 = tpu.dynamic_gather %add3A_1589[%gather3A_1597] in [0] : vector<16xf32>, vector<16xi32> -> vector<16xf32>
      %add3A_1599 = arith.addf %add3A_1589, %gather3A_1598 : vector<16xf32>
      %add3A_1600 = arith.constant 1 : i32
      %add3A_1601 = vector.broadcast %add3A_1600 : i32 to vector<16xi32>
      %add3A_1602 = arith.addi %iota3A, %add3A_1601 : vector<16xi32>
      %broadcast_in_dim3A_1603 = arith.constant 16 : i32
      %broadcast_in_dim3A_1604 = vector.broadcast %broadcast_in_dim3A_1603 : i32 to vector<16xi32>
      %rem3A_1605 = arith.remsi %add3A_1602, %broadcast_in_dim3A_1604 : vector<16xi32>
      %broadcast_in_dim3A_1606 = vector.shape_cast %rem3A_1605 : vector<16xi32> to vector<16x1xi32>
      %gather3A_1607 = vector.shape_cast %broadcast_in_dim3A_1606 : vector<16x1xi32> to vector<16xi32>
      %gather3A_1608 = tpu.dynamic_gather %add3A_1599[%gather3A_1607] in [0] : vector<16xf32>, vector<16xi32> -> vector<16xf32>
      %add3A_1609 = arith.addf %add3A_1599, %gather3A_1608 : vector<16xf32>
      %add3A_1610 = arith.addf %add3A_1527, %add3A_1609 : vector<16xf32>
      %mul3A_1611 = arith.mulf %max3A_1391, %add3A_506 : vector<16xf32>
      %add3A_1612 = arith.constant 8 : i32
      %add3A_1613 = vector.broadcast %add3A_1612 : i32 to vector<16xi32>
      %add3A_1614 = arith.addi %iota3A, %add3A_1613 : vector<16xi32>
      %broadcast_in_dim3A_1615 = arith.constant 16 : i32
      %broadcast_in_dim3A_1616 = vector.broadcast %broadcast_in_dim3A_1615 : i32 to vector<16xi32>
      %rem3A_1617 = arith.remsi %add3A_1614, %broadcast_in_dim3A_1616 : vector<16xi32>
      %broadcast_in_dim3A_1618 = vector.shape_cast %rem3A_1617 : vector<16xi32> to vector<16x1xi32>
      %gather3A_1619 = vector.shape_cast %broadcast_in_dim3A_1618 : vector<16x1xi32> to vector<16xi32>
      %gather3A_1620 = tpu.dynamic_gather %mul3A_1611[%gather3A_1619] in [0] : vector<16xf32>, vector<16xi32> -> vector<16xf32>
      %add3A_1621 = arith.addf %mul3A_1611, %gather3A_1620 : vector<16xf32>
      %add3A_1622 = arith.constant 4 : i32
      %add3A_1623 = vector.broadcast %add3A_1622 : i32 to vector<16xi32>
      %add3A_1624 = arith.addi %iota3A, %add3A_1623 : vector<16xi32>
      %broadcast_in_dim3A_1625 = arith.constant 16 : i32
      %broadcast_in_dim3A_1626 = vector.broadcast %broadcast_in_dim3A_1625 : i32 to vector<16xi32>
      %rem3A_1627 = arith.remsi %add3A_1624, %broadcast_in_dim3A_1626 : vector<16xi32>
      %broadcast_in_dim3A_1628 = vector.shape_cast %rem3A_1627 : vector<16xi32> to vector<16x1xi32>
      %gather3A_1629 = vector.shape_cast %broadcast_in_dim3A_1628 : vector<16x1xi32> to vector<16xi32>
      %gather3A_1630 = tpu.dynamic_gather %add3A_1621[%gather3A_1629] in [0] : vector<16xf32>, vector<16xi32> -> vector<16xf32>
      %add3A_1631 = arith.addf %add3A_1621, %gather3A_1630 : vector<16xf32>
      %add3A_1632 = arith.constant 2 : i32
      %add3A_1633 = vector.broadcast %add3A_1632 : i32 to vector<16xi32>
      %add3A_1634 = arith.addi %iota3A, %add3A_1633 : vector<16xi32>
      %broadcast_in_dim3A_1635 = arith.constant 16 : i32
      %broadcast_in_dim3A_1636 = vector.broadcast %broadcast_in_dim3A_1635 : i32 to vector<16xi32>
      %rem3A_1637 = arith.remsi %add3A_1634, %broadcast_in_dim3A_1636 : vector<16xi32>
      %broadcast_in_dim3A_1638 = vector.shape_cast %rem3A_1637 : vector<16xi32> to vector<16x1xi32>
      %gather3A_1639 = vector.shape_cast %broadcast_in_dim3A_1638 : vector<16x1xi32> to vector<16xi32>
      %gather3A_1640 = tpu.dynamic_gather %add3A_1631[%gather3A_1639] in [0] : vector<16xf32>, vector<16xi32> -> vector<16xf32>
      %add3A_1641 = arith.addf %add3A_1631, %gather3A_1640 : vector<16xf32>
      %add3A_1642 = arith.constant 1 : i32
      %add3A_1643 = vector.broadcast %add3A_1642 : i32 to vector<16xi32>
      %add3A_1644 = arith.addi %iota3A, %add3A_1643 : vector<16xi32>
      %broadcast_in_dim3A_1645 = arith.constant 16 : i32
      %broadcast_in_dim3A_1646 = vector.broadcast %broadcast_in_dim3A_1645 : i32 to vector<16xi32>
      %rem3A_1647 = arith.remsi %add3A_1644, %broadcast_in_dim3A_1646 : vector<16xi32>
      %broadcast_in_dim3A_1648 = vector.shape_cast %rem3A_1647 : vector<16xi32> to vector<16x1xi32>
      %gather3A_1649 = vector.shape_cast %broadcast_in_dim3A_1648 : vector<16x1xi32> to vector<16xi32>
      %gather3A_1650 = tpu.dynamic_gather %add3A_1641[%gather3A_1649] in [0] : vector<16xf32>, vector<16xi32> -> vector<16xf32>
      %add3A_1651 = arith.addf %add3A_1641, %gather3A_1650 : vector<16xf32>
      %add3A_1652 = arith.addf %add3A_1569, %add3A_1651 : vector<16xf32>
      %add3A_1653 = arith.constant 8 : i32
      %add3A_1654 = vector.broadcast %add3A_1653 : i32 to vector<16xi32>
      %add3A_1655 = arith.addi %iota3A, %add3A_1654 : vector<16xi32>
      %broadcast_in_dim3A_1656 = arith.constant 16 : i32
      %broadcast_in_dim3A_1657 = vector.broadcast %broadcast_in_dim3A_1656 : i32 to vector<16xi32>
      %rem3A_1658 = arith.remsi %add3A_1655, %broadcast_in_dim3A_1657 : vector<16xi32>
      %broadcast_in_dim3A_1659 = vector.shape_cast %rem3A_1658 : vector<16xi32> to vector<16x1xi32>
      %gather3A_1660 = vector.shape_cast %broadcast_in_dim3A_1659 : vector<16x1xi32> to vector<16xi32>
      %gather3A_1661 = tpu.dynamic_gather %max3A_1403[%gather3A_1660] in [0] : vector<16xf32>, vector<16xi32> -> vector<16xf32>
      %add3A_1662 = arith.addf %max3A_1403, %gather3A_1661 : vector<16xf32>
      %add3A_1663 = arith.constant 4 : i32
      %add3A_1664 = vector.broadcast %add3A_1663 : i32 to vector<16xi32>
      %add3A_1665 = arith.addi %iota3A, %add3A_1664 : vector<16xi32>
      %broadcast_in_dim3A_1666 = arith.constant 16 : i32
      %broadcast_in_dim3A_1667 = vector.broadcast %broadcast_in_dim3A_1666 : i32 to vector<16xi32>
      %rem3A_1668 = arith.remsi %add3A_1665, %broadcast_in_dim3A_1667 : vector<16xi32>
      %broadcast_in_dim3A_1669 = vector.shape_cast %rem3A_1668 : vector<16xi32> to vector<16x1xi32>
      %gather3A_1670 = vector.shape_cast %broadcast_in_dim3A_1669 : vector<16x1xi32> to vector<16xi32>
      %gather3A_1671 = tpu.dynamic_gather %add3A_1662[%gather3A_1670] in [0] : vector<16xf32>, vector<16xi32> -> vector<16xf32>
      %add3A_1672 = arith.addf %add3A_1662, %gather3A_1671 : vector<16xf32>
      %add3A_1673 = arith.constant 2 : i32
      %add3A_1674 = vector.broadcast %add3A_1673 : i32 to vector<16xi32>
      %add3A_1675 = arith.addi %iota3A, %add3A_1674 : vector<16xi32>
      %broadcast_in_dim3A_1676 = arith.constant 16 : i32
      %broadcast_in_dim3A_1677 = vector.broadcast %broadcast_in_dim3A_1676 : i32 to vector<16xi32>
      %rem3A_1678 = arith.remsi %add3A_1675, %broadcast_in_dim3A_1677 : vector<16xi32>
      %broadcast_in_dim3A_1679 = vector.shape_cast %rem3A_1678 : vector<16xi32> to vector<16x1xi32>
      %gather3A_1680 = vector.shape_cast %broadcast_in_dim3A_1679 : vector<16x1xi32> to vector<16xi32>
      %gather3A_1681 = tpu.dynamic_gather %add3A_1672[%gather3A_1680] in [0] : vector<16xf32>, vector<16xi32> -> vector<16xf32>
      %add3A_1682 = arith.addf %add3A_1672, %gather3A_1681 : vector<16xf32>
      %add3A_1683 = arith.constant 1 : i32
      %add3A_1684 = vector.broadcast %add3A_1683 : i32 to vector<16xi32>
      %add3A_1685 = arith.addi %iota3A, %add3A_1684 : vector<16xi32>
      %broadcast_in_dim3A_1686 = arith.constant 16 : i32
      %broadcast_in_dim3A_1687 = vector.broadcast %broadcast_in_dim3A_1686 : i32 to vector<16xi32>
      %rem3A_1688 = arith.remsi %add3A_1685, %broadcast_in_dim3A_1687 : vector<16xi32>
      %broadcast_in_dim3A_1689 = vector.shape_cast %rem3A_1688 : vector<16xi32> to vector<16x1xi32>
      %gather3A_1690 = vector.shape_cast %broadcast_in_dim3A_1689 : vector<16x1xi32> to vector<16xi32>
      %gather3A_1691 = tpu.dynamic_gather %add3A_1682[%gather3A_1690] in [0] : vector<16xf32>, vector<16xi32> -> vector<16xf32>
      %add3A_1692 = arith.addf %add3A_1682, %gather3A_1691 : vector<16xf32>
      %add3A_1693 = arith.addf %add3A_1610, %add3A_1692 : vector<16xf32>
      %mul3A_1694 = arith.mulf %max3A_1403, %add3A_601 : vector<16xf32>
      %add3A_1695 = arith.constant 8 : i32
      %add3A_1696 = vector.broadcast %add3A_1695 : i32 to vector<16xi32>
      %add3A_1697 = arith.addi %iota3A, %add3A_1696 : vector<16xi32>
      %broadcast_in_dim3A_1698 = arith.constant 16 : i32
      %broadcast_in_dim3A_1699 = vector.broadcast %broadcast_in_dim3A_1698 : i32 to vector<16xi32>
      %rem3A_1700 = arith.remsi %add3A_1697, %broadcast_in_dim3A_1699 : vector<16xi32>
      %broadcast_in_dim3A_1701 = vector.shape_cast %rem3A_1700 : vector<16xi32> to vector<16x1xi32>
      %gather3A_1702 = vector.shape_cast %broadcast_in_dim3A_1701 : vector<16x1xi32> to vector<16xi32>
      %gather3A_1703 = tpu.dynamic_gather %mul3A_1694[%gather3A_1702] in [0] : vector<16xf32>, vector<16xi32> -> vector<16xf32>
      %add3A_1704 = arith.addf %mul3A_1694, %gather3A_1703 : vector<16xf32>
      %add3A_1705 = arith.constant 4 : i32
      %add3A_1706 = vector.broadcast %add3A_1705 : i32 to vector<16xi32>
      %add3A_1707 = arith.addi %iota3A, %add3A_1706 : vector<16xi32>
      %broadcast_in_dim3A_1708 = arith.constant 16 : i32
      %broadcast_in_dim3A_1709 = vector.broadcast %broadcast_in_dim3A_1708 : i32 to vector<16xi32>
      %rem3A_1710 = arith.remsi %add3A_1707, %broadcast_in_dim3A_1709 : vector<16xi32>
      %broadcast_in_dim3A_1711 = vector.shape_cast %rem3A_1710 : vector<16xi32> to vector<16x1xi32>
      %gather3A_1712 = vector.shape_cast %broadcast_in_dim3A_1711 : vector<16x1xi32> to vector<16xi32>
      %gather3A_1713 = tpu.dynamic_gather %add3A_1704[%gather3A_1712] in [0] : vector<16xf32>, vector<16xi32> -> vector<16xf32>
      %add3A_1714 = arith.addf %add3A_1704, %gather3A_1713 : vector<16xf32>
      %add3A_1715 = arith.constant 2 : i32
      %add3A_1716 = vector.broadcast %add3A_1715 : i32 to vector<16xi32>
      %add3A_1717 = arith.addi %iota3A, %add3A_1716 : vector<16xi32>
      %broadcast_in_dim3A_1718 = arith.constant 16 : i32
      %broadcast_in_dim3A_1719 = vector.broadcast %broadcast_in_dim3A_1718 : i32 to vector<16xi32>
      %rem3A_1720 = arith.remsi %add3A_1717, %broadcast_in_dim3A_1719 : vector<16xi32>
      %broadcast_in_dim3A_1721 = vector.shape_cast %rem3A_1720 : vector<16xi32> to vector<16x1xi32>
      %gather3A_1722 = vector.shape_cast %broadcast_in_dim3A_1721 : vector<16x1xi32> to vector<16xi32>
      %gather3A_1723 = tpu.dynamic_gather %add3A_1714[%gather3A_1722] in [0] : vector<16xf32>, vector<16xi32> -> vector<16xf32>
      %add3A_1724 = arith.addf %add3A_1714, %gather3A_1723 : vector<16xf32>
      %add3A_1725 = arith.constant 1 : i32
      %add3A_1726 = vector.broadcast %add3A_1725 : i32 to vector<16xi32>
      %add3A_1727 = arith.addi %iota3A, %add3A_1726 : vector<16xi32>
      %broadcast_in_dim3A_1728 = arith.constant 16 : i32
      %broadcast_in_dim3A_1729 = vector.broadcast %broadcast_in_dim3A_1728 : i32 to vector<16xi32>
      %rem3A_1730 = arith.remsi %add3A_1727, %broadcast_in_dim3A_1729 : vector<16xi32>
      %broadcast_in_dim3A_1731 = vector.shape_cast %rem3A_1730 : vector<16xi32> to vector<16x1xi32>
      %gather3A_1732 = vector.shape_cast %broadcast_in_dim3A_1731 : vector<16x1xi32> to vector<16xi32>
      %gather3A_1733 = tpu.dynamic_gather %add3A_1724[%gather3A_1732] in [0] : vector<16xf32>, vector<16xi32> -> vector<16xf32>
      %add3A_1734 = arith.addf %add3A_1724, %gather3A_1733 : vector<16xf32>
      %add3A_1735 = arith.addf %add3A_1652, %add3A_1734 : vector<16xf32>
      %mul3A_1736 = arith.constant 1.250000e-01 : f32
      %mul3A_1737 = vector.broadcast %mul3A_1736 : f32 to vector<16xf32>
      %mul3A_1738 = arith.mulf %add3A_1693, %mul3A_1737 : vector<16xf32>
      %mul3A_1739 = arith.constant -2.07944155 : f32
      %mul3A_1740 = vector.broadcast %mul3A_1739 : f32 to vector<16xf32>
      %mul3A_1741 = arith.mulf %mul3A_1738, %mul3A_1740 : vector<16xf32>
      %mul3A_1742 = arith.constant 1.250000e-01 : f32
      %mul3A_1743 = vector.broadcast %mul3A_1742 : f32 to vector<16xf32>
      %mul3A_1744 = arith.mulf %mul3A_1743, %add3A_1735 : vector<16xf32>
      %mul3A_1745 = arith.constant 3.05175781E-5 : f32
      %mul3A_1746 = vector.broadcast %mul3A_1745 : f32 to vector<16xf32>
      %mul3A_1747 = arith.mulf %mul3A_1744, %mul3A_1746 : vector<16xf32>
      %sub3A_1748 = arith.subf %mul3A_1741, %mul3A_1747 : vector<16xf32>
      %get3A_1749 = arith.constant 0 : index
      %get3A_1750 = tpu.vector_load %arg13[%get3A_1749] {strides = array<i32>} : memref<64xf32, #tpu.memory_space<vmem>>, vector<16xf32>,
      %get3A_1751 = vector.shape_cast %get3A_1750 : vector<16xf32> to vector<16xf32>
      %get3A_1752 = arith.constant 16 : index
      %get3A_1753 = tpu.vector_load %arg13[%get3A_1752] {strides = array<i32>} : memref<64xf32, #tpu.memory_space<vmem>>, vector<16xf32>,
      %get3A_1754 = vector.shape_cast %get3A_1753 : vector<16xf32> to vector<16xf32>
      %get3A_1755 = arith.constant 32 : index
      %get3A_1756 = tpu.vector_load %arg13[%get3A_1755] {strides = array<i32>} : memref<64xf32, #tpu.memory_space<vmem>>, vector<16xf32>,
      %get3A_1757 = vector.shape_cast %get3A_1756 : vector<16xf32> to vector<16xf32>
      %get3A_1758 = arith.constant 48 : index
      %get3A_1759 = tpu.vector_load %arg13[%get3A_1758] {strides = array<i32>} : memref<64xf32, #tpu.memory_space<vmem>>, vector<16xf32>,
      %get3A_1760 = vector.shape_cast %get3A_1759 : vector<16xf32> to vector<16xf32>
      %max3A_1761 = arith.constant -1.000000e+01 : f32
      %max3A_1762 = vector.broadcast %max3A_1761 : f32 to vector<16xf32>
      %max3A_1763 = arith.maximumf %get3A_1751, %max3A_1762 : vector<16xf32>
      %min3A = arith.constant 1.000000e+01 : f32
      %min3A_1764 = vector.broadcast %min3A : f32 to vector<16xf32>
      %min3A_1765 = arith.minimumf %max3A_1763, %min3A_1764 : vector<16xf32>
      %max3A_1766 = arith.constant -1.000000e+01 : f32
      %max3A_1767 = vector.broadcast %max3A_1766 : f32 to vector<16xf32>
      %max3A_1768 = arith.maximumf %get3A_1754, %max3A_1767 : vector<16xf32>
      %min3A_1769 = arith.constant 1.000000e+01 : f32
      %min3A_1770 = vector.broadcast %min3A_1769 : f32 to vector<16xf32>
      %min3A_1771 = arith.minimumf %max3A_1768, %min3A_1770 : vector<16xf32>
      %max3A_1772 = arith.constant -1.000000e+01 : f32
      %max3A_1773 = vector.broadcast %max3A_1772 : f32 to vector<16xf32>
      %max3A_1774 = arith.maximumf %get3A_1757, %max3A_1773 : vector<16xf32>
      %min3A_1775 = arith.constant 1.000000e+01 : f32
      %min3A_1776 = vector.broadcast %min3A_1775 : f32 to vector<16xf32>
      %min3A_1777 = arith.minimumf %max3A_1774, %min3A_1776 : vector<16xf32>
      %max3A_1778 = arith.constant -1.000000e+01 : f32
      %max3A_1779 = vector.broadcast %max3A_1778 : f32 to vector<16xf32>
      %max3A_1780 = arith.maximumf %get3A_1760, %max3A_1779 : vector<16xf32>
      %min3A_1781 = arith.constant 1.000000e+01 : f32
      %min3A_1782 = vector.broadcast %min3A_1781 : f32 to vector<16xf32>
      %min3A_1783 = arith.minimumf %max3A_1780, %min3A_1782 : vector<16xf32>
      %add3A_1784 = arith.constant 8 : i32
      %add3A_1785 = vector.broadcast %add3A_1784 : i32 to vector<16xi32>
      %add3A_1786 = arith.addi %iota3A, %add3A_1785 : vector<16xi32>
      %broadcast_in_dim3A_1787 = arith.constant 16 : i32
      %broadcast_in_dim3A_1788 = vector.broadcast %broadcast_in_dim3A_1787 : i32 to vector<16xi32>
      %rem3A_1789 = arith.remsi %add3A_1786, %broadcast_in_dim3A_1788 : vector<16xi32>
      %broadcast_in_dim3A_1790 = vector.shape_cast %rem3A_1789 : vector<16xi32> to vector<16x1xi32>
      %gather3A_1791 = vector.shape_cast %broadcast_in_dim3A_1790 : vector<16x1xi32> to vector<16xi32>
      %gather3A_1792 = tpu.dynamic_gather %min3A_1765[%gather3A_1791] in [0] : vector<16xf32>, vector<16xi32> -> vector<16xf32>
      %max3A_1793 = arith.maximumf %min3A_1765, %gather3A_1792 : vector<16xf32>
      %add3A_1794 = arith.constant 4 : i32
      %add3A_1795 = vector.broadcast %add3A_1794 : i32 to vector<16xi32>
      %add3A_1796 = arith.addi %iota3A, %add3A_1795 : vector<16xi32>
      %broadcast_in_dim3A_1797 = arith.constant 16 : i32
      %broadcast_in_dim3A_1798 = vector.broadcast %broadcast_in_dim3A_1797 : i32 to vector<16xi32>
      %rem3A_1799 = arith.remsi %add3A_1796, %broadcast_in_dim3A_1798 : vector<16xi32>
      %broadcast_in_dim3A_1800 = vector.shape_cast %rem3A_1799 : vector<16xi32> to vector<16x1xi32>
      %gather3A_1801 = vector.shape_cast %broadcast_in_dim3A_1800 : vector<16x1xi32> to vector<16xi32>
      %gather3A_1802 = tpu.dynamic_gather %max3A_1793[%gather3A_1801] in [0] : vector<16xf32>, vector<16xi32> -> vector<16xf32>
      %max3A_1803 = arith.maximumf %max3A_1793, %gather3A_1802 : vector<16xf32>
      %add3A_1804 = arith.constant 2 : i32
      %add3A_1805 = vector.broadcast %add3A_1804 : i32 to vector<16xi32>
      %add3A_1806 = arith.addi %iota3A, %add3A_1805 : vector<16xi32>
      %broadcast_in_dim3A_1807 = arith.constant 16 : i32
      %broadcast_in_dim3A_1808 = vector.broadcast %broadcast_in_dim3A_1807 : i32 to vector<16xi32>
      %rem3A_1809 = arith.remsi %add3A_1806, %broadcast_in_dim3A_1808 : vector<16xi32>
      %broadcast_in_dim3A_1810 = vector.shape_cast %rem3A_1809 : vector<16xi32> to vector<16x1xi32>
      %gather3A_1811 = vector.shape_cast %broadcast_in_dim3A_1810 : vector<16x1xi32> to vector<16xi32>
      %gather3A_1812 = tpu.dynamic_gather %max3A_1803[%gather3A_1811] in [0] : vector<16xf32>, vector<16xi32> -> vector<16xf32>
      %max3A_1813 = arith.maximumf %max3A_1803, %gather3A_1812 : vector<16xf32>
      %add3A_1814 = arith.constant 1 : i32
      %add3A_1815 = vector.broadcast %add3A_1814 : i32 to vector<16xi32>
      %add3A_1816 = arith.addi %iota3A, %add3A_1815 : vector<16xi32>
      %broadcast_in_dim3A_1817 = arith.constant 16 : i32
      %broadcast_in_dim3A_1818 = vector.broadcast %broadcast_in_dim3A_1817 : i32 to vector<16xi32>
      %rem3A_1819 = arith.remsi %add3A_1816, %broadcast_in_dim3A_1818 : vector<16xi32>
      %broadcast_in_dim3A_1820 = vector.shape_cast %rem3A_1819 : vector<16xi32> to vector<16x1xi32>
      %gather3A_1821 = vector.shape_cast %broadcast_in_dim3A_1820 : vector<16x1xi32> to vector<16xi32>
      %gather3A_1822 = tpu.dynamic_gather %max3A_1813[%gather3A_1821] in [0] : vector<16xf32>, vector<16xi32> -> vector<16xf32>
      %max3A_1823 = arith.maximumf %max3A_1813, %gather3A_1822 : vector<16xf32>
      %add3A_1824 = arith.constant 8 : i32
      %add3A_1825 = vector.broadcast %add3A_1824 : i32 to vector<16xi32>
      %add3A_1826 = arith.addi %iota3A, %add3A_1825 : vector<16xi32>
      %broadcast_in_dim3A_1827 = arith.constant 16 : i32
      %broadcast_in_dim3A_1828 = vector.broadcast %broadcast_in_dim3A_1827 : i32 to vector<16xi32>
      %rem3A_1829 = arith.remsi %add3A_1826, %broadcast_in_dim3A_1828 : vector<16xi32>
      %broadcast_in_dim3A_1830 = vector.shape_cast %rem3A_1829 : vector<16xi32> to vector<16x1xi32>
      %gather3A_1831 = vector.shape_cast %broadcast_in_dim3A_1830 : vector<16x1xi32> to vector<16xi32>
      %gather3A_1832 = tpu.dynamic_gather %min3A_1771[%gather3A_1831] in [0] : vector<16xf32>, vector<16xi32> -> vector<16xf32>
      %max3A_1833 = arith.maximumf %min3A_1771, %gather3A_1832 : vector<16xf32>
      %add3A_1834 = arith.constant 4 : i32
      %add3A_1835 = vector.broadcast %add3A_1834 : i32 to vector<16xi32>
      %add3A_1836 = arith.addi %iota3A, %add3A_1835 : vector<16xi32>
      %broadcast_in_dim3A_1837 = arith.constant 16 : i32
      %broadcast_in_dim3A_1838 = vector.broadcast %broadcast_in_dim3A_1837 : i32 to vector<16xi32>
      %rem3A_1839 = arith.remsi %add3A_1836, %broadcast_in_dim3A_1838 : vector<16xi32>
      %broadcast_in_dim3A_1840 = vector.shape_cast %rem3A_1839 : vector<16xi32> to vector<16x1xi32>
      %gather3A_1841 = vector.shape_cast %broadcast_in_dim3A_1840 : vector<16x1xi32> to vector<16xi32>
      %gather3A_1842 = tpu.dynamic_gather %max3A_1833[%gather3A_1841] in [0] : vector<16xf32>, vector<16xi32> -> vector<16xf32>
      %max3A_1843 = arith.maximumf %max3A_1833, %gather3A_1842 : vector<16xf32>
      %add3A_1844 = arith.constant 2 : i32
      %add3A_1845 = vector.broadcast %add3A_1844 : i32 to vector<16xi32>
      %add3A_1846 = arith.addi %iota3A, %add3A_1845 : vector<16xi32>
      %broadcast_in_dim3A_1847 = arith.constant 16 : i32
      %broadcast_in_dim3A_1848 = vector.broadcast %broadcast_in_dim3A_1847 : i32 to vector<16xi32>
      %rem3A_1849 = arith.remsi %add3A_1846, %broadcast_in_dim3A_1848 : vector<16xi32>
      %broadcast_in_dim3A_1850 = vector.shape_cast %rem3A_1849 : vector<16xi32> to vector<16x1xi32>
      %gather3A_1851 = vector.shape_cast %broadcast_in_dim3A_1850 : vector<16x1xi32> to vector<16xi32>
      %gather3A_1852 = tpu.dynamic_gather %max3A_1843[%gather3A_1851] in [0] : vector<16xf32>, vector<16xi32> -> vector<16xf32>
      %max3A_1853 = arith.maximumf %max3A_1843, %gather3A_1852 : vector<16xf32>
      %add3A_1854 = arith.constant 1 : i32
      %add3A_1855 = vector.broadcast %add3A_1854 : i32 to vector<16xi32>
      %add3A_1856 = arith.addi %iota3A, %add3A_1855 : vector<16xi32>
      %broadcast_in_dim3A_1857 = arith.constant 16 : i32
      %broadcast_in_dim3A_1858 = vector.broadcast %broadcast_in_dim3A_1857 : i32 to vector<16xi32>
      %rem3A_1859 = arith.remsi %add3A_1856, %broadcast_in_dim3A_1858 : vector<16xi32>
      %broadcast_in_dim3A_1860 = vector.shape_cast %rem3A_1859 : vector<16xi32> to vector<16x1xi32>
      %gather3A_1861 = vector.shape_cast %broadcast_in_dim3A_1860 : vector<16x1xi32> to vector<16xi32>
      %gather3A_1862 = tpu.dynamic_gather %max3A_1853[%gather3A_1861] in [0] : vector<16xf32>, vector<16xi32> -> vector<16xf32>
      %max3A_1863 = arith.maximumf %max3A_1853, %gather3A_1862 : vector<16xf32>
      %max3A_1864 = arith.maximumf %max3A_1823, %max3A_1863 : vector<16xf32>
      %add3A_1865 = arith.constant 8 : i32
      %add3A_1866 = vector.broadcast %add3A_1865 : i32 to vector<16xi32>
      %add3A_1867 = arith.addi %iota3A, %add3A_1866 : vector<16xi32>
      %broadcast_in_dim3A_1868 = arith.constant 16 : i32
      %broadcast_in_dim3A_1869 = vector.broadcast %broadcast_in_dim3A_1868 : i32 to vector<16xi32>
      %rem3A_1870 = arith.remsi %add3A_1867, %broadcast_in_dim3A_1869 : vector<16xi32>
      %broadcast_in_dim3A_1871 = vector.shape_cast %rem3A_1870 : vector<16xi32> to vector<16x1xi32>
      %gather3A_1872 = vector.shape_cast %broadcast_in_dim3A_1871 : vector<16x1xi32> to vector<16xi32>
      %gather3A_1873 = tpu.dynamic_gather %min3A_1777[%gather3A_1872] in [0] : vector<16xf32>, vector<16xi32> -> vector<16xf32>
      %max3A_1874 = arith.maximumf %min3A_1777, %gather3A_1873 : vector<16xf32>
      %add3A_1875 = arith.constant 4 : i32
      %add3A_1876 = vector.broadcast %add3A_1875 : i32 to vector<16xi32>
      %add3A_1877 = arith.addi %iota3A, %add3A_1876 : vector<16xi32>
      %broadcast_in_dim3A_1878 = arith.constant 16 : i32
      %broadcast_in_dim3A_1879 = vector.broadcast %broadcast_in_dim3A_1878 : i32 to vector<16xi32>
      %rem3A_1880 = arith.remsi %add3A_1877, %broadcast_in_dim3A_1879 : vector<16xi32>
      %broadcast_in_dim3A_1881 = vector.shape_cast %rem3A_1880 : vector<16xi32> to vector<16x1xi32>
      %gather3A_1882 = vector.shape_cast %broadcast_in_dim3A_1881 : vector<16x1xi32> to vector<16xi32>
      %gather3A_1883 = tpu.dynamic_gather %max3A_1874[%gather3A_1882] in [0] : vector<16xf32>, vector<16xi32> -> vector<16xf32>
      %max3A_1884 = arith.maximumf %max3A_1874, %gather3A_1883 : vector<16xf32>
      %add3A_1885 = arith.constant 2 : i32
      %add3A_1886 = vector.broadcast %add3A_1885 : i32 to vector<16xi32>
      %add3A_1887 = arith.addi %iota3A, %add3A_1886 : vector<16xi32>
      %broadcast_in_dim3A_1888 = arith.constant 16 : i32
      %broadcast_in_dim3A_1889 = vector.broadcast %broadcast_in_dim3A_1888 : i32 to vector<16xi32>
      %rem3A_1890 = arith.remsi %add3A_1887, %broadcast_in_dim3A_1889 : vector<16xi32>
      %broadcast_in_dim3A_1891 = vector.shape_cast %rem3A_1890 : vector<16xi32> to vector<16x1xi32>
      %gather3A_1892 = vector.shape_cast %broadcast_in_dim3A_1891 : vector<16x1xi32> to vector<16xi32>
      %gather3A_1893 = tpu.dynamic_gather %max3A_1884[%gather3A_1892] in [0] : vector<16xf32>, vector<16xi32> -> vector<16xf32>
      %max3A_1894 = arith.maximumf %max3A_1884, %gather3A_1893 : vector<16xf32>
      %add3A_1895 = arith.constant 1 : i32
      %add3A_1896 = vector.broadcast %add3A_1895 : i32 to vector<16xi32>
      %add3A_1897 = arith.addi %iota3A, %add3A_1896 : vector<16xi32>
      %broadcast_in_dim3A_1898 = arith.constant 16 : i32
      %broadcast_in_dim3A_1899 = vector.broadcast %broadcast_in_dim3A_1898 : i32 to vector<16xi32>
      %rem3A_1900 = arith.remsi %add3A_1897, %broadcast_in_dim3A_1899 : vector<16xi32>
      %broadcast_in_dim3A_1901 = vector.shape_cast %rem3A_1900 : vector<16xi32> to vector<16x1xi32>
      %gather3A_1902 = vector.shape_cast %broadcast_in_dim3A_1901 : vector<16x1xi32> to vector<16xi32>
      %gather3A_1903 = tpu.dynamic_gather %max3A_1894[%gather3A_1902] in [0] : vector<16xf32>, vector<16xi32> -> vector<16xf32>
      %max3A_1904 = arith.maximumf %max3A_1894, %gather3A_1903 : vector<16xf32>
      %max3A_1905 = arith.maximumf %max3A_1864, %max3A_1904 : vector<16xf32>
      %add3A_1906 = arith.constant 8 : i32
      %add3A_1907 = vector.broadcast %add3A_1906 : i32 to vector<16xi32>
      %add3A_1908 = arith.addi %iota3A, %add3A_1907 : vector<16xi32>
      %broadcast_in_dim3A_1909 = arith.constant 16 : i32
      %broadcast_in_dim3A_1910 = vector.broadcast %broadcast_in_dim3A_1909 : i32 to vector<16xi32>
      %rem3A_1911 = arith.remsi %add3A_1908, %broadcast_in_dim3A_1910 : vector<16xi32>
      %broadcast_in_dim3A_1912 = vector.shape_cast %rem3A_1911 : vector<16xi32> to vector<16x1xi32>
      %gather3A_1913 = vector.shape_cast %broadcast_in_dim3A_1912 : vector<16x1xi32> to vector<16xi32>
      %gather3A_1914 = tpu.dynamic_gather %min3A_1783[%gather3A_1913] in [0] : vector<16xf32>, vector<16xi32> -> vector<16xf32>
      %max3A_1915 = arith.maximumf %min3A_1783, %gather3A_1914 : vector<16xf32>
      %add3A_1916 = arith.constant 4 : i32
      %add3A_1917 = vector.broadcast %add3A_1916 : i32 to vector<16xi32>
      %add3A_1918 = arith.addi %iota3A, %add3A_1917 : vector<16xi32>
      %broadcast_in_dim3A_1919 = arith.constant 16 : i32
      %broadcast_in_dim3A_1920 = vector.broadcast %broadcast_in_dim3A_1919 : i32 to vector<16xi32>
      %rem3A_1921 = arith.remsi %add3A_1918, %broadcast_in_dim3A_1920 : vector<16xi32>
      %broadcast_in_dim3A_1922 = vector.shape_cast %rem3A_1921 : vector<16xi32> to vector<16x1xi32>
      %gather3A_1923 = vector.shape_cast %broadcast_in_dim3A_1922 : vector<16x1xi32> to vector<16xi32>
      %gather3A_1924 = tpu.dynamic_gather %max3A_1915[%gather3A_1923] in [0] : vector<16xf32>, vector<16xi32> -> vector<16xf32>
      %max3A_1925 = arith.maximumf %max3A_1915, %gather3A_1924 : vector<16xf32>
      %add3A_1926 = arith.constant 2 : i32
      %add3A_1927 = vector.broadcast %add3A_1926 : i32 to vector<16xi32>
      %add3A_1928 = arith.addi %iota3A, %add3A_1927 : vector<16xi32>
      %broadcast_in_dim3A_1929 = arith.constant 16 : i32
      %broadcast_in_dim3A_1930 = vector.broadcast %broadcast_in_dim3A_1929 : i32 to vector<16xi32>
      %rem3A_1931 = arith.remsi %add3A_1928, %broadcast_in_dim3A_1930 : vector<16xi32>
      %broadcast_in_dim3A_1932 = vector.shape_cast %rem3A_1931 : vector<16xi32> to vector<16x1xi32>
      %gather3A_1933 = vector.shape_cast %broadcast_in_dim3A_1932 : vector<16x1xi32> to vector<16xi32>
      %gather3A_1934 = tpu.dynamic_gather %max3A_1925[%gather3A_1933] in [0] : vector<16xf32>, vector<16xi32> -> vector<16xf32>
      %max3A_1935 = arith.maximumf %max3A_1925, %gather3A_1934 : vector<16xf32>
      %add3A_1936 = arith.constant 1 : i32
      %add3A_1937 = vector.broadcast %add3A_1936 : i32 to vector<16xi32>
      %add3A_1938 = arith.addi %iota3A, %add3A_1937 : vector<16xi32>
      %broadcast_in_dim3A_1939 = arith.constant 16 : i32
      %broadcast_in_dim3A_1940 = vector.broadcast %broadcast_in_dim3A_1939 : i32 to vector<16xi32>
      %rem3A_1941 = arith.remsi %add3A_1938, %broadcast_in_dim3A_1940 : vector<16xi32>
      %broadcast_in_dim3A_1942 = vector.shape_cast %rem3A_1941 : vector<16xi32> to vector<16x1xi32>
      %gather3A_1943 = vector.shape_cast %broadcast_in_dim3A_1942 : vector<16x1xi32> to vector<16xi32>
      %gather3A_1944 = tpu.dynamic_gather %max3A_1935[%gather3A_1943] in [0] : vector<16xf32>, vector<16xi32> -> vector<16xf32>
      %max3A_1945 = arith.maximumf %max3A_1935, %gather3A_1944 : vector<16xf32>
      %max3A_1946 = arith.maximumf %max3A_1905, %max3A_1945 : vector<16xf32>
      %sub3A_1947 = arith.subf %min3A_1765, %max3A_1946 : vector<16xf32>
      %exp3A = math.exp %sub3A_1947 : vector<16xf32>
      %sub3A_1948 = arith.subf %min3A_1771, %max3A_1946 : vector<16xf32>
      %exp3A_1949 = math.exp %sub3A_1948 : vector<16xf32>
      %sub3A_1950 = arith.subf %min3A_1777, %max3A_1946 : vector<16xf32>
      %exp3A_1951 = math.exp %sub3A_1950 : vector<16xf32>
      %sub3A_1952 = arith.subf %min3A_1783, %max3A_1946 : vector<16xf32>
      %exp3A_1953 = math.exp %sub3A_1952 : vector<16xf32>
      %add3A_1954 = arith.constant 8 : i32
      %add3A_1955 = vector.broadcast %add3A_1954 : i32 to vector<16xi32>
      %add3A_1956 = arith.addi %iota3A, %add3A_1955 : vector<16xi32>
      %broadcast_in_dim3A_1957 = arith.constant 16 : i32
      %broadcast_in_dim3A_1958 = vector.broadcast %broadcast_in_dim3A_1957 : i32 to vector<16xi32>
      %rem3A_1959 = arith.remsi %add3A_1956, %broadcast_in_dim3A_1958 : vector<16xi32>
      %broadcast_in_dim3A_1960 = vector.shape_cast %rem3A_1959 : vector<16xi32> to vector<16x1xi32>
      %gather3A_1961 = vector.shape_cast %broadcast_in_dim3A_1960 : vector<16x1xi32> to vector<16xi32>
      %gather3A_1962 = tpu.dynamic_gather %exp3A[%gather3A_1961] in [0] : vector<16xf32>, vector<16xi32> -> vector<16xf32>
      %add3A_1963 = arith.addf %exp3A, %gather3A_1962 : vector<16xf32>
      %add3A_1964 = arith.constant 4 : i32
      %add3A_1965 = vector.broadcast %add3A_1964 : i32 to vector<16xi32>
      %add3A_1966 = arith.addi %iota3A, %add3A_1965 : vector<16xi32>
      %broadcast_in_dim3A_1967 = arith.constant 16 : i32
      %broadcast_in_dim3A_1968 = vector.broadcast %broadcast_in_dim3A_1967 : i32 to vector<16xi32>
      %rem3A_1969 = arith.remsi %add3A_1966, %broadcast_in_dim3A_1968 : vector<16xi32>
      %broadcast_in_dim3A_1970 = vector.shape_cast %rem3A_1969 : vector<16xi32> to vector<16x1xi32>
      %gather3A_1971 = vector.shape_cast %broadcast_in_dim3A_1970 : vector<16x1xi32> to vector<16xi32>
      %gather3A_1972 = tpu.dynamic_gather %add3A_1963[%gather3A_1971] in [0] : vector<16xf32>, vector<16xi32> -> vector<16xf32>
      %add3A_1973 = arith.addf %add3A_1963, %gather3A_1972 : vector<16xf32>
      %add3A_1974 = arith.constant 2 : i32
      %add3A_1975 = vector.broadcast %add3A_1974 : i32 to vector<16xi32>
      %add3A_1976 = arith.addi %iota3A, %add3A_1975 : vector<16xi32>
      %broadcast_in_dim3A_1977 = arith.constant 16 : i32
      %broadcast_in_dim3A_1978 = vector.broadcast %broadcast_in_dim3A_1977 : i32 to vector<16xi32>
      %rem3A_1979 = arith.remsi %add3A_1976, %broadcast_in_dim3A_1978 : vector<16xi32>
      %broadcast_in_dim3A_1980 = vector.shape_cast %rem3A_1979 : vector<16xi32> to vector<16x1xi32>
      %gather3A_1981 = vector.shape_cast %broadcast_in_dim3A_1980 : vector<16x1xi32> to vector<16xi32>
      %gather3A_1982 = tpu.dynamic_gather %add3A_1973[%gather3A_1981] in [0] : vector<16xf32>, vector<16xi32> -> vector<16xf32>
      %add3A_1983 = arith.addf %add3A_1973, %gather3A_1982 : vector<16xf32>
      %add3A_1984 = arith.constant 1 : i32
      %add3A_1985 = vector.broadcast %add3A_1984 : i32 to vector<16xi32>
      %add3A_1986 = arith.addi %iota3A, %add3A_1985 : vector<16xi32>
      %broadcast_in_dim3A_1987 = arith.constant 16 : i32
      %broadcast_in_dim3A_1988 = vector.broadcast %broadcast_in_dim3A_1987 : i32 to vector<16xi32>
      %rem3A_1989 = arith.remsi %add3A_1986, %broadcast_in_dim3A_1988 : vector<16xi32>
      %broadcast_in_dim3A_1990 = vector.shape_cast %rem3A_1989 : vector<16xi32> to vector<16x1xi32>
      %gather3A_1991 = vector.shape_cast %broadcast_in_dim3A_1990 : vector<16x1xi32> to vector<16xi32>
      %gather3A_1992 = tpu.dynamic_gather %add3A_1983[%gather3A_1991] in [0] : vector<16xf32>, vector<16xi32> -> vector<16xf32>
      %add3A_1993 = arith.addf %add3A_1983, %gather3A_1992 : vector<16xf32>
      %add3A_1994 = arith.addf %broadcast_in_dim3A_45, %add3A_1993 : vector<16xf32>
      %add3A_1995 = arith.constant 8 : i32
      %add3A_1996 = vector.broadcast %add3A_1995 : i32 to vector<16xi32>
      %add3A_1997 = arith.addi %iota3A, %add3A_1996 : vector<16xi32>
      %broadcast_in_dim3A_1998 = arith.constant 16 : i32
      %broadcast_in_dim3A_1999 = vector.broadcast %broadcast_in_dim3A_1998 : i32 to vector<16xi32>
      %rem3A_2000 = arith.remsi %add3A_1997, %broadcast_in_dim3A_1999 : vector<16xi32>
      %broadcast_in_dim3A_2001 = vector.shape_cast %rem3A_2000 : vector<16xi32> to vector<16x1xi32>
      %gather3A_2002 = vector.shape_cast %broadcast_in_dim3A_2001 : vector<16x1xi32> to vector<16xi32>
      %gather3A_2003 = tpu.dynamic_gather %exp3A_1949[%gather3A_2002] in [0] : vector<16xf32>, vector<16xi32> -> vector<16xf32>
      %add3A_2004 = arith.addf %exp3A_1949, %gather3A_2003 : vector<16xf32>
      %add3A_2005 = arith.constant 4 : i32
      %add3A_2006 = vector.broadcast %add3A_2005 : i32 to vector<16xi32>
      %add3A_2007 = arith.addi %iota3A, %add3A_2006 : vector<16xi32>
      %broadcast_in_dim3A_2008 = arith.constant 16 : i32
      %broadcast_in_dim3A_2009 = vector.broadcast %broadcast_in_dim3A_2008 : i32 to vector<16xi32>
      %rem3A_2010 = arith.remsi %add3A_2007, %broadcast_in_dim3A_2009 : vector<16xi32>
      %broadcast_in_dim3A_2011 = vector.shape_cast %rem3A_2010 : vector<16xi32> to vector<16x1xi32>
      %gather3A_2012 = vector.shape_cast %broadcast_in_dim3A_2011 : vector<16x1xi32> to vector<16xi32>
      %gather3A_2013 = tpu.dynamic_gather %add3A_2004[%gather3A_2012] in [0] : vector<16xf32>, vector<16xi32> -> vector<16xf32>
      %add3A_2014 = arith.addf %add3A_2004, %gather3A_2013 : vector<16xf32>
      %add3A_2015 = arith.constant 2 : i32
      %add3A_2016 = vector.broadcast %add3A_2015 : i32 to vector<16xi32>
      %add3A_2017 = arith.addi %iota3A, %add3A_2016 : vector<16xi32>
      %broadcast_in_dim3A_2018 = arith.constant 16 : i32
      %broadcast_in_dim3A_2019 = vector.broadcast %broadcast_in_dim3A_2018 : i32 to vector<16xi32>
      %rem3A_2020 = arith.remsi %add3A_2017, %broadcast_in_dim3A_2019 : vector<16xi32>
      %broadcast_in_dim3A_2021 = vector.shape_cast %rem3A_2020 : vector<16xi32> to vector<16x1xi32>
      %gather3A_2022 = vector.shape_cast %broadcast_in_dim3A_2021 : vector<16x1xi32> to vector<16xi32>
      %gather3A_2023 = tpu.dynamic_gather %add3A_2014[%gather3A_2022] in [0] : vector<16xf32>, vector<16xi32> -> vector<16xf32>
      %add3A_2024 = arith.addf %add3A_2014, %gather3A_2023 : vector<16xf32>
      %add3A_2025 = arith.constant 1 : i32
      %add3A_2026 = vector.broadcast %add3A_2025 : i32 to vector<16xi32>
      %add3A_2027 = arith.addi %iota3A, %add3A_2026 : vector<16xi32>
      %broadcast_in_dim3A_2028 = arith.constant 16 : i32
      %broadcast_in_dim3A_2029 = vector.broadcast %broadcast_in_dim3A_2028 : i32 to vector<16xi32>
      %rem3A_2030 = arith.remsi %add3A_2027, %broadcast_in_dim3A_2029 : vector<16xi32>
      %broadcast_in_dim3A_2031 = vector.shape_cast %rem3A_2030 : vector<16xi32> to vector<16x1xi32>
      %gather3A_2032 = vector.shape_cast %broadcast_in_dim3A_2031 : vector<16x1xi32> to vector<16xi32>
      %gather3A_2033 = tpu.dynamic_gather %add3A_2024[%gather3A_2032] in [0] : vector<16xf32>, vector<16xi32> -> vector<16xf32>
      %add3A_2034 = arith.addf %add3A_2024, %gather3A_2033 : vector<16xf32>
      %add3A_2035 = arith.addf %add3A_1994, %add3A_2034 : vector<16xf32>
      %add3A_2036 = arith.constant 8 : i32
      %add3A_2037 = vector.broadcast %add3A_2036 : i32 to vector<16xi32>
      %add3A_2038 = arith.addi %iota3A, %add3A_2037 : vector<16xi32>
      %broadcast_in_dim3A_2039 = arith.constant 16 : i32
      %broadcast_in_dim3A_2040 = vector.broadcast %broadcast_in_dim3A_2039 : i32 to vector<16xi32>
      %rem3A_2041 = arith.remsi %add3A_2038, %broadcast_in_dim3A_2040 : vector<16xi32>
      %broadcast_in_dim3A_2042 = vector.shape_cast %rem3A_2041 : vector<16xi32> to vector<16x1xi32>
      %gather3A_2043 = vector.shape_cast %broadcast_in_dim3A_2042 : vector<16x1xi32> to vector<16xi32>
      %gather3A_2044 = tpu.dynamic_gather %exp3A_1951[%gather3A_2043] in [0] : vector<16xf32>, vector<16xi32> -> vector<16xf32>
      %add3A_2045 = arith.addf %exp3A_1951, %gather3A_2044 : vector<16xf32>
      %add3A_2046 = arith.constant 4 : i32
      %add3A_2047 = vector.broadcast %add3A_2046 : i32 to vector<16xi32>
      %add3A_2048 = arith.addi %iota3A, %add3A_2047 : vector<16xi32>
      %broadcast_in_dim3A_2049 = arith.constant 16 : i32
      %broadcast_in_dim3A_2050 = vector.broadcast %broadcast_in_dim3A_2049 : i32 to vector<16xi32>
      %rem3A_2051 = arith.remsi %add3A_2048, %broadcast_in_dim3A_2050 : vector<16xi32>
      %broadcast_in_dim3A_2052 = vector.shape_cast %rem3A_2051 : vector<16xi32> to vector<16x1xi32>
      %gather3A_2053 = vector.shape_cast %broadcast_in_dim3A_2052 : vector<16x1xi32> to vector<16xi32>
      %gather3A_2054 = tpu.dynamic_gather %add3A_2045[%gather3A_2053] in [0] : vector<16xf32>, vector<16xi32> -> vector<16xf32>
      %add3A_2055 = arith.addf %add3A_2045, %gather3A_2054 : vector<16xf32>
      %add3A_2056 = arith.constant 2 : i32
      %add3A_2057 = vector.broadcast %add3A_2056 : i32 to vector<16xi32>
      %add3A_2058 = arith.addi %iota3A, %add3A_2057 : vector<16xi32>
      %broadcast_in_dim3A_2059 = arith.constant 16 : i32
      %broadcast_in_dim3A_2060 = vector.broadcast %broadcast_in_dim3A_2059 : i32 to vector<16xi32>
      %rem3A_2061 = arith.remsi %add3A_2058, %broadcast_in_dim3A_2060 : vector<16xi32>
      %broadcast_in_dim3A_2062 = vector.shape_cast %rem3A_2061 : vector<16xi32> to vector<16x1xi32>
      %gather3A_2063 = vector.shape_cast %broadcast_in_dim3A_2062 : vector<16x1xi32> to vector<16xi32>
      %gather3A_2064 = tpu.dynamic_gather %add3A_2055[%gather3A_2063] in [0] : vector<16xf32>, vector<16xi32> -> vector<16xf32>
      %add3A_2065 = arith.addf %add3A_2055, %gather3A_2064 : vector<16xf32>
      %add3A_2066 = arith.constant 1 : i32
      %add3A_2067 = vector.broadcast %add3A_2066 : i32 to vector<16xi32>
      %add3A_2068 = arith.addi %iota3A, %add3A_2067 : vector<16xi32>
      %broadcast_in_dim3A_2069 = arith.constant 16 : i32
      %broadcast_in_dim3A_2070 = vector.broadcast %broadcast_in_dim3A_2069 : i32 to vector<16xi32>
      %rem3A_2071 = arith.remsi %add3A_2068, %broadcast_in_dim3A_2070 : vector<16xi32>
      %broadcast_in_dim3A_2072 = vector.shape_cast %rem3A_2071 : vector<16xi32> to vector<16x1xi32>
      %gather3A_2073 = vector.shape_cast %broadcast_in_dim3A_2072 : vector<16x1xi32> to vector<16xi32>
      %gather3A_2074 = tpu.dynamic_gather %add3A_2065[%gather3A_2073] in [0] : vector<16xf32>, vector<16xi32> -> vector<16xf32>
      %add3A_2075 = arith.addf %add3A_2065, %gather3A_2074 : vector<16xf32>
      %add3A_2076 = arith.addf %add3A_2035, %add3A_2075 : vector<16xf32>
      %add3A_2077 = arith.constant 8 : i32
      %add3A_2078 = vector.broadcast %add3A_2077 : i32 to vector<16xi32>
      %add3A_2079 = arith.addi %iota3A, %add3A_2078 : vector<16xi32>
      %broadcast_in_dim3A_2080 = arith.constant 16 : i32
      %broadcast_in_dim3A_2081 = vector.broadcast %broadcast_in_dim3A_2080 : i32 to vector<16xi32>
      %rem3A_2082 = arith.remsi %add3A_2079, %broadcast_in_dim3A_2081 : vector<16xi32>
      %broadcast_in_dim3A_2083 = vector.shape_cast %rem3A_2082 : vector<16xi32> to vector<16x1xi32>
      %gather3A_2084 = vector.shape_cast %broadcast_in_dim3A_2083 : vector<16x1xi32> to vector<16xi32>
      %gather3A_2085 = tpu.dynamic_gather %exp3A_1953[%gather3A_2084] in [0] : vector<16xf32>, vector<16xi32> -> vector<16xf32>
      %add3A_2086 = arith.addf %exp3A_1953, %gather3A_2085 : vector<16xf32>
      %add3A_2087 = arith.constant 4 : i32
      %add3A_2088 = vector.broadcast %add3A_2087 : i32 to vector<16xi32>
      %add3A_2089 = arith.addi %iota3A, %add3A_2088 : vector<16xi32>
      %broadcast_in_dim3A_2090 = arith.constant 16 : i32
      %broadcast_in_dim3A_2091 = vector.broadcast %broadcast_in_dim3A_2090 : i32 to vector<16xi32>
      %rem3A_2092 = arith.remsi %add3A_2089, %broadcast_in_dim3A_2091 : vector<16xi32>
      %broadcast_in_dim3A_2093 = vector.shape_cast %rem3A_2092 : vector<16xi32> to vector<16x1xi32>
      %gather3A_2094 = vector.shape_cast %broadcast_in_dim3A_2093 : vector<16x1xi32> to vector<16xi32>
      %gather3A_2095 = tpu.dynamic_gather %add3A_2086[%gather3A_2094] in [0] : vector<16xf32>, vector<16xi32> -> vector<16xf32>
      %add3A_2096 = arith.addf %add3A_2086, %gather3A_2095 : vector<16xf32>
      %add3A_2097 = arith.constant 2 : i32
      %add3A_2098 = vector.broadcast %add3A_2097 : i32 to vector<16xi32>
      %add3A_2099 = arith.addi %iota3A, %add3A_2098 : vector<16xi32>
      %broadcast_in_dim3A_2100 = arith.constant 16 : i32
      %broadcast_in_dim3A_2101 = vector.broadcast %broadcast_in_dim3A_2100 : i32 to vector<16xi32>
      %rem3A_2102 = arith.remsi %add3A_2099, %broadcast_in_dim3A_2101 : vector<16xi32>
      %broadcast_in_dim3A_2103 = vector.shape_cast %rem3A_2102 : vector<16xi32> to vector<16x1xi32>
      %gather3A_2104 = vector.shape_cast %broadcast_in_dim3A_2103 : vector<16x1xi32> to vector<16xi32>
      %gather3A_2105 = tpu.dynamic_gather %add3A_2096[%gather3A_2104] in [0] : vector<16xf32>, vector<16xi32> -> vector<16xf32>
      %add3A_2106 = arith.addf %add3A_2096, %gather3A_2105 : vector<16xf32>
      %add3A_2107 = arith.constant 1 : i32
      %add3A_2108 = vector.broadcast %add3A_2107 : i32 to vector<16xi32>
      %add3A_2109 = arith.addi %iota3A, %add3A_2108 : vector<16xi32>
      %broadcast_in_dim3A_2110 = arith.constant 16 : i32
      %broadcast_in_dim3A_2111 = vector.broadcast %broadcast_in_dim3A_2110 : i32 to vector<16xi32>
      %rem3A_2112 = arith.remsi %add3A_2109, %broadcast_in_dim3A_2111 : vector<16xi32>
      %broadcast_in_dim3A_2113 = vector.shape_cast %rem3A_2112 : vector<16xi32> to vector<16x1xi32>
      %gather3A_2114 = vector.shape_cast %broadcast_in_dim3A_2113 : vector<16x1xi32> to vector<16xi32>
      %gather3A_2115 = tpu.dynamic_gather %add3A_2106[%gather3A_2114] in [0] : vector<16xf32>, vector<16xi32> -> vector<16xf32>
      %add3A_2116 = arith.addf %add3A_2106, %gather3A_2115 : vector<16xf32>
      %add3A_2117 = arith.addf %add3A_2076, %add3A_2116 : vector<16xf32>
      %bitcast_convert_type3A = tpu.bitcast %add3A_2117 : vector<16xf32> -> vector<16xi32>
      %shift_right_arithmetic3A = arith.constant 23 : i32
      %shift_right_arithmetic3A_2118 = vector.broadcast %shift_right_arithmetic3A : i32 to vector<16xi32>
      %shift_right_arithmetic3A_2119 = arith.shrsi %bitcast_convert_type3A, %shift_right_arithmetic3A_2118 : vector<16xi32>
      %and3A_2120 = arith.constant 255 : i32
      %and3A_2121 = vector.broadcast %and3A_2120 : i32 to vector<16xi32>
      %and3A_2122 = arith.andi %shift_right_arithmetic3A_2119, %and3A_2121 : vector<16xi32>
      %sub3A_2123 = arith.constant 127 : i32
      %sub3A_2124 = vector.broadcast %sub3A_2123 : i32 to vector<16xi32>
      %sub3A_2125 = arith.subi %and3A_2122, %sub3A_2124 : vector<16xi32>
      %convert_element_type3A_2126 = arith.sitofp %sub3A_2125 : vector<16xi32> to vector<16xf32>
      %and3A_2127 = arith.constant 8388607 : i32
      %and3A_2128 = vector.broadcast %and3A_2127 : i32 to vector<16xi32>
      %and3A_2129 = arith.andi %bitcast_convert_type3A, %and3A_2128 : vector<16xi32>
      %or3A = arith.constant 1065353216 : i32
      %or3A_2130 = vector.broadcast %or3A : i32 to vector<16xi32>
      %or3A_2131 = arith.ori %and3A_2129, %or3A_2130 : vector<16xi32>
      %bitcast_convert_type3A_2132 = tpu.bitcast %or3A_2131 : vector<16xi32> -> vector<16xf32>
      %sub3A_2133 = arith.constant 1.000000e+00 : f32
      %sub3A_2134 = vector.broadcast %sub3A_2133 : f32 to vector<16xf32>
      %sub3A_2135 = arith.subf %bitcast_convert_type3A_2132, %sub3A_2134 : vector<16xf32>
      %add3A_2136 = arith.constant 1.000000e+00 : f32
      %add3A_2137 = vector.broadcast %add3A_2136 : f32 to vector<16xf32>
      %add3A_2138 = arith.addf %bitcast_convert_type3A_2132, %add3A_2137 : vector<16xf32>
      %div3A_2139 = arith.divf %sub3A_2135, %add3A_2138 : vector<16xf32>
      %mul3A_2140 = arith.mulf %div3A_2139, %div3A_2139 : vector<16xf32>
      %mul3A_2141 = arith.constant 2.000000e+00 : f32
      %mul3A_2142 = vector.broadcast %mul3A_2141 : f32 to vector<16xf32>
      %mul3A_2143 = arith.mulf %mul3A_2142, %div3A_2139 : vector<16xf32>
      %mul3A_2144 = arith.constant 0.142857149 : f32
      %mul3A_2145 = vector.broadcast %mul3A_2144 : f32 to vector<16xf32>
      %mul3A_2146 = arith.mulf %mul3A_2140, %mul3A_2145 : vector<16xf32>
      %add3A_2147 = arith.constant 2.000000e-01 : f32
      %add3A_2148 = vector.broadcast %add3A_2147 : f32 to vector<16xf32>
      %add3A_2149 = arith.addf %add3A_2148, %mul3A_2146 : vector<16xf32>
      %mul3A_2150 = arith.mulf %mul3A_2140, %add3A_2149 : vector<16xf32>
      %add3A_2151 = arith.constant 0.333333343 : f32
      %add3A_2152 = vector.broadcast %add3A_2151 : f32 to vector<16xf32>
      %add3A_2153 = arith.addf %add3A_2152, %mul3A_2150 : vector<16xf32>
      %mul3A_2154 = arith.mulf %mul3A_2140, %add3A_2153 : vector<16xf32>
      %add3A_2155 = arith.constant 1.000000e+00 : f32
      %add3A_2156 = vector.broadcast %add3A_2155 : f32 to vector<16xf32>
      %add3A_2157 = arith.addf %add3A_2156, %mul3A_2154 : vector<16xf32>
      %mul3A_2158 = arith.mulf %mul3A_2143, %add3A_2157 : vector<16xf32>
      %mul3A_2159 = arith.constant 0.693147182 : f32
      %mul3A_2160 = vector.broadcast %mul3A_2159 : f32 to vector<16xf32>
      %mul3A_2161 = arith.mulf %convert_element_type3A_2126, %mul3A_2160 : vector<16xf32>
      %add3A_2162 = arith.addf %mul3A_2161, %mul3A_2158 : vector<16xf32>
      %add3A_2163 = arith.addf %max3A_1946, %add3A_2162 : vector<16xf32>
      %div3A_2164 = arith.divf %exp3A, %add3A_2117 : vector<16xf32>
      %sub3A_2165 = arith.subf %min3A_1765, %add3A_2163 : vector<16xf32>
      %mul3A_2166 = arith.mulf %div3A_2164, %sub3A_2165 : vector<16xf32>
      %add3A_2167 = arith.constant 8 : i32
      %add3A_2168 = vector.broadcast %add3A_2167 : i32 to vector<16xi32>
      %add3A_2169 = arith.addi %iota3A, %add3A_2168 : vector<16xi32>
      %broadcast_in_dim3A_2170 = arith.constant 16 : i32
      %broadcast_in_dim3A_2171 = vector.broadcast %broadcast_in_dim3A_2170 : i32 to vector<16xi32>
      %rem3A_2172 = arith.remsi %add3A_2169, %broadcast_in_dim3A_2171 : vector<16xi32>
      %broadcast_in_dim3A_2173 = vector.shape_cast %rem3A_2172 : vector<16xi32> to vector<16x1xi32>
      %gather3A_2174 = vector.shape_cast %broadcast_in_dim3A_2173 : vector<16x1xi32> to vector<16xi32>
      %gather3A_2175 = tpu.dynamic_gather %mul3A_2166[%gather3A_2174] in [0] : vector<16xf32>, vector<16xi32> -> vector<16xf32>
      %add3A_2176 = arith.addf %mul3A_2166, %gather3A_2175 : vector<16xf32>
      %add3A_2177 = arith.constant 4 : i32
      %add3A_2178 = vector.broadcast %add3A_2177 : i32 to vector<16xi32>
      %add3A_2179 = arith.addi %iota3A, %add3A_2178 : vector<16xi32>
      %broadcast_in_dim3A_2180 = arith.constant 16 : i32
      %broadcast_in_dim3A_2181 = vector.broadcast %broadcast_in_dim3A_2180 : i32 to vector<16xi32>
      %rem3A_2182 = arith.remsi %add3A_2179, %broadcast_in_dim3A_2181 : vector<16xi32>
      %broadcast_in_dim3A_2183 = vector.shape_cast %rem3A_2182 : vector<16xi32> to vector<16x1xi32>
      %gather3A_2184 = vector.shape_cast %broadcast_in_dim3A_2183 : vector<16x1xi32> to vector<16xi32>
      %gather3A_2185 = tpu.dynamic_gather %add3A_2176[%gather3A_2184] in [0] : vector<16xf32>, vector<16xi32> -> vector<16xf32>
      %add3A_2186 = arith.addf %add3A_2176, %gather3A_2185 : vector<16xf32>
      %add3A_2187 = arith.constant 2 : i32
      %add3A_2188 = vector.broadcast %add3A_2187 : i32 to vector<16xi32>
      %add3A_2189 = arith.addi %iota3A, %add3A_2188 : vector<16xi32>
      %broadcast_in_dim3A_2190 = arith.constant 16 : i32
      %broadcast_in_dim3A_2191 = vector.broadcast %broadcast_in_dim3A_2190 : i32 to vector<16xi32>
      %rem3A_2192 = arith.remsi %add3A_2189, %broadcast_in_dim3A_2191 : vector<16xi32>
      %broadcast_in_dim3A_2193 = vector.shape_cast %rem3A_2192 : vector<16xi32> to vector<16x1xi32>
      %gather3A_2194 = vector.shape_cast %broadcast_in_dim3A_2193 : vector<16x1xi32> to vector<16xi32>
      %gather3A_2195 = tpu.dynamic_gather %add3A_2186[%gather3A_2194] in [0] : vector<16xf32>, vector<16xi32> -> vector<16xf32>
      %add3A_2196 = arith.addf %add3A_2186, %gather3A_2195 : vector<16xf32>
      %add3A_2197 = arith.constant 1 : i32
      %add3A_2198 = vector.broadcast %add3A_2197 : i32 to vector<16xi32>
      %add3A_2199 = arith.addi %iota3A, %add3A_2198 : vector<16xi32>
      %broadcast_in_dim3A_2200 = arith.constant 16 : i32
      %broadcast_in_dim3A_2201 = vector.broadcast %broadcast_in_dim3A_2200 : i32 to vector<16xi32>
      %rem3A_2202 = arith.remsi %add3A_2199, %broadcast_in_dim3A_2201 : vector<16xi32>
      %broadcast_in_dim3A_2203 = vector.shape_cast %rem3A_2202 : vector<16xi32> to vector<16x1xi32>
      %gather3A_2204 = vector.shape_cast %broadcast_in_dim3A_2203 : vector<16x1xi32> to vector<16xi32>
      %gather3A_2205 = tpu.dynamic_gather %add3A_2196[%gather3A_2204] in [0] : vector<16xf32>, vector<16xi32> -> vector<16xf32>
      %add3A_2206 = arith.addf %add3A_2196, %gather3A_2205 : vector<16xf32>
      %add3A_2207 = arith.addf %broadcast_in_dim3A_45, %add3A_2206 : vector<16xf32>
      %mul3A_2208 = arith.mulf %div3A_2164, %add3A_316 : vector<16xf32>
      %add3A_2209 = arith.constant 8 : i32
      %add3A_2210 = vector.broadcast %add3A_2209 : i32 to vector<16xi32>
      %add3A_2211 = arith.addi %iota3A, %add3A_2210 : vector<16xi32>
      %broadcast_in_dim3A_2212 = arith.constant 16 : i32
      %broadcast_in_dim3A_2213 = vector.broadcast %broadcast_in_dim3A_2212 : i32 to vector<16xi32>
      %rem3A_2214 = arith.remsi %add3A_2211, %broadcast_in_dim3A_2213 : vector<16xi32>
      %broadcast_in_dim3A_2215 = vector.shape_cast %rem3A_2214 : vector<16xi32> to vector<16x1xi32>
      %gather3A_2216 = vector.shape_cast %broadcast_in_dim3A_2215 : vector<16x1xi32> to vector<16xi32>
      %gather3A_2217 = tpu.dynamic_gather %mul3A_2208[%gather3A_2216] in [0] : vector<16xf32>, vector<16xi32> -> vector<16xf32>
      %add3A_2218 = arith.addf %mul3A_2208, %gather3A_2217 : vector<16xf32>
      %add3A_2219 = arith.constant 4 : i32
      %add3A_2220 = vector.broadcast %add3A_2219 : i32 to vector<16xi32>
      %add3A_2221 = arith.addi %iota3A, %add3A_2220 : vector<16xi32>
      %broadcast_in_dim3A_2222 = arith.constant 16 : i32
      %broadcast_in_dim3A_2223 = vector.broadcast %broadcast_in_dim3A_2222 : i32 to vector<16xi32>
      %rem3A_2224 = arith.remsi %add3A_2221, %broadcast_in_dim3A_2223 : vector<16xi32>
      %broadcast_in_dim3A_2225 = vector.shape_cast %rem3A_2224 : vector<16xi32> to vector<16x1xi32>
      %gather3A_2226 = vector.shape_cast %broadcast_in_dim3A_2225 : vector<16x1xi32> to vector<16xi32>
      %gather3A_2227 = tpu.dynamic_gather %add3A_2218[%gather3A_2226] in [0] : vector<16xf32>, vector<16xi32> -> vector<16xf32>
      %add3A_2228 = arith.addf %add3A_2218, %gather3A_2227 : vector<16xf32>
      %add3A_2229 = arith.constant 2 : i32
      %add3A_2230 = vector.broadcast %add3A_2229 : i32 to vector<16xi32>
      %add3A_2231 = arith.addi %iota3A, %add3A_2230 : vector<16xi32>
      %broadcast_in_dim3A_2232 = arith.constant 16 : i32
      %broadcast_in_dim3A_2233 = vector.broadcast %broadcast_in_dim3A_2232 : i32 to vector<16xi32>
      %rem3A_2234 = arith.remsi %add3A_2231, %broadcast_in_dim3A_2233 : vector<16xi32>
      %broadcast_in_dim3A_2235 = vector.shape_cast %rem3A_2234 : vector<16xi32> to vector<16x1xi32>
      %gather3A_2236 = vector.shape_cast %broadcast_in_dim3A_2235 : vector<16x1xi32> to vector<16xi32>
      %gather3A_2237 = tpu.dynamic_gather %add3A_2228[%gather3A_2236] in [0] : vector<16xf32>, vector<16xi32> -> vector<16xf32>
      %add3A_2238 = arith.addf %add3A_2228, %gather3A_2237 : vector<16xf32>
      %add3A_2239 = arith.constant 1 : i32
      %add3A_2240 = vector.broadcast %add3A_2239 : i32 to vector<16xi32>
      %add3A_2241 = arith.addi %iota3A, %add3A_2240 : vector<16xi32>
      %broadcast_in_dim3A_2242 = arith.constant 16 : i32
      %broadcast_in_dim3A_2243 = vector.broadcast %broadcast_in_dim3A_2242 : i32 to vector<16xi32>
      %rem3A_2244 = arith.remsi %add3A_2241, %broadcast_in_dim3A_2243 : vector<16xi32>
      %broadcast_in_dim3A_2245 = vector.shape_cast %rem3A_2244 : vector<16xi32> to vector<16x1xi32>
      %gather3A_2246 = vector.shape_cast %broadcast_in_dim3A_2245 : vector<16x1xi32> to vector<16xi32>
      %gather3A_2247 = tpu.dynamic_gather %add3A_2238[%gather3A_2246] in [0] : vector<16xf32>, vector<16xi32> -> vector<16xf32>
      %add3A_2248 = arith.addf %add3A_2238, %gather3A_2247 : vector<16xf32>
      %add3A_2249 = arith.addf %broadcast_in_dim3A_45, %add3A_2248 : vector<16xf32>
      %abs3A = math.absf %get3A_1751 : vector<16xf32>
      %add3A_2250 = arith.constant 8 : i32
      %add3A_2251 = vector.broadcast %add3A_2250 : i32 to vector<16xi32>
      %add3A_2252 = arith.addi %iota3A, %add3A_2251 : vector<16xi32>
      %broadcast_in_dim3A_2253 = arith.constant 16 : i32
      %broadcast_in_dim3A_2254 = vector.broadcast %broadcast_in_dim3A_2253 : i32 to vector<16xi32>
      %rem3A_2255 = arith.remsi %add3A_2252, %broadcast_in_dim3A_2254 : vector<16xi32>
      %broadcast_in_dim3A_2256 = vector.shape_cast %rem3A_2255 : vector<16xi32> to vector<16x1xi32>
      %gather3A_2257 = vector.shape_cast %broadcast_in_dim3A_2256 : vector<16x1xi32> to vector<16xi32>
      %gather3A_2258 = tpu.dynamic_gather %abs3A[%gather3A_2257] in [0] : vector<16xf32>, vector<16xi32> -> vector<16xf32>
      %add3A_2259 = arith.addf %abs3A, %gather3A_2258 : vector<16xf32>
      %add3A_2260 = arith.constant 4 : i32
      %add3A_2261 = vector.broadcast %add3A_2260 : i32 to vector<16xi32>
      %add3A_2262 = arith.addi %iota3A, %add3A_2261 : vector<16xi32>
      %broadcast_in_dim3A_2263 = arith.constant 16 : i32
      %broadcast_in_dim3A_2264 = vector.broadcast %broadcast_in_dim3A_2263 : i32 to vector<16xi32>
      %rem3A_2265 = arith.remsi %add3A_2262, %broadcast_in_dim3A_2264 : vector<16xi32>
      %broadcast_in_dim3A_2266 = vector.shape_cast %rem3A_2265 : vector<16xi32> to vector<16x1xi32>
      %gather3A_2267 = vector.shape_cast %broadcast_in_dim3A_2266 : vector<16x1xi32> to vector<16xi32>
      %gather3A_2268 = tpu.dynamic_gather %add3A_2259[%gather3A_2267] in [0] : vector<16xf32>, vector<16xi32> -> vector<16xf32>
      %add3A_2269 = arith.addf %add3A_2259, %gather3A_2268 : vector<16xf32>
      %add3A_2270 = arith.constant 2 : i32
      %add3A_2271 = vector.broadcast %add3A_2270 : i32 to vector<16xi32>
      %add3A_2272 = arith.addi %iota3A, %add3A_2271 : vector<16xi32>
      %broadcast_in_dim3A_2273 = arith.constant 16 : i32
      %broadcast_in_dim3A_2274 = vector.broadcast %broadcast_in_dim3A_2273 : i32 to vector<16xi32>
      %rem3A_2275 = arith.remsi %add3A_2272, %broadcast_in_dim3A_2274 : vector<16xi32>
      %broadcast_in_dim3A_2276 = vector.shape_cast %rem3A_2275 : vector<16xi32> to vector<16x1xi32>
      %gather3A_2277 = vector.shape_cast %broadcast_in_dim3A_2276 : vector<16x1xi32> to vector<16xi32>
      %gather3A_2278 = tpu.dynamic_gather %add3A_2269[%gather3A_2277] in [0] : vector<16xf32>, vector<16xi32> -> vector<16xf32>
      %add3A_2279 = arith.addf %add3A_2269, %gather3A_2278 : vector<16xf32>
      %add3A_2280 = arith.constant 1 : i32
      %add3A_2281 = vector.broadcast %add3A_2280 : i32 to vector<16xi32>
      %add3A_2282 = arith.addi %iota3A, %add3A_2281 : vector<16xi32>
      %broadcast_in_dim3A_2283 = arith.constant 16 : i32
      %broadcast_in_dim3A_2284 = vector.broadcast %broadcast_in_dim3A_2283 : i32 to vector<16xi32>
      %rem3A_2285 = arith.remsi %add3A_2282, %broadcast_in_dim3A_2284 : vector<16xi32>
      %broadcast_in_dim3A_2286 = vector.shape_cast %rem3A_2285 : vector<16xi32> to vector<16x1xi32>
      %gather3A_2287 = vector.shape_cast %broadcast_in_dim3A_2286 : vector<16x1xi32> to vector<16xi32>
      %gather3A_2288 = tpu.dynamic_gather %add3A_2279[%gather3A_2287] in [0] : vector<16xf32>, vector<16xi32> -> vector<16xf32>
      %add3A_2289 = arith.addf %add3A_2279, %gather3A_2288 : vector<16xf32>
      %add3A_2290 = arith.addf %broadcast_in_dim3A_45, %add3A_2289 : vector<16xf32>
      %div3A_2291 = arith.divf %exp3A_1949, %add3A_2117 : vector<16xf32>
      %sub3A_2292 = arith.subf %min3A_1771, %add3A_2163 : vector<16xf32>
      %mul3A_2293 = arith.mulf %div3A_2291, %sub3A_2292 : vector<16xf32>
      %add3A_2294 = arith.constant 8 : i32
      %add3A_2295 = vector.broadcast %add3A_2294 : i32 to vector<16xi32>
      %add3A_2296 = arith.addi %iota3A, %add3A_2295 : vector<16xi32>
      %broadcast_in_dim3A_2297 = arith.constant 16 : i32
      %broadcast_in_dim3A_2298 = vector.broadcast %broadcast_in_dim3A_2297 : i32 to vector<16xi32>
      %rem3A_2299 = arith.remsi %add3A_2296, %broadcast_in_dim3A_2298 : vector<16xi32>
      %broadcast_in_dim3A_2300 = vector.shape_cast %rem3A_2299 : vector<16xi32> to vector<16x1xi32>
      %gather3A_2301 = vector.shape_cast %broadcast_in_dim3A_2300 : vector<16x1xi32> to vector<16xi32>
      %gather3A_2302 = tpu.dynamic_gather %mul3A_2293[%gather3A_2301] in [0] : vector<16xf32>, vector<16xi32> -> vector<16xf32>
      %add3A_2303 = arith.addf %mul3A_2293, %gather3A_2302 : vector<16xf32>
      %add3A_2304 = arith.constant 4 : i32
      %add3A_2305 = vector.broadcast %add3A_2304 : i32 to vector<16xi32>
      %add3A_2306 = arith.addi %iota3A, %add3A_2305 : vector<16xi32>
      %broadcast_in_dim3A_2307 = arith.constant 16 : i32
      %broadcast_in_dim3A_2308 = vector.broadcast %broadcast_in_dim3A_2307 : i32 to vector<16xi32>
      %rem3A_2309 = arith.remsi %add3A_2306, %broadcast_in_dim3A_2308 : vector<16xi32>
      %broadcast_in_dim3A_2310 = vector.shape_cast %rem3A_2309 : vector<16xi32> to vector<16x1xi32>
      %gather3A_2311 = vector.shape_cast %broadcast_in_dim3A_2310 : vector<16x1xi32> to vector<16xi32>
      %gather3A_2312 = tpu.dynamic_gather %add3A_2303[%gather3A_2311] in [0] : vector<16xf32>, vector<16xi32> -> vector<16xf32>
      %add3A_2313 = arith.addf %add3A_2303, %gather3A_2312 : vector<16xf32>
      %add3A_2314 = arith.constant 2 : i32
      %add3A_2315 = vector.broadcast %add3A_2314 : i32 to vector<16xi32>
      %add3A_2316 = arith.addi %iota3A, %add3A_2315 : vector<16xi32>
      %broadcast_in_dim3A_2317 = arith.constant 16 : i32
      %broadcast_in_dim3A_2318 = vector.broadcast %broadcast_in_dim3A_2317 : i32 to vector<16xi32>
      %rem3A_2319 = arith.remsi %add3A_2316, %broadcast_in_dim3A_2318 : vector<16xi32>
      %broadcast_in_dim3A_2320 = vector.shape_cast %rem3A_2319 : vector<16xi32> to vector<16x1xi32>
      %gather3A_2321 = vector.shape_cast %broadcast_in_dim3A_2320 : vector<16x1xi32> to vector<16xi32>
      %gather3A_2322 = tpu.dynamic_gather %add3A_2313[%gather3A_2321] in [0] : vector<16xf32>, vector<16xi32> -> vector<16xf32>
      %add3A_2323 = arith.addf %add3A_2313, %gather3A_2322 : vector<16xf32>
      %add3A_2324 = arith.constant 1 : i32
      %add3A_2325 = vector.broadcast %add3A_2324 : i32 to vector<16xi32>
      %add3A_2326 = arith.addi %iota3A, %add3A_2325 : vector<16xi32>
      %broadcast_in_dim3A_2327 = arith.constant 16 : i32
      %broadcast_in_dim3A_2328 = vector.broadcast %broadcast_in_dim3A_2327 : i32 to vector<16xi32>
      %rem3A_2329 = arith.remsi %add3A_2326, %broadcast_in_dim3A_2328 : vector<16xi32>
      %broadcast_in_dim3A_2330 = vector.shape_cast %rem3A_2329 : vector<16xi32> to vector<16x1xi32>
      %gather3A_2331 = vector.shape_cast %broadcast_in_dim3A_2330 : vector<16x1xi32> to vector<16xi32>
      %gather3A_2332 = tpu.dynamic_gather %add3A_2323[%gather3A_2331] in [0] : vector<16xf32>, vector<16xi32> -> vector<16xf32>
      %add3A_2333 = arith.addf %add3A_2323, %gather3A_2332 : vector<16xf32>
      %add3A_2334 = arith.addf %add3A_2207, %add3A_2333 : vector<16xf32>
      %mul3A_2335 = arith.mulf %div3A_2291, %add3A_411 : vector<16xf32>
      %add3A_2336 = arith.constant 8 : i32
      %add3A_2337 = vector.broadcast %add3A_2336 : i32 to vector<16xi32>
      %add3A_2338 = arith.addi %iota3A, %add3A_2337 : vector<16xi32>
      %broadcast_in_dim3A_2339 = arith.constant 16 : i32
      %broadcast_in_dim3A_2340 = vector.broadcast %broadcast_in_dim3A_2339 : i32 to vector<16xi32>
      %rem3A_2341 = arith.remsi %add3A_2338, %broadcast_in_dim3A_2340 : vector<16xi32>
      %broadcast_in_dim3A_2342 = vector.shape_cast %rem3A_2341 : vector<16xi32> to vector<16x1xi32>
      %gather3A_2343 = vector.shape_cast %broadcast_in_dim3A_2342 : vector<16x1xi32> to vector<16xi32>
      %gather3A_2344 = tpu.dynamic_gather %mul3A_2335[%gather3A_2343] in [0] : vector<16xf32>, vector<16xi32> -> vector<16xf32>
      %add3A_2345 = arith.addf %mul3A_2335, %gather3A_2344 : vector<16xf32>
      %add3A_2346 = arith.constant 4 : i32
      %add3A_2347 = vector.broadcast %add3A_2346 : i32 to vector<16xi32>
      %add3A_2348 = arith.addi %iota3A, %add3A_2347 : vector<16xi32>
      %broadcast_in_dim3A_2349 = arith.constant 16 : i32
      %broadcast_in_dim3A_2350 = vector.broadcast %broadcast_in_dim3A_2349 : i32 to vector<16xi32>
      %rem3A_2351 = arith.remsi %add3A_2348, %broadcast_in_dim3A_2350 : vector<16xi32>
      %broadcast_in_dim3A_2352 = vector.shape_cast %rem3A_2351 : vector<16xi32> to vector<16x1xi32>
      %gather3A_2353 = vector.shape_cast %broadcast_in_dim3A_2352 : vector<16x1xi32> to vector<16xi32>
      %gather3A_2354 = tpu.dynamic_gather %add3A_2345[%gather3A_2353] in [0] : vector<16xf32>, vector<16xi32> -> vector<16xf32>
      %add3A_2355 = arith.addf %add3A_2345, %gather3A_2354 : vector<16xf32>
      %add3A_2356 = arith.constant 2 : i32
      %add3A_2357 = vector.broadcast %add3A_2356 : i32 to vector<16xi32>
      %add3A_2358 = arith.addi %iota3A, %add3A_2357 : vector<16xi32>
      %broadcast_in_dim3A_2359 = arith.constant 16 : i32
      %broadcast_in_dim3A_2360 = vector.broadcast %broadcast_in_dim3A_2359 : i32 to vector<16xi32>
      %rem3A_2361 = arith.remsi %add3A_2358, %broadcast_in_dim3A_2360 : vector<16xi32>
      %broadcast_in_dim3A_2362 = vector.shape_cast %rem3A_2361 : vector<16xi32> to vector<16x1xi32>
      %gather3A_2363 = vector.shape_cast %broadcast_in_dim3A_2362 : vector<16x1xi32> to vector<16xi32>
      %gather3A_2364 = tpu.dynamic_gather %add3A_2355[%gather3A_2363] in [0] : vector<16xf32>, vector<16xi32> -> vector<16xf32>
      %add3A_2365 = arith.addf %add3A_2355, %gather3A_2364 : vector<16xf32>
      %add3A_2366 = arith.constant 1 : i32
      %add3A_2367 = vector.broadcast %add3A_2366 : i32 to vector<16xi32>
      %add3A_2368 = arith.addi %iota3A, %add3A_2367 : vector<16xi32>
      %broadcast_in_dim3A_2369 = arith.constant 16 : i32
      %broadcast_in_dim3A_2370 = vector.broadcast %broadcast_in_dim3A_2369 : i32 to vector<16xi32>
      %rem3A_2371 = arith.remsi %add3A_2368, %broadcast_in_dim3A_2370 : vector<16xi32>
      %broadcast_in_dim3A_2372 = vector.shape_cast %rem3A_2371 : vector<16xi32> to vector<16x1xi32>
      %gather3A_2373 = vector.shape_cast %broadcast_in_dim3A_2372 : vector<16x1xi32> to vector<16xi32>
      %gather3A_2374 = tpu.dynamic_gather %add3A_2365[%gather3A_2373] in [0] : vector<16xf32>, vector<16xi32> -> vector<16xf32>
      %add3A_2375 = arith.addf %add3A_2365, %gather3A_2374 : vector<16xf32>
      %add3A_2376 = arith.addf %add3A_2249, %add3A_2375 : vector<16xf32>
      %abs3A_2377 = math.absf %get3A_1754 : vector<16xf32>
      %add3A_2378 = arith.constant 8 : i32
      %add3A_2379 = vector.broadcast %add3A_2378 : i32 to vector<16xi32>
      %add3A_2380 = arith.addi %iota3A, %add3A_2379 : vector<16xi32>
      %broadcast_in_dim3A_2381 = arith.constant 16 : i32
      %broadcast_in_dim3A_2382 = vector.broadcast %broadcast_in_dim3A_2381 : i32 to vector<16xi32>
      %rem3A_2383 = arith.remsi %add3A_2380, %broadcast_in_dim3A_2382 : vector<16xi32>
      %broadcast_in_dim3A_2384 = vector.shape_cast %rem3A_2383 : vector<16xi32> to vector<16x1xi32>
      %gather3A_2385 = vector.shape_cast %broadcast_in_dim3A_2384 : vector<16x1xi32> to vector<16xi32>
      %gather3A_2386 = tpu.dynamic_gather %abs3A_2377[%gather3A_2385] in [0] : vector<16xf32>, vector<16xi32> -> vector<16xf32>
      %add3A_2387 = arith.addf %abs3A_2377, %gather3A_2386 : vector<16xf32>
      %add3A_2388 = arith.constant 4 : i32
      %add3A_2389 = vector.broadcast %add3A_2388 : i32 to vector<16xi32>
      %add3A_2390 = arith.addi %iota3A, %add3A_2389 : vector<16xi32>
      %broadcast_in_dim3A_2391 = arith.constant 16 : i32
      %broadcast_in_dim3A_2392 = vector.broadcast %broadcast_in_dim3A_2391 : i32 to vector<16xi32>
      %rem3A_2393 = arith.remsi %add3A_2390, %broadcast_in_dim3A_2392 : vector<16xi32>
      %broadcast_in_dim3A_2394 = vector.shape_cast %rem3A_2393 : vector<16xi32> to vector<16x1xi32>
      %gather3A_2395 = vector.shape_cast %broadcast_in_dim3A_2394 : vector<16x1xi32> to vector<16xi32>
      %gather3A_2396 = tpu.dynamic_gather %add3A_2387[%gather3A_2395] in [0] : vector<16xf32>, vector<16xi32> -> vector<16xf32>
      %add3A_2397 = arith.addf %add3A_2387, %gather3A_2396 : vector<16xf32>
      %add3A_2398 = arith.constant 2 : i32
      %add3A_2399 = vector.broadcast %add3A_2398 : i32 to vector<16xi32>
      %add3A_2400 = arith.addi %iota3A, %add3A_2399 : vector<16xi32>
      %broadcast_in_dim3A_2401 = arith.constant 16 : i32
      %broadcast_in_dim3A_2402 = vector.broadcast %broadcast_in_dim3A_2401 : i32 to vector<16xi32>
      %rem3A_2403 = arith.remsi %add3A_2400, %broadcast_in_dim3A_2402 : vector<16xi32>
      %broadcast_in_dim3A_2404 = vector.shape_cast %rem3A_2403 : vector<16xi32> to vector<16x1xi32>
      %gather3A_2405 = vector.shape_cast %broadcast_in_dim3A_2404 : vector<16x1xi32> to vector<16xi32>
      %gather3A_2406 = tpu.dynamic_gather %add3A_2397[%gather3A_2405] in [0] : vector<16xf32>, vector<16xi32> -> vector<16xf32>
      %add3A_2407 = arith.addf %add3A_2397, %gather3A_2406 : vector<16xf32>
      %add3A_2408 = arith.constant 1 : i32
      %add3A_2409 = vector.broadcast %add3A_2408 : i32 to vector<16xi32>
      %add3A_2410 = arith.addi %iota3A, %add3A_2409 : vector<16xi32>
      %broadcast_in_dim3A_2411 = arith.constant 16 : i32
      %broadcast_in_dim3A_2412 = vector.broadcast %broadcast_in_dim3A_2411 : i32 to vector<16xi32>
      %rem3A_2413 = arith.remsi %add3A_2410, %broadcast_in_dim3A_2412 : vector<16xi32>
      %broadcast_in_dim3A_2414 = vector.shape_cast %rem3A_2413 : vector<16xi32> to vector<16x1xi32>
      %gather3A_2415 = vector.shape_cast %broadcast_in_dim3A_2414 : vector<16x1xi32> to vector<16xi32>
      %gather3A_2416 = tpu.dynamic_gather %add3A_2407[%gather3A_2415] in [0] : vector<16xf32>, vector<16xi32> -> vector<16xf32>
      %add3A_2417 = arith.addf %add3A_2407, %gather3A_2416 : vector<16xf32>
      %add3A_2418 = arith.addf %add3A_2290, %add3A_2417 : vector<16xf32>
      %div3A_2419 = arith.divf %exp3A_1951, %add3A_2117 : vector<16xf32>
      %sub3A_2420 = arith.subf %min3A_1777, %add3A_2163 : vector<16xf32>
      %mul3A_2421 = arith.mulf %div3A_2419, %sub3A_2420 : vector<16xf32>
      %add3A_2422 = arith.constant 8 : i32
      %add3A_2423 = vector.broadcast %add3A_2422 : i32 to vector<16xi32>
      %add3A_2424 = arith.addi %iota3A, %add3A_2423 : vector<16xi32>
      %broadcast_in_dim3A_2425 = arith.constant 16 : i32
      %broadcast_in_dim3A_2426 = vector.broadcast %broadcast_in_dim3A_2425 : i32 to vector<16xi32>
      %rem3A_2427 = arith.remsi %add3A_2424, %broadcast_in_dim3A_2426 : vector<16xi32>
      %broadcast_in_dim3A_2428 = vector.shape_cast %rem3A_2427 : vector<16xi32> to vector<16x1xi32>
      %gather3A_2429 = vector.shape_cast %broadcast_in_dim3A_2428 : vector<16x1xi32> to vector<16xi32>
      %gather3A_2430 = tpu.dynamic_gather %mul3A_2421[%gather3A_2429] in [0] : vector<16xf32>, vector<16xi32> -> vector<16xf32>
      %add3A_2431 = arith.addf %mul3A_2421, %gather3A_2430 : vector<16xf32>
      %add3A_2432 = arith.constant 4 : i32
      %add3A_2433 = vector.broadcast %add3A_2432 : i32 to vector<16xi32>
      %add3A_2434 = arith.addi %iota3A, %add3A_2433 : vector<16xi32>
      %broadcast_in_dim3A_2435 = arith.constant 16 : i32
      %broadcast_in_dim3A_2436 = vector.broadcast %broadcast_in_dim3A_2435 : i32 to vector<16xi32>
      %rem3A_2437 = arith.remsi %add3A_2434, %broadcast_in_dim3A_2436 : vector<16xi32>
      %broadcast_in_dim3A_2438 = vector.shape_cast %rem3A_2437 : vector<16xi32> to vector<16x1xi32>
      %gather3A_2439 = vector.shape_cast %broadcast_in_dim3A_2438 : vector<16x1xi32> to vector<16xi32>
      %gather3A_2440 = tpu.dynamic_gather %add3A_2431[%gather3A_2439] in [0] : vector<16xf32>, vector<16xi32> -> vector<16xf32>
      %add3A_2441 = arith.addf %add3A_2431, %gather3A_2440 : vector<16xf32>
      %add3A_2442 = arith.constant 2 : i32
      %add3A_2443 = vector.broadcast %add3A_2442 : i32 to vector<16xi32>
      %add3A_2444 = arith.addi %iota3A, %add3A_2443 : vector<16xi32>
      %broadcast_in_dim3A_2445 = arith.constant 16 : i32
      %broadcast_in_dim3A_2446 = vector.broadcast %broadcast_in_dim3A_2445 : i32 to vector<16xi32>
      %rem3A_2447 = arith.remsi %add3A_2444, %broadcast_in_dim3A_2446 : vector<16xi32>
      %broadcast_in_dim3A_2448 = vector.shape_cast %rem3A_2447 : vector<16xi32> to vector<16x1xi32>
      %gather3A_2449 = vector.shape_cast %broadcast_in_dim3A_2448 : vector<16x1xi32> to vector<16xi32>
      %gather3A_2450 = tpu.dynamic_gather %add3A_2441[%gather3A_2449] in [0] : vector<16xf32>, vector<16xi32> -> vector<16xf32>
      %add3A_2451 = arith.addf %add3A_2441, %gather3A_2450 : vector<16xf32>
      %add3A_2452 = arith.constant 1 : i32
      %add3A_2453 = vector.broadcast %add3A_2452 : i32 to vector<16xi32>
      %add3A_2454 = arith.addi %iota3A, %add3A_2453 : vector<16xi32>
      %broadcast_in_dim3A_2455 = arith.constant 16 : i32
      %broadcast_in_dim3A_2456 = vector.broadcast %broadcast_in_dim3A_2455 : i32 to vector<16xi32>
      %rem3A_2457 = arith.remsi %add3A_2454, %broadcast_in_dim3A_2456 : vector<16xi32>
      %broadcast_in_dim3A_2458 = vector.shape_cast %rem3A_2457 : vector<16xi32> to vector<16x1xi32>
      %gather3A_2459 = vector.shape_cast %broadcast_in_dim3A_2458 : vector<16x1xi32> to vector<16xi32>
      %gather3A_2460 = tpu.dynamic_gather %add3A_2451[%gather3A_2459] in [0] : vector<16xf32>, vector<16xi32> -> vector<16xf32>
      %add3A_2461 = arith.addf %add3A_2451, %gather3A_2460 : vector<16xf32>
      %add3A_2462 = arith.addf %add3A_2334, %add3A_2461 : vector<16xf32>
      %mul3A_2463 = arith.mulf %div3A_2419, %add3A_506 : vector<16xf32>
      %add3A_2464 = arith.constant 8 : i32
      %add3A_2465 = vector.broadcast %add3A_2464 : i32 to vector<16xi32>
      %add3A_2466 = arith.addi %iota3A, %add3A_2465 : vector<16xi32>
      %broadcast_in_dim3A_2467 = arith.constant 16 : i32
      %broadcast_in_dim3A_2468 = vector.broadcast %broadcast_in_dim3A_2467 : i32 to vector<16xi32>
      %rem3A_2469 = arith.remsi %add3A_2466, %broadcast_in_dim3A_2468 : vector<16xi32>
      %broadcast_in_dim3A_2470 = vector.shape_cast %rem3A_2469 : vector<16xi32> to vector<16x1xi32>
      %gather3A_2471 = vector.shape_cast %broadcast_in_dim3A_2470 : vector<16x1xi32> to vector<16xi32>
      %gather3A_2472 = tpu.dynamic_gather %mul3A_2463[%gather3A_2471] in [0] : vector<16xf32>, vector<16xi32> -> vector<16xf32>
      %add3A_2473 = arith.addf %mul3A_2463, %gather3A_2472 : vector<16xf32>
      %add3A_2474 = arith.constant 4 : i32
      %add3A_2475 = vector.broadcast %add3A_2474 : i32 to vector<16xi32>
      %add3A_2476 = arith.addi %iota3A, %add3A_2475 : vector<16xi32>
      %broadcast_in_dim3A_2477 = arith.constant 16 : i32
      %broadcast_in_dim3A_2478 = vector.broadcast %broadcast_in_dim3A_2477 : i32 to vector<16xi32>
      %rem3A_2479 = arith.remsi %add3A_2476, %broadcast_in_dim3A_2478 : vector<16xi32>
      %broadcast_in_dim3A_2480 = vector.shape_cast %rem3A_2479 : vector<16xi32> to vector<16x1xi32>
      %gather3A_2481 = vector.shape_cast %broadcast_in_dim3A_2480 : vector<16x1xi32> to vector<16xi32>
      %gather3A_2482 = tpu.dynamic_gather %add3A_2473[%gather3A_2481] in [0] : vector<16xf32>, vector<16xi32> -> vector<16xf32>
      %add3A_2483 = arith.addf %add3A_2473, %gather3A_2482 : vector<16xf32>
      %add3A_2484 = arith.constant 2 : i32
      %add3A_2485 = vector.broadcast %add3A_2484 : i32 to vector<16xi32>
      %add3A_2486 = arith.addi %iota3A, %add3A_2485 : vector<16xi32>
      %broadcast_in_dim3A_2487 = arith.constant 16 : i32
      %broadcast_in_dim3A_2488 = vector.broadcast %broadcast_in_dim3A_2487 : i32 to vector<16xi32>
      %rem3A_2489 = arith.remsi %add3A_2486, %broadcast_in_dim3A_2488 : vector<16xi32>
      %broadcast_in_dim3A_2490 = vector.shape_cast %rem3A_2489 : vector<16xi32> to vector<16x1xi32>
      %gather3A_2491 = vector.shape_cast %broadcast_in_dim3A_2490 : vector<16x1xi32> to vector<16xi32>
      %gather3A_2492 = tpu.dynamic_gather %add3A_2483[%gather3A_2491] in [0] : vector<16xf32>, vector<16xi32> -> vector<16xf32>
      %add3A_2493 = arith.addf %add3A_2483, %gather3A_2492 : vector<16xf32>
      %add3A_2494 = arith.constant 1 : i32
      %add3A_2495 = vector.broadcast %add3A_2494 : i32 to vector<16xi32>
      %add3A_2496 = arith.addi %iota3A, %add3A_2495 : vector<16xi32>
      %broadcast_in_dim3A_2497 = arith.constant 16 : i32
      %broadcast_in_dim3A_2498 = vector.broadcast %broadcast_in_dim3A_2497 : i32 to vector<16xi32>
      %rem3A_2499 = arith.remsi %add3A_2496, %broadcast_in_dim3A_2498 : vector<16xi32>
      %broadcast_in_dim3A_2500 = vector.shape_cast %rem3A_2499 : vector<16xi32> to vector<16x1xi32>
      %gather3A_2501 = vector.shape_cast %broadcast_in_dim3A_2500 : vector<16x1xi32> to vector<16xi32>
      %gather3A_2502 = tpu.dynamic_gather %add3A_2493[%gather3A_2501] in [0] : vector<16xf32>, vector<16xi32> -> vector<16xf32>
      %add3A_2503 = arith.addf %add3A_2493, %gather3A_2502 : vector<16xf32>
      %add3A_2504 = arith.addf %add3A_2376, %add3A_2503 : vector<16xf32>
      %abs3A_2505 = math.absf %get3A_1757 : vector<16xf32>
      %add3A_2506 = arith.constant 8 : i32
      %add3A_2507 = vector.broadcast %add3A_2506 : i32 to vector<16xi32>
      %add3A_2508 = arith.addi %iota3A, %add3A_2507 : vector<16xi32>
      %broadcast_in_dim3A_2509 = arith.constant 16 : i32
      %broadcast_in_dim3A_2510 = vector.broadcast %broadcast_in_dim3A_2509 : i32 to vector<16xi32>
      %rem3A_2511 = arith.remsi %add3A_2508, %broadcast_in_dim3A_2510 : vector<16xi32>
      %broadcast_in_dim3A_2512 = vector.shape_cast %rem3A_2511 : vector<16xi32> to vector<16x1xi32>
      %gather3A_2513 = vector.shape_cast %broadcast_in_dim3A_2512 : vector<16x1xi32> to vector<16xi32>
      %gather3A_2514 = tpu.dynamic_gather %abs3A_2505[%gather3A_2513] in [0] : vector<16xf32>, vector<16xi32> -> vector<16xf32>
      %add3A_2515 = arith.addf %abs3A_2505, %gather3A_2514 : vector<16xf32>
      %add3A_2516 = arith.constant 4 : i32
      %add3A_2517 = vector.broadcast %add3A_2516 : i32 to vector<16xi32>
      %add3A_2518 = arith.addi %iota3A, %add3A_2517 : vector<16xi32>
      %broadcast_in_dim3A_2519 = arith.constant 16 : i32
      %broadcast_in_dim3A_2520 = vector.broadcast %broadcast_in_dim3A_2519 : i32 to vector<16xi32>
      %rem3A_2521 = arith.remsi %add3A_2518, %broadcast_in_dim3A_2520 : vector<16xi32>
      %broadcast_in_dim3A_2522 = vector.shape_cast %rem3A_2521 : vector<16xi32> to vector<16x1xi32>
      %gather3A_2523 = vector.shape_cast %broadcast_in_dim3A_2522 : vector<16x1xi32> to vector<16xi32>
      %gather3A_2524 = tpu.dynamic_gather %add3A_2515[%gather3A_2523] in [0] : vector<16xf32>, vector<16xi32> -> vector<16xf32>
      %add3A_2525 = arith.addf %add3A_2515, %gather3A_2524 : vector<16xf32>
      %add3A_2526 = arith.constant 2 : i32
      %add3A_2527 = vector.broadcast %add3A_2526 : i32 to vector<16xi32>
      %add3A_2528 = arith.addi %iota3A, %add3A_2527 : vector<16xi32>
      %broadcast_in_dim3A_2529 = arith.constant 16 : i32
      %broadcast_in_dim3A_2530 = vector.broadcast %broadcast_in_dim3A_2529 : i32 to vector<16xi32>
      %rem3A_2531 = arith.remsi %add3A_2528, %broadcast_in_dim3A_2530 : vector<16xi32>
      %broadcast_in_dim3A_2532 = vector.shape_cast %rem3A_2531 : vector<16xi32> to vector<16x1xi32>
      %gather3A_2533 = vector.shape_cast %broadcast_in_dim3A_2532 : vector<16x1xi32> to vector<16xi32>
      %gather3A_2534 = tpu.dynamic_gather %add3A_2525[%gather3A_2533] in [0] : vector<16xf32>, vector<16xi32> -> vector<16xf32>
      %add3A_2535 = arith.addf %add3A_2525, %gather3A_2534 : vector<16xf32>
      %add3A_2536 = arith.constant 1 : i32
      %add3A_2537 = vector.broadcast %add3A_2536 : i32 to vector<16xi32>
      %add3A_2538 = arith.addi %iota3A, %add3A_2537 : vector<16xi32>
      %broadcast_in_dim3A_2539 = arith.constant 16 : i32
      %broadcast_in_dim3A_2540 = vector.broadcast %broadcast_in_dim3A_2539 : i32 to vector<16xi32>
      %rem3A_2541 = arith.remsi %add3A_2538, %broadcast_in_dim3A_2540 : vector<16xi32>
      %broadcast_in_dim3A_2542 = vector.shape_cast %rem3A_2541 : vector<16xi32> to vector<16x1xi32>
      %gather3A_2543 = vector.shape_cast %broadcast_in_dim3A_2542 : vector<16x1xi32> to vector<16xi32>
      %gather3A_2544 = tpu.dynamic_gather %add3A_2535[%gather3A_2543] in [0] : vector<16xf32>, vector<16xi32> -> vector<16xf32>
      %add3A_2545 = arith.addf %add3A_2535, %gather3A_2544 : vector<16xf32>
      %add3A_2546 = arith.addf %add3A_2418, %add3A_2545 : vector<16xf32>
      %div3A_2547 = arith.divf %exp3A_1953, %add3A_2117 : vector<16xf32>
      %sub3A_2548 = arith.subf %min3A_1783, %add3A_2163 : vector<16xf32>
      %mul3A_2549 = arith.mulf %div3A_2547, %sub3A_2548 : vector<16xf32>
      %add3A_2550 = arith.constant 8 : i32
      %add3A_2551 = vector.broadcast %add3A_2550 : i32 to vector<16xi32>
      %add3A_2552 = arith.addi %iota3A, %add3A_2551 : vector<16xi32>
      %broadcast_in_dim3A_2553 = arith.constant 16 : i32
      %broadcast_in_dim3A_2554 = vector.broadcast %broadcast_in_dim3A_2553 : i32 to vector<16xi32>
      %rem3A_2555 = arith.remsi %add3A_2552, %broadcast_in_dim3A_2554 : vector<16xi32>
      %broadcast_in_dim3A_2556 = vector.shape_cast %rem3A_2555 : vector<16xi32> to vector<16x1xi32>
      %gather3A_2557 = vector.shape_cast %broadcast_in_dim3A_2556 : vector<16x1xi32> to vector<16xi32>
      %gather3A_2558 = tpu.dynamic_gather %mul3A_2549[%gather3A_2557] in [0] : vector<16xf32>, vector<16xi32> -> vector<16xf32>
      %add3A_2559 = arith.addf %mul3A_2549, %gather3A_2558 : vector<16xf32>
      %add3A_2560 = arith.constant 4 : i32
      %add3A_2561 = vector.broadcast %add3A_2560 : i32 to vector<16xi32>
      %add3A_2562 = arith.addi %iota3A, %add3A_2561 : vector<16xi32>
      %broadcast_in_dim3A_2563 = arith.constant 16 : i32
      %broadcast_in_dim3A_2564 = vector.broadcast %broadcast_in_dim3A_2563 : i32 to vector<16xi32>
      %rem3A_2565 = arith.remsi %add3A_2562, %broadcast_in_dim3A_2564 : vector<16xi32>
      %broadcast_in_dim3A_2566 = vector.shape_cast %rem3A_2565 : vector<16xi32> to vector<16x1xi32>
      %gather3A_2567 = vector.shape_cast %broadcast_in_dim3A_2566 : vector<16x1xi32> to vector<16xi32>
      %gather3A_2568 = tpu.dynamic_gather %add3A_2559[%gather3A_2567] in [0] : vector<16xf32>, vector<16xi32> -> vector<16xf32>
      %add3A_2569 = arith.addf %add3A_2559, %gather3A_2568 : vector<16xf32>
      %add3A_2570 = arith.constant 2 : i32
      %add3A_2571 = vector.broadcast %add3A_2570 : i32 to vector<16xi32>
      %add3A_2572 = arith.addi %iota3A, %add3A_2571 : vector<16xi32>
      %broadcast_in_dim3A_2573 = arith.constant 16 : i32
      %broadcast_in_dim3A_2574 = vector.broadcast %broadcast_in_dim3A_2573 : i32 to vector<16xi32>
      %rem3A_2575 = arith.remsi %add3A_2572, %broadcast_in_dim3A_2574 : vector<16xi32>
      %broadcast_in_dim3A_2576 = vector.shape_cast %rem3A_2575 : vector<16xi32> to vector<16x1xi32>
      %gather3A_2577 = vector.shape_cast %broadcast_in_dim3A_2576 : vector<16x1xi32> to vector<16xi32>
      %gather3A_2578 = tpu.dynamic_gather %add3A_2569[%gather3A_2577] in [0] : vector<16xf32>, vector<16xi32> -> vector<16xf32>
      %add3A_2579 = arith.addf %add3A_2569, %gather3A_2578 : vector<16xf32>
      %add3A_2580 = arith.constant 1 : i32
      %add3A_2581 = vector.broadcast %add3A_2580 : i32 to vector<16xi32>
      %add3A_2582 = arith.addi %iota3A, %add3A_2581 : vector<16xi32>
      %broadcast_in_dim3A_2583 = arith.constant 16 : i32
      %broadcast_in_dim3A_2584 = vector.broadcast %broadcast_in_dim3A_2583 : i32 to vector<16xi32>
      %rem3A_2585 = arith.remsi %add3A_2582, %broadcast_in_dim3A_2584 : vector<16xi32>
      %broadcast_in_dim3A_2586 = vector.shape_cast %rem3A_2585 : vector<16xi32> to vector<16x1xi32>
      %gather3A_2587 = vector.shape_cast %broadcast_in_dim3A_2586 : vector<16x1xi32> to vector<16xi32>
      %gather3A_2588 = tpu.dynamic_gather %add3A_2579[%gather3A_2587] in [0] : vector<16xf32>, vector<16xi32> -> vector<16xf32>
      %add3A_2589 = arith.addf %add3A_2579, %gather3A_2588 : vector<16xf32>
      %add3A_2590 = arith.addf %add3A_2462, %add3A_2589 : vector<16xf32>
      %mul3A_2591 = arith.mulf %div3A_2547, %add3A_601 : vector<16xf32>
      %add3A_2592 = arith.constant 8 : i32
      %add3A_2593 = vector.broadcast %add3A_2592 : i32 to vector<16xi32>
      %add3A_2594 = arith.addi %iota3A, %add3A_2593 : vector<16xi32>
      %broadcast_in_dim3A_2595 = arith.constant 16 : i32
      %broadcast_in_dim3A_2596 = vector.broadcast %broadcast_in_dim3A_2595 : i32 to vector<16xi32>
      %rem3A_2597 = arith.remsi %add3A_2594, %broadcast_in_dim3A_2596 : vector<16xi32>
      %broadcast_in_dim3A_2598 = vector.shape_cast %rem3A_2597 : vector<16xi32> to vector<16x1xi32>
      %gather3A_2599 = vector.shape_cast %broadcast_in_dim3A_2598 : vector<16x1xi32> to vector<16xi32>
      %gather3A_2600 = tpu.dynamic_gather %mul3A_2591[%gather3A_2599] in [0] : vector<16xf32>, vector<16xi32> -> vector<16xf32>
      %add3A_2601 = arith.addf %mul3A_2591, %gather3A_2600 : vector<16xf32>
      %add3A_2602 = arith.constant 4 : i32
      %add3A_2603 = vector.broadcast %add3A_2602 : i32 to vector<16xi32>
      %add3A_2604 = arith.addi %iota3A, %add3A_2603 : vector<16xi32>
      %broadcast_in_dim3A_2605 = arith.constant 16 : i32
      %broadcast_in_dim3A_2606 = vector.broadcast %broadcast_in_dim3A_2605 : i32 to vector<16xi32>
      %rem3A_2607 = arith.remsi %add3A_2604, %broadcast_in_dim3A_2606 : vector<16xi32>
      %broadcast_in_dim3A_2608 = vector.shape_cast %rem3A_2607 : vector<16xi32> to vector<16x1xi32>
      %gather3A_2609 = vector.shape_cast %broadcast_in_dim3A_2608 : vector<16x1xi32> to vector<16xi32>
      %gather3A_2610 = tpu.dynamic_gather %add3A_2601[%gather3A_2609] in [0] : vector<16xf32>, vector<16xi32> -> vector<16xf32>
      %add3A_2611 = arith.addf %add3A_2601, %gather3A_2610 : vector<16xf32>
      %add3A_2612 = arith.constant 2 : i32
      %add3A_2613 = vector.broadcast %add3A_2612 : i32 to vector<16xi32>
      %add3A_2614 = arith.addi %iota3A, %add3A_2613 : vector<16xi32>
      %broadcast_in_dim3A_2615 = arith.constant 16 : i32
      %broadcast_in_dim3A_2616 = vector.broadcast %broadcast_in_dim3A_2615 : i32 to vector<16xi32>
      %rem3A_2617 = arith.remsi %add3A_2614, %broadcast_in_dim3A_2616 : vector<16xi32>
      %broadcast_in_dim3A_2618 = vector.shape_cast %rem3A_2617 : vector<16xi32> to vector<16x1xi32>
      %gather3A_2619 = vector.shape_cast %broadcast_in_dim3A_2618 : vector<16x1xi32> to vector<16xi32>
      %gather3A_2620 = tpu.dynamic_gather %add3A_2611[%gather3A_2619] in [0] : vector<16xf32>, vector<16xi32> -> vector<16xf32>
      %add3A_2621 = arith.addf %add3A_2611, %gather3A_2620 : vector<16xf32>
      %add3A_2622 = arith.constant 1 : i32
      %add3A_2623 = vector.broadcast %add3A_2622 : i32 to vector<16xi32>
      %add3A_2624 = arith.addi %iota3A, %add3A_2623 : vector<16xi32>
      %broadcast_in_dim3A_2625 = arith.constant 16 : i32
      %broadcast_in_dim3A_2626 = vector.broadcast %broadcast_in_dim3A_2625 : i32 to vector<16xi32>
      %rem3A_2627 = arith.remsi %add3A_2624, %broadcast_in_dim3A_2626 : vector<16xi32>
      %broadcast_in_dim3A_2628 = vector.shape_cast %rem3A_2627 : vector<16xi32> to vector<16x1xi32>
      %gather3A_2629 = vector.shape_cast %broadcast_in_dim3A_2628 : vector<16x1xi32> to vector<16xi32>
      %gather3A_2630 = tpu.dynamic_gather %add3A_2621[%gather3A_2629] in [0] : vector<16xf32>, vector<16xi32> -> vector<16xf32>
      %add3A_2631 = arith.addf %add3A_2621, %gather3A_2630 : vector<16xf32>
      %add3A_2632 = arith.addf %add3A_2504, %add3A_2631 : vector<16xf32>
      %abs3A_2633 = math.absf %get3A_1760 : vector<16xf32>
      %add3A_2634 = arith.constant 8 : i32
      %add3A_2635 = vector.broadcast %add3A_2634 : i32 to vector<16xi32>
      %add3A_2636 = arith.addi %iota3A, %add3A_2635 : vector<16xi32>
      %broadcast_in_dim3A_2637 = arith.constant 16 : i32
      %broadcast_in_dim3A_2638 = vector.broadcast %broadcast_in_dim3A_2637 : i32 to vector<16xi32>
      %rem3A_2639 = arith.remsi %add3A_2636, %broadcast_in_dim3A_2638 : vector<16xi32>
      %broadcast_in_dim3A_2640 = vector.shape_cast %rem3A_2639 : vector<16xi32> to vector<16x1xi32>
      %gather3A_2641 = vector.shape_cast %broadcast_in_dim3A_2640 : vector<16x1xi32> to vector<16xi32>
      %gather3A_2642 = tpu.dynamic_gather %abs3A_2633[%gather3A_2641] in [0] : vector<16xf32>, vector<16xi32> -> vector<16xf32>
      %add3A_2643 = arith.addf %abs3A_2633, %gather3A_2642 : vector<16xf32>
      %add3A_2644 = arith.constant 4 : i32
      %add3A_2645 = vector.broadcast %add3A_2644 : i32 to vector<16xi32>
      %add3A_2646 = arith.addi %iota3A, %add3A_2645 : vector<16xi32>
      %broadcast_in_dim3A_2647 = arith.constant 16 : i32
      %broadcast_in_dim3A_2648 = vector.broadcast %broadcast_in_dim3A_2647 : i32 to vector<16xi32>
      %rem3A_2649 = arith.remsi %add3A_2646, %broadcast_in_dim3A_2648 : vector<16xi32>
      %broadcast_in_dim3A_2650 = vector.shape_cast %rem3A_2649 : vector<16xi32> to vector<16x1xi32>
      %gather3A_2651 = vector.shape_cast %broadcast_in_dim3A_2650 : vector<16x1xi32> to vector<16xi32>
      %gather3A_2652 = tpu.dynamic_gather %add3A_2643[%gather3A_2651] in [0] : vector<16xf32>, vector<16xi32> -> vector<16xf32>
      %add3A_2653 = arith.addf %add3A_2643, %gather3A_2652 : vector<16xf32>
      %add3A_2654 = arith.constant 2 : i32
      %add3A_2655 = vector.broadcast %add3A_2654 : i32 to vector<16xi32>
      %add3A_2656 = arith.addi %iota3A, %add3A_2655 : vector<16xi32>
      %broadcast_in_dim3A_2657 = arith.constant 16 : i32
      %broadcast_in_dim3A_2658 = vector.broadcast %broadcast_in_dim3A_2657 : i32 to vector<16xi32>
      %rem3A_2659 = arith.remsi %add3A_2656, %broadcast_in_dim3A_2658 : vector<16xi32>
      %broadcast_in_dim3A_2660 = vector.shape_cast %rem3A_2659 : vector<16xi32> to vector<16x1xi32>
      %gather3A_2661 = vector.shape_cast %broadcast_in_dim3A_2660 : vector<16x1xi32> to vector<16xi32>
      %gather3A_2662 = tpu.dynamic_gather %add3A_2653[%gather3A_2661] in [0] : vector<16xf32>, vector<16xi32> -> vector<16xf32>
      %add3A_2663 = arith.addf %add3A_2653, %gather3A_2662 : vector<16xf32>
      %add3A_2664 = arith.constant 1 : i32
      %add3A_2665 = vector.broadcast %add3A_2664 : i32 to vector<16xi32>
      %add3A_2666 = arith.addi %iota3A, %add3A_2665 : vector<16xi32>
      %broadcast_in_dim3A_2667 = arith.constant 16 : i32
      %broadcast_in_dim3A_2668 = vector.broadcast %broadcast_in_dim3A_2667 : i32 to vector<16xi32>
      %rem3A_2669 = arith.remsi %add3A_2666, %broadcast_in_dim3A_2668 : vector<16xi32>
      %broadcast_in_dim3A_2670 = vector.shape_cast %rem3A_2669 : vector<16xi32> to vector<16x1xi32>
      %gather3A_2671 = vector.shape_cast %broadcast_in_dim3A_2670 : vector<16x1xi32> to vector<16xi32>
      %gather3A_2672 = tpu.dynamic_gather %add3A_2663[%gather3A_2671] in [0] : vector<16xf32>, vector<16xi32> -> vector<16xf32>
      %add3A_2673 = arith.addf %add3A_2663, %gather3A_2672 : vector<16xf32>
      %add3A_2674 = arith.addf %add3A_2546, %add3A_2673 : vector<16xf32>
      %mul3A_2675 = arith.constant 3.05175781E-5 : f32
      %mul3A_2676 = vector.broadcast %mul3A_2675 : f32 to vector<16xf32>
      %mul3A_2677 = arith.mulf %add3A_2632, %mul3A_2676 : vector<16xf32>
      %sub3A_2678 = arith.subf %add3A_2590, %mul3A_2677 : vector<16xf32>
      %mul3A_2679 = arith.constant 9.99999968E+37 : f32
      %mul3A_2680 = vector.broadcast %mul3A_2679 : f32 to vector<16xf32>
      %mul3A_2681 = arith.mulf %add3A_2674, %mul3A_2680 : vector<16xf32>
      %min3A_2682 = arith.constant 1.000000e+00 : f32
      %min3A_2683 = vector.broadcast %min3A_2682 : f32 to vector<16xf32>
      %min3A_2684 = arith.minimumf %mul3A_2681, %min3A_2683 : vector<16xf32>
      %mul3A_2685 = arith.constant 5.000000e-01 : f32
      %mul3A_2686 = vector.broadcast %mul3A_2685 : f32 to vector<16xf32>
      %mul3A_2687 = arith.mulf %mul3A_2686, %min3A_2684 : vector<16xf32>
      %sub3A_2688 = arith.constant 1.000000e+00 : f32
      %sub3A_2689 = vector.broadcast %sub3A_2688 : f32 to vector<16xf32>
      %sub3A_2690 = arith.subf %sub3A_2689, %mul3A_2687 : vector<16xf32>
      %mul3A_2691 = arith.mulf %sub3A_1748, %sub3A_2690 : vector<16xf32>
      %mul3A_2692 = arith.constant 5.000000e-01 : f32
      %mul3A_2693 = vector.broadcast %mul3A_2692 : f32 to vector<16xf32>
      %mul3A_2694 = arith.mulf %mul3A_2693, %min3A_2684 : vector<16xf32>
      %mul3A_2695 = arith.mulf %mul3A_2694, %sub3A_2678 : vector<16xf32>
      %add3A_2696 = arith.addf %mul3A_2691, %mul3A_2695 : vector<16xf32>
      %swap3A_2697 = arith.constant 0 : index
      %swap3A_2698 = tpu.vector_load %arg15[%swap3A_2697] {strides = array<i32>} : memref<16xf32, #tpu.memory_space<vmem>>, vector<16xf32>,
      %swap3A_2699 = vector.shape_cast %swap3A_2698 : vector<16xf32> to vector<16xf32>
      %swap3A_2700 = vector.shape_cast %add3A_2696 : vector<16xf32> to vector<16xf32>
      tpu.vector_store %arg15[%swap3A_2697], %swap3A_2700 {strides = array<i32>} : memref<16xf32, #tpu.memory_space<vmem>>, vector<16xf32>,
      "tpu.region"() ({
        %run_scoped3A = tpu.sem_alloc : memref<!tpu.dma_semaphore, #tpu.memory_space<semaphore_mem>>
        tpu.enqueue_dma source(%arg15 : memref<16xf32, #tpu.memory_space<vmem>>) target(%arg5 : memref<16xf32, #tpu.memory_space<hbm>>) target_semaphore(%run_scoped3A : memref<!tpu.dma_semaphore, #tpu.memory_space<semaphore_mem>>)
        tpu.wait_dma2 semaphore(%run_scoped3A : memref<!tpu.dma_semaphore, #tpu.memory_space<semaphore_mem>>) src(%arg15 : memref<16xf32, #tpu.memory_space<vmem>>) dst(%arg5 : memref<16xf32, #tpu.memory_space<hbm>>)
        tpu.yield
      }) : () -> ()
    } else {
    }
    return
  }
}

</mosaic_0001>

<sc_bundles>
// kernel: kernel.3.cloned.1.call-start
scs
__scs_entry_jumppad:
0x0: {  	(pc) =	sbr.rel $0x88, $3  }
0x1: {  	(tag) =	ssettag $0x0;
	lr =	simm.s32 $0x1  }
0x2: {  	[smem:$0x3F9E] =	sst lr;
	_ =	strace $0xD0000000  }
0x3: {  	_ = 	snop  }
0x4: {  	_ = 	snop  }
0x5: {  	_ = 	snop  }
0x6: {  	_ = 	snop  }
0x7: {  	_ = 	snop  }
__scs_overlays_trampoline_lowered:
0x8: {  	[smem:$0x3FAD] =	sst s0  }
0x9: {  	[smem:$0x3FAE] =	sst s1  }
0xa: {  	[smem:$0x3FAF] =	sst s2  }
0xb: {  	[smem:$0x3FB0] =	sst s3  }
0xc: {  	[smem:$0x3FB1] =	sst s4  }
0xd: {  	[smem:$0x3FB2] =	sst s5  }
0xe: {  	[smem:$0x3FB3] =	sst s6  }
0xf: {  	[smem:$0x3FB4] =	sst s7  }
0x10: {  	[smem:$0x3FB5] =	sst s8  }
0x11: {  	[smem:$0x3FB6] =	sst s9;
	s0 =	simm.s32 @!p0 $0x0  }
0x12: {  	s1 =	sld [smem:$0x3F9C];
	s0 =	simm.s32 @p0 $0x1  }
0x13: {  	[smem:$0x3FB7] =	sst s0;
	s0 =	simm.s32 @!p1 $0x0  }
0x14: {  	s2 =	sld [smem:$0x3F9B];
	s0 =	simm.s32 @p1 $0x1  }
0x15: {  	[smem:$0x3FB8] =	sst s0;
	s0 =	simm.s32 @!p2 $0x0  }
0x16: {  	s3 =	sld [smem:$0x3FDB];
	s0 =	simm.s32 @p2 $0x1  }
0x17: {  	s4 =	simm.s32 $0x1BF5;
	[smem:$0x3FBA] =	sst s0  }
0x18: {  	s0 =	sld [smem:$0x3F9D];
	_ =	swait.ge [sflag:s4], $0x0  }
0x19: {  	s7 =	sld [smem:$0x3F9E]  }
0x1a: {  	s8 =	sadd.s32 $0xFFFFE003, lr  }
0x1b: {  	s9 =	sadd.s32 $0xFFFFFEF7, lr;
	s5 =	simm.s32 $0xFFFFFFFF;
	p2 =	slt.u32 s8, $0xFFFFF086  }
0x1c: {  	p1 =	slt.u32 s9, $0xF7A;
	s5 =	simm.s32 @!p2 $0x0  }
0x1d: {  	s5 =	simm.s32 @p1 $0x1;
	p0 =	seq.s32 s7, s2  }
0x1e: {  	s7 =	smul.u32 @!p0 $0xF7A, s2;
	p2 =	seq.s32 @!p0 s5, $0x0  }
0x1f: {  	s9 =	smul.u32 $0xF7A, s1;
	s8 =	simm.s32 @!p0 $0x1BF5;
	p2 =	por !p2, p0  }
0x20: {  	[sflag:s8] =	ssyncset.s32 @!p0 $0xFFFFF086;
	s6 =	sadd.s32 @!p0 s3, s7;
	s7 =	simm.s32 @!p0 $0x108  }
0x21: {  	s3 =	sadd.s32 s3, s9;
	s6 =	sadd.s32 @!p0 $0x88, s6;
	s7 =	simm.s32 @p2 $0x1082  }
0x22: {  	[simem:s7], [sflag:s8] =	dma.local @!p0 [hbm:s6], $0xF7A  }
0x23: {  	s9 =	sor.u32 $0xD0000000, s2;
	s6 =	simm.s32 $0x108;
	_ =	swait.ge @!p0 [sflag:s8], $0x0  }
0x24: {  	s3 =	sadd.s32 $0x88, s3;
	s6 =	simm.s32 @!p1 $0x1082;
	[sflag:s4] =	ssyncset.s32 $0xFFFFF086  }
0x25: {  	[simem:s6], [sflag:s4] =	dma.local [hbm:s3], $0xF7A  }
0x26: {  	[smem:$0x3F9E] =	sst s1;
	(tag) =	ssettag s2;
	_ =	strace s9  }
0x27: {  	s1 =	sld [smem:$0x3FAE]  }
0x28: {  	s2 =	sld [smem:$0x3FAF]  }
0x29: {  	s4 =	sld [smem:$0x3FB1]  }
0x2a: {  	p0 =	seq.s32 s5, $0x0;
	s5 =	sld [smem:$0x3FB2]  }
0x2b: {  	s6 =	sld [smem:$0x3FB3]  }
0x2c: {  	s7 =	sld [smem:$0x3FB4]  }
0x2d: {  	s3 =	simm.s32 $0x108;
	s8 =	sld [smem:$0x3FB5]  }
0x2e: {  	s3 =	simm.s32 @!p0 $0x1082;
	s9 =	sld [smem:$0x3FB6]  }
0x2f: {  	lr =	sadd.s32 s0, s3;
	s0 =	sld [smem:$0x3FAD]  }
0x30: {  	s3 =	sld [smem:$0x3FB0]  }
0x31: {  	[smem:$0x3FB9] =	sst s10  }
0x32: {  	s10 =	sld [smem:$0x3FB7];
	_ =	sdelay $0x3  }
0x33: {  	p0 =	seq.s32 s10, $0x1;
	s10 =	sld [smem:$0x3FB9];
	_ =	sdelay $0x3  }
0x34: {  	[smem:$0x3FB9] =	sst s10  }
0x35: {  	s10 =	sld [smem:$0x3FB8];
	_ =	sdelay $0x3  }
0x36: {  	p1 =	seq.s32 s10, $0x1;
	s10 =	sld [smem:$0x3FB9];
	_ =	sdelay $0x3  }
0x37: {  	[smem:$0x3FB9] =	sst s10  }
0x38: {  	s10 =	sld [smem:$0x3FBA]  }
0x39: {  	_ = 	snop;
	(pc) =	sbr.ind lr, $3  }
0x3a: {  	_ = 	snop  }
0x3b: {  	_ = 	snop  }
0x3c: {  	p2 =	seq.s32 s10, $0x1;
	s10 =	sld [smem:$0x3FB9]  }
0x3d: {  	_ =	shalt  }
0x3e: {  	_ =	shalt  }
0x3f: {  	_ =	shalt  }
0x40: {  	_ =	shalt  }
0x41: {  	_ =	shalt  }
0x42: {  	_ =	shalt  }
0x43: {  	_ =	shalt  }
0x44: {  	_ =	shalt  }
0x45: {  	_ =	shalt  }
0x46: {  	_ =	shalt  }
0x47: {  	_ =	shalt  }
0x48: {  	_ =	shalt  }
0x49: {  	_ =	shalt  }
0x4a: {  	_ =	shalt  }
0x4b: {  	_ =	shalt  }
0x4c: {  	_ =	shalt  }
0x4d: {  	_ =	shalt  }
0x4e: {  	_ =	shalt  }
0x4f: {  	_ =	shalt  }
0x50: {  	_ =	shalt  }
0x51: {  	_ =	shalt  }
0x52: {  	_ =	shalt  }
0x53: {  	_ =	shalt  }
0x54: {  	_ =	shalt  }
0x55: {  	_ =	shalt  }
0x56: {  	_ =	shalt  }
0x57: {  	_ =	shalt  }
0x58: {  	_ =	shalt  }
0x59: {  	_ =	shalt  }
0x5a: {  	_ =	shalt  }
0x5b: {  	_ =	shalt  }
0x5c: {  	_ =	shalt  }
0x5d: {  	_ =	shalt  }
0x5e: {  	_ =	shalt  }
0x5f: {  	_ =	shalt  }
0x60: {  	_ =	shalt  }
0x61: {  	_ =	shalt  }
0x62: {  	_ =	shalt  }
0x63: {  	_ =	shalt  }
0x64: {  	_ =	shalt  }
0x65: {  	_ =	shalt  }
0x66: {  	_ =	shalt  }
0x67: {  	_ =	shalt  }
0x68: {  	_ =	shalt  }
0x69: {  	_ =	shalt  }
0x6a: {  	_ =	shalt  }
0x6b: {  	_ =	shalt  }
0x6c: {  	_ =	shalt  }
0x6d: {  	_ =	shalt  }
0x6e: {  	_ =	shalt  }
0x6f: {  	_ =	shalt  }
0x70: {  	_ =	shalt  }
0x71: {  	_ =	shalt  }
0x72: {  	_ =	shalt  }
0x73: {  	_ =	shalt  }
0x74: {  	_ =	shalt  }
0x75: {  	_ =	shalt  }
0x76: {  	_ =	shalt  }
0x77: {  	_ =	shalt  }
0x78: {  	_ =	shalt  }
0x79: {  	_ =	shalt  }
0x7a: {  	_ =	shalt  }
0x7b: {  	_ =	shalt  }
0x7c: {  	_ =	shalt  }
0x7d: {  	_ =	shalt  }
0x7e: {  	_ =	shalt  }
0x7f: {  	_ =	shalt  }
0x80: {  	_ =	shalt  }
0x81: {  	_ =	shalt  }
0x82: {  	_ =	shalt  }
0x83: {  	_ =	shalt  }
0x84: {  	_ =	shalt  }
0x85: {  	_ =	shalt  }
0x86: {  	_ =	shalt  }
0x87: {  	_ =	shalt  }
.Lfunc_end0:
.L_simem_size_0:
called_computation_lowered:
.L_overlay_start_0:
0x88: {  	s0 =	sld [smem:$0x3FD9]  }
0x89: {  	s1 =	sld [smem:$0x3FFE];
	_ =	sdelay $0x3  }
0x8a: {  	s0 =	sadd.s32 s1, s0  }
0x8b: {  	[smem:$0x3FC5] =	sst s0  }
0x8c: {  	_ = 	snop  }
0x8d: {  	s0 =	sld [smem:$0x3FC8]  }
0x8e: {  	s16 =	sld [smem:$0x3FD0];
	(tm) =	ssettm $0x1  }
0x8f: {  	s2 =	sld [smem:$0x3FFB];
	_ =	sdelay $0x3  }
0x90: {  	_ =	strace s2  }
0x91: {  	s2 =	sld [smem:$0x3FFC];
	_ =	sdelay $0x3  }
0x92: {  	_ =	strace s2  }
0x93: {  	s2 =	sld [smem:$0x3FFD];
	_ =	sdelay $0x3  }
0x94: {  	_ =	strace s2  }
0x95: {  	_ =	strace $0x8FFFFFFF  }
0x96: {  	s17 =	sld [smem:$0x3FDB];
	_ =	sdelay $0x1  }
0x97: {  	s3 =	simm.s32 $_scs_section_size  }
0x98: {  	s4 =	simm.s32 $_size__tile_overlayer_lowered;
	s5 =	simm.s32 $_tile_overlayer_lowered  }
0x99: {  	s20 =	simm.s32 $0x1BFF;
	s19 =	sshll.u32 s5, $0x1;
	s2 =	sadd.s32 s3, s17  }
0x9a: {  	s6 =	simm.s32 $0x0;
	s18 =	sshll.u32 s4, $0x1;
	s4 =	sadd.s32 s19, s2  }
0x9b: {  	[timem:s6], [sflag:s20] =	dma.local [hbm:s4], s18  }
0x9c: {  	_ =	swait.ge [sflag:s20], s18  }
0x9d: {  	s3 =	ssub.s32 $0x0, s18;
	[sflag:s20] =	ssyncset.done $0x0  }
0x9e: {  	[sflag:s20] =	ssyncadd.s32 s3;
	_ =	sdelay $0x1  }
0x9f: {  	s21 =	simm.s32 $0x1B8B  }
0xa0: {  	_ =	swait.ge [sflag:s21], $0x1  }
0xa1: {  	[sflag:s21] =	ssyncset.done $0x0  }
0xa2: {  	s23 =	simm.s32 $0x1B8E;
	s22 =	sld [smem:$0x3FFE];
	[sflag:s21] =	ssyncadd.s32 $0xFFFFFFFF  }
0xa3: {  	s24 =	simm.s32 $execute0_lowered;
	[smem:$0x3FD2] =	sst s23  }
0xa4: {  	s4 =	sshll.u32 s24, $0x1;
	_ =	strace $0x80000046;
	[dreg:$0x1] =	wrdreg $0xFFFFFFFF  }
0xa5: {  	s25 =	simm.s32 $_size_execute0_lowered;
	s2 =	sadd.s32 s2, s4;
	[dreg:$0x0] =	wrdreg $0x0  }
0xa6: {  	s4 =	sshll.u32 s25, $0x1;
	[dreg:$0x2] =	wrdreg s2  }
0xa7: {  	[dreg:$0x3] =	wrdreg s4  }
0xa8: {  	[dreg:$0x4] =	wrdreg $0xC0  }
0xa9: {  	_ =	task [dreg:s6], $0x5FFFF  }
0xaa: {  	[dreg:$0x1] =	wrdreg $0xFFFFFFFF  }
0xab: {  	[dreg:$0x0] =	wrdreg $0x60  }
0xac: {  	[dreg:$0x2] =	wrdreg s22  }
0xad: {  	[dreg:$0x3] =	wrdreg s0  }
0xae: {  	[dreg:$0x4] =	wrdreg s16  }
0xaf: {  	[dreg:$0x5] =	wrdreg $0x100800  }
0xb0: {  	[dreg:$0x6] =	wrdreg $0x9  }
0xb1: {  	_ =	task.clear_ibuf [dreg:s6], $0x7FFFF;
	_ =	strace $0x90000046  }
0xb2: {  	s26 =	simm.s32 $0x9;
	_ =	strace $0x80000048  }
0xb3: {  	_ =	swait.ge [sflag:s26], $0x1  }
0xb4: {  	[sflag:s26] =	ssyncadd.s32 $0xFFFFFFFF  }
0xb5: {  	_ =	strace $0x90000048  }
0xb6: {  	_ =	sfence  }
0xb7: {  	s28 =	sld [smem:$0x0];
	_ =	sdelay $0x1  }
0xb8: {  	s29 =	srdreg.scid  }
0xb9: {  	s30 =	sshll.u32 s29, $0xD;
	s31 =	sshrl.u32 s29, $0x2  }
0xba: {  	s1 =	sand.u32 $0x1, s29;
	s2 =	sand.u32 $0x4000, s30;
	s0 =	sadd.s32 s31, s28  }
0xbb: {  	s1 =	sor.u32 s2, s1;
	s0 =	sshll.u32 s0, $0x11  }
0xbc: {  	s0 =	sor.u32 s0, s1  }
0xbd: {  	s0 =	sadd.s32 $0x8F2B, s0  }
0xbe: {  	[sflag:s0] =	ssyncadd.remote.s32 $0x1  }
0xbf: {  	_ =	sfence.sel $0xFFFF  }
0xc0: {  	[dreg:$0x0] =	wrdreg $0xFFFFFFFF;
	(pc) =	sbr.abs _section_cstart, $3  }
0xc1: {  	[dreg:$0x1] =	wrdreg $0xFFFFFFFF  }
0xc2: {  	_ =	task.clear_ibuf [dreg:s6], $0x2FFFF;
	_ =	strace $0x9FFFFFFF  }
0xc3: {  	(tm) =	ssettm $0x7FFFFFFF  }
tec
execute0_lowered:
.L_overlay_start_1:
0x0: {  	(tag) =	ssettag $0x1  }
0x1: {  	s6 =	rddreg [dreg:$0x0]  }
0x2: {  	s4 =	rddreg [dreg:$0x1]  }
0x3: {  	s1 =	rddreg [dreg:$0x2]  }
0x4: {  	s3 =	rddreg [dreg:$0x3];
	s8 =	simm.s32 $0x0;
	s5 =	stileid.u32  }
0x5: {  	[smem:$0x7FF] =	sst s8;
	s2 =	sadd.s32 $0x600, s6;
	s7 =	sshll.u32 s5, $0xF  }
0x6: {  	s0 =	rddreg [dreg:$0x4];
	_ =	strace $0x80000047;
	s9 =	sadd.s32 s2, s7  }
0x7: {  	[tilespmem:s8], [sflag:$0x1] =	stream.linear.gather [hbm4b:s9+s8], $0x8000, $0x38;
	[tilespmem:$0x10A40] =	vst v63  }
0x8: {  	s10 =	simm.s32 $0x8000;
	s31 =	simm.s32 $0x1;
	s9 =	sadd.s32 $0x1000, s9  }
0x9: {  	[tilespmem:s10], [sflag:$0x2] =	stream.linear.gather [hbm4b:s9+s8], $0x8000, $0x38;
	[tilespmem:$0x10A40] =	vst v63  }
0xa: {  	_ =	swait.ge [sflag:s31], $0x8000  }
0xb: {  	[sflag:s31] =	ssyncset.done $0x0  }
0xc: {  	s8 =	simm.s32 $0x0;
	[sflag:s31] =	ssyncadd.s32 $0xFFFF8000  }
0xd: {  	v1 =	vld [tilespmem:s8+$0x180]  }
0xe: {  	v3 =	vld [tilespmem:s8+$0x190]  }
0xf: {  	v5 =	vld [tilespmem:s8+$0x100]  }
0x10: {  	v7 =	vld [tilespmem:s8+$0x110]  }
0x11: {  	v6 =	vld [tilespmem:s8+$0x80]  }
0x12: {  	v8 =	vld [tilespmem:s8+$0x90]  }
0x13: {  	v11 =	vld [tilespmem:s8+$0x0]  }
0x14: {  	v2 =	vimm.f32 $0.0e+00;
	v13 =	vld [tilespmem:s8+$0x10]  }
0x15: {  	v10 =	vimm.f32 $0.0e+00;
	v4 =	vimm.f32 $0.0e+00;
	v9 =	vimm.f32 $0.0e+00;
	s6 =	sadd.s32 $0x80600, s6;
	s9 =	simm.s32 $0x800;
	v12 =	vld [tilespmem:s8+$0x20]  }
.LBB2_1:
0x16: {  	p0 =	sne.s32 s9, $0x1F800;
	v0 =	vld [tilespmem:s8+$0x30]  }
0x17: {  	v14 =	vld [tilespmem:s8+$0xA0]  }
0x18: {  	v15 =	vld [tilespmem:s8+$0xB0]  }
0x19: {  	v16 =	vld [tilespmem:s8+$0x120]  }
0x1a: {  	v2 =	vadd.f32 v11, v2;
	v10 =	vadd.f32 v13, v10;
	v11 =	vld [tilespmem:s8+$0x130]  }
0x1b: {  	v4 =	vadd.f32 v12, v4;
	v0 =	vadd.f32 v0, v9;
	v9 =	vld [tilespmem:s8+$0x1A0]  }
0x1c: {  	v2 =	vadd.f32 v6, v2;
	v6 =	vadd.f32 v8, v10;
	v8 =	vld [tilespmem:s8+$0x1B0];
	s8 =	sshra.s32 s9, $0x2  }
0x1d: {  	v4 =	vadd.f32 v14, v4;
	v12 =	vld [tilespmem:s8+$0x180];
	v0 =	vadd.f32 v15, v0  }
0x1e: {  	v2 =	vadd.f32 v5, v2;
	v6 =	vadd.f32 v7, v6;
	v13 =	vld [tilespmem:s8+$0x190]  }
0x1f: {  	v4 =	vadd.f32 v16, v4;
	v5 =	vld [tilespmem:s8+$0x100];
	v0 =	vadd.f32 v11, v0  }
0x20: {  	v2 =	vadd.f32 v1, v2;
	v10 =	vadd.f32 v3, v6;
	v7 =	vld [tilespmem:s8+$0x110]  }
.Ltmp0:
0x21: {  	v4 =	vadd.f32 v9, v4;
	v6 =	vld [tilespmem:s8+$0x80];
	v9 =	vadd.f32 v8, v0;
	(pc) =	sbr.rel @p0 .LBB2_1-.Ltmp0, $4  }
0x22: {  	v8 =	vld [tilespmem:s8+$0x90];
	v1 =	vmov v12  }
0x23: {  	v11 =	vld [tilespmem:s8+$0x0];
	v3 =	vmov v13  }
0x24: {  	v13 =	vld [tilespmem:s8+$0x10]  }
0x25: {  	s9 =	sadd.s32 $0x800, s9;
	v12 =	vld [tilespmem:s8+$0x20]  }
0x26: {  	v14 =	vld [tilespmem:s8+$0x30]  }
0x27: {  	v15 =	vld [tilespmem:s8+$0xA0]  }
0x28: {  	v16 =	vld [tilespmem:s8+$0xB0]  }
0x29: {  	v17 =	vld [tilespmem:s8+$0x120]  }
0x2a: {  	v18 =	vld [tilespmem:s8+$0x130];
	s2 =	sadd.s32 s7, s2  }
0x2b: {  	v19 =	vld [tilespmem:s8+$0x1A0];
	s30 =	simm.s32 $0x0;
	s31 =	simm.s32 $0x2;
	s7 =	sadd.s32 $0x2000, s2  }
0x2c: {  	v20 =	vld [tilespmem:s8+$0x1B0];
	[tilespmem:s30], [sflag:$0x1] =	stream.linear.gather [hbm4b:s7+s30], $0x8000, $0x38  }
0x2d: {  	_ =	swait.ge [sflag:s31], $0x8000  }
0x2e: {  	[sflag:s31] =	ssyncset.done $0x0  }
0x2f: {  	s7 =	simm.s32 $0x0;
	[sflag:s31] =	ssyncadd.s32 $0xFFFF8000  }
0x30: {  	v0 =	vld [tilespmem:s7+$0x8180]  }
0x31: {  	v11 =	vadd.f32 v11, v2;
	v10 =	vadd.f32 v13, v10;
	v2 =	vld [tilespmem:s7+$0x8190]  }
0x32: {  	v12 =	vadd.f32 v12, v4;
	v9 =	vadd.f32 v14, v9;
	v4 =	vld [tilespmem:s7+$0x8100]  }
0x33: {  	v11 =	vadd.f32 v6, v11;
	v10 =	vadd.f32 v8, v10;
	v6 =	vld [tilespmem:s7+$0x8110]  }
0x34: {  	v12 =	vadd.f32 v15, v12;
	v8 =	vld [tilespmem:s7+$0x8080];
	v9 =	vadd.f32 v16, v9  }
0x35: {  	v5 =	vadd.f32 v5, v11;
	v11 =	vld [tilespmem:s7+$0x8000];
	v10 =	vadd.f32 v7, v10  }
0x36: {  	v7 =	vld [tilespmem:s7+$0x8090];
	v13 =	vadd.f32 v17, v12;
	v14 =	vadd.f32 v18, v9  }
0x37: {  	v5 =	vadd.f32 v1, v5;
	v12 =	vld [tilespmem:s7+$0x8010];
	v3 =	vadd.f32 v3, v10  }
0x38: {  	s8 =	simm.s32 $0x800;
	v9 =	vadd.f32 v19, v13;
	v13 =	vld [tilespmem:s7+$0x8020];
	v10 =	vadd.f32 v20, v14  }
.LBB2_3:
0x39: {  	p0 =	sne.s32 s8, $0x1F800;
	v1 =	vld [tilespmem:s7+$0x8030]  }
0x3a: {  	v14 =	vld [tilespmem:s7+$0x80A0]  }
0x3b: {  	v15 =	vld [tilespmem:s7+$0x80B0]  }
0x3c: {  	v16 =	vld [tilespmem:s7+$0x8120]  }
0x3d: {  	v5 =	vadd.f32 v11, v5;
	v3 =	vadd.f32 v12, v3;
	v11 =	vld [tilespmem:s7+$0x8130]  }
0x3e: {  	v9 =	vadd.f32 v13, v9;
	v1 =	vadd.f32 v1, v10;
	v10 =	vld [tilespmem:s7+$0x81A0]  }
0x3f: {  	v5 =	vadd.f32 v8, v5;
	v3 =	vadd.f32 v7, v3;
	v7 =	vld [tilespmem:s7+$0x81B0];
	s7 =	sshra.s32 s8, $0x2  }
0x40: {  	v8 =	vadd.f32 v14, v9;
	v12 =	vld [tilespmem:s7+$0x8180];
	v1 =	vadd.f32 v15, v1  }
0x41: {  	v5 =	vadd.f32 v4, v5;
	v3 =	vadd.f32 v6, v3;
	v13 =	vld [tilespmem:s7+$0x8190]  }
0x42: {  	v9 =	vadd.f32 v16, v8;
	v4 =	vld [tilespmem:s7+$0x8100];
	v1 =	vadd.f32 v11, v1  }
0x43: {  	v5 =	vadd.f32 v0, v5;
	v3 =	vadd.f32 v2, v3;
	v6 =	vld [tilespmem:s7+$0x8110]  }
.Ltmp1:
0x44: {  	v9 =	vadd.f32 v10, v9;
	v8 =	vld [tilespmem:s7+$0x8080];
	v10 =	vadd.f32 v7, v1;
	(pc) =	sbr.rel @p0 .LBB2_3-.Ltmp1, $4  }
0x45: {  	v7 =	vld [tilespmem:s7+$0x8090];
	v0 =	vmov v12  }
0x46: {  	v11 =	vld [tilespmem:s7+$0x8000];
	v2 =	vmov v13  }
0x47: {  	v12 =	vld [tilespmem:s7+$0x8010]  }
0x48: {  	s8 =	sadd.s32 $0x800, s8;
	v13 =	vld [tilespmem:s7+$0x8020]  }
0x49: {  	v14 =	vld [tilespmem:s7+$0x8030]  }
0x4a: {  	v15 =	vld [tilespmem:s7+$0x80A0]  }
0x4b: {  	v16 =	vld [tilespmem:s7+$0x80B0]  }
0x4c: {  	v17 =	vld [tilespmem:s7+$0x8120]  }
0x4d: {  	v18 =	vld [tilespmem:s7+$0x8130];
	s30 =	sadd.s32 $0x3000, s2  }
0x4e: {  	v19 =	vld [tilespmem:s7+$0x81A0];
	s8 =	simm.s32 $0x0;
	s9 =	simm.s32 $0x8000;
	s31 =	simm.s32 $0x1  }
0x4f: {  	v20 =	vld [tilespmem:s7+$0x81B0];
	[tilespmem:s9], [sflag:$0x2] =	stream.linear.gather [hbm4b:s30+s8], $0x8000, $0x38  }
0x50: {  	_ =	swait.ge [sflag:s31], $0x8000  }
0x51: {  	[sflag:s31] =	ssyncset.done $0x0  }
0x52: {  	s7 =	simm.s32 $0x0;
	[sflag:s31] =	ssyncadd.s32 $0xFFFF8000  }
0x53: {  	v1 =	vld [tilespmem:s7+$0x180]  }
0x54: {  	v11 =	vadd.f32 v11, v5;
	v12 =	vadd.f32 v12, v3;
	v3 =	vld [tilespmem:s7+$0x190]  }
0x55: {  	v9 =	vadd.f32 v13, v9;
	v10 =	vadd.f32 v14, v10;
	v5 =	vld [tilespmem:s7+$0x100]  }
0x56: {  	v11 =	vadd.f32 v8, v11;
	v12 =	vadd.f32 v7, v12;
	v7 =	vld [tilespmem:s7+$0x110]  }
0x57: {  	v8 =	vld [tilespmem:s7+$0x80];
	v9 =	vadd.f32 v15, v9;
	v10 =	vadd.f32 v16, v10  }
0x58: {  	v13 =	vld [tilespmem:s7+$0x20];
	v4 =	vadd.f32 v4, v11;
	v12 =	vadd.f32 v6, v12  }
0x59: {  	v11 =	vld [tilespmem:s7+$0x0];
	v9 =	vadd.f32 v17, v9;
	v10 =	vadd.f32 v18, v10  }
0x5a: {  	v6 =	vld [tilespmem:s7+$0x90];
	v4 =	vadd.f32 v0, v4;
	v2 =	vadd.f32 v2, v12  }
0x5b: {  	s8 =	simm.s32 $0x800;
	v12 =	vld [tilespmem:s7+$0x10];
	v9 =	vadd.f32 v19, v9;
	v10 =	vadd.f32 v20, v10  }
.LBB2_5:
0x5c: {  	p0 =	sne.s32 s8, $0x1F800;
	v0 =	vld [tilespmem:s7+$0x30]  }
0x5d: {  	v14 =	vld [tilespmem:s7+$0xA0]  }
0x5e: {  	v15 =	vld [tilespmem:s7+$0xB0]  }
0x5f: {  	v16 =	vld [tilespmem:s7+$0x120]  }
0x60: {  	v4 =	vadd.f32 v11, v4;
	v2 =	vadd.f32 v12, v2;
	v11 =	vld [tilespmem:s7+$0x130]  }
0x61: {  	v9 =	vadd.f32 v13, v9;
	v0 =	vadd.f32 v0, v10;
	v10 =	vld [tilespmem:s7+$0x1A0]  }
0x62: {  	v4 =	vadd.f32 v8, v4;
	v2 =	vadd.f32 v6, v2;
	v6 =	vld [tilespmem:s7+$0x1B0];
	s7 =	sshra.s32 s8, $0x2  }
0x63: {  	v8 =	vadd.f32 v14, v9;
	v12 =	vld [tilespmem:s7+$0x180];
	v0 =	vadd.f32 v15, v0  }
0x64: {  	v4 =	vadd.f32 v5, v4;
	v2 =	vadd.f32 v7, v2;
	v13 =	vld [tilespmem:s7+$0x190]  }
0x65: {  	v9 =	vadd.f32 v16, v8;
	v5 =	vld [tilespmem:s7+$0x100];
	v0 =	vadd.f32 v11, v0  }
0x66: {  	v4 =	vadd.f32 v1, v4;
	v2 =	vadd.f32 v3, v2;
	v7 =	vld [tilespmem:s7+$0x110]  }
.Ltmp2:
0x67: {  	v9 =	vadd.f32 v10, v9;
	v8 =	vld [tilespmem:s7+$0x80];
	v10 =	vadd.f32 v6, v0;
	(pc) =	sbr.rel @p0 .LBB2_5-.Ltmp2, $4  }
0x68: {  	v6 =	vld [tilespmem:s7+$0x90];
	v1 =	vmov v12  }
0x69: {  	v11 =	vld [tilespmem:s7+$0x0];
	v3 =	vmov v13  }
0x6a: {  	v12 =	vld [tilespmem:s7+$0x10]  }
0x6b: {  	s8 =	sadd.s32 $0x800, s8;
	v13 =	vld [tilespmem:s7+$0x20]  }
0x6c: {  	v14 =	vld [tilespmem:s7+$0x30]  }
0x6d: {  	v15 =	vld [tilespmem:s7+$0xA0]  }
0x6e: {  	v16 =	vld [tilespmem:s7+$0xB0]  }
0x6f: {  	v17 =	vld [tilespmem:s7+$0x120]  }
0x70: {  	v18 =	vld [tilespmem:s7+$0x130]  }
0x71: {  	v19 =	vld [tilespmem:s7+$0x1A0];
	s30 =	sadd.s32 $0x4000, s2;
	s8 =	simm.s32 $0x0;
	s31 =	simm.s32 $0x2  }
0x72: {  	v20 =	vld [tilespmem:s7+$0x1B0];
	[tilespmem:s8], [sflag:$0x1] =	stream.linear.gather [hbm4b:s30+s8], $0x8000, $0x38  }
0x73: {  	_ =	swait.ge [sflag:s31], $0x8000  }
0x74: {  	[sflag:s31] =	ssyncset.done $0x0  }
0x75: {  	s7 =	simm.s32 $0x0;
	[sflag:s31] =	ssyncadd.s32 $0xFFFF8000  }
0x76: {  	v0 =	vld [tilespmem:s7+$0x8180]  }
0x77: {  	v11 =	vadd.f32 v11, v4;
	v12 =	vadd.f32 v12, v2;
	v2 =	vld [tilespmem:s7+$0x8190]  }
0x78: {  	v9 =	vadd.f32 v13, v9;
	v10 =	vadd.f32 v14, v10;
	v4 =	vld [tilespmem:s7+$0x8100]  }
0x79: {  	v11 =	vadd.f32 v8, v11;
	v12 =	vadd.f32 v6, v12;
	v6 =	vld [tilespmem:s7+$0x8110]  }
0x7a: {  	v8 =	vld [tilespmem:s7+$0x8080];
	v9 =	vadd.f32 v15, v9;
	v10 =	vadd.f32 v16, v10  }
0x7b: {  	v13 =	vld [tilespmem:s7+$0x8020];
	v5 =	vadd.f32 v5, v11;
	v12 =	vadd.f32 v7, v12  }
0x7c: {  	v11 =	vld [tilespmem:s7+$0x8000];
	v9 =	vadd.f32 v17, v9;
	v10 =	vadd.f32 v18, v10  }
0x7d: {  	v7 =	vld [tilespmem:s7+$0x8090];
	v5 =	vadd.f32 v1, v5;
	v3 =	vadd.f32 v3, v12  }
0x7e: {  	s8 =	simm.s32 $0x800;
	v12 =	vld [tilespmem:s7+$0x8010];
	v9 =	vadd.f32 v19, v9;
	v10 =	vadd.f32 v20, v10  }
.LBB2_7:
0x7f: {  	p0 =	sne.s32 s8, $0x1F800;
	v1 =	vld [tilespmem:s7+$0x8030]  }
0x80: {  	v14 =	vld [tilespmem:s7+$0x80A0]  }
0x81: {  	v15 =	vld [tilespmem:s7+$0x80B0]  }
0x82: {  	v16 =	vld [tilespmem:s7+$0x8120]  }
0x83: {  	v5 =	vadd.f32 v11, v5;
	v3 =	vadd.f32 v12, v3;
	v11 =	vld [tilespmem:s7+$0x8130]  }
0x84: {  	v9 =	vadd.f32 v13, v9;
	v1 =	vadd.f32 v1, v10;
	v10 =	vld [tilespmem:s7+$0x81A0]  }
0x85: {  	v5 =	vadd.f32 v8, v5;
	v3 =	vadd.f32 v7, v3;
	v7 =	vld [tilespmem:s7+$0x81B0];
	s7 =	sshra.s32 s8, $0x2  }
0x86: {  	v8 =	vadd.f32 v14, v9;
	v12 =	vld [tilespmem:s7+$0x8180];
	v1 =	vadd.f32 v15, v1  }
0x87: {  	v5 =	vadd.f32 v4, v5;
	v3 =	vadd.f32 v6, v3;
	v13 =	vld [tilespmem:s7+$0x8190]  }
0x88: {  	v9 =	vadd.f32 v16, v8;
	v4 =	vld [tilespmem:s7+$0x8100];
	v1 =	vadd.f32 v11, v1  }
0x89: {  	v5 =	vadd.f32 v0, v5;
	v3 =	vadd.f32 v2, v3;
	v6 =	vld [tilespmem:s7+$0x8110]  }
.Ltmp3:
0x8a: {  	v9 =	vadd.f32 v10, v9;
	v8 =	vld [tilespmem:s7+$0x8080];
	v10 =	vadd.f32 v7, v1;
	(pc) =	sbr.rel @p0 .LBB2_7-.Ltmp3, $4  }
0x8b: {  	v7 =	vld [tilespmem:s7+$0x8090];
	v0 =	vmov v12  }
0x8c: {  	v11 =	vld [tilespmem:s7+$0x8000];
	v2 =	vmov v13  }
0x8d: {  	v12 =	vld [tilespmem:s7+$0x8010]  }
0x8e: {  	s8 =	sadd.s32 $0x800, s8;
	v13 =	vld [tilespmem:s7+$0x8020]  }
0x8f: {  	v14 =	vld [tilespmem:s7+$0x8030]  }
0x90: {  	v15 =	vld [tilespmem:s7+$0x80A0]  }
0x91: {  	v16 =	vld [tilespmem:s7+$0x80B0]  }
0x92: {  	v17 =	vld [tilespmem:s7+$0x8120]  }
0x93: {  	v18 =	vld [tilespmem:s7+$0x8130];
	s30 =	sadd.s32 $0x5000, s2  }
0x94: {  	v19 =	vld [tilespmem:s7+$0x81A0];
	s8 =	simm.s32 $0x0;
	s9 =	simm.s32 $0x8000;
	s31 =	simm.s32 $0x1  }
0x95: {  	v20 =	vld [tilespmem:s7+$0x81B0];
	[tilespmem:s9], [sflag:$0x2] =	stream.linear.gather [hbm4b:s30+s8], $0x8000, $0x38  }
0x96: {  	_ =	swait.ge [sflag:s31], $0x8000  }
0x97: {  	[sflag:s31] =	ssyncset.done $0x0  }
0x98: {  	s7 =	simm.s32 $0x0;
	[sflag:s31] =	ssyncadd.s32 $0xFFFF8000  }
0x99: {  	v1 =	vld [tilespmem:s7+$0x180]  }
0x9a: {  	v11 =	vadd.f32 v11, v5;
	v12 =	vadd.f32 v12, v3;
	v3 =	vld [tilespmem:s7+$0x190]  }
0x9b: {  	v9 =	vadd.f32 v13, v9;
	v10 =	vadd.f32 v14, v10;
	v5 =	vld [tilespmem:s7+$0x100]  }
0x9c: {  	v11 =	vadd.f32 v8, v11;
	v12 =	vadd.f32 v7, v12;
	v7 =	vld [tilespmem:s7+$0x110]  }
0x9d: {  	v8 =	vld [tilespmem:s7+$0x80];
	v9 =	vadd.f32 v15, v9;
	v10 =	vadd.f32 v16, v10  }
0x9e: {  	v13 =	vld [tilespmem:s7+$0x20];
	v4 =	vadd.f32 v4, v11;
	v12 =	vadd.f32 v6, v12  }
0x9f: {  	v11 =	vld [tilespmem:s7+$0x0];
	v9 =	vadd.f32 v17, v9;
	v10 =	vadd.f32 v18, v10  }
0xa0: {  	v6 =	vld [tilespmem:s7+$0x90];
	v4 =	vadd.f32 v0, v4;
	v2 =	vadd.f32 v2, v12  }
0xa1: {  	s8 =	simm.s32 $0x800;
	v12 =	vld [tilespmem:s7+$0x10];
	v9 =	vadd.f32 v19, v9;
	v10 =	vadd.f32 v20, v10  }
.LBB2_9:
0xa2: {  	p0 =	sne.s32 s8, $0x1F800;
	v0 =	vld [tilespmem:s7+$0x30]  }
0xa3: {  	v14 =	vld [tilespmem:s7+$0xA0]  }
0xa4: {  	v15 =	vld [tilespmem:s7+$0xB0]  }
0xa5: {  	v16 =	vld [tilespmem:s7+$0x120]  }
0xa6: {  	v4 =	vadd.f32 v11, v4;
	v2 =	vadd.f32 v12, v2;
	v11 =	vld [tilespmem:s7+$0x130]  }
0xa7: {  	v9 =	vadd.f32 v13, v9;
	v0 =	vadd.f32 v0, v10;
	v10 =	vld [tilespmem:s7+$0x1A0]  }
0xa8: {  	v4 =	vadd.f32 v8, v4;
	v2 =	vadd.f32 v6, v2;
	v6 =	vld [tilespmem:s7+$0x1B0];
	s7 =	sshra.s32 s8, $0x2  }
0xa9: {  	v8 =	vadd.f32 v14, v9;
	v12 =	vld [tilespmem:s7+$0x180];
	v0 =	vadd.f32 v15, v0  }
0xaa: {  	v4 =	vadd.f32 v5, v4;
	v2 =	vadd.f32 v7, v2;
	v13 =	vld [tilespmem:s7+$0x190]  }
0xab: {  	v9 =	vadd.f32 v16, v8;
	v5 =	vld [tilespmem:s7+$0x100];
	v0 =	vadd.f32 v11, v0  }
0xac: {  	v4 =	vadd.f32 v1, v4;
	v2 =	vadd.f32 v3, v2;
	v7 =	vld [tilespmem:s7+$0x110]  }
.Ltmp4:
0xad: {  	v9 =	vadd.f32 v10, v9;
	v8 =	vld [tilespmem:s7+$0x80];
	v10 =	vadd.f32 v6, v0;
	(pc) =	sbr.rel @p0 .LBB2_9-.Ltmp4, $4  }
0xae: {  	v6 =	vld [tilespmem:s7+$0x90];
	v1 =	vmov v12  }
0xaf: {  	v11 =	vld [tilespmem:s7+$0x0];
	v3 =	vmov v13  }
0xb0: {  	v12 =	vld [tilespmem:s7+$0x10]  }
0xb1: {  	s8 =	sadd.s32 $0x800, s8;
	v13 =	vld [tilespmem:s7+$0x20]  }
0xb2: {  	v14 =	vld [tilespmem:s7+$0x30]  }
0xb3: {  	v15 =	vld [tilespmem:s7+$0xA0]  }
0xb4: {  	v16 =	vld [tilespmem:s7+$0xB0]  }
0xb5: {  	v17 =	vld [tilespmem:s7+$0x120]  }
0xb6: {  	v18 =	vld [tilespmem:s7+$0x130]  }
0xb7: {  	v19 =	vld [tilespmem:s7+$0x1A0];
	s30 =	sadd.s32 $0x6000, s2;
	s8 =	simm.s32 $0x0;
	s31 =	simm.s32 $0x2  }
0xb8: {  	v20 =	vld [tilespmem:s7+$0x1B0];
	[tilespmem:s8], [sflag:$0x1] =	stream.linear.gather [hbm4b:s30+s8], $0x8000, $0x38  }
0xb9: {  	_ =	swait.ge [sflag:s31], $0x8000  }
0xba: {  	[sflag:s31] =	ssyncset.done $0x0  }
0xbb: {  	s7 =	simm.s32 $0x0;
	[sflag:s31] =	ssyncadd.s32 $0xFFFF8000  }
0xbc: {  	v0 =	vld [tilespmem:s7+$0x8180]  }
0xbd: {  	v11 =	vadd.f32 v11, v4;
	v12 =	vadd.f32 v12, v2;
	v2 =	vld [tilespmem:s7+$0x8190]  }
0xbe: {  	v9 =	vadd.f32 v13, v9;
	v10 =	vadd.f32 v14, v10;
	v4 =	vld [tilespmem:s7+$0x8100]  }
0xbf: {  	v11 =	vadd.f32 v8, v11;
	v12 =	vadd.f32 v6, v12;
	v6 =	vld [tilespmem:s7+$0x8110]  }
0xc0: {  	v8 =	vld [tilespmem:s7+$0x8080];
	v9 =	vadd.f32 v15, v9;
	v10 =	vadd.f32 v16, v10  }
0xc1: {  	v13 =	vld [tilespmem:s7+$0x8020];
	v5 =	vadd.f32 v5, v11;
	v12 =	vadd.f32 v7, v12  }
0xc2: {  	v11 =	vld [tilespmem:s7+$0x8000];
	v9 =	vadd.f32 v17, v9;
	v10 =	vadd.f32 v18, v10  }
0xc3: {  	v7 =	vld [tilespmem:s7+$0x8090];
	v5 =	vadd.f32 v1, v5;
	v3 =	vadd.f32 v3, v12  }
0xc4: {  	s8 =	simm.s32 $0x800;
	v12 =	vld [tilespmem:s7+$0x8010];
	v9 =	vadd.f32 v19, v9;
	v10 =	vadd.f32 v20, v10  }
.LBB2_11:
0xc5: {  	p0 =	sne.s32 s8, $0x1F800;
	v1 =	vld [tilespmem:s7+$0x8030]  }
0xc6: {  	v14 =	vld [tilespmem:s7+$0x80A0]  }
0xc7: {  	v15 =	vld [tilespmem:s7+$0x80B0]  }
0xc8: {  	v16 =	vld [tilespmem:s7+$0x8120]  }
0xc9: {  	v5 =	vadd.f32 v11, v5;
	v3 =	vadd.f32 v12, v3;
	v11 =	vld [tilespmem:s7+$0x8130]  }
0xca: {  	v9 =	vadd.f32 v13, v9;
	v1 =	vadd.f32 v1, v10;
	v10 =	vld [tilespmem:s7+$0x81A0]  }
0xcb: {  	v5 =	vadd.f32 v8, v5;
	v3 =	vadd.f32 v7, v3;
	v7 =	vld [tilespmem:s7+$0x81B0];
	s7 =	sshra.s32 s8, $0x2  }
0xcc: {  	v8 =	vadd.f32 v14, v9;
	v12 =	vld [tilespmem:s7+$0x8180];
	v1 =	vadd.f32 v15, v1  }
0xcd: {  	v5 =	vadd.f32 v4, v5;
	v3 =	vadd.f32 v6, v3;
	v13 =	vld [tilespmem:s7+$0x8190]  }
0xce: {  	v9 =	vadd.f32 v16, v8;
	v4 =	vld [tilespmem:s7+$0x8100];
	v1 =	vadd.f32 v11, v1  }
0xcf: {  	v5 =	vadd.f32 v0, v5;
	v3 =	vadd.f32 v2, v3;
	v6 =	vld [tilespmem:s7+$0x8110]  }
.Ltmp5:
0xd0: {  	v9 =	vadd.f32 v10, v9;
	v8 =	vld [tilespmem:s7+$0x8080];
	v10 =	vadd.f32 v7, v1;
	(pc) =	sbr.rel @p0 .LBB2_11-.Ltmp5, $4  }
0xd1: {  	v7 =	vld [tilespmem:s7+$0x8090];
	v0 =	vmov v12  }
0xd2: {  	v11 =	vld [tilespmem:s7+$0x8000];
	v2 =	vmov v13  }
0xd3: {  	v12 =	vld [tilespmem:s7+$0x8010]  }
0xd4: {  	s8 =	sadd.s32 $0x800, s8;
	v13 =	vld [tilespmem:s7+$0x8020]  }
0xd5: {  	v14 =	vld [tilespmem:s7+$0x8030]  }
0xd6: {  	v15 =	vld [tilespmem:s7+$0x80A0]  }
0xd7: {  	v16 =	vld [tilespmem:s7+$0x80B0]  }
0xd8: {  	v17 =	vld [tilespmem:s7+$0x8120]  }
0xd9: {  	v18 =	vld [tilespmem:s7+$0x8130];
	s2 =	sadd.s32 $0x7000, s2  }
0xda: {  	v19 =	vld [tilespmem:s7+$0x81A0];
	s30 =	simm.s32 $0x0;
	s8 =	simm.s32 $0x8000;
	s31 =	simm.s32 $0x1  }
0xdb: {  	v20 =	vld [tilespmem:s7+$0x81B0];
	[tilespmem:s8], [sflag:$0x2] =	stream.linear.gather [hbm4b:s2+s30], $0x8000, $0x38  }
0xdc: {  	_ =	swait.ge [sflag:s31], $0x8000  }
0xdd: {  	[sflag:s31] =	ssyncset.done $0x0  }
0xde: {  	s2 =	simm.s32 $0x0;
	[sflag:s31] =	ssyncadd.s32 $0xFFFF8000  }
0xdf: {  	v1 =	vld [tilespmem:s2+$0x180]  }
0xe0: {  	v11 =	vadd.f32 v11, v5;
	v12 =	vadd.f32 v12, v3;
	v3 =	vld [tilespmem:s2+$0x190]  }
0xe1: {  	v9 =	vadd.f32 v13, v9;
	v10 =	vadd.f32 v14, v10;
	v5 =	vld [tilespmem:s2+$0x100]  }
0xe2: {  	v11 =	vadd.f32 v8, v11;
	v12 =	vadd.f32 v7, v12;
	v7 =	vld [tilespmem:s2+$0x110]  }
0xe3: {  	v8 =	vld [tilespmem:s2+$0x80];
	v9 =	vadd.f32 v15, v9;
	v10 =	vadd.f32 v16, v10  }
0xe4: {  	v13 =	vld [tilespmem:s2+$0x20];
	v4 =	vadd.f32 v4, v11;
	v12 =	vadd.f32 v6, v12  }
0xe5: {  	v11 =	vld [tilespmem:s2+$0x0];
	v9 =	vadd.f32 v17, v9;
	v10 =	vadd.f32 v18, v10  }
0xe6: {  	v6 =	vld [tilespmem:s2+$0x90];
	v4 =	vadd.f32 v0, v4;
	v2 =	vadd.f32 v2, v12  }
0xe7: {  	s7 =	simm.s32 $0x800;
	v12 =	vld [tilespmem:s2+$0x10];
	v9 =	vadd.f32 v19, v9;
	v10 =	vadd.f32 v20, v10  }
.LBB2_13:
0xe8: {  	p0 =	sne.s32 s7, $0x1F800;
	v0 =	vld [tilespmem:s2+$0x30]  }
0xe9: {  	v14 =	vld [tilespmem:s2+$0xA0]  }
0xea: {  	v15 =	vld [tilespmem:s2+$0xB0]  }
0xeb: {  	v16 =	vld [tilespmem:s2+$0x120]  }
0xec: {  	v4 =	vadd.f32 v11, v4;
	v2 =	vadd.f32 v12, v2;
	v11 =	vld [tilespmem:s2+$0x130]  }
0xed: {  	v9 =	vadd.f32 v13, v9;
	v0 =	vadd.f32 v0, v10;
	v10 =	vld [tilespmem:s2+$0x1A0]  }
0xee: {  	v4 =	vadd.f32 v8, v4;
	v2 =	vadd.f32 v6, v2;
	v6 =	vld [tilespmem:s2+$0x1B0];
	s2 =	sshra.s32 s7, $0x2  }
0xef: {  	v8 =	vadd.f32 v14, v9;
	v12 =	vld [tilespmem:s2+$0x180];
	v0 =	vadd.f32 v15, v0  }
0xf0: {  	v4 =	vadd.f32 v5, v4;
	v2 =	vadd.f32 v7, v2;
	v13 =	vld [tilespmem:s2+$0x190]  }
0xf1: {  	v9 =	vadd.f32 v16, v8;
	v5 =	vld [tilespmem:s2+$0x100];
	v0 =	vadd.f32 v11, v0  }
0xf2: {  	v4 =	vadd.f32 v1, v4;
	v2 =	vadd.f32 v3, v2;
	v7 =	vld [tilespmem:s2+$0x110]  }
.Ltmp6:
0xf3: {  	v9 =	vadd.f32 v10, v9;
	v8 =	vld [tilespmem:s2+$0x80];
	v10 =	vadd.f32 v6, v0;
	(pc) =	sbr.rel @p0 .LBB2_13-.Ltmp6, $4  }
0xf4: {  	v6 =	vld [tilespmem:s2+$0x90];
	v1 =	vmov v12  }
0xf5: {  	v11 =	vld [tilespmem:s2+$0x0];
	v3 =	vmov v13  }
0xf6: {  	v12 =	vld [tilespmem:s2+$0x10]  }
0xf7: {  	s7 =	sadd.s32 $0x800, s7;
	v13 =	vld [tilespmem:s2+$0x20]  }
0xf8: {  	v14 =	vld [tilespmem:s2+$0x30]  }
0xf9: {  	v15 =	vld [tilespmem:s2+$0xA0]  }
0xfa: {  	v16 =	vld [tilespmem:s2+$0xB0]  }
0xfb: {  	v17 =	vld [tilespmem:s2+$0x120]  }
0xfc: {  	v18 =	vld [tilespmem:s2+$0x130]  }
0xfd: {  	v19 =	vld [tilespmem:s2+$0x1A0];
	s31 =	simm.s32 $0x2  }
0xfe: {  	v20 =	vld [tilespmem:s2+$0x1B0];
	_ =	swait.ge [sflag:s31], $0x8000  }
0xff: {  	[sflag:s31] =	ssyncset.done $0x0  }
0x100: {  	s2 =	simm.s32 $0x0;
	[sflag:s31] =	ssyncadd.s32 $0xFFFF8000  }
0x101: {  	v11 =	vadd.f32 v11, v4;
	v0 =	vld [tilespmem:s2+$0x8180]  }
0x102: {  	v12 =	vadd.f32 v12, v2;
	v2 =	vld [tilespmem:s2+$0x8190];
	v9 =	vadd.f32 v13, v9  }
0x103: {  	v4 =	vld [tilespmem:s2+$0x8100];
	v11 =	vadd.f32 v8, v11;
	v10 =	vadd.f32 v14, v10  }
0x104: {  	v8 =	vld [tilespmem:s2+$0x8080];
	v12 =	vadd.f32 v6, v12;
	v9 =	vadd.f32 v15, v9  }
0x105: {  	v6 =	vld [tilespmem:s2+$0x8110];
	v11 =	vadd.f32 v5, v11;
	v10 =	vadd.f32 v16, v10  }
0x106: {  	v5 =	vld [tilespmem:s2+$0x8090];
	v7 =	vadd.f32 v7, v12;
	v12 =	vadd.f32 v17, v9  }
0x107: {  	v9 =	vadd.f32 v1, v11;
	v11 =	vld [tilespmem:s2+$0x8010];
	v13 =	vadd.f32 v18, v10  }
0x108: {  	v10 =	vld [tilespmem:s2+$0x8000];
	v3 =	vadd.f32 v3, v7  }
0x109: {  	s7 =	simm.s32 $0x800;
	v7 =	vadd.f32 v19, v12;
	v12 =	vld [tilespmem:s2+$0x8020];
	v1 =	vadd.f32 v20, v13  }
.LBB2_15:
0x10a: {  	p0 =	sne.s32 s7, $0x1F800;
	v13 =	vld [tilespmem:s2+$0x8030]  }
0x10b: {  	v14 =	vld [tilespmem:s2+$0x80A0]  }
0x10c: {  	v15 =	vld [tilespmem:s2+$0x80B0]  }
0x10d: {  	v16 =	vld [tilespmem:s2+$0x8120]  }
0x10e: {  	v9 =	vadd.f32 v10, v9;
	v3 =	vadd.f32 v11, v3;
	v10 =	vld [tilespmem:s2+$0x8130]  }
0x10f: {  	v7 =	vadd.f32 v12, v7;
	v1 =	vadd.f32 v13, v1;
	v11 =	vld [tilespmem:s2+$0x81A0]  }
0x110: {  	v8 =	vadd.f32 v8, v9;
	v3 =	vadd.f32 v5, v3;
	v5 =	vld [tilespmem:s2+$0x81B0];
	s2 =	sshra.s32 s7, $0x2  }
0x111: {  	v7 =	vadd.f32 v14, v7;
	v12 =	vld [tilespmem:s2+$0x8180];
	v1 =	vadd.f32 v15, v1  }
0x112: {  	v8 =	vadd.f32 v4, v8;
	v3 =	vadd.f32 v6, v3;
	v13 =	vld [tilespmem:s2+$0x8190]  }
0x113: {  	v7 =	vadd.f32 v16, v7;
	v4 =	vld [tilespmem:s2+$0x8100];
	v1 =	vadd.f32 v10, v1  }
0x114: {  	v9 =	vadd.f32 v0, v8;
	v3 =	vadd.f32 v2, v3;
	v6 =	vld [tilespmem:s2+$0x8110]  }
.Ltmp7:
0x115: {  	v7 =	vadd.f32 v11, v7;
	v8 =	vld [tilespmem:s2+$0x8080];
	v1 =	vadd.f32 v5, v1;
	(pc) =	sbr.rel @p0 .LBB2_15-.Ltmp7, $4  }
0x116: {  	v5 =	vld [tilespmem:s2+$0x8090];
	v0 =	vmov v12  }
0x117: {  	v10 =	vld [tilespmem:s2+$0x8000];
	v2 =	vmov v13  }
0x118: {  	v11 =	vld [tilespmem:s2+$0x8010]  }
0x119: {  	s7 =	sadd.s32 $0x800, s7;
	v12 =	vld [tilespmem:s2+$0x8020]  }
0x11a: {  	v13 =	vld [tilespmem:s2+$0x8030]  }
0x11b: {  	v14 =	vld [tilespmem:s2+$0x80A0]  }
0x11c: {  	v15 =	vld [tilespmem:s2+$0x80B0];
	v9 =	vadd.f32 v10, v9  }
0x11d: {  	v57 =	vld [tilespmem:s2+$0x8120];
	v3 =	vadd.f32 v11, v3  }
0x11e: {  	v58 =	vld [tilespmem:s2+$0x8130];
	v7 =	vadd.f32 v12, v7;
	v8 =	vadd.f32 v8, v9  }
0x11f: {  	v59 =	vld [tilespmem:s2+$0x81A0];
	v1 =	vadd.f32 v13, v1;
	v3 =	vadd.f32 v5, v3  }
0x120: {  	v60 =	vld [tilespmem:s2+$0x81B0];
	v7 =	vadd.f32 v14, v7;
	v4 =	vadd.f32 v4, v8  }
0x121: {  	v1 =	vadd.f32 v15, v1;
	v3 =	vadd.f32 v6, v3  }
0x122: {  	v61 =	vadd.f32 v57, v7;
	v0 =	vadd.f32 v0, v4  }
0x123: {  	v1 =	vadd.f32 v58, v1;
	v2 =	vadd.f32 v2, v3  }
0x124: {  	v62 =	vadd.f32 v59, v61;
	[tilespmem:$0x10000] =	vst v0  }
0x125: {  	v63 =	vadd.f32 v60, v1;
	[tilespmem:$0x10010] =	vst v2  }
0x126: {  	s31 =	sshll.u32 s5, $0x7;
	[tilespmem:$0x10020] =	vst v62  }
0x127: {  	s7 =	simm.s32 $0x10000;
	s2 =	sadd.s32 s31, s3;
	[tilespmem:$0x10030] =	vst v63  }
0x128: {  	[spmem:s2] =	stream.linear.scatter [tilespmem:s7], [sflag:$0x3], $0x80, $0x38;
	[tilespmem:$0x10A40] =	vst v63  }
0x129: {  	s2 =	simm.s32 $0x3  }
0x12a: {  	_ =	swait.ge [sflag:s2], $0x80  }
0x12b: {  	[sflag:s2] =	ssyncset.done $0x0  }
0x12c: {  	[sflag:s2] =	ssyncadd.s32 $0xFFFFFF80  }
0x12d: {  	p0 =	sne.s32 s5, $0x0;
	[bflag:$0x0] =	sbarrier.arrive $0xFFFF  }
0x12e: {  	_ =	sfence.sel @p0 $0x180000  }
0x12f: {  	[bflag:$0x0] =	sbarrier.arrive @p0 $0xFFFF  }
0x130: {  	_ =	strace @p0 $0x90000047  }
0x131: {  	[bflag:$0x2] =	sbarrier.arrive @p0 $0xFFFF  }
0x132: {  	_ =	shalt @p0  }
.LBB2_17:
0x133: {  	s5 =	simm.s32 $0x100C0  }
0x134: {  	[tilespmem:s5], [sflag:$0x3] =	stream.linear.gather [spmem:s3], $0x800, $0x38;
	[tilespmem:$0x10A40] =	vst v63  }
0x135: {  	_ =	swait.ge [sflag:s2], $0x800  }
0x136: {  	[sflag:s2] =	ssyncset.done $0x0  }
0x137: {  	s28 =	simm.s32 $0x0;
	s29 =	simm.s32 $0x108C0;
	[sflag:s2] =	ssyncadd.s32 $0xFFFFF800  }
0x138: {  	[tilespmem:s29], [sflag:$0x3] =	stream.linear.gather [hbm4b:s4+s28], $0x80, $0x38;
	[tilespmem:$0x10A40] =	vst v63  }
0x139: {  	_ =	swait.ge [sflag:s2], $0x80  }
0x13a: {  	[sflag:s2] =	ssyncset.done $0x0  }
0x13b: {  	s30 =	simm.s32 $0x10940;
	[sflag:s2] =	ssyncadd.s32 $0xFFFFFF80  }
0x13c: {  	[tilespmem:s30], [sflag:$0x3] =	stream.linear.gather [hbm4b:s6+s28], $0x80, $0x38;
	[tilespmem:$0x10A40] =	vst v63  }
0x13d: {  	_ =	swait.ge [sflag:s2], $0x80  }
0x13e: {  	[sflag:s2] =	ssyncset.done $0x0  }
0x13f: {  	[sflag:s2] =	ssyncadd.s32 $0xFFFFFF80  }
0x140: {  	v0 =	vld [tilespmem:$0x100C0]  }
0x141: {  	v1 =	vld [tilespmem:$0x10140]  }
0x142: {  	v2 =	vld [tilespmem:$0x101C0]  }
0x143: {  	v3 =	vld [tilespmem:$0x10240]  }
0x144: {  	v4 =	vld [tilespmem:$0x102C0]  }
0x145: {  	v5 =	vld [tilespmem:$0x10340]  }
0x146: {  	v6 =	vld [tilespmem:$0x103C0]  }
0x147: {  	v7 =	vld [tilespmem:$0x10440]  }
0x148: {  	v8 =	vld [tilespmem:$0x104C0]  }
0x149: {  	v9 =	vld [tilespmem:$0x10540]  }
0x14a: {  	v10 =	vld [tilespmem:$0x105C0]  }
0x14b: {  	v11 =	vld [tilespmem:$0x10640]  }
0x14c: {  	v12 =	vld [tilespmem:$0x106C0]  }
0x14d: {  	v13 =	vld [tilespmem:$0x10740]  }
0x14e: {  	v14 =	vld [tilespmem:$0x107C0]  }
0x14f: {  	v16 =	vld [tilespmem:$0x100D0]  }
0x150: {  	v17 =	vld [tilespmem:$0x10150]  }
0x151: {  	v18 =	vld [tilespmem:$0x101D0]  }
0x152: {  	v19 =	vld [tilespmem:$0x10250]  }
0x153: {  	v20 =	vld [tilespmem:$0x102D0]  }
0x154: {  	v21 =	vld [tilespmem:$0x10350]  }
0x155: {  	v22 =	vld [tilespmem:$0x103D0]  }
0x156: {  	v23 =	vld [tilespmem:$0x10450]  }
0x157: {  	v24 =	vld [tilespmem:$0x104D0]  }
0x158: {  	v25 =	vld [tilespmem:$0x10550]  }
0x159: {  	v48 =	vld [tilespmem:$0x105D0]  }
0x15a: {  	v26 =	vld [tilespmem:$0x10650]  }
0x15b: {  	v50 =	vld [tilespmem:$0x100E0]  }
0x15c: {  	v36 =	vimm.s32 $0xFEDCBA98;
	v38 =	vimm.s32 $0x76543210;
	v51 =	vld [tilespmem:$0x10160];
	v0 =	vadd.f32 v1, v0  }
0x15d: {  	vm4 =	vcmask $0x300;
	v41 =	vimm.s32 $0x3210FEDC;
	v49 =	vld [tilespmem:$0x106D0];
	v16 =	vadd.f32 v17, v16  }
0x15e: {  	v42 =	vimm.s32 $0xBA987654;
	vm8 =	vcmask $0x704;
	v53 =	vld [tilespmem:$0x101E0];
	v0 =	vadd.f32 v2, v0  }
0x15f: {  	vm6 =	vcmask $0xB08;
	vm5 =	vcmask $0xF0C;
	v55 =	vld [tilespmem:$0x10260];
	v16 =	vadd.f32 v18, v16  }
0x160: {  	vm3 =	vcmask $0x1310;
	vm2 =	vcmask $0x1714;
	v57 =	vld [tilespmem:$0x100F0];
	v0 =	vadd.f32 v3, v0  }
0x161: {  	vm1 =	vcmask $0x1B18;
	v58 =	vld [tilespmem:$0x10170];
	v16 =	vadd.f32 v19, v16;
	v3 =	vadd.f32 v51, v50  }
0x162: {  	vm0 =	vcmask $0x1F1C;
	vm7 =	vcmask $0x2320;
	v56 =	vld [tilespmem:$0x102E0];
	v0 =	vadd.f32 v4, v0  }
0x163: {  	vm9 =	vcmask $0x2724;
	v60 =	vld [tilespmem:$0x101F0];
	v16 =	vadd.f32 v20, v16;
	v3 =	vadd.f32 v53, v3  }
0x164: {  	vm10 =	vcmask $0x2B28;
	vm11 =	vcmask $0x2F2C;
	v59 =	vld [tilespmem:$0x10360];
	v0 =	vadd.f32 v5, v0  }
0x165: {  	vm12 =	vcmask $0x3330;
	v62 =	vld [tilespmem:$0x10270];
	v16 =	vadd.f32 v21, v16;
	v3 =	vadd.f32 v55, v3  }
0x166: {  	vm13 =	vcmask $0x3734;
	v61 =	vld [tilespmem:$0x103E0];
	v4 =	vadd.f32 v58, v57;
	v0 =	vadd.f32 v6, v0  }
0x167: {  	vm14 =	vcmask $0x3B38;
	v20 =	vld [tilespmem:$0x102F0];
	v16 =	vadd.f32 v22, v16;
	v3 =	vadd.f32 v56, v3  }
0x168: {  	v63 =	vld [tilespmem:$0x10460];
	v18 =	vimm.f32 $1.500000000e+01;
	v4 =	vadd.f32 v60, v4;
	v0 =	vadd.f32 v7, v0  }
0x169: {  	v51 =	vimm.s32 $0x10FEDCBA;
	v16 =	vadd.f32 v23, v16;
	v3 =	vadd.f32 v59, v3;
	v23 =	vld [tilespmem:$0x10370]  }
0x16a: {  	v27 =	vld [tilespmem:$0x105E0];
	v60 =	vimm.s32 $0xFEDCBA9;
	v4 =	vadd.f32 v62, v4;
	v0 =	vadd.f32 v8, v0  }
0x16b: {  	v21 =	vld [tilespmem:$0x104E0];
	v62 =	vunpack.c.l.s4.s8 v60;
	v16 =	vadd.f32 v24, v16;
	v3 =	vadd.f32 v61, v3  }
0x16c: {  	v4 =	vadd.f32 v20, v4;
	v24 =	vld [tilespmem:$0x10560];
	v61 =	vimm.s32 $0x87654321;
	v0 =	vadd.f32 v9, v0  }
0x16d: {  	v8 =	vsel vm4, $0x0, v18;
	v22 =	vadd.f32 v25, v16;
	v3 =	vadd.f32 v63, v3;
	v25 =	vld [tilespmem:$0x103F0]  }
0x16e: {  	v28 =	vld [tilespmem:$0x10470];
	v9 =	vunpack.c.l.s4.s8 v41;
	v63 =	vunpack.c.l.s4.s8 v61;
	v4 =	vadd.f32 v23, v4  }
0x16f: {  	v32 =	vld [tilespmem:$0x10940];
	v16 =	vunpack.c.0.s8.s32 v62;
	v0 =	vadd.f32 v10, v0;
	v1 =	vadd.f32 v48, v22  }
0x170: {  	v52 =	vld [tilespmem:$0x10750];
	v3 =	vadd.f32 v21, v3;
	v10 =	vunpack.c.l.s4.s8 v42;
	v48 =	vunpack.c.0.s8.s32 v9  }
0x171: {  	v29 =	vld [tilespmem:$0x10660];
	v17 =	vunpack.c.0.s8.s32 v63;
	v0 =	vadd.f32 v11, v0;
	v1 =	vadd.f32 v26, v1  }
0x172: {  	v15 =	vld [tilespmem:$0x10840];
	v21 =	vsel vm8, $0x3F800000, v8;
	v30 =	vadd.f32 v24, v3;
	v5 =	vadd.f32 v25, v4  }
0x173: {  	v31 =	vld [tilespmem:$0x104F0];
	v25 =	vimm.f32 $3.100000000e+01;
	v0 =	vadd.f32 v12, v0;
	v1 =	vadd.f32 v49, v1  }
0x174: {  	v54 =	vld [tilespmem:$0x107D0];
	v2 =	vadd.f32 v27, v30;
	v12 =	vcvt.s32.f32 v32;
	v33 =	vadd.f32 v28, v5  }
0x175: {  	v37 =	vld [tilespmem:$0x106E0];
	v49 =	vunpack.c.0.s8.s32 v10;
	v0 =	vadd.f32 v13, v0;
	v1 =	vadd.f32 v52, v1  }
0x176: {  	v39 =	vld [tilespmem:$0x10570];
	v35 =	vadd.f32 v29, v2;
	v2 =	vunpack.c.l.s4.s8 v36;
	v13 =	vimm.f32 $0.0e+00  }
0x177: {  	v44 =	vld [tilespmem:$0x10760];
	v52 =	vimm.s32 $0x98765432;
	v6 =	vcombine.low v49, v48;
	v36 =	vimm.f32 $6.300000000e+01  }
0x178: {  	v3 =	vadd.f32 v31, v33;
	v40 =	vsel vm4, $0x3F800000, v13;
	v55 =	vunpack.c.l.s4.s8 v52  }
0x179: {  	v53 =	vld [tilespmem:$0x107E0];
	v0 =	vadd.f32 v14, v0;
	v34 =	vadd.f32 v54, v1;
	v2 =	vunpack.c.0.s8.s32 v2  }
0x17a: {  	v7 =	vadd.f32 v37, v35;
	v45 =	vmul.f32 v40, v12;
	v54 =	vunpack.c.l.s4.s8 v51  }
0x17b: {  	v43 =	vld [tilespmem:$0x105F0];
	v1 =	vand.u32 $0xF, v6;
	v4 =	vadd.f32 v15, v0;
	v0 =	vunpack.c.l.s4.s8 v38  }
0x17c: {  	v35 =	vsel vm8, $0x3F800000, v13;
	v46 =	vadd.f32 v39, v3;
	v7 =	vadd.f32 v44, v7  }
0x17d: {  	v47 =	vld [tilespmem:$0x10670];
	v58 =	vunpack.c.0.s8.s32 v55;
	v2 =	vand.u32 $0xF, v2;
	v0 =	vunpack.c.0.s8.s32 v0  }
0x17e: {  	v57 =	vunpack.c.0.s8.s32 v54;
	v14 =	vadd.f32 v53, v7;
	v7 =	vsel vm6, $0x40000000, v21  }
0x17f: {  	v56 =	vld [tilespmem:$0x106F0];
	v23 =	vsel vm5, $0x40400000, v7;
	v7 =	vsel vm4, $0x41800000, v25;
	v0 =	vcombine.low v2, v0  }
0x180: {  	v44 =	vsel vm6, $0x3F800000, v13;
	v2 =	vadd.f32 v43, v46;
	v7 =	vsel vm8, $0x41880000, v7  }
0x181: {  	v26 =	vld [tilespmem:$0x10850];
	v6 =	vcombine.low v58, v57;
	v7 =	vsel vm6, $0x41900000, v7;
	v50 =	vperm.xlane v45, v0  }
0x182: {  	v53 =	vsel vm5, $0x3F800000, v13;
	v2 =	vadd.f32 v47, v2;
	v7 =	vsel vm5, $0x41980000, v7  }
0x183: {  	v21 =	vmul.f32 v53, v12;
	v7 =	vsel vm3, $0x41A00000, v7;
	v9 =	vadd.f32 v45, v50  }
0x184: {  	v19 =	vld [tilespmem:$0x10770];
	v15 =	vadd.f32 v56, v2;
	v2 =	vand.u32 $0xF, v6;
	v7 =	vsel vm2, $0x41A80000, v7  }
0x185: {  	v6 =	vcombine.low v17, v16;
	v56 =	vperm.xlane v21, v0;
	v30 =	vsel vm1, $0x41B00000, v7  }
0x186: {  	v27 =	vld [tilespmem:$0x107F0];
	v7 =	vadd.f32 v26, v34;
	v34 =	vimm.f32 $4.700000000e+01;
	v59 =	vperm.xlane v9, v1  }
0x187: {  	v32 =	vsel vm0, $0x41B80000, v30;
	v11 =	vsel vm4, $0x42000000, v34;
	v21 =	vadd.f32 v56, v21  }
0x188: {  	v33 =	vsel vm7, $0x41C00000, v32;
	v11 =	vsel vm8, $0x42040000, v11;
	v3 =	vadd.f32 v9, v59  }
0x189: {  	v29 =	vld [tilespmem:$0x10870];
	v9 =	vadd.f32 v19, v15;
	v11 =	vsel vm6, $0x42080000, v11;
	v15 =	vsel vm4, $0x42400000, v36  }
0x18a: {  	v19 =	vmul.f32 v44, v12;
	v11 =	vsel vm5, $0x420C0000, v11;
	v15 =	vsel vm8, $0x42440000, v15  }
0x18b: {  	v20 =	vperm.xlane v3, v2;
	v9 =	vadd.f32 v27, v9;
	v11 =	vsel vm3, $0x42100000, v11  }
0x18c: {  	v39 =	vsel vm6, $0x42480000, v15;
	v45 =	vperm.xlane v19, v0;
	v11 =	vsel vm2, $0x42140000, v11  }
0x18d: {  	v22 =	vadd.f32 v3, v20;
	v3 =	vand.u32 $0xF, v6;
	v6 =	vsel vm3, $0x40800000, v23  }
0x18e: {  	v5 =	vadd.f32 v29, v9;
	v9 =	vsel vm9, $0x41C80000, v33;
	v38 =	vsel vm1, $0x42180000, v11  }
0x18f: {  	v11 =	vsel vm5, $0x424C0000, v39;
	v19 =	vadd.f32 v45, v19;
	v23 =	vperm.xlane v21, v1  }
0x190: {  	v6 =	vsel vm2, $0x40A00000, v6;
	v9 =	vsel vm10, $0x41D00000, v9;
	v11 =	vsel vm3, $0x42500000, v11  }
0x191: {  	v24 =	vperm.xlane v22, v3;
	v6 =	vsel vm1, $0x40C00000, v6;
	v9 =	vsel vm11, $0x41D80000, v9  }
0x192: {  	v11 =	vsel vm2, $0x42540000, v11;
	v6 =	vsel vm0, $0x40E00000, v6;
	v9 =	vsel vm12, $0x41E00000, v9  }
0x193: {  	v50 =	vperm.xlane v19, v1;
	v6 =	vsel vm7, $0x41000000, v6;
	v9 =	vsel vm13, $0x41E80000, v9  }
0x194: {  	v28 =	vld [tilespmem:$0x10860];
	v6 =	vsel vm9, $0x41100000, v6;
	v18 =	vsel vm14, $0x41F00000, v9;
	v9 =	vsel vm0, $0x421C0000, v38  }
0x195: {  	v11 =	vsel vm1, $0x42580000, v11;
	v6 =	vsel vm10, $0x41200000, v6;
	v9 =	vsel vm7, $0x42200000, v9  }
0x196: {  	v11 =	vsel vm0, $0x425C0000, v11;
	v6 =	vsel vm11, $0x41300000, v6;
	v9 =	vsel vm9, $0x42240000, v9  }
0x197: {  	v11 =	vsel vm7, $0x42600000, v11;
	v6 =	vsel vm12, $0x41400000, v6;
	v9 =	vsel vm10, $0x42280000, v9  }
0x198: {  	v11 =	vsel vm9, $0x42640000, v11;
	v6 =	vsel vm13, $0x41500000, v6;
	v9 =	vsel vm11, $0x422C0000, v9  }
0x199: {  	v16 =	vsel vm14, $0x41600000, v6;
	v6 =	vadd.f32 v28, v14;
	v14 =	vmul.f32 v35, v12  }
0x19a: {  	v8 =	vadd.f32 v22, v24;
	v11 =	vsel vm10, $0x42680000, v11;
	v9 =	vsel vm12, $0x42300000, v9  }
0x19b: {  	v46 =	vsel vm11, $0x426C0000, v11;
	v9 =	vsel vm13, $0x42340000, v9;
	v37 =	vperm.xlane v14, v0  }
0x19c: {  	v21 =	vadd.f32 v23, v21;
	v20 =	vsel vm14, $0x42380000, v9;
	v9 =	vsel vm12, $0x42700000, v46  }
0x19d: {  	v41 =	vsub.f32 v18, v8;
	v9 =	vsel vm13, $0x42740000, v9;
	v14 =	vadd.f32 v37, v14  }
0x19e: {  	v63 =	vperm.xlane v21, v2;
	v17 =	vsel vm14, $0x42780000, v9;
	v9 =	vadd.f32 v50, v19  }
0x19f: {  	v61 =	vsel vm3, $0x3F800000, v13;
	v42 =	vmul.f32 v41, v41;
	v40 =	vperm.xlane v14, v1  }
0x1a0: {  	v21 =	vadd.f32 v63, v21;
	v31 =	vsub.f32 v16, v8;
	v55 =	vperm.xlane v9, v2  }
0x1a1: {  	v23 =	vmul.f32 v61, v12;
	v15 =	vsub.f32 $1.000000000e+00, v42;
	v14 =	vadd.f32 v40, v14  }
0x1a2: {  	v10 =	vmul.f32 v31, v31;
	v31 =	vperm.xlane v21, v3;
	v9 =	vadd.f32 v55, v9  }
0x1a3: {  	v48 =	vsub.f32 v20, v8;
	v8 =	vsub.f32 v17, v8;
	v43 =	vperm.xlane v14, v2  }
0x1a4: {  	v28 =	vperm.xlane v23, v0;
	v21 =	vadd.f32 v31, v21;
	v58 =	vperm.xlane v9, v3  }
0x1a5: {  	v10 =	vsub.f32 $1.000000000e+00, v10;
	v8 =	vmul.f32 v8, v8;
	v14 =	vadd.f32 v43, v14  }
0x1a6: {  	v15 =	vmax.f32 v15, $0.0e+00;
	v34 =	vsub.f32 v16, v21;
	v9 =	vadd.f32 v58, v9  }
0x1a7: {  	v35 =	vsub.f32 v18, v21;
	v8 =	vsub.f32 $1.000000000e+00, v8;
	v47 =	vperm.xlane v14, v3  }
0x1a8: {  	v49 =	vmul.f32 v48, v48;
	v60 =	vsub.f32 v16, v9;
	v62 =	vsub.f32 v18, v9  }
0x1a9: {  	v10 =	vmax.f32 v10, $0.0e+00;
	v29 =	vsub.f32 v20, v9;
	v11 =	vadd.f32 v47, v14  }
0x1aa: {  	v8 =	vmax.f32 v8, $0.0e+00;
	v9 =	vsub.f32 v17, v9;
	v14 =	vsub.f32 $1.000000000e+00, v49  }
0x1ab: {  	v24 =	vmul.f32 v62, v62;
	v51 =	vsub.f32 v16, v11;
	v54 =	vsub.f32 v18, v11  }
0x1ac: {  	v9 =	vmul.f32 v9, v9;
	v57 =	vsub.f32 v20, v11;
	v11 =	vsub.f32 v17, v11  }
0x1ad: {  	v30 =	vsub.f32 $1.000000000e+00, v24;
	v24 =	vsub.f32 v20, v21;
	v52 =	vmul.f32 v51, v51  }
0x1ae: {  	v9 =	vsub.f32 $1.000000000e+00, v9;
	v22 =	vmul.f32 v54, v54;
	v11 =	vmul.f32 v11, v11  }
0x1af: {  	v14 =	vmax.f32 v14, $0.0e+00;
	v21 =	vsub.f32 v17, v21;
	v19 =	vsub.f32 $1.000000000e+00, v52  }
0x1b0: {  	v59 =	vmul.f32 v57, v57;
	v22 =	vsub.f32 $1.000000000e+00, v22;
	v11 =	vsub.f32 $1.000000000e+00, v11  }
0x1b1: {  	v38 =	vmul.f32 v24, v24;
	v9 =	vmax.f32 v9, $0.0e+00;
	v19 =	vmax.f32 v19, $0.0e+00  }
0x1b2: {  	v22 =	vmax.f32 v22, $0.0e+00;
	v11 =	vmax.f32 v11, $0.0e+00;
	v10 =	vmax.f32 v10, v19  }
0x1b3: {  	v15 =	vmax.f32 v15, v22;
	v19 =	vsub.f32 $1.000000000e+00, v59;
	v22 =	vmul.f32 v60, v60  }
0x1b4: {  	v21 =	vmul.f32 v21, v21;
	v11 =	vmax.f32 v8, v11;
	v8 =	vmul.f32 v29, v29  }
0x1b5: {  	v40 =	vsub.f32 $1.000000000e+00, v38;
	v19 =	vmax.f32 v19, $0.0e+00;
	v22 =	vsub.f32 $1.000000000e+00, v22  }
0x1b6: {  	v8 =	vsub.f32 $1.000000000e+00, v8;
	v14 =	vmax.f32 v14, v19;
	v19 =	vadd.f32 v28, v23  }
0x1b7: {  	v23 =	vmax.f32 v30, $0.0e+00;
	v28 =	vmax.f32 v11, v9;
	v9 =	vld [tilespmem:$0x108F0];
	v22 =	vmax.f32 v22, $0.0e+00  }
0x1b8: {  	v23 =	vmax.f32 v15, v23;
	v8 =	vmax.f32 v8, $0.0e+00;
	v15 =	vld [tilespmem:$0x108D0];
	v10 =	vmax.f32 v10, v22  }
0x1b9: {  	v32 =	vperm.xlane v19, v1;
	v22 =	vmul.f32 v35, v35;
	v37 =	vmax.f32 v14, v8;
	v14 =	vld [tilespmem:$0x108C0]  }
0x1ba: {  	v47 =	vsel vm2, $0x3F800000, v13;
	v45 =	vsub.f32 $1.000000000e+00, v21;
	v43 =	vmax.f32 v40, $0.0e+00;
	v8 =	vld [tilespmem:$0x108E0]  }
0x1bb: {  	v33 =	vadd.f32 v32, v19;
	v19 =	vmul.f32 v34, v34;
	v22 =	vsub.f32 $1.000000000e+00, v22  }
0x1bc: {  	v26 =	vmax.f32 v37, v43;
	v32 =	vmul.f32 v47, v12;
	v50 =	vmax.f32 v9, $-1.000000000e+01  }
0x1bd: {  	v36 =	vperm.xlane v33, v2;
	v19 =	vsub.f32 $1.000000000e+00, v19;
	v42 =	vmax.f32 v22, $0.0e+00  }
0x1be: {  	v49 =	vmax.f32 v15, $-1.000000000e+01;
	v15 =	vand.u32 $0x7FFFFFFF, v15;
	v23 =	vmax.f32 v23, v42  }
0x1bf: {  	v48 =	vmax.f32 v14, $-1.000000000e+01;
	v29 =	vmax.f32 v8, $-1.000000000e+01;
	v14 =	vand.u32 $0x7FFFFFFF, v14  }
0x1c0: {  	v8 =	vand.u32 $0x7FFFFFFF, v8;
	v39 =	vadd.f32 v36, v33;
	v41 =	vmax.f32 v19, $0.0e+00  }
0x1c1: {  	v21 =	vmin.f32 v48, $1.000000000e+01;
	v19 =	vmin.f32 v49, $1.000000000e+01;
	v11 =	vmin.f32 v29, $1.000000000e+01  }
0x1c2: {  	v36 =	vperm.xlane v32, v0;
	v48 =	vsel vm1, $0x3F800000, v13;
	v13 =	vsel vm0, $0x3F800000, v13  }
0x1c3: {  	v44 =	vmax.f32 v10, v41;
	v30 =	vperm.xlane v21, v0;
	v31 =	vperm.xlane v19, v0  }
0x1c4: {  	v10 =	vmin.f32 v50, $1.000000000e+01;
	v51 =	vperm.xlane v11, v0;
	v13 =	vmul.f32 v13, v12  }
0x1c5: {  	v27 =	vperm.xlane v39, v3;
	v33 =	vperm.xlane v10, v0;
	v32 =	vadd.f32 v36, v32  }
0x1c6: {  	v30 =	vmax.f32 v21, v30;
	v31 =	vmax.f32 v19, v31;
	v29 =	vmax.f32 v11, v51  }
0x1c7: {  	v51 =	vmul.f32 v48, v12;
	v24 =	vadd.f32 v27, v39;
	v34 =	vperm.xlane v30, v1  }
0x1c8: {  	v35 =	vperm.xlane v31, v1;
	v33 =	vmax.f32 v10, v33;
	v56 =	vperm.xlane v32, v1  }
0x1c9: {  	v37 =	vperm.xlane v29, v1;
	v52 =	vperm.xlane v33, v1;
	v46 =	vsub.f32 v16, v24  }
0x1ca: {  	v30 =	vmax.f32 v30, v34;
	v31 =	vmax.f32 v31, v35;
	v32 =	vadd.f32 v56, v32  }
0x1cb: {  	v29 =	vmax.f32 v29, v37;
	v62 =	vsub.f32 v18, v24;
	v40 =	vsub.f32 v20, v24  }
0x1cc: {  	v53 =	vperm.xlane v30, v2;
	v54 =	vperm.xlane v31, v2;
	v33 =	vmax.f32 v33, v52  }
0x1cd: {  	v24 =	vsub.f32 v17, v24;
	v55 =	vperm.xlane v29, v2;
	v34 =	vperm.xlane v33, v2  }
0x1ce: {  	v27 =	vmax.f32 v45, $0.0e+00;
	v59 =	vmul.f32 v46, v46;
	v63 =	vperm.xlane v32, v2  }
0x1cf: {  	v27 =	vmax.f32 v28, v27;
	v43 =	vmul.f32 v40, v40;
	v24 =	vmul.f32 v24, v24  }
0x1d0: {  	v30 =	vmax.f32 v30, v53;
	v31 =	vmax.f32 v31, v54;
	v54 =	vperm.xlane v51, v0  }
0x1d1: {  	v29 =	vmax.f32 v29, v55;
	v35 =	vperm.xlane v30, v3;
	v37 =	vperm.xlane v31, v3  }
0x1d2: {  	v33 =	vmax.f32 v33, v34;
	v57 =	vperm.xlane v29, v3;
	v38 =	vadd.f32 v63, v32  }
0x1d3: {  	v24 =	vsub.f32 $1.000000000e+00, v24;
	v58 =	vperm.xlane v33, v3;
	v30 =	vmax.f32 v30, v35  }
0x1d4: {  	v31 =	vmax.f32 v31, v37;
	v29 =	vmax.f32 v29, v57;
	v35 =	vsub.f32 $1.000000000e+00, v59  }
0x1d5: {  	v37 =	vmul.f32 v62, v62;
	v41 =	vperm.xlane v38, v3;
	v53 =	vmax.f32 v24, $0.0e+00  }
0x1d6: {  	v59 =	vperm.xlane v13, v0;
	v30 =	vmax.f32 v30, v31;
	v61 =	vmax.f32 v33, v58  }
0x1d7: {  	v27 =	vmax.f32 v27, v53;
	v60 =	vmax.f32 v30, v29;
	v29 =	vmax.f32 v35, $0.0e+00  }
0x1d8: {  	v28 =	vsub.f32 $1.000000000e+00, v37;
	v30 =	vadd.f32 v41, v38;
	v22 =	vmax.f32 v60, v61  }
0x1d9: {  	v25 =	vmax.f32 v44, v29;
	v29 =	vadd.f32 v54, v51;
	v61 =	vadd.f32 v59, v13  }
0x1da: {  	v36 =	vsub.f32 v21, v22;
	v39 =	vsub.f32 v19, v22;
	v28 =	vmax.f32 v28, $0.0e+00  }
0x1db: {  	v44 =	vsub.f32 v11, v22;
	v46 =	vsub.f32 v10, v22;
	v56 =	vperm.xlane v29, v1  }
0x1dc: {  	v47 =	vsub.f32 v16, v30;
	v31 =	vmul.f32 $1.442695020e+00, v36;
	v42 =	vmul.f32 $1.442695020e+00, v39  }
0x1dd: {  	v52 =	vsub.f32 v18, v30;
	v45 =	vmul.f32 $1.442695020e+00, v44;
	v49 =	vmul.f32 $1.442695020e+00, v46  }
0x1de: {  	v32 =	vmul.f32 v47, v47;
	v29 =	vadd.f32 v56, v29;
	(erf) = vpow2.f32 v31  }
0x1df: {  	v33 =	vmul.f32 v52, v52;
	v31 =	vsub.f32 $1.000000000e+00, v43;
	(erf) = vpow2.f32 v42  }
0x1e0: {  	v32 =	vsub.f32 $1.000000000e+00, v32;
	v63 =	vperm.xlane v29, v2;
	(erf) = vpow2.f32 v45  }
0x1e1: {  	v41 =	vperm.xlane v61, v1;
	v33 =	vsub.f32 $1.000000000e+00, v33;
	(erf) = vpow2.f32 v49  }
0x1e2: {  	v50 =	vmax.f32 v31, $0.0e+00;
	v32 =	vmax.f32 v32, $0.0e+00;
	v29 =	vadd.f32 v63, v29  }
0x1e3: {  	v26 =	vmax.f32 v26, v50;
	v50 =	vsub.f32 v20, v30;
	v30 =	vsub.f32 v17, v30  }
0x1e4: {  	v25 =	vmax.f32 v25, v32;
	v32 =	vadd.f32 v41, v61;
	v45 =	vperm.xlane v29, v3  }
0x1e5: {  	v28 =	vmax.f32 v23, v28;
	v37 =	vmul.f32 v50, v50;
	v30 =	vmul.f32 v30, v30  }
0x1e6: {  	v58 =	vmax.f32 v33, $0.0e+00;
	v39 =	vperm.xlane v32, v2;
	v29 =	vadd.f32 v45, v29  }
0x1e7: {  	v28 =	vmax.f32 v28, v58;
	v37 =	vsub.f32 $1.000000000e+00, v37;
	v30 =	vsub.f32 $1.000000000e+00, v30;
	v24 =	vpop (erf)  }
0x1e8: {  	v32 =	vadd.f32 v39, v32;
	v54 =	vsub.f32 v16, v29;
	v55 =	vperm.xlane v24, v0;
	v23 =	vpop (erf)  }
0x1e9: {  	v59 =	vmax.f32 v37, $0.0e+00;
	v30 =	vmax.f32 v30, $0.0e+00;
	v61 =	vsub.f32 v20, v29;
	v12 =	vpop (erf)  }
0x1ea: {  	v57 =	vperm.xlane v23, v0;
	v31 =	vadd.f32 v24, v55;
	v13 =	vpop (erf);
	v55 =	vperm.xlane v32, v3  }
0x1eb: {  	v26 =	vmax.f32 v26, v59;
	v62 =	vperm.xlane v12, v0;
	v38 =	vperm.xlane v13, v0  }
0x1ec: {  	v35 =	vadd.f32 v57, v23;
	v60 =	vperm.xlane v31, v1;
	v32 =	vadd.f32 v55, v32  }
0x1ed: {  	v27 =	vmax.f32 v27, v30;
	v33 =	vadd.f32 v62, v12;
	v44 =	vadd.f32 v38, v13  }
0x1ee: {  	v40 =	vperm.xlane v35, v1;
	v31 =	vadd.f32 v31, v60;
	v16 =	vsub.f32 v16, v32  }
0x1ef: {  	v43 =	vperm.xlane v33, v1;
	v60 =	vsub.f32 v18, v29;
	v18 =	vsub.f32 v18, v32  }
0x1f0: {  	v29 =	vsub.f32 v17, v29;
	v20 =	vsub.f32 v20, v32;
	v47 =	vperm.xlane v44, v1  }
0x1f1: {  	v17 =	vsub.f32 v17, v32;
	v42 =	vperm.xlane v31, v2;
	v16 =	vmul.f32 v16, v16  }
0x1f2: {  	v34 =	vadd.f32 v40, v35;
	v30 =	vmul.f32 v60, v60;
	v18 =	vmul.f32 v18, v18  }
0x1f3: {  	v33 =	vadd.f32 v43, v33;
	v29 =	vmul.f32 v29, v29;
	v20 =	vmul.f32 v20, v20  }
0x1f4: {  	v17 =	vmul.f32 v17, v17;
	v46 =	vperm.xlane v34, v2;
	v31 =	vadd.f32 v31, v42  }
0x1f5: {  	v35 =	vadd.f32 v47, v44;
	v49 =	vperm.xlane v33, v2;
	v16 =	vsub.f32 $1.000000000e+00, v16  }
0x1f6: {  	v30 =	vsub.f32 $1.000000000e+00, v30;
	v34 =	vadd.f32 v46, v34;
	v48 =	vperm.xlane v31, v3  }
0x1f7: {  	v18 =	vsub.f32 $1.000000000e+00, v18;
	v52 =	vperm.xlane v35, v2;
	v33 =	vadd.f32 v49, v33  }
0x1f8: {  	v40 =	vsub.f32 $1.000000000e+00, v29;
	v51 =	vperm.xlane v34, v3;
	v31 =	vadd.f32 v31, v48  }
0x1f9: {  	v20 =	vsub.f32 $1.000000000e+00, v20;
	v35 =	vadd.f32 v52, v35;
	v53 =	vperm.xlane v33, v3  }
0x1fa: {  	v57 =	vmul.f32 v54, v54;
	v34 =	vadd.f32 v51, v34;
	v31 =	vadd.f32 $0.0e+00, v31  }
0x1fb: {  	v17 =	vsub.f32 $1.000000000e+00, v17;
	v56 =	vperm.xlane v35, v3;
	v33 =	vadd.f32 v53, v33  }
0x1fc: {  	v16 =	vmax.f32 v16, $0.0e+00;
	v31 =	vadd.f32 v31, v34;
	v34 =	vsub.f32 $1.000000000e+00, v57  }
0x1fd: {  	v36 =	vmax.f32 v30, $0.0e+00;
	v18 =	vmax.f32 v18, $0.0e+00;
	v58 =	vadd.f32 v56, v35  }
0x1fe: {  	v31 =	vadd.f32 v33, v31;
	v34 =	vmax.f32 v34, $0.0e+00;
	v33 =	vmul.f32 v61, v61  }
0x1ff: {  	v20 =	vmax.f32 v20, $0.0e+00;
	v17 =	vmax.f32 v17, $0.0e+00;
	v25 =	vmax.f32 v25, v34  }
0x200: {  	v31 =	vadd.f32 v58, v31;
	v16 =	vmax.f32 v25, v16;
	v37 =	vsub.f32 $1.000000000e+00, v33  }
0x201: {  	v25 =	vmax.f32 v28, v36;
	v28 =	vmax.f32 v40, $0.0e+00;
	v38 =	vperm.xlane v16, v0  }
0x202: {  	v18 =	vmax.f32 v25, v18;
	v27 =	vmax.f32 v27, v28;
	v62 =	vand.u32 $0x7FFFFF, v31  }
0x203: {  	v30 =	vmax.f32 v37, $0.0e+00;
	v41 =	vperm.xlane v18, v0;
	v17 =	vmax.f32 v27, v17  }
0x204: {  	v61 =	vshrl.u32 v31, $0x17;
	v34 =	vor.u32 $0x3F800000, v62;
	v39 =	vadd.f32 v16, v38  }
0x205: {  	v16 =	vmul.f32 v16, v4;
	v26 =	vmax.f32 v26, v30;
	v62 =	vmul.f32 v17, v5  }
0x206: {  	v63 =	vadd.f32 $1.000000000e+00, v34;
	v29 =	vadd.f32 v41, v18;
	v18 =	vmul.f32 v18, v7  }
0x207: {  	v20 =	vmax.f32 v26, v20;
	v42 =	vperm.xlane v39, v1;
	v43 =	vperm.xlane v16, v0  }
0x208: {  	v45 =	vadd.f32 $-1.000000000e+00, v34;
	v55 =	vperm.xlane v20, v0;
	(erf) = vrcp.f32 v63  }
0x209: {  	v44 =	vperm.xlane v29, v1;
	v51 =	vperm.xlane v18, v0;
	v25 =	vadd.f32 v39, v42  }
0x20a: {  	v63 =	vperm.xlane v17, v0;
	v16 =	vadd.f32 v16, v43;
	v57 =	vadd.f32 v55, v20  }
0x20b: {  	v20 =	vmul.f32 v20, v6;
	v28 =	vadd.f32 v44, v29;
	v46 =	vperm.xlane v25, v2  }
0x20c: {  	v17 =	vadd.f32 v63, v17;
	v33 =	vperm.xlane v16, v1;
	v59 =	vperm.xlane v57, v1  }
0x20d: {  	v18 =	vadd.f32 v51, v18;
	v60 =	vperm.xlane v20, v0;
	v49 =	vperm.xlane v28, v2  }
0x20e: {  	v37 =	vperm.xlane v17, v1;
	v25 =	vadd.f32 v25, v46;
	v16 =	vadd.f32 v16, v33  }
0x20f: {  	v33 =	vperm.xlane v18, v1;
	v20 =	vadd.f32 v60, v20;
	v27 =	vadd.f32 v59, v57  }
0x210: {  	v57 =	vperm.xlane v14, v0;
	v59 =	vperm.xlane v15, v0;
	v26 =	vadd.f32 v49, v28  }
0x211: {  	v17 =	vadd.f32 v37, v17;
	v50 =	vperm.xlane v25, v3;
	v52 =	vperm.xlane v16, v2  }
0x212: {  	v18 =	vadd.f32 v33, v18;
	v36 =	vperm.xlane v20, v1;
	v38 =	vperm.xlane v27, v2  }
0x213: {  	v14 =	vadd.f32 v57, v14;
	v15 =	vadd.f32 v59, v15;
	v54 =	vperm.xlane v26, v3;
	v47 =	vpop (erf)  }
0x214: {  	v44 =	vperm.xlane v17, v2;
	v25 =	vadd.f32 v25, v50;
	v48 =	vmul.f32 v47, v45  }
0x215: {  	v16 =	vadd.f32 v16, v52;
	v58 =	vperm.xlane v18, v2;
	(erf) = vrcp.f32 v31  }
0x216: {  	v20 =	vadd.f32 v36, v20;
	v40 =	vadd.f32 v38, v27;
	v30 =	vmul.f32 v48, v48  }
0x217: {  	v63 =	vperm.xlane v14, v1;
	v38 =	vperm.xlane v8, v0;
	v26 =	vadd.f32 v54, v26  }
0x218: {  	v17 =	vadd.f32 v44, v17;
	v25 =	vadd.f32 $0.0e+00, v25;
	v53 =	vmul.f32 $1.428571490e-01, v30  }
0x219: {  	v56 =	vperm.xlane v16, v3;
	v18 =	vadd.f32 v58, v18;
	v41 =	vperm.xlane v20, v2  }
0x21a: {  	v45 =	vperm.xlane v40, v3;
	v14 =	vadd.f32 v63, v14;
	v28 =	vadd.f32 $2.000000030e-01, v53  }
0x21b: {  	v8 =	vadd.f32 v38, v8;
	v29 =	vadd.f32 v48, v48;
	v49 =	vperm.xlane v17, v3  }
0x21c: {  	v16 =	vadd.f32 v16, v56;
	v25 =	vadd.f32 v26, v25;
	v28 =	vmul.f32 v28, v30  }
0x21d: {  	v35 =	vperm.xlane v18, v3;
	v20 =	vadd.f32 v41, v20;
	v47 =	vadd.f32 v45, v40  }
0x21e: {  	v34 =	vperm.xlane v62, v0;
	v17 =	vadd.f32 v49, v17;
	v28 =	vadd.f32 $3.333333430e-01, v28  }
0x21f: {  	v31 =	vperm.xlane v14, v2;
	v18 =	vadd.f32 v35, v18;
	v16 =	vadd.f32 $0.0e+00, v16  }
0x220: {  	v48 =	vperm.xlane v20, v3;
	v28 =	vmul.f32 v28, v30;
	v30 =	vand.u32 $0xFF, v61  }
0x221: {  	v14 =	vadd.f32 v31, v14;
	v16 =	vadd.f32 v18, v16;
	v43 =	vpop (erf);
	v30 =	vadd.s32 $0xFFFFFF81, v30  }
0x222: {  	v24 =	vmul.f32 v43, v24;
	v28 =	vadd.f32 $1.000000000e+00, v28;
	v30 =	vcvt.s32.f32 v30  }
0x223: {  	v20 =	vadd.f32 v48, v20;
	v23 =	vmul.f32 v43, v23;
	v13 =	vmul.f32 v43, v13  }
0x224: {  	v18 =	vadd.f32 v47, v25;
	v28 =	vmul.f32 v28, v29;
	v30 =	vmul.f32 $6.931471820e-01, v30  }
0x225: {  	v16 =	vadd.f32 v20, v16;
	v4 =	vmul.f32 v24, v4;
	v5 =	vmul.f32 v13, v5  }
0x226: {  	v17 =	vadd.f32 v17, v18;
	v36 =	vmul.f32 v43, v12;
	v28 =	vadd.f32 v28, v30  }
0x227: {  	v54 =	vperm.xlane v4, v0;
	v43 =	vperm.xlane v5, v0;
	v29 =	vadd.f32 v34, v62  }
0x228: {  	v7 =	vmul.f32 v23, v7;
	v6 =	vmul.f32 v36, v6;
	v22 =	vadd.f32 v28, v22  }
0x229: {  	v4 =	vadd.f32 v54, v4;
	v5 =	vadd.f32 v43, v5;
	v39 =	vperm.xlane v29, v1  }
0x22a: {  	v40 =	vperm.xlane v6, v0;
	v34 =	vperm.xlane v14, v3;
	v19 =	vsub.f32 v19, v22  }
0x22b: {  	v58 =	vperm.xlane v4, v1;
	v47 =	vperm.xlane v5, v1;
	v42 =	vadd.f32 v39, v29  }
0x22c: {  	v6 =	vadd.f32 v40, v6;
	v19 =	vmul.f32 v19, v23;
	v23 =	vperm.xlane v7, v0  }
0x22d: {  	v14 =	vadd.f32 v34, v14;
	v4 =	vadd.f32 v58, v4;
	v46 =	vperm.xlane v42, v2  }
0x22e: {  	v9 =	vand.u32 $0x7FFFFFFF, v9;
	v5 =	vadd.f32 v47, v5;
	v7 =	vadd.f32 v23, v7  }
0x22f: {  	v39 =	vperm.xlane v9, v0;
	v21 =	vsub.f32 v21, v22;
	v28 =	vadd.f32 v46, v42  }
0x230: {  	v11 =	vsub.f32 v11, v22;
	v10 =	vsub.f32 v10, v22;
	v23 =	vperm.xlane v7, v1  }
0x231: {  	v9 =	vadd.f32 v39, v9;
	v21 =	vmul.f32 v21, v24;
	v51 =	vperm.xlane v28, v3  }
0x232: {  	v24 =	vperm.xlane v4, v2;
	v42 =	vperm.xlane v8, v1;
	v7 =	vadd.f32 v23, v7  }
0x233: {  	v10 =	vmul.f32 v10, v13;
	v52 =	vadd.f32 v51, v28;
	v28 =	vperm.xlane v15, v1  }
0x234: {  	v44 =	vperm.xlane v9, v1;
	v4 =	vadd.f32 v24, v4;
	v23 =	vperm.xlane v7, v2  }
0x235: {  	v50 =	vperm.xlane v21, v0;
	v56 =	vperm.xlane v19, v0;
	v15 =	vadd.f32 v28, v15  }
0x236: {  	v8 =	vadd.f32 v42, v8;
	v24 =	vperm.xlane v4, v3;
	v7 =	vadd.f32 v23, v7  }
0x237: {  	v9 =	vadd.f32 v44, v9;
	v21 =	vadd.f32 v21, v50;
	v32 =	vperm.xlane v15, v2  }
0x238: {  	v18 =	vadd.f32 v19, v56;
	v4 =	vadd.f32 v24, v4;
	v23 =	vperm.xlane v7, v3  }
0x239: {  	v46 =	vperm.xlane v8, v2;
	v48 =	vperm.xlane v9, v2;
	v15 =	vadd.f32 v32, v15  }
0x23a: {  	v53 =	vperm.xlane v21, v1;
	v4 =	vadd.f32 $0.0e+00, v4;
	v7 =	vadd.f32 v23, v7  }
0x23b: {  	v16 =	vadd.f32 v52, v16;
	v61 =	vperm.xlane v18, v1;
	v35 =	vperm.xlane v15, v3  }
0x23c: {  	v8 =	vadd.f32 v46, v8;
	v4 =	vadd.f32 v7, v4;
	v7 =	vmul.f32 v11, v36  }
0x23d: {  	v9 =	vadd.f32 v48, v9;
	v52 =	vperm.xlane v5, v2;
	v15 =	vadd.f32 v35, v15  }
0x23e: {  	v55 =	vadd.f32 v21, v53;
	v18 =	vadd.f32 v18, v61;
	v41 =	vperm.xlane v7, v0  }
0x23f: {  	v51 =	vperm.xlane v8, v3;
	v37 =	vadd.f32 v15, v14;
	v14 =	vperm.xlane v6, v1  }
0x240: {  	v60 =	vperm.xlane v55, v2;
	v0 =	vperm.xlane v10, v0;
	v7 =	vadd.f32 v41, v7  }
0x241: {  	v53 =	vperm.xlane v9, v3;
	v30 =	vperm.xlane v18, v2;
	v6 =	vadd.f32 v14, v6  }
0x242: {  	v62 =	vadd.f32 v55, v60;
	v0 =	vadd.f32 v0, v10;
	v45 =	vperm.xlane v7, v1  }
0x243: {  	v8 =	vadd.f32 v51, v8;
	v18 =	vadd.f32 v18, v30;
	v49 =	vperm.xlane v6, v2  }
0x244: {  	v25 =	vperm.xlane v62, v3;
	v1 =	vperm.xlane v0, v1;
	v7 =	vadd.f32 v45, v7  }
0x245: {  	v9 =	vadd.f32 v53, v9;
	v33 =	vperm.xlane v18, v3;
	v6 =	vadd.f32 v49, v6  }
0x246: {  	v19 =	vadd.f32 v62, v25;
	v0 =	vadd.f32 v1, v0;
	v50 =	vperm.xlane v7, v2  }
0x247: {  	v18 =	vadd.f32 v18, v33;
	v54 =	vperm.xlane v6, v3;
	v1 =	vadd.f32 v52, v5  }
0x248: {  	v8 =	vadd.f32 v8, v37;
	v2 =	vperm.xlane v0, v2;
	v7 =	vadd.f32 v50, v7  }
0x249: {  	v19 =	vadd.f32 $0.0e+00, v19;
	v6 =	vadd.f32 v54, v6;
	v56 =	vperm.xlane v1, v3  }
0x24a: {  	v58 =	vadd.f32 v9, v8;
	v0 =	vadd.f32 v2, v0;
	v55 =	vperm.xlane v7, v3  }
0x24b: {  	v57 =	vmul.f32 $1.250000000e-01, v17;
	v4 =	vadd.f32 v6, v4;
	v1 =	vadd.f32 v56, v1  }
0x24c: {  	v18 =	vadd.f32 v19, v18;
	v3 =	vperm.xlane v0, v3;
	v5 =	vadd.f32 v55, v7  }
0x24d: {  	v59 =	vmul.f32 $1.250000000e-01, v16;
	v60 =	vmul.f32 $9.999999680e+37, v58;
	v1 =	vadd.f32 v1, v4  }
0x24e: {  	v0 =	vadd.f32 v3, v0;
	v5 =	vadd.f32 v5, v18  }
0x24f: {  	v61 =	vmul.f32 $-2.079441550e+00, v57;
	v62 =	vmin.f32 v60, $1.000000000e+00;
	v2 =	vmul.f32 $3.051757810e-05, v59  }
0x250: {  	v4 =	vmul.f32 $5.000000000e-01, v62;
	v1 =	vmul.f32 $3.051757810e-05, v1;
	v0 =	vadd.f32 v0, v5  }
0x251: {  	v2 =	vsub.f32 v61, v2  }
0x252: {  	v63 =	vsub.f32 $1.000000000e+00, v4;
	v0 =	vsub.f32 v0, v1;
	_ =	sdelay $0x1  }
0x253: {  	v1 =	vmul.f32 v63, v2;
	v0 =	vmul.f32 v4, v0;
	_ =	sdelay $0x1  }
0x254: {  	v0 =	vadd.f32 v1, v0;
	_ =	sdelay $0x1  }
0x255: {  	s31 =	simm.s32 $0x109C0;
	[tilespmem:$0x109C0] =	vst v0  }
0x256: {  	[hbm4b:s1+s28] =	stream.linear.scatter [tilespmem:s31], [sflag:$0x3], $0x80, $0x38;
	[tilespmem:$0x10A40] =	vst v63  }
0x257: {  	_ =	swait.ge [sflag:s2], $0x80  }
0x258: {  	[sflag:s2] =	ssyncset.done $0x0  }
0x259: {  	[sflag:s2] =	ssyncadd.s32 $0xFFFFFF80  }
0x25a: {  	_ =	sfence.sel $0x180000  }
0x25b: {  	[bflag:$0x0] =	sbarrier.arrive $0xFFFF  }
0x25c: {  	_ =	strace $0x90000047  }
0x25d: {  	s0 =	sadd.s32 $0x100000, s0;
	[bflag:$0x2] =	sbarrier.arrive $0xFFFF  }
0x25e: {  	[sflag:s0] =	ssyncadd.tile.s32 $0x1;
	_ =	shalt  }
.Lfunc_end2:
_tile_overlayer_lowered:
.L_overlay_start_2:
0x25f: {  	(tag) =	ssettag $0x2  }
0x260: {  	s0 =	rddreg [dreg:$0x0];
	s2 =	stileid.u32  }
0x261: {  	s1 =	rddreg [dreg:$0x1];
	p0 =	sne.s32 s2, $0x0  }
0x262: {  	s3 =	rddreg [dreg:$0x2];
	[bflag:$0x3] =	sbarrier.arrive $0xFFFF;
	s2 =	simm.s32 @!p0 $0x1C03  }
0x263: {  	[timem:s3], [sflag:s2] =	dma.local @!p0 [hbm:s0], s1  }
0x264: {  	s0 =	simm.s32 @!p0 $0x3  }
0x265: {  	_ =	swait.ge @!p0 [sflag:s0], s1  }
0x266: {  	s1 =	ssub.s32 @!p0 $0x0, s1;
	[sflag:s0] =	ssyncset.done @!p0 $0x0  }
0x267: {  	[sflag:s0] =	ssyncadd.s32 @!p0 s1  }
0x268: {  	[bflag:$0x3] =	sbarrier.arrive $0xFFFF  }
0x269: {  	_ =	shalt  }

</sc_bundles>
